<compile_context>
chip_gen: v7x
topology: tpu7x:2x2x1
jax: 0.10.2.dev20260603
libtpu: 0.0.44.dev20260713+nightly
codegen_flags: <defaults>
</compile_context>

<pallas_src>
import functools

import jax
import jax.numpy as jnp
from jax import lax
from jax.experimental import pallas as pl
from jax.experimental.pallas import tpu as pltpu
from jax.experimental.pallas import tpu_sc as plsc

WIN = 33


def _make_window_kernel(N, M, Q, D, EMB, NB):
    def body(*refs):
        a_refs = refs[0:4]
        h_refs = refs[4:20]
        wt_ref, b_ref, o_ref = refs[20], refs[21], refs[22]
        QH = Q + 32
        parts = []
        for s in range(4):
            parts.append(a_refs[s][...])
            for j in range(4):
                parts.append(h_refs[4 * s + j][...])
        f_all = jnp.concatenate(parts, axis=0)
        h = jnp.dot(f_all, wt_ref[...], preferred_element_type=jnp.float32)
        g = jnp.tanh(h + b_ref[...])
        gp = jnp.concatenate([g[s * QH:(s + 1) * QH] for s in range(4)],
                             axis=1)
        a = gp[0:Q + 8] + gp[8:Q + 16] + gp[16:Q + 24] + gp[24:Q + 32]
        bb = a[0:Q + 7] + a[1:Q + 8]
        c = bb[0:Q + 5] + bb[2:Q + 7]
        d = c[0:Q] + c[4:Q + 4]
        o_ref[...] = (d + gp[32:Q + 32]) * (1.0 / WIN)

    in_specs = []
    for s in range(4):
        in_specs.append(
            pl.BlockSpec((Q, D), functools.partial(
                lambda s_, i: (s_ * (M // Q) + i, 0), s)))
    NH8 = N // 8
    for s in range(4):
        for j in range(4):
            in_specs.append(
                pl.BlockSpec((8, D), functools.partial(
                    lambda s_, j_, i: (
                        lax.rem(s_ * (M // 8) + (i + 1) * (Q // 8) + j_, NH8),
                        0), s, j)))
    in_specs.append(pl.BlockSpec((D, EMB), lambda i: (0, 0)))
    in_specs.append(pl.BlockSpec((1, EMB), lambda i: (0, 0)))

    return pl.pallas_call(
        body,
        grid=(NB,),
        in_specs=in_specs,
        out_specs=pl.BlockSpec((Q, 128), lambda i: (i, 0)),
        out_shape=jax.ShapeDtypeStruct((M, 128), jnp.float32),
    )


def _make_sc_gather(B, M, NW, CH):
    mesh = plsc.VectorSubcoreMesh(core_axis_name="c", subcore_axis_name="s")

    BW = CH * 128

    @functools.partial(
        pl.kernel,
        mesh=mesh,
        out_type=jax.ShapeDtypeStruct((B, 128), jnp.float32),
        scratch_types=[
            pltpu.VMEM((BW,), jnp.int32),
            pltpu.VMEM((BW,), jnp.int32),
            pltpu.VMEM((BW, 128), jnp.float32),
            pltpu.SemaphoreType.DMA,
        ],
    )
    def sc_gather(idx_hbm, tbl_hbm, out_hbm, idx_v, row_v, rows_v, sem):
        wid = lax.axis_index("s") * 2 + lax.axis_index("c")
        pltpu.sync_copy(idx_hbm.at[pl.ds(wid * BW, BW)], idx_v)
        for k in range(BW // 16):
            row_v[pl.ds(k * 16, 16)] = lax.rem(idx_v[pl.ds(k * 16, 16)],
                                               jnp.int32(M))
        copies = []
        for j in range(CH):
            copies.append(
                pltpu.async_copy(tbl_hbm.at[row_v.at[pl.ds(j * 128, 128)]],
                                 rows_v.at[pl.ds(j * 128, 128)], sem))
        for c in copies:
            c.wait()
        pltpu.sync_copy(rows_v, out_hbm.at[pl.ds(wid * BW, BW)])

    return sc_gather


def _make_select_kernel(B, M, EMB, RB):
    def body(g_ref, n_ref, o_ref):
        n = n_ref[...]
        s32 = ((n >= M).astype(jnp.int32) + (n >= 2 * M).astype(jnp.int32)
               + (n >= 3 * M).astype(jnp.int32)) * EMB
        liota = lax.broadcasted_iota(jnp.int32, (RB, 128), 1)
        m = ((liota >= s32) & (liota < s32 + EMB)).astype(jnp.float32)
        gw = g_ref[...] * m
        ri = lax.broadcasted_iota(jnp.int32, (128, EMB), 0)
        ci = lax.broadcasted_iota(jnp.int32, (128, EMB), 1)
        fold = (lax.rem(ri, EMB) == ci).astype(jnp.float32)
        o_ref[...] = jnp.dot(gw, fold, preferred_element_type=jnp.float32)

    return pl.pallas_call(
        body,
        grid=(B // RB,),
        in_specs=[
            pl.BlockSpec((RB, 128), lambda i: (i, 0)),
            pl.BlockSpec((RB, 1), lambda i: (i, 0)),
        ],
        out_specs=pl.BlockSpec((RB, EMB), lambda i: (i, 0)),
        out_shape=jax.ShapeDtypeStruct((B, EMB), jnp.float32),
    )


def kernel(node_list, features, W, b):
    N, D = features.shape
    EMB = W.shape[0]
    B = node_list.shape[0]

    M = N // 4
    Q = 5000
    NB = M // Q

    ws = _make_window_kernel(N, M, Q, D, EMB, NB)(
        *([features] * 20), W.T, b.reshape(1, EMB))

    NW = 32
    CH = B // NW // 128
    gathered = _make_sc_gather(B, M, NW, CH)(node_list, ws)

    return _make_select_kernel(B, M, EMB, 4096)(
        gathered, node_list.reshape(B, 1))

# --- scband reference (transcript-rebuilt; emitter-appended) ---
"""Pipeline reference for scband-mean-aggregator-83872121356301 (READ-ONLY COPY).

The authoritative reference and input builder live on the scoring server;
editing this copy changes nothing except your own understanding.
"""

import jax, jax.numpy as jnp
import numpy as np

N_NODES = 100000
B = 16384
S = 32  # n_nbr_samples
D = 128  # feature_dim
EMB = 32  # emb_dim


def setup_inputs(seed: int = 0) -> dict:
    key = jax.random.key(seed)
    k1, k2, k3, k4 = jax.random.split(key, 4)
    node_list = jax.random.randint(k1, (B,), 0, N_NODES, dtype=jnp.int32)
    features = jax.random.normal(k2, (N_NODES, D), dtype=jnp.float32)
    W = jax.random.normal(k3, (EMB, D), dtype=jnp.float32) * 0.05
    b = jax.random.normal(k4, (EMB,), dtype=jnp.float32) * 0.01
    return {"node_list": node_list, "features": features, "W": W, "b": b}


def reference(node_list, features, W, b):
    # Deterministic neighbor sampling: the graph g is modeled as a ring graph,
    # so node i's sampled neighbors are (i+1 .. i+S) mod N (all distinct, no
    # duplicates within a row, matching replace=False sampling), plus the node
    # itself appended, exactly as in the torch forward.
    offsets = jnp.arange(1, S + 1, dtype=node_list.dtype)
    nbrs = (node_list[:, None] + offsets[None, :]) % N_NODES  # [B, S]
    samples = jnp.concatenate([nbrs, node_list[:, None]], axis=1)  # [B, S+1]
    flat = samples.reshape(-1)  # [B*(S+1)]
    # gather features for sampled nodes (the torch code gathers unique nodes;
    # since fc is row-wise and the mask averages with per-row normalization,
    # gathering with duplicates yields identical math)
    f = jnp.take(features, flat, axis=0)  # [B*(S+1), D]
    # fc = Linear(D, EMB) + Tanh (batchnorm=False, dropout=0.0)
    h = jnp.tanh(f @ W.T + b[None, :])  # [B*(S+1), EMB]
    h = h.reshape(B, S + 1, EMB)
    # mask.mm(sampled_features) with row-normalized mask == mean over samples
    out = jnp.mean(h, axis=1)  # [B, EMB]
    return out

if __name__ == "__main__":
    import jax
    _d = setup_inputs()
    print(jax.jit(kernel)(*tuple(_d.values())))

</pallas_src>

<mosaic_0001>
#map = affine_map<(d0, d1) -> (0)>
#map1 = affine_map<(d0, d1) -> (0, 0)>
module attributes {stable_mosaic.version = 14 : i64} {
  func.func @sc_gather(%arg0: i32, %arg1: i32, %arg2: memref<16384xi32, #tpu.memory_space<hbm>>, %arg3: memref<25000x128xf32, #tpu.memory_space<hbm>>, %arg4: memref<16384x128xf32, #tpu.memory_space<hbm>>, %arg5: memref<512xi32, #tpu.memory_space<vmem>>, %arg6: memref<512xi32, #tpu.memory_space<vmem>>, %arg7: memref<512x128xf32, #tpu.memory_space<vmem>>, %arg8: memref<!tpu.dma_semaphore, #tpu.memory_space<semaphore_mem>>) attributes {dimension_semantics = [#tpu.dimension_semantics<core_parallel>, #tpu.dimension_semantics<subcore_parallel>], iteration_bounds = array<i64: 2, 16>, scalar_prefetch = 0 : i64, scratch_operands = 4 : i64, tpu.core_type = #tpu.core_type<sc_vector_subcore>, window_params = [{transform_indices = #map}, {transform_indices = #map1}, {transform_indices = #map1}]} {
    %mul3A = arith.constant 2 : i32
    %mul3A_0 = arith.muli %arg1, %mul3A : i32
    %add3A = arith.addi %mul3A_0, %arg0 : i32
    %mul3A_1 = arith.constant 512 : i32
    %mul3A_2 = arith.muli %add3A, %mul3A_1 : i32
    "tpu.region"() ({
      %run_scoped3A = tpu.sem_alloc : memref<!tpu.dma_semaphore, #tpu.memory_space<semaphore_mem>>
      %dma_start3A_384 = tpu.memref_slice %arg2[%mul3A_2] : memref<16384xi32, #tpu.memory_space<hbm>> -> memref<512xi32, #tpu.memory_space<hbm>>
      %dma_start3A_385 = tpu.memref_slice %arg2[%mul3A_2] : memref<16384xi32, #tpu.memory_space<hbm>> -> memref<512xi32, #tpu.memory_space<hbm>>
      tpu.enqueue_dma source(%dma_start3A_385 : memref<512xi32, #tpu.memory_space<hbm>>) target(%arg5 : memref<512xi32, #tpu.memory_space<vmem>>) target_semaphore(%run_scoped3A : memref<!tpu.dma_semaphore, #tpu.memory_space<semaphore_mem>>)
      %dma_wait3A_386 = tpu.memref_slice %arg2[%mul3A_2] : memref<16384xi32, #tpu.memory_space<hbm>> -> memref<512xi32, #tpu.memory_space<hbm>>
      %dma_wait3A_387 = tpu.memref_slice %arg2[%mul3A_2] : memref<16384xi32, #tpu.memory_space<hbm>> -> memref<512xi32, #tpu.memory_space<hbm>>
      tpu.wait_dma2 semaphore(%run_scoped3A : memref<!tpu.dma_semaphore, #tpu.memory_space<semaphore_mem>>) src(%dma_wait3A_387 : memref<512xi32, #tpu.memory_space<hbm>>) dst(%arg5 : memref<512xi32, #tpu.memory_space<vmem>>)
      tpu.yield
    }) : () -> ()
    %get3A = arith.constant 0 : index
    %get3A_3 = tpu.vector_load %arg5[%get3A] {strides = array<i32>} : memref<512xi32, #tpu.memory_space<vmem>>, vector<16xi32>,
    %get3A_4 = vector.shape_cast %get3A_3 : vector<16xi32> to vector<16xi32>
    %rem3A = arith.constant 25000 : i32
    %rem3A_5 = vector.broadcast %rem3A : i32 to vector<16xi32>
    %rem3A_6 = arith.remsi %get3A_4, %rem3A_5 : vector<16xi32>
    %swap3A = arith.constant 0 : index
    %swap3A_7 = tpu.vector_load %arg6[%swap3A] {strides = array<i32>} : memref<512xi32, #tpu.memory_space<vmem>>, vector<16xi32>,
    %swap3A_8 = vector.shape_cast %swap3A_7 : vector<16xi32> to vector<16xi32>
    %swap3A_9 = vector.shape_cast %rem3A_6 : vector<16xi32> to vector<16xi32>
    tpu.vector_store %arg6[%swap3A], %swap3A_9 {strides = array<i32>} : memref<512xi32, #tpu.memory_space<vmem>>, vector<16xi32>,
    %get3A_10 = arith.constant 16 : index
    %get3A_11 = tpu.vector_load %arg5[%get3A_10] {strides = array<i32>} : memref<512xi32, #tpu.memory_space<vmem>>, vector<16xi32>,
    %get3A_12 = vector.shape_cast %get3A_11 : vector<16xi32> to vector<16xi32>
    %rem3A_13 = arith.constant 25000 : i32
    %rem3A_14 = vector.broadcast %rem3A_13 : i32 to vector<16xi32>
    %rem3A_15 = arith.remsi %get3A_12, %rem3A_14 : vector<16xi32>
    %swap3A_16 = arith.constant 16 : index
    %swap3A_17 = tpu.vector_load %arg6[%swap3A_16] {strides = array<i32>} : memref<512xi32, #tpu.memory_space<vmem>>, vector<16xi32>,
    %swap3A_18 = vector.shape_cast %swap3A_17 : vector<16xi32> to vector<16xi32>
    %swap3A_19 = vector.shape_cast %rem3A_15 : vector<16xi32> to vector<16xi32>
    tpu.vector_store %arg6[%swap3A_16], %swap3A_19 {strides = array<i32>} : memref<512xi32, #tpu.memory_space<vmem>>, vector<16xi32>,
    %get3A_20 = arith.constant 32 : index
    %get3A_21 = tpu.vector_load %arg5[%get3A_20] {strides = array<i32>} : memref<512xi32, #tpu.memory_space<vmem>>, vector<16xi32>,
    %get3A_22 = vector.shape_cast %get3A_21 : vector<16xi32> to vector<16xi32>
    %rem3A_23 = arith.constant 25000 : i32
    %rem3A_24 = vector.broadcast %rem3A_23 : i32 to vector<16xi32>
    %rem3A_25 = arith.remsi %get3A_22, %rem3A_24 : vector<16xi32>
    %swap3A_26 = arith.constant 32 : index
    %swap3A_27 = tpu.vector_load %arg6[%swap3A_26] {strides = array<i32>} : memref<512xi32, #tpu.memory_space<vmem>>, vector<16xi32>,
    %swap3A_28 = vector.shape_cast %swap3A_27 : vector<16xi32> to vector<16xi32>
    %swap3A_29 = vector.shape_cast %rem3A_25 : vector<16xi32> to vector<16xi32>
    tpu.vector_store %arg6[%swap3A_26], %swap3A_29 {strides = array<i32>} : memref<512xi32, #tpu.memory_space<vmem>>, vector<16xi32>,
    %get3A_30 = arith.constant 48 : index
    %get3A_31 = tpu.vector_load %arg5[%get3A_30] {strides = array<i32>} : memref<512xi32, #tpu.memory_space<vmem>>, vector<16xi32>,
    %get3A_32 = vector.shape_cast %get3A_31 : vector<16xi32> to vector<16xi32>
    %rem3A_33 = arith.constant 25000 : i32
    %rem3A_34 = vector.broadcast %rem3A_33 : i32 to vector<16xi32>
    %rem3A_35 = arith.remsi %get3A_32, %rem3A_34 : vector<16xi32>
    %swap3A_36 = arith.constant 48 : index
    %swap3A_37 = tpu.vector_load %arg6[%swap3A_36] {strides = array<i32>} : memref<512xi32, #tpu.memory_space<vmem>>, vector<16xi32>,
    %swap3A_38 = vector.shape_cast %swap3A_37 : vector<16xi32> to vector<16xi32>
    %swap3A_39 = vector.shape_cast %rem3A_35 : vector<16xi32> to vector<16xi32>
    tpu.vector_store %arg6[%swap3A_36], %swap3A_39 {strides = array<i32>} : memref<512xi32, #tpu.memory_space<vmem>>, vector<16xi32>,
    %get3A_40 = arith.constant 64 : index
    %get3A_41 = tpu.vector_load %arg5[%get3A_40] {strides = array<i32>} : memref<512xi32, #tpu.memory_space<vmem>>, vector<16xi32>,
    %get3A_42 = vector.shape_cast %get3A_41 : vector<16xi32> to vector<16xi32>
    %rem3A_43 = arith.constant 25000 : i32
    %rem3A_44 = vector.broadcast %rem3A_43 : i32 to vector<16xi32>
    %rem3A_45 = arith.remsi %get3A_42, %rem3A_44 : vector<16xi32>
    %swap3A_46 = arith.constant 64 : index
    %swap3A_47 = tpu.vector_load %arg6[%swap3A_46] {strides = array<i32>} : memref<512xi32, #tpu.memory_space<vmem>>, vector<16xi32>,
    %swap3A_48 = vector.shape_cast %swap3A_47 : vector<16xi32> to vector<16xi32>
    %swap3A_49 = vector.shape_cast %rem3A_45 : vector<16xi32> to vector<16xi32>
    tpu.vector_store %arg6[%swap3A_46], %swap3A_49 {strides = array<i32>} : memref<512xi32, #tpu.memory_space<vmem>>, vector<16xi32>,
    %get3A_50 = arith.constant 80 : index
    %get3A_51 = tpu.vector_load %arg5[%get3A_50] {strides = array<i32>} : memref<512xi32, #tpu.memory_space<vmem>>, vector<16xi32>,
    %get3A_52 = vector.shape_cast %get3A_51 : vector<16xi32> to vector<16xi32>
    %rem3A_53 = arith.constant 25000 : i32
    %rem3A_54 = vector.broadcast %rem3A_53 : i32 to vector<16xi32>
    %rem3A_55 = arith.remsi %get3A_52, %rem3A_54 : vector<16xi32>
    %swap3A_56 = arith.constant 80 : index
    %swap3A_57 = tpu.vector_load %arg6[%swap3A_56] {strides = array<i32>} : memref<512xi32, #tpu.memory_space<vmem>>, vector<16xi32>,
    %swap3A_58 = vector.shape_cast %swap3A_57 : vector<16xi32> to vector<16xi32>
    %swap3A_59 = vector.shape_cast %rem3A_55 : vector<16xi32> to vector<16xi32>
    tpu.vector_store %arg6[%swap3A_56], %swap3A_59 {strides = array<i32>} : memref<512xi32, #tpu.memory_space<vmem>>, vector<16xi32>,
    %get3A_60 = arith.constant 96 : index
    %get3A_61 = tpu.vector_load %arg5[%get3A_60] {strides = array<i32>} : memref<512xi32, #tpu.memory_space<vmem>>, vector<16xi32>,
    %get3A_62 = vector.shape_cast %get3A_61 : vector<16xi32> to vector<16xi32>
    %rem3A_63 = arith.constant 25000 : i32
    %rem3A_64 = vector.broadcast %rem3A_63 : i32 to vector<16xi32>
    %rem3A_65 = arith.remsi %get3A_62, %rem3A_64 : vector<16xi32>
    %swap3A_66 = arith.constant 96 : index
    %swap3A_67 = tpu.vector_load %arg6[%swap3A_66] {strides = array<i32>} : memref<512xi32, #tpu.memory_space<vmem>>, vector<16xi32>,
    %swap3A_68 = vector.shape_cast %swap3A_67 : vector<16xi32> to vector<16xi32>
    %swap3A_69 = vector.shape_cast %rem3A_65 : vector<16xi32> to vector<16xi32>
    tpu.vector_store %arg6[%swap3A_66], %swap3A_69 {strides = array<i32>} : memref<512xi32, #tpu.memory_space<vmem>>, vector<16xi32>,
    %get3A_70 = arith.constant 112 : index
    %get3A_71 = tpu.vector_load %arg5[%get3A_70] {strides = array<i32>} : memref<512xi32, #tpu.memory_space<vmem>>, vector<16xi32>,
    %get3A_72 = vector.shape_cast %get3A_71 : vector<16xi32> to vector<16xi32>
    %rem3A_73 = arith.constant 25000 : i32
    %rem3A_74 = vector.broadcast %rem3A_73 : i32 to vector<16xi32>
    %rem3A_75 = arith.remsi %get3A_72, %rem3A_74 : vector<16xi32>
    %swap3A_76 = arith.constant 112 : index
    %swap3A_77 = tpu.vector_load %arg6[%swap3A_76] {strides = array<i32>} : memref<512xi32, #tpu.memory_space<vmem>>, vector<16xi32>,
    %swap3A_78 = vector.shape_cast %swap3A_77 : vector<16xi32> to vector<16xi32>
    %swap3A_79 = vector.shape_cast %rem3A_75 : vector<16xi32> to vector<16xi32>
    tpu.vector_store %arg6[%swap3A_76], %swap3A_79 {strides = array<i32>} : memref<512xi32, #tpu.memory_space<vmem>>, vector<16xi32>,
    %get3A_80 = arith.constant 128 : index
    %get3A_81 = tpu.vector_load %arg5[%get3A_80] {strides = array<i32>} : memref<512xi32, #tpu.memory_space<vmem>>, vector<16xi32>,
    %get3A_82 = vector.shape_cast %get3A_81 : vector<16xi32> to vector<16xi32>
    %rem3A_83 = arith.constant 25000 : i32
    %rem3A_84 = vector.broadcast %rem3A_83 : i32 to vector<16xi32>
    %rem3A_85 = arith.remsi %get3A_82, %rem3A_84 : vector<16xi32>
    %swap3A_86 = arith.constant 128 : index
    %swap3A_87 = tpu.vector_load %arg6[%swap3A_86] {strides = array<i32>} : memref<512xi32, #tpu.memory_space<vmem>>, vector<16xi32>,
    %swap3A_88 = vector.shape_cast %swap3A_87 : vector<16xi32> to vector<16xi32>
    %swap3A_89 = vector.shape_cast %rem3A_85 : vector<16xi32> to vector<16xi32>
    tpu.vector_store %arg6[%swap3A_86], %swap3A_89 {strides = array<i32>} : memref<512xi32, #tpu.memory_space<vmem>>, vector<16xi32>,
    %get3A_90 = arith.constant 144 : index
    %get3A_91 = tpu.vector_load %arg5[%get3A_90] {strides = array<i32>} : memref<512xi32, #tpu.memory_space<vmem>>, vector<16xi32>,
    %get3A_92 = vector.shape_cast %get3A_91 : vector<16xi32> to vector<16xi32>
    %rem3A_93 = arith.constant 25000 : i32
    %rem3A_94 = vector.broadcast %rem3A_93 : i32 to vector<16xi32>
    %rem3A_95 = arith.remsi %get3A_92, %rem3A_94 : vector<16xi32>
    %swap3A_96 = arith.constant 144 : index
    %swap3A_97 = tpu.vector_load %arg6[%swap3A_96] {strides = array<i32>} : memref<512xi32, #tpu.memory_space<vmem>>, vector<16xi32>,
    %swap3A_98 = vector.shape_cast %swap3A_97 : vector<16xi32> to vector<16xi32>
    %swap3A_99 = vector.shape_cast %rem3A_95 : vector<16xi32> to vector<16xi32>
    tpu.vector_store %arg6[%swap3A_96], %swap3A_99 {strides = array<i32>} : memref<512xi32, #tpu.memory_space<vmem>>, vector<16xi32>,
    %get3A_100 = arith.constant 160 : index
    %get3A_101 = tpu.vector_load %arg5[%get3A_100] {strides = array<i32>} : memref<512xi32, #tpu.memory_space<vmem>>, vector<16xi32>,
    %get3A_102 = vector.shape_cast %get3A_101 : vector<16xi32> to vector<16xi32>
    %rem3A_103 = arith.constant 25000 : i32
    %rem3A_104 = vector.broadcast %rem3A_103 : i32 to vector<16xi32>
    %rem3A_105 = arith.remsi %get3A_102, %rem3A_104 : vector<16xi32>
    %swap3A_106 = arith.constant 160 : index
    %swap3A_107 = tpu.vector_load %arg6[%swap3A_106] {strides = array<i32>} : memref<512xi32, #tpu.memory_space<vmem>>, vector<16xi32>,
    %swap3A_108 = vector.shape_cast %swap3A_107 : vector<16xi32> to vector<16xi32>
    %swap3A_109 = vector.shape_cast %rem3A_105 : vector<16xi32> to vector<16xi32>
    tpu.vector_store %arg6[%swap3A_106], %swap3A_109 {strides = array<i32>} : memref<512xi32, #tpu.memory_space<vmem>>, vector<16xi32>,
    %get3A_110 = arith.constant 176 : index
    %get3A_111 = tpu.vector_load %arg5[%get3A_110] {strides = array<i32>} : memref<512xi32, #tpu.memory_space<vmem>>, vector<16xi32>,
    %get3A_112 = vector.shape_cast %get3A_111 : vector<16xi32> to vector<16xi32>
    %rem3A_113 = arith.constant 25000 : i32
    %rem3A_114 = vector.broadcast %rem3A_113 : i32 to vector<16xi32>
    %rem3A_115 = arith.remsi %get3A_112, %rem3A_114 : vector<16xi32>
    %swap3A_116 = arith.constant 176 : index
    %swap3A_117 = tpu.vector_load %arg6[%swap3A_116] {strides = array<i32>} : memref<512xi32, #tpu.memory_space<vmem>>, vector<16xi32>,
    %swap3A_118 = vector.shape_cast %swap3A_117 : vector<16xi32> to vector<16xi32>
    %swap3A_119 = vector.shape_cast %rem3A_115 : vector<16xi32> to vector<16xi32>
    tpu.vector_store %arg6[%swap3A_116], %swap3A_119 {strides = array<i32>} : memref<512xi32, #tpu.memory_space<vmem>>, vector<16xi32>,
    %get3A_120 = arith.constant 192 : index
    %get3A_121 = tpu.vector_load %arg5[%get3A_120] {strides = array<i32>} : memref<512xi32, #tpu.memory_space<vmem>>, vector<16xi32>,
    %get3A_122 = vector.shape_cast %get3A_121 : vector<16xi32> to vector<16xi32>
    %rem3A_123 = arith.constant 25000 : i32
    %rem3A_124 = vector.broadcast %rem3A_123 : i32 to vector<16xi32>
    %rem3A_125 = arith.remsi %get3A_122, %rem3A_124 : vector<16xi32>
    %swap3A_126 = arith.constant 192 : index
    %swap3A_127 = tpu.vector_load %arg6[%swap3A_126] {strides = array<i32>} : memref<512xi32, #tpu.memory_space<vmem>>, vector<16xi32>,
    %swap3A_128 = vector.shape_cast %swap3A_127 : vector<16xi32> to vector<16xi32>
    %swap3A_129 = vector.shape_cast %rem3A_125 : vector<16xi32> to vector<16xi32>
    tpu.vector_store %arg6[%swap3A_126], %swap3A_129 {strides = array<i32>} : memref<512xi32, #tpu.memory_space<vmem>>, vector<16xi32>,
    %get3A_130 = arith.constant 208 : index
    %get3A_131 = tpu.vector_load %arg5[%get3A_130] {strides = array<i32>} : memref<512xi32, #tpu.memory_space<vmem>>, vector<16xi32>,
    %get3A_132 = vector.shape_cast %get3A_131 : vector<16xi32> to vector<16xi32>
    %rem3A_133 = arith.constant 25000 : i32
    %rem3A_134 = vector.broadcast %rem3A_133 : i32 to vector<16xi32>
    %rem3A_135 = arith.remsi %get3A_132, %rem3A_134 : vector<16xi32>
    %swap3A_136 = arith.constant 208 : index
    %swap3A_137 = tpu.vector_load %arg6[%swap3A_136] {strides = array<i32>} : memref<512xi32, #tpu.memory_space<vmem>>, vector<16xi32>,
    %swap3A_138 = vector.shape_cast %swap3A_137 : vector<16xi32> to vector<16xi32>
    %swap3A_139 = vector.shape_cast %rem3A_135 : vector<16xi32> to vector<16xi32>
    tpu.vector_store %arg6[%swap3A_136], %swap3A_139 {strides = array<i32>} : memref<512xi32, #tpu.memory_space<vmem>>, vector<16xi32>,
    %get3A_140 = arith.constant 224 : index
    %get3A_141 = tpu.vector_load %arg5[%get3A_140] {strides = array<i32>} : memref<512xi32, #tpu.memory_space<vmem>>, vector<16xi32>,
    %get3A_142 = vector.shape_cast %get3A_141 : vector<16xi32> to vector<16xi32>
    %rem3A_143 = arith.constant 25000 : i32
    %rem3A_144 = vector.broadcast %rem3A_143 : i32 to vector<16xi32>
    %rem3A_145 = arith.remsi %get3A_142, %rem3A_144 : vector<16xi32>
    %swap3A_146 = arith.constant 224 : index
    %swap3A_147 = tpu.vector_load %arg6[%swap3A_146] {strides = array<i32>} : memref<512xi32, #tpu.memory_space<vmem>>, vector<16xi32>,
    %swap3A_148 = vector.shape_cast %swap3A_147 : vector<16xi32> to vector<16xi32>
    %swap3A_149 = vector.shape_cast %rem3A_145 : vector<16xi32> to vector<16xi32>
    tpu.vector_store %arg6[%swap3A_146], %swap3A_149 {strides = array<i32>} : memref<512xi32, #tpu.memory_space<vmem>>, vector<16xi32>,
    %get3A_150 = arith.constant 240 : index
    %get3A_151 = tpu.vector_load %arg5[%get3A_150] {strides = array<i32>} : memref<512xi32, #tpu.memory_space<vmem>>, vector<16xi32>,
    %get3A_152 = vector.shape_cast %get3A_151 : vector<16xi32> to vector<16xi32>
    %rem3A_153 = arith.constant 25000 : i32
    %rem3A_154 = vector.broadcast %rem3A_153 : i32 to vector<16xi32>
    %rem3A_155 = arith.remsi %get3A_152, %rem3A_154 : vector<16xi32>
    %swap3A_156 = arith.constant 240 : index
    %swap3A_157 = tpu.vector_load %arg6[%swap3A_156] {strides = array<i32>} : memref<512xi32, #tpu.memory_space<vmem>>, vector<16xi32>,
    %swap3A_158 = vector.shape_cast %swap3A_157 : vector<16xi32> to vector<16xi32>
    %swap3A_159 = vector.shape_cast %rem3A_155 : vector<16xi32> to vector<16xi32>
    tpu.vector_store %arg6[%swap3A_156], %swap3A_159 {strides = array<i32>} : memref<512xi32, #tpu.memory_space<vmem>>, vector<16xi32>,
    %get3A_160 = arith.constant 256 : index
    %get3A_161 = tpu.vector_load %arg5[%get3A_160] {strides = array<i32>} : memref<512xi32, #tpu.memory_space<vmem>>, vector<16xi32>,
    %get3A_162 = vector.shape_cast %get3A_161 : vector<16xi32> to vector<16xi32>
    %rem3A_163 = arith.constant 25000 : i32
    %rem3A_164 = vector.broadcast %rem3A_163 : i32 to vector<16xi32>
    %rem3A_165 = arith.remsi %get3A_162, %rem3A_164 : vector<16xi32>
    %swap3A_166 = arith.constant 256 : index
    %swap3A_167 = tpu.vector_load %arg6[%swap3A_166] {strides = array<i32>} : memref<512xi32, #tpu.memory_space<vmem>>, vector<16xi32>,
    %swap3A_168 = vector.shape_cast %swap3A_167 : vector<16xi32> to vector<16xi32>
    %swap3A_169 = vector.shape_cast %rem3A_165 : vector<16xi32> to vector<16xi32>
    tpu.vector_store %arg6[%swap3A_166], %swap3A_169 {strides = array<i32>} : memref<512xi32, #tpu.memory_space<vmem>>, vector<16xi32>,
    %get3A_170 = arith.constant 272 : index
    %get3A_171 = tpu.vector_load %arg5[%get3A_170] {strides = array<i32>} : memref<512xi32, #tpu.memory_space<vmem>>, vector<16xi32>,
    %get3A_172 = vector.shape_cast %get3A_171 : vector<16xi32> to vector<16xi32>
    %rem3A_173 = arith.constant 25000 : i32
    %rem3A_174 = vector.broadcast %rem3A_173 : i32 to vector<16xi32>
    %rem3A_175 = arith.remsi %get3A_172, %rem3A_174 : vector<16xi32>
    %swap3A_176 = arith.constant 272 : index
    %swap3A_177 = tpu.vector_load %arg6[%swap3A_176] {strides = array<i32>} : memref<512xi32, #tpu.memory_space<vmem>>, vector<16xi32>,
    %swap3A_178 = vector.shape_cast %swap3A_177 : vector<16xi32> to vector<16xi32>
    %swap3A_179 = vector.shape_cast %rem3A_175 : vector<16xi32> to vector<16xi32>
    tpu.vector_store %arg6[%swap3A_176], %swap3A_179 {strides = array<i32>} : memref<512xi32, #tpu.memory_space<vmem>>, vector<16xi32>,
    %get3A_180 = arith.constant 288 : index
    %get3A_181 = tpu.vector_load %arg5[%get3A_180] {strides = array<i32>} : memref<512xi32, #tpu.memory_space<vmem>>, vector<16xi32>,
    %get3A_182 = vector.shape_cast %get3A_181 : vector<16xi32> to vector<16xi32>
    %rem3A_183 = arith.constant 25000 : i32
    %rem3A_184 = vector.broadcast %rem3A_183 : i32 to vector<16xi32>
    %rem3A_185 = arith.remsi %get3A_182, %rem3A_184 : vector<16xi32>
    %swap3A_186 = arith.constant 288 : index
    %swap3A_187 = tpu.vector_load %arg6[%swap3A_186] {strides = array<i32>} : memref<512xi32, #tpu.memory_space<vmem>>, vector<16xi32>,
    %swap3A_188 = vector.shape_cast %swap3A_187 : vector<16xi32> to vector<16xi32>
    %swap3A_189 = vector.shape_cast %rem3A_185 : vector<16xi32> to vector<16xi32>
    tpu.vector_store %arg6[%swap3A_186], %swap3A_189 {strides = array<i32>} : memref<512xi32, #tpu.memory_space<vmem>>, vector<16xi32>,
    %get3A_190 = arith.constant 304 : index
    %get3A_191 = tpu.vector_load %arg5[%get3A_190] {strides = array<i32>} : memref<512xi32, #tpu.memory_space<vmem>>, vector<16xi32>,
    %get3A_192 = vector.shape_cast %get3A_191 : vector<16xi32> to vector<16xi32>
    %rem3A_193 = arith.constant 25000 : i32
    %rem3A_194 = vector.broadcast %rem3A_193 : i32 to vector<16xi32>
    %rem3A_195 = arith.remsi %get3A_192, %rem3A_194 : vector<16xi32>
    %swap3A_196 = arith.constant 304 : index
    %swap3A_197 = tpu.vector_load %arg6[%swap3A_196] {strides = array<i32>} : memref<512xi32, #tpu.memory_space<vmem>>, vector<16xi32>,
    %swap3A_198 = vector.shape_cast %swap3A_197 : vector<16xi32> to vector<16xi32>
    %swap3A_199 = vector.shape_cast %rem3A_195 : vector<16xi32> to vector<16xi32>
    tpu.vector_store %arg6[%swap3A_196], %swap3A_199 {strides = array<i32>} : memref<512xi32, #tpu.memory_space<vmem>>, vector<16xi32>,
    %get3A_200 = arith.constant 320 : index
    %get3A_201 = tpu.vector_load %arg5[%get3A_200] {strides = array<i32>} : memref<512xi32, #tpu.memory_space<vmem>>, vector<16xi32>,
    %get3A_202 = vector.shape_cast %get3A_201 : vector<16xi32> to vector<16xi32>
    %rem3A_203 = arith.constant 25000 : i32
    %rem3A_204 = vector.broadcast %rem3A_203 : i32 to vector<16xi32>
    %rem3A_205 = arith.remsi %get3A_202, %rem3A_204 : vector<16xi32>
    %swap3A_206 = arith.constant 320 : index
    %swap3A_207 = tpu.vector_load %arg6[%swap3A_206] {strides = array<i32>} : memref<512xi32, #tpu.memory_space<vmem>>, vector<16xi32>,
    %swap3A_208 = vector.shape_cast %swap3A_207 : vector<16xi32> to vector<16xi32>
    %swap3A_209 = vector.shape_cast %rem3A_205 : vector<16xi32> to vector<16xi32>
    tpu.vector_store %arg6[%swap3A_206], %swap3A_209 {strides = array<i32>} : memref<512xi32, #tpu.memory_space<vmem>>, vector<16xi32>,
    %get3A_210 = arith.constant 336 : index
    %get3A_211 = tpu.vector_load %arg5[%get3A_210] {strides = array<i32>} : memref<512xi32, #tpu.memory_space<vmem>>, vector<16xi32>,
    %get3A_212 = vector.shape_cast %get3A_211 : vector<16xi32> to vector<16xi32>
    %rem3A_213 = arith.constant 25000 : i32
    %rem3A_214 = vector.broadcast %rem3A_213 : i32 to vector<16xi32>
    %rem3A_215 = arith.remsi %get3A_212, %rem3A_214 : vector<16xi32>
    %swap3A_216 = arith.constant 336 : index
    %swap3A_217 = tpu.vector_load %arg6[%swap3A_216] {strides = array<i32>} : memref<512xi32, #tpu.memory_space<vmem>>, vector<16xi32>,
    %swap3A_218 = vector.shape_cast %swap3A_217 : vector<16xi32> to vector<16xi32>
    %swap3A_219 = vector.shape_cast %rem3A_215 : vector<16xi32> to vector<16xi32>
    tpu.vector_store %arg6[%swap3A_216], %swap3A_219 {strides = array<i32>} : memref<512xi32, #tpu.memory_space<vmem>>, vector<16xi32>,
    %get3A_220 = arith.constant 352 : index
    %get3A_221 = tpu.vector_load %arg5[%get3A_220] {strides = array<i32>} : memref<512xi32, #tpu.memory_space<vmem>>, vector<16xi32>,
    %get3A_222 = vector.shape_cast %get3A_221 : vector<16xi32> to vector<16xi32>
    %rem3A_223 = arith.constant 25000 : i32
    %rem3A_224 = vector.broadcast %rem3A_223 : i32 to vector<16xi32>
    %rem3A_225 = arith.remsi %get3A_222, %rem3A_224 : vector<16xi32>
    %swap3A_226 = arith.constant 352 : index
    %swap3A_227 = tpu.vector_load %arg6[%swap3A_226] {strides = array<i32>} : memref<512xi32, #tpu.memory_space<vmem>>, vector<16xi32>,
    %swap3A_228 = vector.shape_cast %swap3A_227 : vector<16xi32> to vector<16xi32>
    %swap3A_229 = vector.shape_cast %rem3A_225 : vector<16xi32> to vector<16xi32>
    tpu.vector_store %arg6[%swap3A_226], %swap3A_229 {strides = array<i32>} : memref<512xi32, #tpu.memory_space<vmem>>, vector<16xi32>,
    %get3A_230 = arith.constant 368 : index
    %get3A_231 = tpu.vector_load %arg5[%get3A_230] {strides = array<i32>} : memref<512xi32, #tpu.memory_space<vmem>>, vector<16xi32>,
    %get3A_232 = vector.shape_cast %get3A_231 : vector<16xi32> to vector<16xi32>
    %rem3A_233 = arith.constant 25000 : i32
    %rem3A_234 = vector.broadcast %rem3A_233 : i32 to vector<16xi32>
    %rem3A_235 = arith.remsi %get3A_232, %rem3A_234 : vector<16xi32>
    %swap3A_236 = arith.constant 368 : index
    %swap3A_237 = tpu.vector_load %arg6[%swap3A_236] {strides = array<i32>} : memref<512xi32, #tpu.memory_space<vmem>>, vector<16xi32>,
    %swap3A_238 = vector.shape_cast %swap3A_237 : vector<16xi32> to vector<16xi32>
    %swap3A_239 = vector.shape_cast %rem3A_235 : vector<16xi32> to vector<16xi32>
    tpu.vector_store %arg6[%swap3A_236], %swap3A_239 {strides = array<i32>} : memref<512xi32, #tpu.memory_space<vmem>>, vector<16xi32>,
    %get3A_240 = arith.constant 384 : index
    %get3A_241 = tpu.vector_load %arg5[%get3A_240] {strides = array<i32>} : memref<512xi32, #tpu.memory_space<vmem>>, vector<16xi32>,
    %get3A_242 = vector.shape_cast %get3A_241 : vector<16xi32> to vector<16xi32>
    %rem3A_243 = arith.constant 25000 : i32
    %rem3A_244 = vector.broadcast %rem3A_243 : i32 to vector<16xi32>
    %rem3A_245 = arith.remsi %get3A_242, %rem3A_244 : vector<16xi32>
    %swap3A_246 = arith.constant 384 : index
    %swap3A_247 = tpu.vector_load %arg6[%swap3A_246] {strides = array<i32>} : memref<512xi32, #tpu.memory_space<vmem>>, vector<16xi32>,
    %swap3A_248 = vector.shape_cast %swap3A_247 : vector<16xi32> to vector<16xi32>
    %swap3A_249 = vector.shape_cast %rem3A_245 : vector<16xi32> to vector<16xi32>
    tpu.vector_store %arg6[%swap3A_246], %swap3A_249 {strides = array<i32>} : memref<512xi32, #tpu.memory_space<vmem>>, vector<16xi32>,
    %get3A_250 = arith.constant 400 : index
    %get3A_251 = tpu.vector_load %arg5[%get3A_250] {strides = array<i32>} : memref<512xi32, #tpu.memory_space<vmem>>, vector<16xi32>,
    %get3A_252 = vector.shape_cast %get3A_251 : vector<16xi32> to vector<16xi32>
    %rem3A_253 = arith.constant 25000 : i32
    %rem3A_254 = vector.broadcast %rem3A_253 : i32 to vector<16xi32>
    %rem3A_255 = arith.remsi %get3A_252, %rem3A_254 : vector<16xi32>
    %swap3A_256 = arith.constant 400 : index
    %swap3A_257 = tpu.vector_load %arg6[%swap3A_256] {strides = array<i32>} : memref<512xi32, #tpu.memory_space<vmem>>, vector<16xi32>,
    %swap3A_258 = vector.shape_cast %swap3A_257 : vector<16xi32> to vector<16xi32>
    %swap3A_259 = vector.shape_cast %rem3A_255 : vector<16xi32> to vector<16xi32>
    tpu.vector_store %arg6[%swap3A_256], %swap3A_259 {strides = array<i32>} : memref<512xi32, #tpu.memory_space<vmem>>, vector<16xi32>,
    %get3A_260 = arith.constant 416 : index
    %get3A_261 = tpu.vector_load %arg5[%get3A_260] {strides = array<i32>} : memref<512xi32, #tpu.memory_space<vmem>>, vector<16xi32>,
    %get3A_262 = vector.shape_cast %get3A_261 : vector<16xi32> to vector<16xi32>
    %rem3A_263 = arith.constant 25000 : i32
    %rem3A_264 = vector.broadcast %rem3A_263 : i32 to vector<16xi32>
    %rem3A_265 = arith.remsi %get3A_262, %rem3A_264 : vector<16xi32>
    %swap3A_266 = arith.constant 416 : index
    %swap3A_267 = tpu.vector_load %arg6[%swap3A_266] {strides = array<i32>} : memref<512xi32, #tpu.memory_space<vmem>>, vector<16xi32>,
    %swap3A_268 = vector.shape_cast %swap3A_267 : vector<16xi32> to vector<16xi32>
    %swap3A_269 = vector.shape_cast %rem3A_265 : vector<16xi32> to vector<16xi32>
    tpu.vector_store %arg6[%swap3A_266], %swap3A_269 {strides = array<i32>} : memref<512xi32, #tpu.memory_space<vmem>>, vector<16xi32>,
    %get3A_270 = arith.constant 432 : index
    %get3A_271 = tpu.vector_load %arg5[%get3A_270] {strides = array<i32>} : memref<512xi32, #tpu.memory_space<vmem>>, vector<16xi32>,
    %get3A_272 = vector.shape_cast %get3A_271 : vector<16xi32> to vector<16xi32>
    %rem3A_273 = arith.constant 25000 : i32
    %rem3A_274 = vector.broadcast %rem3A_273 : i32 to vector<16xi32>
    %rem3A_275 = arith.remsi %get3A_272, %rem3A_274 : vector<16xi32>
    %swap3A_276 = arith.constant 432 : index
    %swap3A_277 = tpu.vector_load %arg6[%swap3A_276] {strides = array<i32>} : memref<512xi32, #tpu.memory_space<vmem>>, vector<16xi32>,
    %swap3A_278 = vector.shape_cast %swap3A_277 : vector<16xi32> to vector<16xi32>
    %swap3A_279 = vector.shape_cast %rem3A_275 : vector<16xi32> to vector<16xi32>
    tpu.vector_store %arg6[%swap3A_276], %swap3A_279 {strides = array<i32>} : memref<512xi32, #tpu.memory_space<vmem>>, vector<16xi32>,
    %get3A_280 = arith.constant 448 : index
    %get3A_281 = tpu.vector_load %arg5[%get3A_280] {strides = array<i32>} : memref<512xi32, #tpu.memory_space<vmem>>, vector<16xi32>,
    %get3A_282 = vector.shape_cast %get3A_281 : vector<16xi32> to vector<16xi32>
    %rem3A_283 = arith.constant 25000 : i32
    %rem3A_284 = vector.broadcast %rem3A_283 : i32 to vector<16xi32>
    %rem3A_285 = arith.remsi %get3A_282, %rem3A_284 : vector<16xi32>
    %swap3A_286 = arith.constant 448 : index
    %swap3A_287 = tpu.vector_load %arg6[%swap3A_286] {strides = array<i32>} : memref<512xi32, #tpu.memory_space<vmem>>, vector<16xi32>,
    %swap3A_288 = vector.shape_cast %swap3A_287 : vector<16xi32> to vector<16xi32>
    %swap3A_289 = vector.shape_cast %rem3A_285 : vector<16xi32> to vector<16xi32>
    tpu.vector_store %arg6[%swap3A_286], %swap3A_289 {strides = array<i32>} : memref<512xi32, #tpu.memory_space<vmem>>, vector<16xi32>,
    %get3A_290 = arith.constant 464 : index
    %get3A_291 = tpu.vector_load %arg5[%get3A_290] {strides = array<i32>} : memref<512xi32, #tpu.memory_space<vmem>>, vector<16xi32>,
    %get3A_292 = vector.shape_cast %get3A_291 : vector<16xi32> to vector<16xi32>
    %rem3A_293 = arith.constant 25000 : i32
    %rem3A_294 = vector.broadcast %rem3A_293 : i32 to vector<16xi32>
    %rem3A_295 = arith.remsi %get3A_292, %rem3A_294 : vector<16xi32>
    %swap3A_296 = arith.constant 464 : index
    %swap3A_297 = tpu.vector_load %arg6[%swap3A_296] {strides = array<i32>} : memref<512xi32, #tpu.memory_space<vmem>>, vector<16xi32>,
    %swap3A_298 = vector.shape_cast %swap3A_297 : vector<16xi32> to vector<16xi32>
    %swap3A_299 = vector.shape_cast %rem3A_295 : vector<16xi32> to vector<16xi32>
    tpu.vector_store %arg6[%swap3A_296], %swap3A_299 {strides = array<i32>} : memref<512xi32, #tpu.memory_space<vmem>>, vector<16xi32>,
    %get3A_300 = arith.constant 480 : index
    %get3A_301 = tpu.vector_load %arg5[%get3A_300] {strides = array<i32>} : memref<512xi32, #tpu.memory_space<vmem>>, vector<16xi32>,
    %get3A_302 = vector.shape_cast %get3A_301 : vector<16xi32> to vector<16xi32>
    %rem3A_303 = arith.constant 25000 : i32
    %rem3A_304 = vector.broadcast %rem3A_303 : i32 to vector<16xi32>
    %rem3A_305 = arith.remsi %get3A_302, %rem3A_304 : vector<16xi32>
    %swap3A_306 = arith.constant 480 : index
    %swap3A_307 = tpu.vector_load %arg6[%swap3A_306] {strides = array<i32>} : memref<512xi32, #tpu.memory_space<vmem>>, vector<16xi32>,
    %swap3A_308 = vector.shape_cast %swap3A_307 : vector<16xi32> to vector<16xi32>
    %swap3A_309 = vector.shape_cast %rem3A_305 : vector<16xi32> to vector<16xi32>
    tpu.vector_store %arg6[%swap3A_306], %swap3A_309 {strides = array<i32>} : memref<512xi32, #tpu.memory_space<vmem>>, vector<16xi32>,
    %get3A_310 = arith.constant 496 : index
    %get3A_311 = tpu.vector_load %arg5[%get3A_310] {strides = array<i32>} : memref<512xi32, #tpu.memory_space<vmem>>, vector<16xi32>,
    %get3A_312 = vector.shape_cast %get3A_311 : vector<16xi32> to vector<16xi32>
    %rem3A_313 = arith.constant 25000 : i32
    %rem3A_314 = vector.broadcast %rem3A_313 : i32 to vector<16xi32>
    %rem3A_315 = arith.remsi %get3A_312, %rem3A_314 : vector<16xi32>
    %swap3A_316 = arith.constant 496 : index
    %swap3A_317 = tpu.vector_load %arg6[%swap3A_316] {strides = array<i32>} : memref<512xi32, #tpu.memory_space<vmem>>, vector<16xi32>,
    %swap3A_318 = vector.shape_cast %swap3A_317 : vector<16xi32> to vector<16xi32>
    %swap3A_319 = vector.shape_cast %rem3A_315 : vector<16xi32> to vector<16xi32>
    tpu.vector_store %arg6[%swap3A_316], %swap3A_319 {strides = array<i32>} : memref<512xi32, #tpu.memory_space<vmem>>, vector<16xi32>,
    %dma_start3A = arith.constant 0 : i32
    %dma_start3A_320 = arith.constant 0 : i32
    %dma_start3A_321 = tpu.memref_slice %arg7[%dma_start3A, %dma_start3A_320] : memref<512x128xf32, #tpu.memory_space<vmem>> -> memref<128x128xf32, #tpu.memory_space<vmem>>
    %dma_start3A_322 = arith.constant 0 : i32
    %dma_start3A_323 = tpu.memref_slice %arg6[%dma_start3A_322] : memref<512xi32, #tpu.memory_space<vmem>> -> memref<128xi32, #tpu.memory_space<vmem>>
    %dma_start3A_324 = arith.constant 0 : i32
    %dma_start3A_325 = arith.constant 0 : i32
    %dma_start3A_326 = tpu.memref_slice %arg3[%dma_start3A_324, %dma_start3A_325] : memref<25000x128xf32, #tpu.memory_space<hbm>> -> memref<25000x128xf32, #tpu.memory_space<hbm>>
    tpu.enqueue_indirect_dma source(%dma_start3A_326 : memref<25000x128xf32, #tpu.memory_space<hbm>>) target(%dma_start3A_321 : memref<128x128xf32, #tpu.memory_space<vmem>>) offsets(%dma_start3A_323 : memref<128xi32, #tpu.memory_space<vmem>>) semaphore(%arg8 : memref<!tpu.dma_semaphore, #tpu.memory_space<semaphore_mem>>)
    %dma_start3A_327 = arith.constant 128 : i32
    %dma_start3A_328 = arith.constant 0 : i32
    %dma_start3A_329 = tpu.memref_slice %arg7[%dma_start3A_327, %dma_start3A_328] : memref<512x128xf32, #tpu.memory_space<vmem>> -> memref<128x128xf32, #tpu.memory_space<vmem>>
    %dma_start3A_330 = arith.constant 128 : i32
    %dma_start3A_331 = tpu.memref_slice %arg6[%dma_start3A_330] : memref<512xi32, #tpu.memory_space<vmem>> -> memref<128xi32, #tpu.memory_space<vmem>>
    %dma_start3A_332 = arith.constant 0 : i32
    %dma_start3A_333 = arith.constant 0 : i32
    %dma_start3A_334 = tpu.memref_slice %arg3[%dma_start3A_332, %dma_start3A_333] : memref<25000x128xf32, #tpu.memory_space<hbm>> -> memref<25000x128xf32, #tpu.memory_space<hbm>>
    tpu.enqueue_indirect_dma source(%dma_start3A_334 : memref<25000x128xf32, #tpu.memory_space<hbm>>) target(%dma_start3A_329 : memref<128x128xf32, #tpu.memory_space<vmem>>) offsets(%dma_start3A_331 : memref<128xi32, #tpu.memory_space<vmem>>) semaphore(%arg8 : memref<!tpu.dma_semaphore, #tpu.memory_space<semaphore_mem>>)
    %dma_start3A_335 = arith.constant 256 : i32
    %dma_start3A_336 = arith.constant 0 : i32
    %dma_start3A_337 = tpu.memref_slice %arg7[%dma_start3A_335, %dma_start3A_336] : memref<512x128xf32, #tpu.memory_space<vmem>> -> memref<128x128xf32, #tpu.memory_space<vmem>>
    %dma_start3A_338 = arith.constant 256 : i32
    %dma_start3A_339 = tpu.memref_slice %arg6[%dma_start3A_338] : memref<512xi32, #tpu.memory_space<vmem>> -> memref<128xi32, #tpu.memory_space<vmem>>
    %dma_start3A_340 = arith.constant 0 : i32
    %dma_start3A_341 = arith.constant 0 : i32
    %dma_start3A_342 = tpu.memref_slice %arg3[%dma_start3A_340, %dma_start3A_341] : memref<25000x128xf32, #tpu.memory_space<hbm>> -> memref<25000x128xf32, #tpu.memory_space<hbm>>
    tpu.enqueue_indirect_dma source(%dma_start3A_342 : memref<25000x128xf32, #tpu.memory_space<hbm>>) target(%dma_start3A_337 : memref<128x128xf32, #tpu.memory_space<vmem>>) offsets(%dma_start3A_339 : memref<128xi32, #tpu.memory_space<vmem>>) semaphore(%arg8 : memref<!tpu.dma_semaphore, #tpu.memory_space<semaphore_mem>>)
    %dma_start3A_343 = arith.constant 384 : i32
    %dma_start3A_344 = arith.constant 0 : i32
    %dma_start3A_345 = tpu.memref_slice %arg7[%dma_start3A_343, %dma_start3A_344] : memref<512x128xf32, #tpu.memory_space<vmem>> -> memref<128x128xf32, #tpu.memory_space<vmem>>
    %dma_start3A_346 = arith.constant 384 : i32
    %dma_start3A_347 = tpu.memref_slice %arg6[%dma_start3A_346] : memref<512xi32, #tpu.memory_space<vmem>> -> memref<128xi32, #tpu.memory_space<vmem>>
    %dma_start3A_348 = arith.constant 0 : i32
    %dma_start3A_349 = arith.constant 0 : i32
    %dma_start3A_350 = tpu.memref_slice %arg3[%dma_start3A_348, %dma_start3A_349] : memref<25000x128xf32, #tpu.memory_space<hbm>> -> memref<25000x128xf32, #tpu.memory_space<hbm>>
    tpu.enqueue_indirect_dma source(%dma_start3A_350 : memref<25000x128xf32, #tpu.memory_space<hbm>>) target(%dma_start3A_345 : memref<128x128xf32, #tpu.memory_space<vmem>>) offsets(%dma_start3A_347 : memref<128xi32, #tpu.memory_space<vmem>>) semaphore(%arg8 : memref<!tpu.dma_semaphore, #tpu.memory_space<semaphore_mem>>)
    %dma_wait3A = arith.constant 0 : i32
    %dma_wait3A_351 = arith.constant 0 : i32
    %dma_wait3A_352 = tpu.memref_slice %arg7[%dma_wait3A, %dma_wait3A_351] : memref<512x128xf32, #tpu.memory_space<vmem>> -> memref<128x128xf32, #tpu.memory_space<vmem>>
    %dma_wait3A_353 = arith.constant 0 : i32
    %dma_wait3A_354 = tpu.memref_slice %arg6[%dma_wait3A_353] : memref<512xi32, #tpu.memory_space<vmem>> -> memref<128xi32, #tpu.memory_space<vmem>>
    %dma_wait3A_355 = arith.constant 0 : i32
    %dma_wait3A_356 = arith.constant 0 : i32
    %dma_wait3A_357 = tpu.memref_slice %arg3[%dma_wait3A_355, %dma_wait3A_356] : memref<25000x128xf32, #tpu.memory_space<hbm>> -> memref<25000x128xf32, #tpu.memory_space<hbm>>
    tpu.wait_indirect_dma semaphore(%arg8 : memref<!tpu.dma_semaphore, #tpu.memory_space<semaphore_mem>>) src(%dma_wait3A_357 : memref<25000x128xf32, #tpu.memory_space<hbm>>) dst(%dma_wait3A_352 : memref<128x128xf32, #tpu.memory_space<vmem>>)
    %dma_wait3A_358 = arith.constant 128 : i32
    %dma_wait3A_359 = arith.constant 0 : i32
    %dma_wait3A_360 = tpu.memref_slice %arg7[%dma_wait3A_358, %dma_wait3A_359] : memref<512x128xf32, #tpu.memory_space<vmem>> -> memref<128x128xf32, #tpu.memory_space<vmem>>
    %dma_wait3A_361 = arith.constant 128 : i32
    %dma_wait3A_362 = tpu.memref_slice %arg6[%dma_wait3A_361] : memref<512xi32, #tpu.memory_space<vmem>> -> memref<128xi32, #tpu.memory_space<vmem>>
    %dma_wait3A_363 = arith.constant 0 : i32
    %dma_wait3A_364 = arith.constant 0 : i32
    %dma_wait3A_365 = tpu.memref_slice %arg3[%dma_wait3A_363, %dma_wait3A_364] : memref<25000x128xf32, #tpu.memory_space<hbm>> -> memref<25000x128xf32, #tpu.memory_space<hbm>>
    tpu.wait_indirect_dma semaphore(%arg8 : memref<!tpu.dma_semaphore, #tpu.memory_space<semaphore_mem>>) src(%dma_wait3A_365 : memref<25000x128xf32, #tpu.memory_space<hbm>>) dst(%dma_wait3A_360 : memref<128x128xf32, #tpu.memory_space<vmem>>)
    %dma_wait3A_366 = arith.constant 256 : i32
    %dma_wait3A_367 = arith.constant 0 : i32
    %dma_wait3A_368 = tpu.memref_slice %arg7[%dma_wait3A_366, %dma_wait3A_367] : memref<512x128xf32, #tpu.memory_space<vmem>> -> memref<128x128xf32, #tpu.memory_space<vmem>>
    %dma_wait3A_369 = arith.constant 256 : i32
    %dma_wait3A_370 = tpu.memref_slice %arg6[%dma_wait3A_369] : memref<512xi32, #tpu.memory_space<vmem>> -> memref<128xi32, #tpu.memory_space<vmem>>
    %dma_wait3A_371 = arith.constant 0 : i32
    %dma_wait3A_372 = arith.constant 0 : i32
    %dma_wait3A_373 = tpu.memref_slice %arg3[%dma_wait3A_371, %dma_wait3A_372] : memref<25000x128xf32, #tpu.memory_space<hbm>> -> memref<25000x128xf32, #tpu.memory_space<hbm>>
    tpu.wait_indirect_dma semaphore(%arg8 : memref<!tpu.dma_semaphore, #tpu.memory_space<semaphore_mem>>) src(%dma_wait3A_373 : memref<25000x128xf32, #tpu.memory_space<hbm>>) dst(%dma_wait3A_368 : memref<128x128xf32, #tpu.memory_space<vmem>>)
    %dma_wait3A_374 = arith.constant 384 : i32
    %dma_wait3A_375 = arith.constant 0 : i32
    %dma_wait3A_376 = tpu.memref_slice %arg7[%dma_wait3A_374, %dma_wait3A_375] : memref<512x128xf32, #tpu.memory_space<vmem>> -> memref<128x128xf32, #tpu.memory_space<vmem>>
    %dma_wait3A_377 = arith.constant 384 : i32
    %dma_wait3A_378 = tpu.memref_slice %arg6[%dma_wait3A_377] : memref<512xi32, #tpu.memory_space<vmem>> -> memref<128xi32, #tpu.memory_space<vmem>>
    %dma_wait3A_379 = arith.constant 0 : i32
    %dma_wait3A_380 = arith.constant 0 : i32
    %dma_wait3A_381 = tpu.memref_slice %arg3[%dma_wait3A_379, %dma_wait3A_380] : memref<25000x128xf32, #tpu.memory_space<hbm>> -> memref<25000x128xf32, #tpu.memory_space<hbm>>
    tpu.wait_indirect_dma semaphore(%arg8 : memref<!tpu.dma_semaphore, #tpu.memory_space<semaphore_mem>>) src(%dma_wait3A_381 : memref<25000x128xf32, #tpu.memory_space<hbm>>) dst(%dma_wait3A_376 : memref<128x128xf32, #tpu.memory_space<vmem>>)
    %mul3A_382 = arith.constant 512 : i32
    %mul3A_383 = arith.muli %add3A, %mul3A_382 : i32
    "tpu.region"() ({
      %run_scoped3A = tpu.sem_alloc : memref<!tpu.dma_semaphore, #tpu.memory_space<semaphore_mem>>
      %dma_start3A_384 = arith.constant 0 : i32
      %dma_start3A_385 = tpu.memref_slice %arg4[%mul3A_383, %dma_start3A_384] : memref<16384x128xf32, #tpu.memory_space<hbm>> -> memref<512x128xf32, #tpu.memory_space<hbm>>
      %dma_start3A_386 = arith.constant 0 : i32
      %dma_start3A_387 = tpu.memref_slice %arg4[%mul3A_383, %dma_start3A_386] : memref<16384x128xf32, #tpu.memory_space<hbm>> -> memref<512x128xf32, #tpu.memory_space<hbm>>
      tpu.enqueue_dma source(%arg7 : memref<512x128xf32, #tpu.memory_space<vmem>>) target(%dma_start3A_387 : memref<512x128xf32, #tpu.memory_space<hbm>>) target_semaphore(%run_scoped3A : memref<!tpu.dma_semaphore, #tpu.memory_space<semaphore_mem>>)
      %dma_wait3A_388 = arith.constant 0 : i32
      %dma_wait3A_389 = tpu.memref_slice %arg4[%mul3A_383, %dma_wait3A_388] : memref<16384x128xf32, #tpu.memory_space<hbm>> -> memref<512x128xf32, #tpu.memory_space<hbm>>
      %dma_wait3A_390 = arith.constant 0 : i32
      %dma_wait3A_391 = tpu.memref_slice %arg4[%mul3A_383, %dma_wait3A_390] : memref<16384x128xf32, #tpu.memory_space<hbm>> -> memref<512x128xf32, #tpu.memory_space<hbm>>
      tpu.wait_dma2 semaphore(%run_scoped3A : memref<!tpu.dma_semaphore, #tpu.memory_space<semaphore_mem>>) src(%arg7 : memref<512x128xf32, #tpu.memory_space<vmem>>) dst(%dma_wait3A_391 : memref<512x128xf32, #tpu.memory_space<hbm>>)
      tpu.yield
    }) : () -> ()
    return
  }
}

module attributes {stable_mosaic.version = 14 : i64} {
  func.func @body(%arg0: i32, %arg1: memref<5000x128xf32, #tpu.memory_space<vmem>>, %arg2: memref<5000x128xf32, #tpu.memory_space<vmem>>, %arg3: memref<5000x128xf32, #tpu.memory_space<vmem>>, %arg4: memref<5000x128xf32, #tpu.memory_space<vmem>>, %arg5: memref<8x128xf32, #tpu.memory_space<vmem>>, %arg6: memref<8x128xf32, #tpu.memory_space<vmem>>, %arg7: memref<8x128xf32, #tpu.memory_space<vmem>>, %arg8: memref<8x128xf32, #tpu.memory_space<vmem>>, %arg9: memref<8x128xf32, #tpu.memory_space<vmem>>, %arg10: memref<8x128xf32, #tpu.memory_space<vmem>>, %arg11: memref<8x128xf32, #tpu.memory_space<vmem>>, %arg12: memref<8x128xf32, #tpu.memory_space<vmem>>, %arg13: memref<8x128xf32, #tpu.memory_space<vmem>>, %arg14: memref<8x128xf32, #tpu.memory_space<vmem>>, %arg15: memref<8x128xf32, #tpu.memory_space<vmem>>, %arg16: memref<8x128xf32, #tpu.memory_space<vmem>>, %arg17: memref<8x128xf32, #tpu.memory_space<vmem>>, %arg18: memref<8x128xf32, #tpu.memory_space<vmem>>, %arg19: memref<8x128xf32, #tpu.memory_space<vmem>>, %arg20: memref<8x128xf32, #tpu.memory_space<vmem>>, %arg21: memref<128x32xf32, #tpu.memory_space<vmem>>, %arg22: memref<1x32xf32, #tpu.memory_space<vmem>>, %arg23: memref<5000x128xf32, #tpu.memory_space<vmem>>) attributes {dimension_semantics = [#tpu.dimension_semantics<arbitrary>], iteration_bounds = array<i64: 5>, scalar_prefetch = 0 : i64, scratch_operands = 0 : i64, tpu.core_type = #tpu.core_type<tc>, window_params = [{transform_indices = @transform_0, window_bounds = array<i64: 5000, 128>}, {transform_indices = @transform_1, window_bounds = array<i64: 5000, 128>}, {transform_indices = @transform_2, window_bounds = array<i64: 5000, 128>}, {transform_indices = @transform_3, window_bounds = array<i64: 5000, 128>}, {transform_indices = @transform_4, window_bounds = array<i64: 8, 128>}, {transform_indices = @transform_5, window_bounds = array<i64: 8, 128>}, {transform_indices = @transform_6, window_bounds = array<i64: 8, 128>}, {transform_indices = @transform_7, window_bounds = array<i64: 8, 128>}, {transform_indices = @transform_8, window_bounds = array<i64: 8, 128>}, {transform_indices = @transform_9, window_bounds = array<i64: 8, 128>}, {transform_indices = @transform_10, window_bounds = array<i64: 8, 128>}, {transform_indices = @transform_11, window_bounds = array<i64: 8, 128>}, {transform_indices = @transform_12, window_bounds = array<i64: 8, 128>}, {transform_indices = @transform_13, window_bounds = array<i64: 8, 128>}, {transform_indices = @transform_14, window_bounds = array<i64: 8, 128>}, {transform_indices = @transform_15, window_bounds = array<i64: 8, 128>}, {transform_indices = @transform_16, window_bounds = array<i64: 8, 128>}, {transform_indices = @transform_17, window_bounds = array<i64: 8, 128>}, {transform_indices = @transform_18, window_bounds = array<i64: 8, 128>}, {transform_indices = @transform_19, window_bounds = array<i64: 8, 128>}, {pipeline_mode = #tpu.pipeline_mode<synchronous>, transform_indices = @transform_20, window_bounds = array<i64: 128, 32>}, {pipeline_mode = #tpu.pipeline_mode<synchronous>, transform_indices = @transform_21, window_bounds = array<i64: 1, 32>}, {transform_indices = @transform_22, window_bounds = array<i64: 5000, 128>}]} {
    %get3A = arith.constant 0 : index
    %get3A_0 = arith.constant 0 : index
    %get3A_1 = vector.load %arg1[%get3A, %get3A_0] : memref<5000x128xf32, #tpu.memory_space<vmem>>, vector<5000x128xf32>
    %get3A_2 = arith.constant 0 : index
    %get3A_3 = arith.constant 0 : index
    %get3A_4 = vector.load %arg5[%get3A_2, %get3A_3] : memref<8x128xf32, #tpu.memory_space<vmem>>, vector<8x128xf32>
    %get3A_5 = arith.constant 0 : index
    %get3A_6 = arith.constant 0 : index
    %get3A_7 = vector.load %arg6[%get3A_5, %get3A_6] : memref<8x128xf32, #tpu.memory_space<vmem>>, vector<8x128xf32>
    %get3A_8 = arith.constant 0 : index
    %get3A_9 = arith.constant 0 : index
    %get3A_10 = vector.load %arg7[%get3A_8, %get3A_9] : memref<8x128xf32, #tpu.memory_space<vmem>>, vector<8x128xf32>
    %get3A_11 = arith.constant 0 : index
    %get3A_12 = arith.constant 0 : index
    %get3A_13 = vector.load %arg8[%get3A_11, %get3A_12] : memref<8x128xf32, #tpu.memory_space<vmem>>, vector<8x128xf32>
    %get3A_14 = arith.constant 0 : index
    %get3A_15 = arith.constant 0 : index
    %get3A_16 = vector.load %arg2[%get3A_14, %get3A_15] : memref<5000x128xf32, #tpu.memory_space<vmem>>, vector<5000x128xf32>
    %get3A_17 = arith.constant 0 : index
    %get3A_18 = arith.constant 0 : index
    %get3A_19 = vector.load %arg9[%get3A_17, %get3A_18] : memref<8x128xf32, #tpu.memory_space<vmem>>, vector<8x128xf32>
    %get3A_20 = arith.constant 0 : index
    %get3A_21 = arith.constant 0 : index
    %get3A_22 = vector.load %arg10[%get3A_20, %get3A_21] : memref<8x128xf32, #tpu.memory_space<vmem>>, vector<8x128xf32>
    %get3A_23 = arith.constant 0 : index
    %get3A_24 = arith.constant 0 : index
    %get3A_25 = vector.load %arg11[%get3A_23, %get3A_24] : memref<8x128xf32, #tpu.memory_space<vmem>>, vector<8x128xf32>
    %get3A_26 = arith.constant 0 : index
    %get3A_27 = arith.constant 0 : index
    %get3A_28 = vector.load %arg12[%get3A_26, %get3A_27] : memref<8x128xf32, #tpu.memory_space<vmem>>, vector<8x128xf32>
    %get3A_29 = arith.constant 0 : index
    %get3A_30 = arith.constant 0 : index
    %get3A_31 = vector.load %arg3[%get3A_29, %get3A_30] : memref<5000x128xf32, #tpu.memory_space<vmem>>, vector<5000x128xf32>
    %get3A_32 = arith.constant 0 : index
    %get3A_33 = arith.constant 0 : index
    %get3A_34 = vector.load %arg13[%get3A_32, %get3A_33] : memref<8x128xf32, #tpu.memory_space<vmem>>, vector<8x128xf32>
    %get3A_35 = arith.constant 0 : index
    %get3A_36 = arith.constant 0 : index
    %get3A_37 = vector.load %arg14[%get3A_35, %get3A_36] : memref<8x128xf32, #tpu.memory_space<vmem>>, vector<8x128xf32>
    %get3A_38 = arith.constant 0 : index
    %get3A_39 = arith.constant 0 : index
    %get3A_40 = vector.load %arg15[%get3A_38, %get3A_39] : memref<8x128xf32, #tpu.memory_space<vmem>>, vector<8x128xf32>
    %get3A_41 = arith.constant 0 : index
    %get3A_42 = arith.constant 0 : index
    %get3A_43 = vector.load %arg16[%get3A_41, %get3A_42] : memref<8x128xf32, #tpu.memory_space<vmem>>, vector<8x128xf32>
    %get3A_44 = arith.constant 0 : index
    %get3A_45 = arith.constant 0 : index
    %get3A_46 = vector.load %arg4[%get3A_44, %get3A_45] : memref<5000x128xf32, #tpu.memory_space<vmem>>, vector<5000x128xf32>
    %get3A_47 = arith.constant 0 : index
    %get3A_48 = arith.constant 0 : index
    %get3A_49 = vector.load %arg17[%get3A_47, %get3A_48] : memref<8x128xf32, #tpu.memory_space<vmem>>, vector<8x128xf32>
    %get3A_50 = arith.constant 0 : index
    %get3A_51 = arith.constant 0 : index
    %get3A_52 = vector.load %arg18[%get3A_50, %get3A_51] : memref<8x128xf32, #tpu.memory_space<vmem>>, vector<8x128xf32>
    %get3A_53 = arith.constant 0 : index
    %get3A_54 = arith.constant 0 : index
    %get3A_55 = vector.load %arg19[%get3A_53, %get3A_54] : memref<8x128xf32, #tpu.memory_space<vmem>>, vector<8x128xf32>
    %get3A_56 = arith.constant 0 : index
    %get3A_57 = arith.constant 0 : index
    %get3A_58 = vector.load %arg20[%get3A_56, %get3A_57] : memref<8x128xf32, #tpu.memory_space<vmem>>, vector<8x128xf32>
    %concatenate3A = tpu.concatenate %get3A_1, %get3A_4, %get3A_7, %get3A_10, %get3A_13, %get3A_16, %get3A_19, %get3A_22, %get3A_25, %get3A_28, %get3A_31, %get3A_34, %get3A_37, %get3A_40, %get3A_43, %get3A_46, %get3A_49, %get3A_52, %get3A_55, %get3A_58 in 0 : vector<5000x128xf32>, vector<8x128xf32>, vector<8x128xf32>, vector<8x128xf32>, vector<8x128xf32>, vector<5000x128xf32>, vector<8x128xf32>, vector<8x128xf32>, vector<8x128xf32>, vector<8x128xf32>, vector<5000x128xf32>, vector<8x128xf32>, vector<8x128xf32>, vector<8x128xf32>, vector<8x128xf32>, vector<5000x128xf32>, vector<8x128xf32>, vector<8x128xf32>, vector<8x128xf32>, vector<8x128xf32> -> vector<20128x128xf32>
    %get3A_59 = arith.constant 0 : index
    %get3A_60 = arith.constant 0 : index
    %get3A_61 = vector.load %arg21[%get3A_59, %get3A_60] : memref<128x32xf32, #tpu.memory_space<vmem>>, vector<128x32xf32>
    %dot_general3A = arith.constant dense<0.000000e+00> : vector<20128x32xf32>
    %dot_general3A_62 = tpu.matmul %concatenate3A, %get3A_61, %dot_general3A {dimension_numbers = #tpu.dot_dimension_numbers<[1], [0], [0], [1], [0, 0, 1, 1], [], []>, transpose_lhs_hint = false} : vector<20128x128xf32>, vector<128x32xf32>, vector<20128x32xf32> -> vector<20128x32xf32>
    %get3A_63 = arith.constant 0 : index
    %get3A_64 = arith.constant 0 : index
    %get3A_65 = vector.load %arg22[%get3A_63, %get3A_64] : memref<1x32xf32, #tpu.memory_space<vmem>>, vector<1x32xf32>
    %add3A = vector.broadcast %get3A_65 : vector<1x32xf32> to vector<20128x32xf32>
    %add3A_66 = arith.addf %dot_general3A_62, %add3A : vector<20128x32xf32>
    %tanh3A = math.tanh %add3A_66 : vector<20128x32xf32>
    %slice3A = vector.extract_strided_slice %tanh3A {offsets = [0, 0], sizes = [5032, 32], strides = [1, 1]} : vector<20128x32xf32> to vector<5032x32xf32>
    %slice3A_67 = vector.extract_strided_slice %tanh3A {offsets = [5032, 0], sizes = [5032, 32], strides = [1, 1]} : vector<20128x32xf32> to vector<5032x32xf32>
    %slice3A_68 = vector.extract_strided_slice %tanh3A {offsets = [10064, 0], sizes = [5032, 32], strides = [1, 1]} : vector<20128x32xf32> to vector<5032x32xf32>
    %slice3A_69 = vector.extract_strided_slice %tanh3A {offsets = [15096, 0], sizes = [5032, 32], strides = [1, 1]} : vector<20128x32xf32> to vector<5032x32xf32>
    %concatenate3A_70 = tpu.concatenate %slice3A, %slice3A_67, %slice3A_68, %slice3A_69 in 1 : vector<5032x32xf32>, vector<5032x32xf32>, vector<5032x32xf32>, vector<5032x32xf32> -> vector<5032x128xf32>
    %slice3A_71 = vector.extract_strided_slice %concatenate3A_70 {offsets = [0, 0], sizes = [5008, 128], strides = [1, 1]} : vector<5032x128xf32> to vector<5008x128xf32>
    %slice3A_72 = vector.extract_strided_slice %concatenate3A_70 {offsets = [8, 0], sizes = [5008, 128], strides = [1, 1]} : vector<5032x128xf32> to vector<5008x128xf32>
    %add3A_73 = arith.addf %slice3A_71, %slice3A_72 : vector<5008x128xf32>
    %slice3A_74 = vector.extract_strided_slice %concatenate3A_70 {offsets = [16, 0], sizes = [5008, 128], strides = [1, 1]} : vector<5032x128xf32> to vector<5008x128xf32>
    %add3A_75 = arith.addf %add3A_73, %slice3A_74 : vector<5008x128xf32>
    %slice3A_76 = vector.extract_strided_slice %concatenate3A_70 {offsets = [24, 0], sizes = [5008, 128], strides = [1, 1]} : vector<5032x128xf32> to vector<5008x128xf32>
    %add3A_77 = arith.addf %add3A_75, %slice3A_76 : vector<5008x128xf32>
    %slice3A_78 = vector.extract_strided_slice %add3A_77 {offsets = [0, 0], sizes = [5007, 128], strides = [1, 1]} : vector<5008x128xf32> to vector<5007x128xf32>
    %slice3A_79 = vector.extract_strided_slice %add3A_77 {offsets = [1, 0], sizes = [5007, 128], strides = [1, 1]} : vector<5008x128xf32> to vector<5007x128xf32>
    %add3A_80 = arith.addf %slice3A_78, %slice3A_79 : vector<5007x128xf32>
    %slice3A_81 = vector.extract_strided_slice %add3A_80 {offsets = [0, 0], sizes = [5005, 128], strides = [1, 1]} : vector<5007x128xf32> to vector<5005x128xf32>
    %slice3A_82 = vector.extract_strided_slice %add3A_80 {offsets = [2, 0], sizes = [5005, 128], strides = [1, 1]} : vector<5007x128xf32> to vector<5005x128xf32>
    %add3A_83 = arith.addf %slice3A_81, %slice3A_82 : vector<5005x128xf32>
    %slice3A_84 = vector.extract_strided_slice %add3A_83 {offsets = [0, 0], sizes = [5000, 128], strides = [1, 1]} : vector<5005x128xf32> to vector<5000x128xf32>
    %slice3A_85 = vector.extract_strided_slice %add3A_83 {offsets = [4, 0], sizes = [5000, 128], strides = [1, 1]} : vector<5005x128xf32> to vector<5000x128xf32>
    %add3A_86 = arith.addf %slice3A_84, %slice3A_85 : vector<5000x128xf32>
    %slice3A_87 = vector.extract_strided_slice %concatenate3A_70 {offsets = [32, 0], sizes = [5000, 128], strides = [1, 1]} : vector<5032x128xf32> to vector<5000x128xf32>
    %add3A_88 = arith.addf %add3A_86, %slice3A_87 : vector<5000x128xf32>
    %mul3A = arith.constant 0.0303030312 : f32
    %mul3A_89 = vector.broadcast %mul3A : f32 to vector<5000x128xf32>
    %mul3A_90 = arith.mulf %add3A_88, %mul3A_89 : vector<5000x128xf32>
    %swap3A = arith.constant 0 : index
    %swap3A_91 = arith.constant 0 : index
    %swap3A_92 = vector.load %arg23[%swap3A, %swap3A_91] : memref<5000x128xf32, #tpu.memory_space<vmem>>, vector<5000x128xf32>
    tpu.vector_store %arg23[%swap3A, %swap3A_91], %mul3A_90 {strides = array<i32>} : memref<5000x128xf32, #tpu.memory_space<vmem>>, vector<5000x128xf32>,
    return
  }
  func.func @transform_0(%arg0: i32) -> (i32, i32) {
    %add3A = arith.constant 0 : i32
    %add3A_0 = arith.addi %add3A, %arg0 : i32
    %c0_i32 = arith.constant 0 : i32
    %c0_i32_1 = arith.constant 0 : i32
    return %add3A_0, %c0_i32 : i32, i32
  }
  func.func @transform_1(%arg0: i32) -> (i32, i32) {
    %add3A = arith.constant 5 : i32
    %add3A_0 = arith.addi %add3A, %arg0 : i32
    %c0_i32 = arith.constant 0 : i32
    %c0_i32_1 = arith.constant 0 : i32
    return %add3A_0, %c0_i32 : i32, i32
  }
  func.func @transform_2(%arg0: i32) -> (i32, i32) {
    %add3A = arith.constant 10 : i32
    %add3A_0 = arith.addi %add3A, %arg0 : i32
    %c0_i32 = arith.constant 0 : i32
    %c0_i32_1 = arith.constant 0 : i32
    return %add3A_0, %c0_i32 : i32, i32
  }
  func.func @transform_3(%arg0: i32) -> (i32, i32) {
    %add3A = arith.constant 15 : i32
    %add3A_0 = arith.addi %add3A, %arg0 : i32
    %c0_i32 = arith.constant 0 : i32
    %c0_i32_1 = arith.constant 0 : i32
    return %add3A_0, %c0_i32 : i32, i32
  }
  func.func @transform_4(%arg0: i32) -> (i32, i32) {
    %add3A = arith.constant 1 : i32
    %add3A_0 = arith.addi %arg0, %add3A : i32
    %mul3A = arith.constant 625 : i32
    %mul3A_1 = arith.muli %add3A_0, %mul3A : i32
    %add3A_2 = arith.constant 0 : i32
    %add3A_3 = arith.addi %add3A_2, %mul3A_1 : i32
    %add3A_4 = arith.constant 0 : i32
    %add3A_5 = arith.addi %add3A_3, %add3A_4 : i32
    %rem3A = arith.constant 12500 : i32
    %rem3A_6 = arith.remsi %add3A_5, %rem3A : i32
    %c0_i32 = arith.constant 0 : i32
    %c0_i32_7 = arith.constant 0 : i32
    return %rem3A_6, %c0_i32 : i32, i32
  }
  func.func @transform_5(%arg0: i32) -> (i32, i32) {
    %add3A = arith.constant 1 : i32
    %add3A_0 = arith.addi %arg0, %add3A : i32
    %mul3A = arith.constant 625 : i32
    %mul3A_1 = arith.muli %add3A_0, %mul3A : i32
    %add3A_2 = arith.constant 0 : i32
    %add3A_3 = arith.addi %add3A_2, %mul3A_1 : i32
    %add3A_4 = arith.constant 1 : i32
    %add3A_5 = arith.addi %add3A_3, %add3A_4 : i32
    %rem3A = arith.constant 12500 : i32
    %rem3A_6 = arith.remsi %add3A_5, %rem3A : i32
    %c0_i32 = arith.constant 0 : i32
    %c0_i32_7 = arith.constant 0 : i32
    return %rem3A_6, %c0_i32 : i32, i32
  }
  func.func @transform_6(%arg0: i32) -> (i32, i32) {
    %add3A = arith.constant 1 : i32
    %add3A_0 = arith.addi %arg0, %add3A : i32
    %mul3A = arith.constant 625 : i32
    %mul3A_1 = arith.muli %add3A_0, %mul3A : i32
    %add3A_2 = arith.constant 0 : i32
    %add3A_3 = arith.addi %add3A_2, %mul3A_1 : i32
    %add3A_4 = arith.constant 2 : i32
    %add3A_5 = arith.addi %add3A_3, %add3A_4 : i32
    %rem3A = arith.constant 12500 : i32
    %rem3A_6 = arith.remsi %add3A_5, %rem3A : i32
    %c0_i32 = arith.constant 0 : i32
    %c0_i32_7 = arith.constant 0 : i32
    return %rem3A_6, %c0_i32 : i32, i32
  }
  func.func @transform_7(%arg0: i32) -> (i32, i32) {
    %add3A = arith.constant 1 : i32
    %add3A_0 = arith.addi %arg0, %add3A : i32
    %mul3A = arith.constant 625 : i32
    %mul3A_1 = arith.muli %add3A_0, %mul3A : i32
    %add3A_2 = arith.constant 0 : i32
    %add3A_3 = arith.addi %add3A_2, %mul3A_1 : i32
    %add3A_4 = arith.constant 3 : i32
    %add3A_5 = arith.addi %add3A_3, %add3A_4 : i32
    %rem3A = arith.constant 12500 : i32
    %rem3A_6 = arith.remsi %add3A_5, %rem3A : i32
    %c0_i32 = arith.constant 0 : i32
    %c0_i32_7 = arith.constant 0 : i32
    return %rem3A_6, %c0_i32 : i32, i32
  }
  func.func @transform_8(%arg0: i32) -> (i32, i32) {
    %add3A = arith.constant 1 : i32
    %add3A_0 = arith.addi %arg0, %add3A : i32
    %mul3A = arith.constant 625 : i32
    %mul3A_1 = arith.muli %add3A_0, %mul3A : i32
    %add3A_2 = arith.constant 3125 : i32
    %add3A_3 = arith.addi %add3A_2, %mul3A_1 : i32
    %add3A_4 = arith.constant 0 : i32
    %add3A_5 = arith.addi %add3A_3, %add3A_4 : i32
    %rem3A = arith.constant 12500 : i32
    %rem3A_6 = arith.remsi %add3A_5, %rem3A : i32
    %c0_i32 = arith.constant 0 : i32
    %c0_i32_7 = arith.constant 0 : i32
    return %rem3A_6, %c0_i32 : i32, i32
  }
  func.func @transform_9(%arg0: i32) -> (i32, i32) {
    %add3A = arith.constant 1 : i32
    %add3A_0 = arith.addi %arg0, %add3A : i32
    %mul3A = arith.constant 625 : i32
    %mul3A_1 = arith.muli %add3A_0, %mul3A : i32
    %add3A_2 = arith.constant 3125 : i32
    %add3A_3 = arith.addi %add3A_2, %mul3A_1 : i32
    %add3A_4 = arith.constant 1 : i32
    %add3A_5 = arith.addi %add3A_3, %add3A_4 : i32
    %rem3A = arith.constant 12500 : i32
    %rem3A_6 = arith.remsi %add3A_5, %rem3A : i32
    %c0_i32 = arith.constant 0 : i32
    %c0_i32_7 = arith.constant 0 : i32
    return %rem3A_6, %c0_i32 : i32, i32
  }
  func.func @transform_10(%arg0: i32) -> (i32, i32) {
    %add3A = arith.constant 1 : i32
    %add3A_0 = arith.addi %arg0, %add3A : i32
    %mul3A = arith.constant 625 : i32
    %mul3A_1 = arith.muli %add3A_0, %mul3A : i32
    %add3A_2 = arith.constant 3125 : i32
    %add3A_3 = arith.addi %add3A_2, %mul3A_1 : i32
    %add3A_4 = arith.constant 2 : i32
    %add3A_5 = arith.addi %add3A_3, %add3A_4 : i32
    %rem3A = arith.constant 12500 : i32
    %rem3A_6 = arith.remsi %add3A_5, %rem3A : i32
    %c0_i32 = arith.constant 0 : i32
    %c0_i32_7 = arith.constant 0 : i32
    return %rem3A_6, %c0_i32 : i32, i32
  }
  func.func @transform_11(%arg0: i32) -> (i32, i32) {
    %add3A = arith.constant 1 : i32
    %add3A_0 = arith.addi %arg0, %add3A : i32
    %mul3A = arith.constant 625 : i32
    %mul3A_1 = arith.muli %add3A_0, %mul3A : i32
    %add3A_2 = arith.constant 3125 : i32
    %add3A_3 = arith.addi %add3A_2, %mul3A_1 : i32
    %add3A_4 = arith.constant 3 : i32
    %add3A_5 = arith.addi %add3A_3, %add3A_4 : i32
    %rem3A = arith.constant 12500 : i32
    %rem3A_6 = arith.remsi %add3A_5, %rem3A : i32
    %c0_i32 = arith.constant 0 : i32
    %c0_i32_7 = arith.constant 0 : i32
    return %rem3A_6, %c0_i32 : i32, i32
  }
  func.func @transform_12(%arg0: i32) -> (i32, i32) {
    %add3A = arith.constant 1 : i32
    %add3A_0 = arith.addi %arg0, %add3A : i32
    %mul3A = arith.constant 625 : i32
    %mul3A_1 = arith.muli %add3A_0, %mul3A : i32
    %add3A_2 = arith.constant 6250 : i32
    %add3A_3 = arith.addi %add3A_2, %mul3A_1 : i32
    %add3A_4 = arith.constant 0 : i32
    %add3A_5 = arith.addi %add3A_3, %add3A_4 : i32
    %rem3A = arith.constant 12500 : i32
    %rem3A_6 = arith.remsi %add3A_5, %rem3A : i32
    %c0_i32 = arith.constant 0 : i32
    %c0_i32_7 = arith.constant 0 : i32
    return %rem3A_6, %c0_i32 : i32, i32
  }
  func.func @transform_13(%arg0: i32) -> (i32, i32) {
    %add3A = arith.constant 1 : i32
    %add3A_0 = arith.addi %arg0, %add3A : i32
    %mul3A = arith.constant 625 : i32
    %mul3A_1 = arith.muli %add3A_0, %mul3A : i32
    %add3A_2 = arith.constant 6250 : i32
    %add3A_3 = arith.addi %add3A_2, %mul3A_1 : i32
    %add3A_4 = arith.constant 1 : i32
    %add3A_5 = arith.addi %add3A_3, %add3A_4 : i32
    %rem3A = arith.constant 12500 : i32
    %rem3A_6 = arith.remsi %add3A_5, %rem3A : i32
    %c0_i32 = arith.constant 0 : i32
    %c0_i32_7 = arith.constant 0 : i32
    return %rem3A_6, %c0_i32 : i32, i32
  }
  func.func @transform_14(%arg0: i32) -> (i32, i32) {
    %add3A = arith.constant 1 : i32
    %add3A_0 = arith.addi %arg0, %add3A : i32
    %mul3A = arith.constant 625 : i32
    %mul3A_1 = arith.muli %add3A_0, %mul3A : i32
    %add3A_2 = arith.constant 6250 : i32
    %add3A_3 = arith.addi %add3A_2, %mul3A_1 : i32
    %add3A_4 = arith.constant 2 : i32
    %add3A_5 = arith.addi %add3A_3, %add3A_4 : i32
    %rem3A = arith.constant 12500 : i32
    %rem3A_6 = arith.remsi %add3A_5, %rem3A : i32
    %c0_i32 = arith.constant 0 : i32
    %c0_i32_7 = arith.constant 0 : i32
    return %rem3A_6, %c0_i32 : i32, i32
  }
  func.func @transform_15(%arg0: i32) -> (i32, i32) {
    %add3A = arith.constant 1 : i32
    %add3A_0 = arith.addi %arg0, %add3A : i32
    %mul3A = arith.constant 625 : i32
    %mul3A_1 = arith.muli %add3A_0, %mul3A : i32
    %add3A_2 = arith.constant 6250 : i32
    %add3A_3 = arith.addi %add3A_2, %mul3A_1 : i32
    %add3A_4 = arith.constant 3 : i32
    %add3A_5 = arith.addi %add3A_3, %add3A_4 : i32
    %rem3A = arith.constant 12500 : i32
    %rem3A_6 = arith.remsi %add3A_5, %rem3A : i32
    %c0_i32 = arith.constant 0 : i32
    %c0_i32_7 = arith.constant 0 : i32
    return %rem3A_6, %c0_i32 : i32, i32
  }
  func.func @transform_16(%arg0: i32) -> (i32, i32) {
    %add3A = arith.constant 1 : i32
    %add3A_0 = arith.addi %arg0, %add3A : i32
    %mul3A = arith.constant 625 : i32
    %mul3A_1 = arith.muli %add3A_0, %mul3A : i32
    %add3A_2 = arith.constant 9375 : i32
    %add3A_3 = arith.addi %add3A_2, %mul3A_1 : i32
    %add3A_4 = arith.constant 0 : i32
    %add3A_5 = arith.addi %add3A_3, %add3A_4 : i32
    %rem3A = arith.constant 12500 : i32
    %rem3A_6 = arith.remsi %add3A_5, %rem3A : i32
    %c0_i32 = arith.constant 0 : i32
    %c0_i32_7 = arith.constant 0 : i32
    return %rem3A_6, %c0_i32 : i32, i32
  }
  func.func @transform_17(%arg0: i32) -> (i32, i32) {
    %add3A = arith.constant 1 : i32
    %add3A_0 = arith.addi %arg0, %add3A : i32
    %mul3A = arith.constant 625 : i32
    %mul3A_1 = arith.muli %add3A_0, %mul3A : i32
    %add3A_2 = arith.constant 9375 : i32
    %add3A_3 = arith.addi %add3A_2, %mul3A_1 : i32
    %add3A_4 = arith.constant 1 : i32
    %add3A_5 = arith.addi %add3A_3, %add3A_4 : i32
    %rem3A = arith.constant 12500 : i32
    %rem3A_6 = arith.remsi %add3A_5, %rem3A : i32
    %c0_i32 = arith.constant 0 : i32
    %c0_i32_7 = arith.constant 0 : i32
    return %rem3A_6, %c0_i32 : i32, i32
  }
  func.func @transform_18(%arg0: i32) -> (i32, i32) {
    %add3A = arith.constant 1 : i32
    %add3A_0 = arith.addi %arg0, %add3A : i32
    %mul3A = arith.constant 625 : i32
    %mul3A_1 = arith.muli %add3A_0, %mul3A : i32
    %add3A_2 = arith.constant 9375 : i32
    %add3A_3 = arith.addi %add3A_2, %mul3A_1 : i32
    %add3A_4 = arith.constant 2 : i32
    %add3A_5 = arith.addi %add3A_3, %add3A_4 : i32
    %rem3A = arith.constant 12500 : i32
    %rem3A_6 = arith.remsi %add3A_5, %rem3A : i32
    %c0_i32 = arith.constant 0 : i32
    %c0_i32_7 = arith.constant 0 : i32
    return %rem3A_6, %c0_i32 : i32, i32
  }
  func.func @transform_19(%arg0: i32) -> (i32, i32) {
    %add3A = arith.constant 1 : i32
    %add3A_0 = arith.addi %arg0, %add3A : i32
    %mul3A = arith.constant 625 : i32
    %mul3A_1 = arith.muli %add3A_0, %mul3A : i32
    %add3A_2 = arith.constant 9375 : i32
    %add3A_3 = arith.addi %add3A_2, %mul3A_1 : i32
    %add3A_4 = arith.constant 3 : i32
    %add3A_5 = arith.addi %add3A_3, %add3A_4 : i32
    %rem3A = arith.constant 12500 : i32
    %rem3A_6 = arith.remsi %add3A_5, %rem3A : i32
    %c0_i32 = arith.constant 0 : i32
    %c0_i32_7 = arith.constant 0 : i32
    return %rem3A_6, %c0_i32 : i32, i32
  }
  func.func @transform_20(%arg0: i32) -> (i32, i32) {
    %c0_i32 = arith.constant 0 : i32
    %c0_i32_0 = arith.constant 0 : i32
    %c0_i32_1 = arith.constant 0 : i32
    return %c0_i32, %c0_i32_0 : i32, i32
  }
  func.func @transform_21(%arg0: i32) -> (i32, i32) {
    %c0_i32 = arith.constant 0 : i32
    %c0_i32_0 = arith.constant 0 : i32
    %c0_i32_1 = arith.constant 0 : i32
    return %c0_i32, %c0_i32_0 : i32, i32
  }
  func.func @transform_22(%arg0: i32) -> (i32, i32) {
    %c0_i32 = arith.constant 0 : i32
    %c0_i32_0 = arith.constant 0 : i32
    return %arg0, %c0_i32 : i32, i32
  }
}

module attributes {stable_mosaic.version = 14 : i64} {
  func.func @body(%arg0: i32, %arg1: memref<4096x128xf32, #tpu.memory_space<vmem>>, %arg2: memref<4096x1xi32, #tpu.memory_space<vmem>>, %arg3: memref<4096x32xf32, #tpu.memory_space<vmem>>) attributes {dimension_semantics = [#tpu.dimension_semantics<arbitrary>], iteration_bounds = array<i64: 4>, scalar_prefetch = 0 : i64, scratch_operands = 0 : i64, tpu.core_type = #tpu.core_type<tc>, window_params = [{transform_indices = @transform_0, window_bounds = array<i64: 4096, 128>}, {transform_indices = @transform_1, window_bounds = array<i64: 4096, 1>}, {transform_indices = @transform_2, window_bounds = array<i64: 4096, 32>}]} {
    %get3A = arith.constant 0 : index
    %get3A_0 = arith.constant 0 : index
    %get3A_1 = vector.load %arg2[%get3A, %get3A_0] : memref<4096x1xi32, #tpu.memory_space<vmem>>, vector<4096x1xi32>
    %ge3A = arith.constant 25000 : i32
    %ge3A_2 = vector.broadcast %ge3A : i32 to vector<4096x1xi32>
    %ge3A_3 = arith.cmpi sge, %get3A_1, %ge3A_2 : vector<4096x1xi32>
    %convert_element_type3A = arith.extui %ge3A_3 : vector<4096x1xi1> to vector<4096x1xi32>
    %ge3A_4 = arith.constant 50000 : i32
    %ge3A_5 = vector.broadcast %ge3A_4 : i32 to vector<4096x1xi32>
    %ge3A_6 = arith.cmpi sge, %get3A_1, %ge3A_5 : vector<4096x1xi32>
    %convert_element_type3A_7 = arith.extui %ge3A_6 : vector<4096x1xi1> to vector<4096x1xi32>
    %add3A = arith.addi %convert_element_type3A, %convert_element_type3A_7 : vector<4096x1xi32>
    %ge3A_8 = arith.constant 75000 : i32
    %ge3A_9 = vector.broadcast %ge3A_8 : i32 to vector<4096x1xi32>
    %ge3A_10 = arith.cmpi sge, %get3A_1, %ge3A_9 : vector<4096x1xi32>
    %convert_element_type3A_11 = arith.extui %ge3A_10 : vector<4096x1xi1> to vector<4096x1xi32>
    %add3A_12 = arith.addi %add3A, %convert_element_type3A_11 : vector<4096x1xi32>
    %mul3A = arith.constant 32 : i32
    %mul3A_13 = vector.broadcast %mul3A : i32 to vector<4096x1xi32>
    %mul3A_14 = arith.muli %add3A_12, %mul3A_13 : vector<4096x1xi32>
    %iota3A = tpu.iota {dimensions = array<i32: 1>} : vector<4096x128xi32>
    %ge3A_15 = vector.broadcast %mul3A_14 : vector<4096x1xi32> to vector<4096x128xi32>
    %ge3A_16 = arith.cmpi sge, %iota3A, %ge3A_15 : vector<4096x128xi32>
    %add3A_17 = arith.constant 32 : i32
    %add3A_18 = vector.broadcast %add3A_17 : i32 to vector<4096x1xi32>
    %add3A_19 = arith.addi %mul3A_14, %add3A_18 : vector<4096x1xi32>
    %lt3A = vector.broadcast %add3A_19 : vector<4096x1xi32> to vector<4096x128xi32>
    %lt3A_20 = arith.cmpi slt, %iota3A, %lt3A : vector<4096x128xi32>
    %and3A = arith.andi %ge3A_16, %lt3A_20 : vector<4096x128xi1>
    %convert_element_type3A_21 = arith.extui %and3A : vector<4096x128xi1> to vector<4096x128xi32>
    %convert_element_type3A_22 = arith.sitofp %convert_element_type3A_21 : vector<4096x128xi32> to vector<4096x128xf32>
    %get3A_23 = arith.constant 0 : index
    %get3A_24 = arith.constant 0 : index
    %get3A_25 = vector.load %arg1[%get3A_23, %get3A_24] : memref<4096x128xf32, #tpu.memory_space<vmem>>, vector<4096x128xf32>
    %mul3A_26 = arith.mulf %get3A_25, %convert_element_type3A_22 : vector<4096x128xf32>
    %iota3A_27 = tpu.iota {dimensions = array<i32: 0>} : vector<128x32xi32>
    %iota3A_28 = tpu.iota {dimensions = array<i32: 1>} : vector<128x32xi32>
    %rem3A = arith.constant 32 : i32
    %rem3A_29 = vector.broadcast %rem3A : i32 to vector<128x32xi32>
    %rem3A_30 = arith.remsi %iota3A_27, %rem3A_29 : vector<128x32xi32>
    %eq3A = arith.cmpi eq, %rem3A_30, %iota3A_28 : vector<128x32xi32>
    %convert_element_type3A_31 = arith.extui %eq3A : vector<128x32xi1> to vector<128x32xi32>
    %convert_element_type3A_32 = arith.sitofp %convert_element_type3A_31 : vector<128x32xi32> to vector<128x32xf32>
    %dot_general3A = arith.constant dense<0.000000e+00> : vector<4096x32xf32>
    %dot_general3A_33 = tpu.matmul %mul3A_26, %convert_element_type3A_32, %dot_general3A {dimension_numbers = #tpu.dot_dimension_numbers<[1], [0], [0], [1], [0, 0, 1, 1], [], []>, transpose_lhs_hint = false} : vector<4096x128xf32>, vector<128x32xf32>, vector<4096x32xf32> -> vector<4096x32xf32>
    %swap3A = arith.constant 0 : index
    %swap3A_34 = arith.constant 0 : index
    %swap3A_35 = vector.load %arg3[%swap3A, %swap3A_34] : memref<4096x32xf32, #tpu.memory_space<vmem>>, vector<4096x32xf32>
    tpu.vector_store %arg3[%swap3A, %swap3A_34], %dot_general3A_33 {strides = array<i32>} : memref<4096x32xf32, #tpu.memory_space<vmem>>, vector<4096x32xf32>,
    return
  }
  func.func @transform_0(%arg0: i32) -> (i32, i32) {
    %c0_i32 = arith.constant 0 : i32
    %c0_i32_0 = arith.constant 0 : i32
    return %arg0, %c0_i32 : i32, i32
  }
  func.func @transform_1(%arg0: i32) -> (i32, i32) {
    %c0_i32 = arith.constant 0 : i32
    %c0_i32_0 = arith.constant 0 : i32
    return %arg0, %c0_i32 : i32, i32
  }
  func.func @transform_2(%arg0: i32) -> (i32, i32) {
    %c0_i32 = arith.constant 0 : i32
    %c0_i32_0 = arith.constant 0 : i32
    return %arg0, %c0_i32 : i32, i32
  }
}

</mosaic_0001>

<sc_bundles>
// kernel: kernel.5.cloned.1.call-start
scs
__scs_entry_jumppad:
0x0: {  	(pc) =	sbr.rel $0x88, $3  }
0x1: {  	(tag) =	ssettag $0x0;
	lr =	simm.s32 $0x1  }
0x2: {  	[smem:$0x3F9D] =	sst lr;
	_ =	strace $0xD0000000  }
0x3: {  	_ = 	snop  }
0x4: {  	_ = 	snop  }
0x5: {  	_ = 	snop  }
0x6: {  	_ = 	snop  }
0x7: {  	_ = 	snop  }
__scs_overlays_trampoline_lowered:
0x8: {  	[smem:$0x3FAC] =	sst s0  }
0x9: {  	[smem:$0x3FAD] =	sst s1  }
0xa: {  	[smem:$0x3FAE] =	sst s2  }
0xb: {  	[smem:$0x3FAF] =	sst s3  }
0xc: {  	[smem:$0x3FB0] =	sst s4  }
0xd: {  	[smem:$0x3FB1] =	sst s5  }
0xe: {  	[smem:$0x3FB2] =	sst s6  }
0xf: {  	[smem:$0x3FB3] =	sst s7  }
0x10: {  	[smem:$0x3FB4] =	sst s8  }
0x11: {  	[smem:$0x3FB5] =	sst s9;
	s0 =	simm.s32 @!p0 $0x0  }
0x12: {  	s1 =	sld [smem:$0x3F9B];
	s0 =	simm.s32 @p0 $0x1  }
0x13: {  	[smem:$0x3FB6] =	sst s0;
	s0 =	simm.s32 @!p1 $0x0  }
0x14: {  	s2 =	sld [smem:$0x3F9A];
	s0 =	simm.s32 @p1 $0x1  }
0x15: {  	[smem:$0x3FB7] =	sst s0;
	s0 =	simm.s32 @!p2 $0x0  }
0x16: {  	s3 =	sld [smem:$0x3FDB];
	s0 =	simm.s32 @p2 $0x1  }
0x17: {  	s4 =	simm.s32 $0x1BF5;
	[smem:$0x3FB9] =	sst s0  }
0x18: {  	s0 =	sld [smem:$0x3F9C];
	_ =	swait.ge [sflag:s4], $0x0  }
0x19: {  	s7 =	sld [smem:$0x3F9D]  }
0x1a: {  	s8 =	sadd.s32 $0xFFFFE003, lr  }
0x1b: {  	s9 =	sadd.s32 $0xFFFFFEF7, lr;
	s5 =	simm.s32 $0xFFFFFFFF;
	p2 =	slt.u32 s8, $0xFFFFF086  }
0x1c: {  	p1 =	slt.u32 s9, $0xF7A;
	s5 =	simm.s32 @!p2 $0x0  }
0x1d: {  	s5 =	simm.s32 @p1 $0x1;
	p0 =	seq.s32 s7, s2  }
0x1e: {  	s7 =	smul.u32 @!p0 $0xF7A, s2;
	p2 =	seq.s32 @!p0 s5, $0x0  }
0x1f: {  	s9 =	smul.u32 $0xF7A, s1;
	s8 =	simm.s32 @!p0 $0x1BF5;
	p2 =	por !p2, p0  }
0x20: {  	[sflag:s8] =	ssyncset.s32 @!p0 $0xFFFFF086;
	s6 =	sadd.s32 @!p0 s3, s7;
	s7 =	simm.s32 @!p0 $0x108  }
0x21: {  	s3 =	sadd.s32 s3, s9;
	s6 =	sadd.s32 @!p0 $0x88, s6;
	s7 =	simm.s32 @p2 $0x1082  }
0x22: {  	[simem:s7], [sflag:s8] =	dma.local @!p0 [hbm:s6], $0xF7A  }
0x23: {  	s9 =	sor.u32 $0xD0000000, s2;
	s6 =	simm.s32 $0x108;
	_ =	swait.ge @!p0 [sflag:s8], $0x0  }
0x24: {  	s3 =	sadd.s32 $0x88, s3;
	s6 =	simm.s32 @!p1 $0x1082;
	[sflag:s4] =	ssyncset.s32 $0xFFFFF086  }
0x25: {  	[simem:s6], [sflag:s4] =	dma.local [hbm:s3], $0xF7A  }
0x26: {  	[smem:$0x3F9D] =	sst s1;
	(tag) =	ssettag s2;
	_ =	strace s9  }
0x27: {  	s1 =	sld [smem:$0x3FAD]  }
0x28: {  	s2 =	sld [smem:$0x3FAE]  }
0x29: {  	s4 =	sld [smem:$0x3FB0]  }
0x2a: {  	p0 =	seq.s32 s5, $0x0;
	s5 =	sld [smem:$0x3FB1]  }
0x2b: {  	s6 =	sld [smem:$0x3FB2]  }
0x2c: {  	s7 =	sld [smem:$0x3FB3]  }
0x2d: {  	s3 =	simm.s32 $0x108;
	s8 =	sld [smem:$0x3FB4]  }
0x2e: {  	s3 =	simm.s32 @!p0 $0x1082;
	s9 =	sld [smem:$0x3FB5]  }
0x2f: {  	lr =	sadd.s32 s0, s3;
	s0 =	sld [smem:$0x3FAC]  }
0x30: {  	s3 =	sld [smem:$0x3FAF]  }
0x31: {  	[smem:$0x3FB8] =	sst s10  }
0x32: {  	s10 =	sld [smem:$0x3FB6];
	_ =	sdelay $0x3  }
0x33: {  	p0 =	seq.s32 s10, $0x1;
	s10 =	sld [smem:$0x3FB8];
	_ =	sdelay $0x3  }
0x34: {  	[smem:$0x3FB8] =	sst s10  }
0x35: {  	s10 =	sld [smem:$0x3FB7];
	_ =	sdelay $0x3  }
0x36: {  	p1 =	seq.s32 s10, $0x1;
	s10 =	sld [smem:$0x3FB8];
	_ =	sdelay $0x3  }
0x37: {  	[smem:$0x3FB8] =	sst s10  }
0x38: {  	s10 =	sld [smem:$0x3FB9]  }
0x39: {  	_ = 	snop;
	(pc) =	sbr.ind lr, $3  }
0x3a: {  	_ = 	snop  }
0x3b: {  	_ = 	snop  }
0x3c: {  	p2 =	seq.s32 s10, $0x1;
	s10 =	sld [smem:$0x3FB8]  }
0x3d: {  	_ =	shalt  }
0x3e: {  	_ =	shalt  }
0x3f: {  	_ =	shalt  }
0x40: {  	_ =	shalt  }
0x41: {  	_ =	shalt  }
0x42: {  	_ =	shalt  }
0x43: {  	_ =	shalt  }
0x44: {  	_ =	shalt  }
0x45: {  	_ =	shalt  }
0x46: {  	_ =	shalt  }
0x47: {  	_ =	shalt  }
0x48: {  	_ =	shalt  }
0x49: {  	_ =	shalt  }
0x4a: {  	_ =	shalt  }
0x4b: {  	_ =	shalt  }
0x4c: {  	_ =	shalt  }
0x4d: {  	_ =	shalt  }
0x4e: {  	_ =	shalt  }
0x4f: {  	_ =	shalt  }
0x50: {  	_ =	shalt  }
0x51: {  	_ =	shalt  }
0x52: {  	_ =	shalt  }
0x53: {  	_ =	shalt  }
0x54: {  	_ =	shalt  }
0x55: {  	_ =	shalt  }
0x56: {  	_ =	shalt  }
0x57: {  	_ =	shalt  }
0x58: {  	_ =	shalt  }
0x59: {  	_ =	shalt  }
0x5a: {  	_ =	shalt  }
0x5b: {  	_ =	shalt  }
0x5c: {  	_ =	shalt  }
0x5d: {  	_ =	shalt  }
0x5e: {  	_ =	shalt  }
0x5f: {  	_ =	shalt  }
0x60: {  	_ =	shalt  }
0x61: {  	_ =	shalt  }
0x62: {  	_ =	shalt  }
0x63: {  	_ =	shalt  }
0x64: {  	_ =	shalt  }
0x65: {  	_ =	shalt  }
0x66: {  	_ =	shalt  }
0x67: {  	_ =	shalt  }
0x68: {  	_ =	shalt  }
0x69: {  	_ =	shalt  }
0x6a: {  	_ =	shalt  }
0x6b: {  	_ =	shalt  }
0x6c: {  	_ =	shalt  }
0x6d: {  	_ =	shalt  }
0x6e: {  	_ =	shalt  }
0x6f: {  	_ =	shalt  }
0x70: {  	_ =	shalt  }
0x71: {  	_ =	shalt  }
0x72: {  	_ =	shalt  }
0x73: {  	_ =	shalt  }
0x74: {  	_ =	shalt  }
0x75: {  	_ =	shalt  }
0x76: {  	_ =	shalt  }
0x77: {  	_ =	shalt  }
0x78: {  	_ =	shalt  }
0x79: {  	_ =	shalt  }
0x7a: {  	_ =	shalt  }
0x7b: {  	_ =	shalt  }
0x7c: {  	_ =	shalt  }
0x7d: {  	_ =	shalt  }
0x7e: {  	_ =	shalt  }
0x7f: {  	_ =	shalt  }
0x80: {  	_ =	shalt  }
0x81: {  	_ =	shalt  }
0x82: {  	_ =	shalt  }
0x83: {  	_ =	shalt  }
0x84: {  	_ =	shalt  }
0x85: {  	_ =	shalt  }
0x86: {  	_ =	shalt  }
0x87: {  	_ =	shalt  }
.Lfunc_end0:
.L_simem_size_0:
called_computation_lowered:
.L_overlay_start_0:
0x88: {  	s2 =	sld [smem:$0x3FD9]  }
0x89: {  	s3 =	sld [smem:$0x3FFE];
	_ =	sdelay $0x1  }
0x8a: {  	s1 =	srdreg.scid  }
0x8b: {  	s0 =	sand.u32 $0x1, s1  }
0x8c: {  	s17 =	sshll.u32 s0, $0xA;
	s2 =	sadd.s32 s3, s2  }
0x8d: {  	s2 =	sadd.s32 s2, s17  }
0x8e: {  	[smem:$0x3FC4] =	sst s2  }
0x8f: {  	_ = 	snop  }
0x90: {  	s2 =	sld [smem:$0x3FC9];
	(tm) =	ssettm $0x1  }
0x91: {  	s18 =	sld [smem:$0x3FFB];
	_ =	sdelay $0x3  }
0x92: {  	_ =	strace s18  }
0x93: {  	s3 =	sld [smem:$0x3FFC];
	_ =	sdelay $0x3  }
0x94: {  	_ =	strace s3  }
0x95: {  	s3 =	sld [smem:$0x3FFD];
	_ =	sdelay $0x3  }
0x96: {  	_ =	strace s3  }
0x97: {  	_ =	strace $0x8FFFFFFF  }
0x98: {  	s19 =	sld [smem:$0x3FDB];
	_ =	sdelay $0x1  }
0x99: {  	s4 =	simm.s32 $_scs_section_size  }
0x9a: {  	s5 =	simm.s32 $_size__tile_overlayer_lowered;
	s6 =	simm.s32 $_tile_overlayer_lowered  }
0x9b: {  	s22 =	simm.s32 $0x1BFF;
	s21 =	sshll.u32 s6, $0x1;
	s3 =	sadd.s32 s4, s19  }
0x9c: {  	s7 =	simm.s32 $0x0;
	s20 =	sshll.u32 s5, $0x1;
	s5 =	sadd.s32 s21, s3  }
0x9d: {  	[timem:s7], [sflag:s22] =	dma.local [hbm:s5], s20  }
0x9e: {  	_ =	swait.ge [sflag:s22], s20  }
0x9f: {  	s4 =	ssub.s32 $0x0, s20;
	[sflag:s22] =	ssyncset.done $0x0  }
0xa0: {  	[sflag:s22] =	ssyncadd.s32 s4;
	_ =	sdelay $0x1  }
0xa1: {  	s23 =	simm.s32 $0x1B8B  }
0xa2: {  	_ =	swait.ge [sflag:s23], $0x1  }
0xa3: {  	[sflag:s23] =	ssyncset.done $0x0  }
0xa4: {  	s25 =	simm.s32 $0x1B8E;
	s24 =	sld [smem:$0x3FFE];
	[sflag:s23] =	ssyncadd.s32 $0xFFFFFFFF  }
0xa5: {  	s26 =	simm.s32 $execute0_lowered;
	[smem:$0x3FD2] =	sst s25  }
0xa6: {  	s5 =	sshll.u32 s26, $0x1;
	_ =	strace $0x80000046;
	[dreg:$0x1] =	wrdreg $0xFFFFFFFF  }
0xa7: {  	s28 =	simm.s32 $_size_execute0_lowered;
	s3 =	sadd.s32 s3, s5;
	[dreg:$0x0] =	wrdreg $0x0  }
0xa8: {  	s5 =	sshll.u32 s28, $0x1;
	[dreg:$0x2] =	wrdreg s3  }
0xa9: {  	[dreg:$0x3] =	wrdreg s5  }
0xaa: {  	[dreg:$0x4] =	wrdreg $0xC0  }
0xab: {  	_ =	task [dreg:s7], $0x5FFFF  }
0xac: {  	[dreg:$0x1] =	wrdreg $0xFFFFFFFF  }
0xad: {  	[dreg:$0x0] =	wrdreg $0x60  }
0xae: {  	[dreg:$0x2] =	wrdreg s2  }
0xaf: {  	[dreg:$0x3] =	wrdreg s24  }
0xb0: {  	[dreg:$0x4] =	wrdreg $0x9  }
0xb1: {  	_ =	task.clear_ibuf [dreg:s7], $0x5FFFF;
	_ =	strace $0x90000046  }
0xb2: {  	s29 =	simm.s32 $0x9;
	_ =	strace $0x80000048  }
0xb3: {  	_ =	swait.ge [sflag:s29], $0x1  }
0xb4: {  	[sflag:s29] =	ssyncadd.s32 $0xFFFFFFFF  }
0xb5: {  	_ =	strace $0x90000048  }
0xb6: {  	_ =	sfence  }
0xb7: {  	s30 =	sld [smem:$0x0];
	_ =	sdelay $0x2  }
0xb8: {  	s31 =	sshll.u32 s1, $0xD;
	s1 =	sshrl.u32 s1, $0x2  }
0xb9: {  	s3 =	sand.u32 $0x4000, s31;
	s1 =	sadd.s32 s1, s30  }
0xba: {  	s0 =	sor.u32 s3, s0;
	s1 =	sshll.u32 s1, $0x11  }
0xbb: {  	s0 =	sor.u32 s1, s0  }
0xbc: {  	s0 =	sadd.s32 $0x8F2B, s0  }
0xbd: {  	[sflag:s0] =	ssyncadd.remote.s32 $0x1  }
0xbe: {  	_ =	sfence.sel $0xFFFF  }
0xbf: {  	[dreg:$0x0] =	wrdreg $0xFFFFFFFF;
	(pc) =	sbr.abs _section_cstart, $3  }
0xc0: {  	[dreg:$0x1] =	wrdreg $0xFFFFFFFF  }
0xc1: {  	_ =	task.clear_ibuf [dreg:s7], $0x2FFFF;
	_ =	strace $0x9FFFFFFF  }
0xc2: {  	(tm) =	ssettm $0x7FFFFFFF  }
0xc3: {  	_ =	shalt  }
tec
execute0_lowered:
.L_overlay_start_1:
0x0: {  	(tag) =	ssettag $0x1  }
0x1: {  	s0 =	srdreg.scid  }
0x2: {  	s1 =	rddreg [dreg:$0x0];
	s3 =	stileid.u32  }
0x3: {  	s2 =	rddreg [dreg:$0x1];
	s5 =	simm.s32 $0x0;
	s23 =	simm.s32 $0x200  }
0x4: {  	s24 =	simm.s32 $0x280;
	s26 =	simm.s32 $0x4400;
	[smem:$0x7FF] =	sst s5  }
0x5: {  	s28 =	simm.s32 $0x300;
	_ =	strace $0x80000047;
	[dreg:$0x4] =	wrdreg s23  }
0x6: {  	s29 =	simm.s32 $0x8400;
	s30 =	simm.s32 $0x380;
	[dreg:$0x6] =	wrdreg s24  }
0x7: {  	s31 =	simm.s32 $0xC400;
	s0 =	sand.u32 $0x1, s0;
	[dreg:$0x5] =	wrdreg s26  }
0x8: {  	v0 =	vimm.s32 $0xECA86420;
	vm0 =	vcmask $0xB08;
	vm1 =	vcmask $0x1310;
	s3 =	sshll.u32 s3, $0xA;
	s4 =	sshll.u32 s0, $0x9;
	[dreg:$0x8] =	wrdreg s28  }
0x9: {  	vm2 =	vcmask $0x1B18;
	vm3 =	vcmask $0x300;
	vm4 =	vcmask $0x2320;
	s0 =	ssub.s32 $0x2, s0;
	[dreg:$0x7] =	wrdreg s29;
	s3 =	sor.u32 s4, s3  }
0xa: {  	vm5 =	vcmask $0x2B28;
	vm6 =	vcmask $0x3330;
	vm7 =	vcmask $0x3B38;
	[dreg:$0xa] =	wrdreg s30;
	s4 =	sshll.u32 s3, $0x4;
	s3 =	sshrl.u32 s3, $0x3  }
0xb: {  	v1 =	vlaneseq.u32;
	vm8 =	vmmov $0xff;
	vm9 =	vcmask $0x704;
	[dreg:$0x9] =	wrdreg s31;
	s25 =	sshrl.u32 s0, $0x1;
	s1 =	sadd.s32 s1, s3  }
0xc: {  	vm10 =	vcmask $0xF0C;
	vm11 =	vcmask $0x1714;
	v0 =	vunpack.c.l.s4.s8 v0;
	s4 =	sadd.s32 s4, s2;
	s2 =	sadd.s32 $0xC00, s2;
	[dreg:$0x3] =	wrdreg s1  }
0xd: {  	vm12 =	vcmask $0x1F1C;
	vm13 =	vcmask $0x2724;
	vm14 =	vcmask $0x2F2C;
	s0 =	ssub.s32 s0, s25;
	s22 =	sadd.s32 $0x62800, s4;
	[dreg:$0xc] =	wrdreg s2  }
0xe: {  	vm15 =	vcmask $0x3734;
	v1 =	vmul.u32 $0x2, v1;
	v60 =	vunpack.c.0.s8.s32 v0;
	s2 =	smax.u32 s0, $0x1;
	[dreg:$0xb] =	wrdreg s22  }
.LBB2_1:
0xf: {  	[dreg:$0xd] =	wrdreg s2  }
0x10: {  	s0 =	rddreg [dreg:$0x3];
	s1 =	simm.s32 $0x0;
	s22 =	simm.s32 $0x2  }
0x11: {  	[tilespmem:s1], [sflag:$0x2] =	stream.linear.gather [hbm4b:s0+s1], $0x200, $0x38;
	[tilespmem:$0x10400] =	vst v63  }
0x12: {  	_ =	swait.ge [sflag:s22], $0x200  }
0x13: {  	[sflag:s22] =	ssyncset.done $0x0  }
0x14: {  	[sflag:s22] =	ssyncadd.s32 $0xFFFFFE00  }
0x15: {  	v3 =	vld [tilespmem:$0x0];
	_ =	sdelay $0x4  }
0x16: {  	(v2sf) =	vpush v3, $0xD;
	_ =	sdelay $0x1  }
0x17: {  	(v2sf) =	vpush v3, $0xC;
	_ =	sdelay $0x1  }
0x18: {  	(v2sf) =	vpush v3, $0xE;
	_ =	sdelay $0x1  }
0x19: {  	(v2sf) =	vpush v3, $0xF;
	_ =	sdelay $0x1  }
0x1a: {  	(v2sf) =	vpush v3, $0x9;
	_ =	sdelay $0x1  }
0x1b: {  	(v2sf) =	vpush v3, $0x8;
	_ =	sdelay $0x1  }
0x1c: {  	(v2sf) =	vpush v3, $0xA;
	_ =	sdelay $0x1  }
0x1d: {  	(v2sf) =	vpush v3, $0xB  }
0x1e: {  	s23 =	spop (v2sf)  }
0x1f: {  	(v2sf) =	vpush v3, $0x0;
	s11 =	smulhi.u32 $0x14F8B589, s23;
	s0 =	sshra.s32 s23, $0x1F  }
0x20: {  	s24 =	spop (v2sf);
	(v2sf) =	vpush v3, $0x1;
	s7 =	smul.u32 $0x14F8B589, s0  }
0x21: {  	s12 =	smulhi.u32 $0x14F8B589, s24;
	s0 =	sshra.s32 s24, $0x1F  }
0x22: {  	s25 =	spop (v2sf);
	(v2sf) =	vpush v3, $0x2;
	s6 =	smul.u32 $0x14F8B589, s0  }
0x23: {  	s13 =	smulhi.u32 $0x14F8B589, s25;
	s0 =	sshra.s32 s25, $0x1F  }
0x24: {  	s26 =	spop (v2sf);
	(v2sf) =	vpush v3, $0x3;
	s4 =	smul.u32 $0x14F8B589, s0  }
0x25: {  	s14 =	smulhi.u32 $0x14F8B589, s26;
	s0 =	sshra.s32 s26, $0x1F  }
0x26: {  	s28 =	spop (v2sf);
	(v2sf) =	vpush v3, $0x4;
	s3 =	smul.u32 $0x14F8B589, s0  }
0x27: {  	s15 =	smulhi.u32 $0x14F8B589, s28;
	s0 =	sshra.s32 s28, $0x1F  }
0x28: {  	s29 =	spop (v2sf);
	(v2sf) =	vpush v3, $0x5;
	s5 =	smul.u32 $0x14F8B589, s0  }
0x29: {  	v4 =	vld [tilespmem:$0x10];
	s16 =	smulhi.u32 $0x14F8B589, s29;
	s0 =	sshra.s32 s29, $0x1F  }
0x2a: {  	s30 =	spop (v2sf);
	(v2sf) =	vpush v3, $0x6;
	s10 =	smul.u32 $0x14F8B589, s0  }
0x2b: {  	s17 =	smulhi.u32 $0x14F8B589, s30;
	s0 =	sshra.s32 s30, $0x1F  }
0x2c: {  	s13 =	sadd.s32 s4, s13;
	s31 =	spop (v2sf);
	s9 =	smul.u32 $0x14F8B589, s0  }
0x2d: {  	(v2sf) =	vpush v3, $0x7;
	[smem:$0x46E] =	sst s13;
	s18 =	smulhi.u32 $0x14F8B589, s31;
	s0 =	sshra.s32 s31, $0x1F  }
0x2e: {  	s1 =	spop (v2sf);
	(v2sf) =	vpush v4, $0xD;
	s20 =	smul.u32 $0x14F8B589, s0  }
0x2f: {  	s19 =	smulhi.u32 $0x14F8B589, s1;
	s2 =	spop (v2sf)  }
0x30: {  	s0 =	sshra.s32 s1, $0x1F;
	s21 =	smulhi.u32 $0x14F8B589, s2;
	s1 =	sshra.s32 s2, $0x1F  }
0x31: {  	s3 =	sadd.s32 s3, s14;
	s8 =	spop (v2sf);
	s29 =	smul.u32 $0x14F8B589, s1  }
0x32: {  	[smem:$0x46F] =	sst s3;
	(v2sf) =	vpush v4, $0xC;
	s24 =	smulhi.u32 $0x14F8B589, s8;
	s2 =	sshra.s32 s8, $0x1F  }
0x33: {  	s10 =	sadd.s32 s10, s16;
	s8 =	spop (v2sf);
	s23 =	smul.u32 $0x14F8B589, s2  }
0x34: {  	[smem:$0x471] =	sst s10;
	(v2sf) =	vpush v4, $0xE;
	s25 =	smulhi.u32 $0x14F8B589, s8;
	s8 =	sshra.s32 s8, $0x1F  }
0x35: {  	s14 =	sadd.s32 s20, s18;
	s26 =	spop (v2sf);
	s31 =	smul.u32 $0x14F8B589, s8  }
0x36: {  	[smem:$0x473] =	sst s14;
	(v2sf) =	vpush v4, $0xF;
	s28 =	smulhi.u32 $0x14F8B589, s26  }
0x37: {  	s8 =	sshra.s32 s26, $0x1F;
	s30 =	spop (v2sf);
	[smem:$0x44F] =	sst s23  }
0x38: {  	[smem:$0x450] =	sst s25;
	s25 =	smul.u32 $0x14F8B589, s8  }
0x39: {  	(v2sf) =	vpush v4, $0x9;
	s1 =	smulhi.u32 $0x14F8B589, s30;
	s8 =	sshra.s32 s30, $0x1F;
	s2 =	spop (v2sf)  }
0x3a: {  	[smem:$0x451] =	sst s28;
	s23 =	smul.u32 $0x14F8B589, s8  }
0x3b: {  	(v2sf) =	vpush v4, $0x8;
	s26 =	smulhi.u32 $0x14F8B589, s2;
	s20 =	sld [smem:$0x44F]  }
0x3c: {  	s28 =	spop (v2sf);
	[smem:$0x452] =	sst s1  }
0x3d: {  	s8 =	sshra.s32 s2, $0x1F;
	s30 =	smulhi.u32 $0x14F8B589, s28;
	s1 =	spop (v2sf)  }
0x3e: {  	s14 =	sadd.s32 s29, s21;
	(v2sf) =	vpush v4, $0xA;
	[smem:$0x453] =	sst s26;
	s26 =	smul.u32 $0x14F8B589, s8  }
0x3f: {  	s21 =	sld [smem:$0x450];
	s8 =	sshra.s32 s28, $0x1F;
	s2 =	smulhi.u32 $0x14F8B589, s1  }
0x40: {  	(v2sf) =	vpush v4, $0xB;
	[smem:$0x454] =	sst s30;
	s28 =	smul.u32 $0x14F8B589, s8;
	s8 =	sshra.s32 s1, $0x1F  }
0x41: {  	s30 =	smul.u32 $0x14F8B589, s8;
	s1 =	spop (v2sf)  }
0x42: {  	[smem:$0x455] =	sst s2;
	s2 =	smulhi.u32 $0x14F8B589, s1  }
0x43: {  	[smem:$0x456] =	sst s30;
	s8 =	sshra.s32 s1, $0x1F;
	s1 =	spop (v2sf)  }
0x44: {  	(v2sf) =	vpush v4, $0x0;
	s30 =	smul.u32 $0x14F8B589, s8;
	[smem:$0x457] =	sst s2  }
0x45: {  	s8 =	sshra.s32 s1, $0x1F;
	s2 =	smulhi.u32 $0x14F8B589, s1;
	s1 =	spop (v2sf)  }
0x46: {  	(v2sf) =	vpush v4, $0x1;
	[smem:$0x458] =	sst s30;
	s30 =	smul.u32 $0x14F8B589, s8  }
0x47: {  	[smem:$0x459] =	sst s2;
	s2 =	smulhi.u32 $0x14F8B589, s1  }
0x48: {  	s8 =	sshra.s32 s1, $0x1F;
	s1 =	spop (v2sf);
	[smem:$0x45A] =	sst s30  }
0x49: {  	s30 =	smul.u32 $0x14F8B589, s8;
	[smem:$0x45B] =	sst s2  }
0x4a: {  	(v2sf) =	vpush v4, $0x2;
	s8 =	sshra.s32 s1, $0x1F;
	s2 =	smulhi.u32 $0x14F8B589, s1;
	s1 =	spop (v2sf)  }
0x4b: {  	[smem:$0x45C] =	sst s30;
	s30 =	smul.u32 $0x14F8B589, s8  }
0x4c: {  	[smem:$0x45D] =	sst s2;
	s2 =	smulhi.u32 $0x14F8B589, s1  }
0x4d: {  	s8 =	sshra.s32 s1, $0x1F;
	s1 =	spop (v2sf);
	[smem:$0x45E] =	sst s30  }
0x4e: {  	s30 =	smul.u32 $0x14F8B589, s8;
	[smem:$0x45F] =	sst s2  }
0x4f: {  	s8 =	sshra.s32 s1, $0x1F;
	s2 =	smulhi.u32 $0x14F8B589, s1;
	s1 =	spop (v2sf)  }
0x50: {  	[smem:$0x460] =	sst s30;
	s30 =	smul.u32 $0x14F8B589, s8  }
0x51: {  	s8 =	sshra.s32 s1, $0x1F;
	[smem:$0x461] =	sst s2;
	s2 =	smulhi.u32 $0x14F8B589, s1  }
0x52: {  	[smem:$0x462] =	sst s30;
	s30 =	smul.u32 $0x14F8B589, s8  }
0x53: {  	(v2sf) =	vpush v4, $0x3;
	s1 =	spop (v2sf);
	[smem:$0x463] =	sst s2  }
0x54: {  	s2 =	sadd.s32 s7, s11;
	s7 =	smulhi.u32 $0x14F8B589, s1;
	[smem:$0x464] =	sst s30  }
0x55: {  	(v2sf) =	vpush v4, $0x4;
	s11 =	sadd.s32 s6, s12;
	s12 =	spop (v2sf);
	[smem:$0x46C] =	sst s2  }
0x56: {  	s8 =	sshra.s32 s1, $0x1F;
	[smem:$0x46D] =	sst s11;
	s30 =	smulhi.u32 $0x14F8B589, s12  }
0x57: {  	s1 =	sshra.s32 s12, $0x1F;
	s12 =	sadd.s32 s9, s17;
	s9 =	sld [smem:$0x455]  }
0x58: {  	v5 =	vld [tilespmem:$0x20];
	s2 =	smul.u32 $0x14F8B589, s8;
	[smem:$0x465] =	sst s7  }
0x59: {  	s6 =	spop (v2sf);
	[smem:$0x472] =	sst s12  }
0x5a: {  	(v2sf) =	vpush v4, $0x5;
	s4 =	smul.u32 $0x14F8B589, s1;
	s1 =	sld [smem:$0x451]  }
0x5b: {  	(v2sf) =	vpush v4, $0x6;
	s8 =	smulhi.u32 $0x14F8B589, s6;
	s3 =	sshra.s32 s6, $0x1F;
	s6 =	sld [smem:$0x453]  }
0x5c: {  	(v2sf) =	vpush v4, $0x7;
	s12 =	sld [smem:$0x457]  }
0x5d: {  	(v2sf) =	vpush v5, $0xD;
	s7 =	sadd.s32 s5, s15;
	[smem:$0x466] =	sst s30  }
0x5e: {  	[smem:$0x470] =	sst s7  }
0x5f: {  	s7 =	sld [smem:$0x454]  }
0x60: {  	s22 =	smul.u32 $0x14F8B589, s0;
	[smem:$0x467] =	sst s4  }
0x61: {  	s30 =	smul.u32 $0x14F8B589, s3;
	[smem:$0x468] =	sst s8  }
0x62: {  	s11 =	spop (v2sf);
	s4 =	sld [smem:$0x452]  }
0x63: {  	s13 =	smulhi.u32 $0x14F8B589, s11;
	s3 =	sshra.s32 s11, $0x1F;
	s11 =	sld [smem:$0x456]  }
0x64: {  	(v2sf) =	vpush v5, $0xC;
	s15 =	smul.u32 $0x14F8B589, s3;
	s16 =	spop (v2sf)  }
0x65: {  	[smem:$0x469] =	sst s13;
	s17 =	smulhi.u32 $0x14F8B589, s16  }
0x66: {  	(v2sf) =	vpush v5, $0xE;
	[smem:$0x46A] =	sst s15  }
0x67: {  	s10 =	sadd.s32 s22, s19;
	(v2sf) =	vpush v5, $0xF;
	[smem:$0x46B] =	sst s17  }
0x68: {  	s19 =	sadd.s32 s20, s24;
	(v2sf) =	vpush v5, $0x9;
	s0 =	sshra.s32 s16, $0x1F;
	s17 =	sld [smem:$0x458]  }
0x69: {  	s31 =	sadd.s32 s31, s21;
	s29 =	smul.u32 $0x14F8B589, s0;
	s18 =	spop (v2sf);
	(v2sf) =	vpush v5, $0x8  }
0x6a: {  	s3 =	sadd.s32 s11, s9;
	s24 =	smulhi.u32 $0x14F8B589, s18;
	s22 =	spop (v2sf);
	(v2sf) =	vpush v5, $0xA  }
0x6b: {  	[smem:$0x474] =	sst s3;
	s5 =	spop (v2sf);
	(v2sf) =	vpush v5, $0xB;
	s3 =	sadd.s32 s17, s12  }
0x6c: {  	s0 =	sshra.s32 s18, $0x1F;
	s8 =	spop (v2sf);
	(v2sf) =	vpush v5, $0x0;
	[smem:$0x475] =	sst s3  }
0x6d: {  	s21 =	smul.u32 $0x14F8B589, s0;
	s0 =	sshra.s32 s22, $0x1F;
	s3 =	sld [smem:$0x459]  }
0x6e: {  	s25 =	sadd.s32 s25, s1;
	s18 =	smul.u32 $0x14F8B589, s0;
	s1 =	sld [smem:$0x45A]  }
0x6f: {  	s16 =	smulhi.u32 $0x14F8B589, s5;
	s0 =	sshra.s32 s5, $0x1F;
	s5 =	sld [smem:$0x45B]  }
0x70: {  	s26 =	sadd.s32 s26, s6;
	s15 =	smul.u32 $0x14F8B589, s0;
	s6 =	sld [smem:$0x45C]  }
0x71: {  	s13 =	smulhi.u32 $0x14F8B589, s8;
	s0 =	sshra.s32 s8, $0x1F;
	s8 =	sld [smem:$0x45D]  }
0x72: {  	s20 =	smulhi.u32 $0x14F8B589, s22;
	s17 =	sld [smem:$0x45E]  }
0x73: {  	s11 =	smul.u32 $0x14F8B589, s0;
	s22 =	spop (v2sf)  }
0x74: {  	s12 =	smulhi.u32 $0x14F8B589, s22;
	s0 =	sshra.s32 s22, $0x1F;
	s22 =	sld [smem:$0x45F]  }
0x75: {  	s3 =	sadd.s32 s1, s3;
	s1 =	sld [smem:$0x460]  }
0x76: {  	[smem:$0x476] =	sst s3  }
0x77: {  	s3 =	sadd.s32 s6, s5;
	s5 =	sld [smem:$0x461]  }
0x78: {  	s11 =	sadd.s32 s11, s13;
	s6 =	sld [smem:$0x462]  }
0x79: {  	s9 =	smul.u32 $0x14F8B589, s0;
	[smem:$0x47F] =	sst s11  }
0x7a: {  	[smem:$0x477] =	sst s3  }
0x7b: {  	s3 =	sadd.s32 s17, s8;
	s9 =	sadd.s32 s9, s12;
	s12 =	sld [smem:$0x470]  }
0x7c: {  	[smem:$0x478] =	sst s3  }
0x7d: {  	s3 =	sadd.s32 s1, s22;
	s22 =	sld [smem:$0x463]  }
0x7e: {  	s28 =	sadd.s32 s28, s7;
	s7 =	spop (v2sf);
	s1 =	sld [smem:$0x464]  }
0x7f: {  	s23 =	sadd.s32 s23, s4;
	s4 =	spop (v2sf);
	[smem:$0x480] =	sst s9  }
0x80: {  	s0 =	sshra.s32 s7, $0x1F;
	s8 =	smulhi.u32 $0x14F8B589, s7;
	s9 =	sld [smem:$0x46F]  }
0x81: {  	s7 =	smul.u32 $0x14F8B589, s0;
	s17 =	sshra.s32 s4, $0x1F;
	[smem:$0x479] =	sst s3  }
0x82: {  	s0 =	sadd.s32 s6, s5;
	s5 =	smul.u32 $0x14F8B589, s17;
	s17 =	sld [smem:$0x467]  }
0x83: {  	s6 =	smulhi.u32 $0x14F8B589, s4;
	s7 =	sadd.s32 s7, s8;
	s8 =	sld [smem:$0x46E]  }
0x84: {  	s3 =	spop (v2sf);
	[smem:$0x47A] =	sst s0  }
0x85: {  	s4 =	smulhi.u32 $0x14F8B589, s3;
	[smem:$0x481] =	sst s7  }
0x86: {  	s0 =	sadd.s32 s1, s22;
	s1 =	sshra.s32 s3, $0x1F;
	s3 =	sld [smem:$0x466]  }
0x87: {  	s22 =	sld [smem:$0x465]  }
0x88: {  	s5 =	sadd.s32 s5, s6;
	[smem:$0x47B] =	sst s0  }
0x89: {  	s17 =	sadd.s32 s17, s3;
	s3 =	smul.u32 $0x14F8B589, s1;
	s1 =	sld [smem:$0x468]  }
0x8a: {  	[smem:$0x482] =	sst s5  }
0x8b: {  	s3 =	sadd.s32 s3, s4;
	s4 =	sld [smem:$0x46D]  }
0x8c: {  	s22 =	sadd.s32 s2, s22;
	s2 =	sadd.s32 s30, s1;
	s1 =	sld [smem:$0x469]  }
0x8d: {  	s30 =	sld [smem:$0x46A]  }
0x8e: {  	[smem:$0x483] =	sst s3  }
0x8f: {  	s24 =	sadd.s32 s21, s24;
	s20 =	sadd.s32 s18, s20;
	[smem:$0x47C] =	sst s2  }
0x90: {  	s0 =	spop (v2sf);
	s1 =	sadd.s32 s30, s1;
	s30 =	sld [smem:$0x46B]  }
0x91: {  	s2 =	smulhi.u32 $0x14F8B589, s0;
	s0 =	sshra.s32 s0, $0x1F;
	[smem:$0x47D] =	sst s1  }
0x92: {  	s15 =	sadd.s32 s15, s16;
	s1 =	smul.u32 $0x14F8B589, s0;
	s0 =	spop (v2sf)  }
0x93: {  	s3 =	sshra.s32 s9, $0xB;
	s29 =	sadd.s32 s29, s30;
	s30 =	spop (v2sf)  }
0x94: {  	s6 =	sshrl.u32 s4, $0x1F;
	[smem:$0x47E] =	sst s29;
	s29 =	smulhi.u32 $0x14F8B589, s0  }
0x95: {  	s7 =	sshra.s32 s4, $0xB;
	s0 =	sshra.s32 s0, $0x1F;
	s18 =	smulhi.u32 $0x14F8B589, s30  }
0x96: {  	s4 =	sshrl.u32 s8, $0x1F;
	s21 =	smul.u32 $0x14F8B589, s0;
	s0 =	sshra.s32 s30, $0x1F  }
0x97: {  	v2 =	vmov s6;
	s6 =	sshra.s32 s12, $0xB;
	s30 =	spop (v2sf);
	s0 =	smul.u32 $0x14F8B589, s0  }
0x98: {  	s1 =	sadd.s32 s1, s2;
	s11 =	smulhi.u32 $0x14F8B589, s30;
	s30 =	sshra.s32 s30, $0x1F  }
0x99: {  	s2 =	sshra.s32 s8, $0xB;
	s8 =	sshrl.u32 s9, $0x1F;
	s13 =	smul.u32 $0x14F8B589, s30  }
0x9a: {  	s9 =	sshrl.u32 s12, $0x1F;
	[smem:$0x484] =	sst s1;
	s29 =	sadd.s32 s21, s29  }
0x9b: {  	s21 =	sadd.s32 s0, s18;
	s18 =	sld [smem:$0x46C];
	s16 =	sadd.s32 s13, s11  }
0x9c: {  	s12 =	sshra.s32 s10, $0x1F;
	s13 =	sshra.s32 s28, $0x1F;
	[smem:$0x485] =	sst s16  }
0x9d: {  	s11 =	sshrl.u32 s10, $0x1F;
	v7 =	vmov s13;
	s16 =	sld [smem:$0x471];
	s13 =	sshrl.u32 s19, $0x1F  }
0x9e: {  	v9 =	vmov s7;
	v6 =	vmov s11;
	s11 =	sshra.s32 s14, $0x1F;
	s30 =	sshrl.u32 s18, $0x1F;
	s5 =	sshra.s32 s18, $0xB  }
0x9f: {  	v6 =	vnsel vm3, $0x0, v6;
	s18 =	sshrl.u32 s14, $0x1F;
	v2 =	vsel vm0, s30, v2;
	s30 =	sshra.s32 s10, $0xB;
	v9 =	vsel vm0, s5, v9;
	s5 =	sld [smem:$0x476]  }
0xa0: {  	v6 =	vsel vm0, s18, v6;
	s0 =	sshrl.u32 s16, $0x1F;
	v2 =	vsel vm1, s4, v2;
	s1 =	sshra.s32 s16, $0xB;
	s16 =	sld [smem:$0x472]  }
0xa1: {  	s18 =	sshrl.u32 s31, $0x1F;
	v7 =	vsel vm3, s30, v7;
	v6 =	vsel vm1, s13, v6;
	s30 =	sshra.s32 s14, $0xB;
	s13 =	sld [smem:$0x473];
	v9 =	vsel vm1, s2, v9  }
0xa2: {  	v7 =	vsel vm9, s12, v7;
	v8 =	vmov s0;
	v6 =	vsel vm2, s18, v6;
	s12 =	sshrl.u32 s25, $0x1F;
	s18 =	sshra.s32 s19, $0xB;
	s0 =	sshra.s32 s28, $0xB  }
0xa3: {  	v9 =	vsel vm2, s3, v9;
	s3 =	sshra.s32 s15, $0xB;
	v7 =	vsel vm0, s30, v7;
	v6 =	vsel vm4, s12, v6;
	s30 =	sshra.s32 s19, $0x1F;
	s12 =	sshra.s32 s31, $0xB  }
0xa4: {  	(v2sf) =	vpush v5, $0x1;
	v2 =	vsel vm2, s8, v2;
	v10 =	vmov s1;
	s19 =	sshra.s32 s23, $0xB;
	s8 =	sshrl.u32 s16, $0x1F;
	s4 =	sshra.s32 s16, $0xB  }
0xa5: {  	v8 =	vsel vm0, s9, v8;
	v10 =	vsel vm0, s6, v10;
	v7 =	vsel vm10, s11, v7;
	s14 =	sshrl.u32 s13, $0x1F;
	s16 =	sshrl.u32 s23, $0x1F;
	s9 =	sshra.s32 s13, $0xB  }
0xa6: {  	s11 =	sshrl.u32 s26, $0x1F;
	s13 =	sshra.s32 s31, $0x1F;
	v8 =	vsel vm1, s8, v8;
	v6 =	vsel vm5, s16, v6;
	v7 =	vsel vm1, s18, v7;
	s16 =	sshra.s32 s25, $0xB  }
0xa7: {  	s18 =	sshra.s32 s25, $0x1F;
	v10 =	vsel vm1, s4, v10;
	v8 =	vsel vm2, s14, v8;
	v7 =	vsel vm11, s30, v7;
	s14 =	sshrl.u32 s28, $0x1F;
	s28 =	sld [smem:$0x474]  }
0xa8: {  	s25 =	sshra.s32 s23, $0x1F;
	v6 =	vsel vm6, s11, v6;
	s30 =	sld [smem:$0x475];
	v10 =	vsel vm2, s9, v10;
	s9 =	sshra.s32 s22, $0xB;
	v7 =	vsel vm2, s12, v7  }
0xa9: {  	v6 =	vsel vm7, s14, v6;
	s14 =	sshra.s32 s26, $0x1F;
	v7 =	vsel vm12, s13, v7;
	s13 =	sshra.s32 s26, $0xB;
	s26 =	sld [smem:$0x479]  }
0xaa: {  	v7 =	vsel vm4, s16, v7;
	s16 =	sshrl.u32 s28, $0x1F;
	s10 =	sshra.s32 s28, $0xB;
	s28 =	sld [smem:$0x47A]  }
0xab: {  	(v2sf) =	vpush v5, $0x2;
	s31 =	sshrl.u32 s30, $0x1F;
	s7 =	sshra.s32 s30, $0xB;
	s30 =	sld [smem:$0x47B]  }
0xac: {  	(v2sf) =	vpush v5, $0x3;
	v7 =	vsel vm13, s18, v7;
	s18 =	sshrl.u32 s5, $0x1F;
	s5 =	sshra.s32 s5, $0xB;
	v11 =	vmov s31;
	s31 =	sshrl.u32 s22, $0x1F  }
0xad: {  	s22 =	sshra.s32 s22, $0x1F;
	v7 =	vsel vm5, s19, v7;
	s19 =	sld [smem:$0x477];
	s6 =	sshra.s32 s26, $0xB  }
0xae: {  	(v2sf) =	vpush v5, $0x4;
	v12 =	vmov s31;
	s31 =	sshra.s32 s17, $0xB;
	v7 =	vsel vm14, s25, v7;
	s25 =	sld [smem:$0x478];
	s8 =	sshra.s32 s28, $0xB  }
0xaf: {  	(v2sf) =	vpush v5, $0x5;
	s11 =	sshrl.u32 s30, $0x1F;
	v7 =	vsel vm6, s13, v7;
	s13 =	sshrl.u32 s28, $0x1F;
	s28 =	sshra.s32 s15, $0x1F  }
0xb0: {  	(v2sf) =	vpush v5, $0x6;
	v11 =	vsel vm0, s16, v11;
	s4 =	sshra.s32 s30, $0xB;
	s30 =	sshrl.u32 s17, $0x1F;
	v13 =	vmov s28;
	s28 =	sld [smem:$0x47E]  }
0xb1: {  	(v2sf) =	vpush v5, $0x7;
	v11 =	vsel vm1, s18, v11;
	v12 =	vnsel vm3, $0x0, v12;
	s23 =	sshrl.u32 s19, $0x1F;
	s2 =	sshra.s32 s19, $0xB;
	s19 =	sshrl.u32 s26, $0x1F  }
0xb2: {  	s17 =	sshra.s32 s17, $0x1F;
	s12 =	sshrl.u32 s25, $0x1F;
	v11 =	vsel vm2, s23, v11;
	v13 =	vsel vm3, s9, v13;
	s23 =	sld [smem:$0x47C];
	v14 =	vmov s19  }
0xb3: {  	v12 =	vsel vm0, s30, v12;
	s1 =	sshra.s32 s25, $0xB;
	s9 =	sld [smem:$0x47D];
	v13 =	vsel vm9, s22, v13;
	v14 =	vsel vm0, s12, v14;
	s30 =	sshrl.u32 s28, $0x1F  }
0xb4: {  	v13 =	vsel vm0, s31, v13;
	s31 =	sshra.s32 s28, $0xB;
	s16 =	sshra.s32 s28, $0x1F;
	v14 =	vsel vm1, s13, v14;
	s13 =	sshra.s32 s24, $0xB  }
0xb5: {  	s28 =	spop (v2sf);
	s25 =	sshrl.u32 s23, $0x1F;
	s26 =	sshra.s32 s23, $0xB  }
0xb6: {  	v7 =	vsel vm15, s14, v7;
	s18 =	sshra.s32 s23, $0x1F;
	s14 =	sshrl.u32 s9, $0x1F;
	s22 =	sshra.s32 s9, $0xB;
	v13 =	vsel vm10, s17, v13  }
0xb7: {  	v2 =	vcombine.low v8, v2;
	v6 =	vperm.xlane v6, v1;
	s23 =	sshrl.u32 s24, $0x1F;
	s17 =	sshra.s32 s24, $0x1F;
	s24 =	sld [smem:$0x480];
	v13 =	vsel vm1, s26, v13  }
0xb8: {  	s19 =	sshra.s32 s9, $0x1F;
	v14 =	vsel vm2, s11, v14;
	s11 =	sshra.s32 s20, $0xB;
	v12 =	vsel vm1, s25, v12;
	v13 =	vsel vm11, s18, v13;
	s18 =	sld [smem:$0x482]  }
0xb9: {  	v2 =	vperm.xlane v2, v60;
	s25 =	sshrl.u32 s20, $0x1F;
	s20 =	sshra.s32 s20, $0x1F;
	v12 =	vsel vm2, s14, v12;
	v13 =	vsel vm2, s22, v13;
	s22 =	sld [smem:$0x47F]  }
0xba: {  	v15 =	vmov s7;
	s26 =	sshrl.u32 s15, $0x1F;
	v12 =	vsel vm4, s30, v12;
	s30 =	spop (v2sf);
	v13 =	vsel vm12, s19, v13;
	s19 =	sld [smem:$0x481]  }
0xbb: {  	v15 =	vsel vm0, s10, v15;
	v6 =	vsel vm8, v6, v2;
	s10 =	sshrl.u32 s24, $0x1F;
	v12 =	vsel vm5, s23, v12;
	s15 =	spop (v2sf);
	s23 =	sld [smem:$0x483]  }
0xbc: {  	v15 =	vsel vm1, s5, v15;
	v12 =	vsel vm6, s25, v12;
	s7 =	sshrl.u32 s18, $0x1F;
	v13 =	vsel vm4, s31, v13;
	s31 =	smulhi.u32 $0x14F8B589, s28;
	s25 =	sshra.s32 s28, $0x1F  }
0xbd: {  	v16 =	vmov s6;
	v7 =	vsel vm7, s0, v7;
	v42 =	vmov s10;
	s9 =	spop (v2sf);
	s0 =	sshrl.u32 s22, $0x1F;
	s6 =	smul.u32 $0x14F8B589, s25  }
0xbe: {  	v12 =	vsel vm7, s26, v12;
	v39 =	vsel vm13, s16, v13;
	s16 =	spop (v2sf);
	s26 =	smulhi.u32 $0x14F8B589, s30;
	s5 =	sshrl.u32 s19, $0x1F;
	v2 =	vsel vm0, s0, v42  }
0xbf: {  	v9 =	vcombine.low v10, v9;
	v16 =	vsel vm0, s1, v16;
	s28 =	sshra.s32 s30, $0x1F;
	s25 =	sld [smem:$0x484];
	s1 =	spop (v2sf);
	v2 =	vsel vm1, s5, v2  }
0xc0: {  	s14 =	sshrl.u32 s21, $0x1F;
	v8 =	vsel vm5, s13, v39;
	s13 =	smul.u32 $0x14F8B589, s28;
	s30 =	spop (v2sf);
	v45 =	vsel vm2, s7, v2;
	v2 =	vld [tilespmem:$0x30]  }
0xc1: {  	v9 =	vperm.xlane v9, v60;
	v15 =	vsel vm2, s2, v15;
	v8 =	vsel vm14, s17, v8;
	s2 =	sadd.s32 s6, s31;
	s31 =	smulhi.u32 $0x14F8B589, s30;
	s17 =	sshra.s32 s30, $0x1F  }
0xc2: {  	v7 =	vperm.xlane v7, v1;
	v40 =	vsel vm1, s8, v16;
	s10 =	sshrl.u32 s29, $0x1F;
	s12 =	sshrl.u32 s23, $0x1F;
	v8 =	vsel vm6, s11, v8;
	s11 =	smul.u32 $0x14F8B589, s17  }
0xc3: {  	v41 =	vsel vm2, s4, v40;
	v11 =	vcombine.low v14, v11;
	s28 =	sshra.s32 s15, $0x1F;
	s4 =	sshrl.u32 s25, $0x1F;
	v8 =	vsel vm15, s20, v8;
	s20 =	sld [smem:$0x485]  }
0xc4: {  	v7 =	vsel vm8, v7, v9;
	v10 =	vcombine.low v41, v15;
	s8 =	sadd.s32 s13, s26;
	s26 =	smulhi.u32 $0x14F8B589, s15;
	s0 =	sadd.s32 s11, s31  }
0xc5: {  	v6 =	vadd.s32 v6, v7;
	v43 =	vperm.xlane v11, v60;
	s13 =	sshrl.u32 s2, $0x1F;
	s30 =	smul.u32 $0x14F8B589, s28;
	s31 =	sshra.s32 s0, $0x1F;
	(v2sf) =	vpush v2, $0xD  }
0xc6: {  	v10 =	vperm.xlane v10, v60;
	v44 =	vperm.xlane v12, v1;
	s7 =	smulhi.u32 $0x14F8B589, s9;
	s9 =	sshra.s32 s9, $0x1F;
	s15 =	sshra.s32 s20, $0xB;
	v46 =	vmov s31  }
0xc7: {  	v47 =	vmov s4;
	s4 =	sadd.s32 s30, s26;
	s26 =	smul.u32 $0x14F8B589, s9;
	s28 =	sshra.s32 s20, $0x1F;
	v13 =	vsel vm3, s15, v46;
	(v2sf) =	vpush v2, $0xC  }
0xc8: {  	v8 =	vsel vm7, s3, v8;
	v14 =	vsel vm0, s12, v47;
	s30 =	smulhi.u32 $0x14F8B589, s16;
	s12 =	sshra.s32 s2, $0xB;
	s2 =	sshra.s32 s2, $0x1F;
	v13 =	vsel vm9, s28, v13  }
0xc9: {  	s9 =	sshra.s32 s24, $0xB;
	v14 =	vsel vm1, s10, v14;
	s17 =	sshrl.u32 s20, $0x1F;
	s31 =	sshra.s32 s16, $0x1F;
	(v2sf) =	vpush v2, $0xE;
	v13 =	vsel vm0, s12, v13  }
0xca: {  	s3 =	sshrl.u32 s8, $0x1F;
	v50 =	vmov s9;
	v48 =	vmov s17;
	s17 =	sshra.s32 s8, $0xB;
	s11 =	smul.u32 $0x14F8B589, s31;
	v13 =	vsel vm10, s2, v13  }
0xcb: {  	s10 =	sshra.s32 s25, $0xB;
	v14 =	vsel vm2, s14, v14;
	s20 =	sadd.s32 s26, s7;
	s26 =	sshra.s32 s8, $0x1F;
	(v2sf) =	vpush v2, $0xF;
	v13 =	vsel vm1, s17, v13  }
0xcc: {  	v51 =	vmov s10;
	s16 =	smulhi.u32 $0x14F8B589, s1;
	v15 =	vnsel vm3, $0x0, v48;
	s28 =	sadd.s32 s11, s30;
	s30 =	sshra.s32 s4, $0xB;
	v13 =	vsel vm11, s26, v13  }
0xcd: {  	s1 =	sshra.s32 s1, $0x1F;
	s15 =	sshrl.u32 s4, $0x1F;
	v15 =	vsel vm0, s13, v15;
	s4 =	sshra.s32 s4, $0x1F;
	(v2sf) =	vpush v2, $0x9;
	v13 =	vsel vm2, s30, v13  }
0xce: {  	s8 =	sshra.s32 s20, $0xB;
	v12 =	vcombine.low v14, v45;
	s1 =	smul.u32 $0x14F8B589, s1;
	v15 =	vsel vm1, s3, v15;
	v13 =	vsel vm12, s4, v13  }
0xcf: {  	s5 =	sshrl.u32 s20, $0x1F;
	s13 =	sshra.s32 s23, $0xB;
	s11 =	sshra.s32 s20, $0x1F;
	v15 =	vsel vm2, s15, v15;
	(v2sf) =	vpush v2, $0x8;
	v13 =	vsel vm4, s8, v13  }
0xd0: {  	s1 =	sadd.s32 s1, s16;
	v16 =	vsel vm0, s13, v51;
	s31 =	sshrl.u32 s28, $0x1F;
	s14 =	sshra.s32 s28, $0xB;
	v15 =	vsel vm4, s5, v15;
	v13 =	vsel vm13, s11, v13  }
0xd1: {  	s16 =	sshra.s32 s29, $0xB;
	s6 =	sshrl.u32 s1, $0x1F;
	s17 =	sshra.s32 s28, $0x1F;
	v15 =	vsel vm5, s31, v15;
	(v2sf) =	vpush v2, $0xA;
	v13 =	vsel vm5, s14, v13  }
0xd2: {  	s18 =	sshra.s32 s18, $0xB;
	s12 =	sshra.s32 s22, $0xB;
	v16 =	vsel vm1, s16, v16;
	s20 =	sshra.s32 s1, $0xB;
	v49 =	vsel vm6, s6, v15;
	v13 =	vsel vm14, s17, v13  }
0xd3: {  	s15 =	sshra.s32 s19, $0xB;
	s19 =	sshra.s32 s21, $0xB;
	s1 =	sshra.s32 s1, $0x1F;
	v15 =	vsel vm0, s12, v50;
	(v2sf) =	vpush v2, $0xB;
	v13 =	vsel vm6, s20, v13  }
0xd4: {  	s21 =	sshrl.u32 s0, $0x1F;
	s0 =	sshra.s32 s0, $0xB;
	v16 =	vsel vm2, s19, v16;
	v15 =	vsel vm1, s15, v15;
	v13 =	vsel vm15, s1, v13;
	s22 =	spop (v2sf)  }
0xd5: {  	v15 =	vsel vm2, s18, v15;
	v13 =	vsel vm7, s0, v13;
	(v2sf) =	vpush v2, $0x0;
	s26 =	smulhi.u32 $0x14F8B589, s22;
	s0 =	sshra.s32 s22, $0x1F  }
0xd6: {  	v8 =	vperm.xlane v8, v1;
	v14 =	vsel vm7, s21, v49;
	v15 =	vcombine.low v16, v15;
	s23 =	spop (v2sf);
	s16 =	smul.u32 $0x14F8B589, s0  }
0xd7: {  	v12 =	vperm.xlane v12, v60;
	v14 =	vperm.xlane v14, v1;
	(v2sf) =	vpush v2, $0x1;
	s13 =	smulhi.u32 $0x14F8B589, s23;
	s28 =	sshra.s32 s23, $0x1F  }
0xd8: {  	v6 =	vmul.u32 $0x61A8, v6;
	v52 =	vperm.xlane v15, v60;
	v13 =	vperm.xlane v13, v1;
	s24 =	spop (v2sf);
	s17 =	smul.u32 $0x14F8B589, s28  }
0xd9: {  	v9 =	vsel vm8, v44, v43;
	v8 =	vsel vm8, v8, v10;
	(v2sf) =	vpush v2, $0x2;
	s14 =	smulhi.u32 $0x14F8B589, s24;
	s29 =	sshra.s32 s24, $0x1F  }
0xda: {  	v8 =	vadd.s32 v9, v8;
	v53 =	vsel vm8, v14, v12;
	v7 =	vsel vm8, v13, v52;
	s25 =	spop (v2sf);
	s19 =	smul.u32 $0x14F8B589, s29  }
0xdb: {  	v8 =	vmul.u32 $0x61A8, v8;
	(v2sf) =	vpush v2, $0x3;
	v7 =	vadd.s32 v53, v7;
	s15 =	smulhi.u32 $0x14F8B589, s25;
	s30 =	sshra.s32 s25, $0x1F  }
0xdc: {  	v3 =	vsub.s32 v3, v6;
	s31 =	spop (v2sf);
	v54 =	vmul.u32 $0x61A8, v7;
	s20 =	smul.u32 $0x14F8B589, s30  }
0xdd: {  	[tilespmem:$0x200] =	vst v3;
	v3 =	vsub.s32 v4, v8;
	(v2sf) =	vpush v2, $0x4;
	s18 =	smulhi.u32 $0x14F8B589, s31;
	s0 =	sshra.s32 s31, $0x1F  }
0xde: {  	[tilespmem:$0x210] =	vst v3;
	s1 =	spop (v2sf);
	(v2sf) =	vpush v2, $0x5;
	s22 =	smul.u32 $0x14F8B589, s0;
	v3 =	vsub.s32 v5, v54  }
0xdf: {  	s21 =	smulhi.u32 $0x14F8B589, s1;
	s0 =	sshra.s32 s1, $0x1F;
	[tilespmem:$0x220] =	vst v3;
	v3 =	vld [tilespmem:$0x40]  }
0xe0: {  	s2 =	spop (v2sf);
	(v2sf) =	vpush v2, $0x6;
	s23 =	smul.u32 $0x14F8B589, s0  }
0xe1: {  	[smem:$0x486] =	sst s26;
	s24 =	smulhi.u32 $0x14F8B589, s2;
	s0 =	sshra.s32 s2, $0x1F  }
0xe2: {  	s3 =	spop (v2sf);
	(v2sf) =	vpush v2, $0x7;
	s26 =	smul.u32 $0x14F8B589, s0  }
0xe3: {  	s25 =	smulhi.u32 $0x14F8B589, s3;
	s0 =	sshra.s32 s3, $0x1F  }
0xe4: {  	s29 =	smul.u32 $0x14F8B589, s0;
	s4 =	spop (v2sf);
	(v2sf) =	vpush v3, $0xD  }
0xe5: {  	s28 =	smulhi.u32 $0x14F8B589, s4;
	s0 =	sshra.s32 s4, $0x1F  }
0xe6: {  	s5 =	spop (v2sf);
	s6 =	smul.u32 $0x14F8B589, s0  }
0xe7: {  	(v2sf) =	vpush v3, $0xC;
	s30 =	smulhi.u32 $0x14F8B589, s5;
	s0 =	sshra.s32 s5, $0x1F  }
0xe8: {  	s7 =	spop (v2sf);
	s2 =	smul.u32 $0x14F8B589, s0  }
0xe9: {  	s31 =	smulhi.u32 $0x14F8B589, s7;
	s0 =	sshra.s32 s7, $0x1F  }
0xea: {  	(v2sf) =	vpush v3, $0xE;
	s8 =	spop (v2sf);
	s1 =	smul.u32 $0x14F8B589, s0  }
0xeb: {  	s9 =	smulhi.u32 $0x14F8B589, s8;
	s0 =	sshra.s32 s8, $0x1F  }
0xec: {  	s10 =	spop (v2sf);
	s3 =	smul.u32 $0x14F8B589, s0  }
0xed: {  	(v2sf) =	vpush v3, $0xF;
	s11 =	smulhi.u32 $0x14F8B589, s10;
	s0 =	sshra.s32 s10, $0x1F;
	s12 =	spop (v2sf)  }
0xee: {  	[smem:$0x487] =	sst s9;
	s8 =	smul.u32 $0x14F8B589, s0  }
0xef: {  	s5 =	smulhi.u32 $0x14F8B589, s12;
	s0 =	sshra.s32 s12, $0x1F;
	s7 =	spop (v2sf)  }
0xf0: {  	(v2sf) =	vpush v3, $0x9;
	[smem:$0x488] =	sst s11;
	s4 =	smul.u32 $0x14F8B589, s0  }
0xf1: {  	s9 =	smulhi.u32 $0x14F8B589, s7;
	s0 =	sshra.s32 s7, $0x1F;
	s10 =	spop (v2sf)  }
0xf2: {  	[smem:$0x489] =	sst s5;
	s5 =	smul.u32 $0x14F8B589, s0  }
0xf3: {  	(v2sf) =	vpush v3, $0x8;
	s11 =	smulhi.u32 $0x14F8B589, s10;
	s0 =	sshra.s32 s10, $0x1F;
	s12 =	spop (v2sf)  }
0xf4: {  	s7 =	smul.u32 $0x14F8B589, s0;
	s0 =	sshra.s32 s12, $0x1F  }
0xf5: {  	(v2sf) =	vpush v3, $0xA;
	[smem:$0x48B] =	sst s11;
	s0 =	smul.u32 $0x14F8B589, s0  }
0xf6: {  	s10 =	smulhi.u32 $0x14F8B589, s12;
	s11 =	spop (v2sf)  }
0xf7: {  	(v2sf) =	vpush v3, $0xB;
	s12 =	smulhi.u32 $0x14F8B589, s11;
	[smem:$0x48D] =	sst s0;
	s0 =	sshra.s32 s11, $0x1F  }
0xf8: {  	s0 =	smul.u32 $0x14F8B589, s0  }
0xf9: {  	(v2sf) =	vpush v3, $0x0;
	[smem:$0x48C] =	sst s10;
	s10 =	spop (v2sf)  }
0xfa: {  	[smem:$0x48F] =	sst s0;
	s0 =	sshra.s32 s10, $0x1F  }
0xfb: {  	[smem:$0x48E] =	sst s12;
	s0 =	smul.u32 $0x14F8B589, s0  }
0xfc: {  	(v2sf) =	vpush v3, $0x1;
	s11 =	smulhi.u32 $0x14F8B589, s10;
	s12 =	spop (v2sf)  }
0xfd: {  	[smem:$0x491] =	sst s0;
	s0 =	sshra.s32 s12, $0x1F  }
0xfe: {  	[smem:$0x490] =	sst s11;
	s0 =	smul.u32 $0x14F8B589, s0  }
0xff: {  	(v2sf) =	vpush v3, $0x2;
	s11 =	spop (v2sf);
	s10 =	smulhi.u32 $0x14F8B589, s12  }
0x100: {  	s12 =	smulhi.u32 $0x14F8B589, s11;
	[smem:$0x493] =	sst s0;
	s0 =	sshra.s32 s11, $0x1F  }
0x101: {  	[smem:$0x492] =	sst s10;
	s0 =	smul.u32 $0x14F8B589, s0  }
0x102: {  	s10 =	spop (v2sf);
	[smem:$0x494] =	sst s12  }
0x103: {  	(v2sf) =	vpush v3, $0x3;
	s11 =	smulhi.u32 $0x14F8B589, s10;
	[smem:$0x495] =	sst s0;
	s0 =	sshra.s32 s10, $0x1F  }
0x104: {  	s12 =	spop (v2sf);
	s0 =	smul.u32 $0x14F8B589, s0  }
0x105: {  	(v2sf) =	vpush v3, $0x4;
	[smem:$0x496] =	sst s11;
	s10 =	smulhi.u32 $0x14F8B589, s12  }
0x106: {  	s11 =	spop (v2sf);
	[smem:$0x497] =	sst s0;
	s0 =	sshra.s32 s12, $0x1F  }
0x107: {  	[smem:$0x498] =	sst s10;
	s0 =	smul.u32 $0x14F8B589, s0  }
0x108: {  	s10 =	spop (v2sf);
	s12 =	smulhi.u32 $0x14F8B589, s11  }
0x109: {  	(v2sf) =	vpush v3, $0x5;
	[smem:$0x499] =	sst s0;
	s0 =	sshra.s32 s11, $0x1F;
	s11 =	smulhi.u32 $0x14F8B589, s10  }
0x10a: {  	[smem:$0x49A] =	sst s12;
	s0 =	smul.u32 $0x14F8B589, s0  }
0x10b: {  	s12 =	spop (v2sf);
	[smem:$0x49C] =	sst s11  }
0x10c: {  	s11 =	smulhi.u32 $0x14F8B589, s12;
	[smem:$0x49B] =	sst s0;
	s0 =	sshra.s32 s10, $0x1F  }
0x10d: {  	[smem:$0x48A] =	sst s9;
	(v2sf) =	vpush v3, $0x6;
	s9 =	smul.u32 $0x14F8B589, s0;
	s0 =	sshra.s32 s12, $0x1F  }
0x10e: {  	s10 =	smul.u32 $0x14F8B589, s0;
	s0 =	spop (v2sf)  }
0x10f: {  	s12 =	smulhi.u32 $0x14F8B589, s0;
	s0 =	sshra.s32 s0, $0x1F  }
0x110: {  	v4 =	vld [tilespmem:$0x50];
	s0 =	smul.u32 $0x14F8B589, s0  }
0x111: {  	(v2sf) =	vpush v3, $0x7  }
0x112: {  	[smem:$0x49F] =	sst s0;
	s0 =	spop (v2sf)  }
0x113: {  	[smem:$0x49E] =	sst s12;
	s12 =	smulhi.u32 $0x14F8B589, s0  }
0x114: {  	[smem:$0x49D] =	sst s11;
	s11 =	spop (v2sf)  }
0x115: {  	(v2sf) =	vpush v4, $0xD;
	[smem:$0x4A0] =	sst s12;
	s12 =	smulhi.u32 $0x14F8B589, s11;
	s11 =	sshra.s32 s11, $0x1F  }
0x116: {  	s11 =	smul.u32 $0x14F8B589, s11;
	_ =	sdelay $0x1  }
0x117: {  	[smem:$0x4A2] =	sst s11;
	s11 =	spop (v2sf)  }
0x118: {  	(v2sf) =	vpush v4, $0xC;
	[smem:$0x4A1] =	sst s12;
	s12 =	smulhi.u32 $0x14F8B589, s11;
	s11 =	sshra.s32 s11, $0x1F  }
0x119: {  	s11 =	smul.u32 $0x14F8B589, s11;
	_ =	sdelay $0x1  }
0x11a: {  	[smem:$0x4A4] =	sst s11;
	s11 =	spop (v2sf)  }
0x11b: {  	(v2sf) =	vpush v4, $0xE;
	[smem:$0x4A3] =	sst s12;
	s12 =	smulhi.u32 $0x14F8B589, s11;
	s11 =	sshra.s32 s11, $0x1F  }
0x11c: {  	s11 =	smul.u32 $0x14F8B589, s11;
	_ =	sdelay $0x1  }
0x11d: {  	[smem:$0x4A6] =	sst s11;
	s11 =	spop (v2sf)  }
0x11e: {  	(v2sf) =	vpush v4, $0xF;
	[smem:$0x4A5] =	sst s12;
	s12 =	smulhi.u32 $0x14F8B589, s11;
	s11 =	sshra.s32 s11, $0x1F  }
0x11f: {  	s11 =	smul.u32 $0x14F8B589, s11;
	_ =	sdelay $0x1  }
0x120: {  	[smem:$0x4A8] =	sst s11;
	s11 =	spop (v2sf)  }
0x121: {  	(v2sf) =	vpush v4, $0x9;
	[smem:$0x4A7] =	sst s12;
	s12 =	smulhi.u32 $0x14F8B589, s11;
	s11 =	sshra.s32 s11, $0x1F  }
0x122: {  	s11 =	smul.u32 $0x14F8B589, s11;
	_ =	sdelay $0x1  }
0x123: {  	[smem:$0x4AA] =	sst s11;
	s11 =	spop (v2sf)  }
0x124: {  	(v2sf) =	vpush v4, $0x8;
	[smem:$0x4A9] =	sst s12;
	s12 =	smulhi.u32 $0x14F8B589, s11;
	s11 =	sshra.s32 s11, $0x1F  }
0x125: {  	s11 =	smul.u32 $0x14F8B589, s11;
	_ =	sdelay $0x1  }
0x126: {  	[smem:$0x4AC] =	sst s11;
	s11 =	spop (v2sf)  }
0x127: {  	(v2sf) =	vpush v4, $0xA;
	[smem:$0x4AB] =	sst s12;
	s12 =	smulhi.u32 $0x14F8B589, s11;
	s11 =	sshra.s32 s11, $0x1F  }
0x128: {  	s11 =	smul.u32 $0x14F8B589, s11;
	_ =	sdelay $0x1  }
0x129: {  	[smem:$0x4AE] =	sst s11;
	s11 =	spop (v2sf)  }
0x12a: {  	(v2sf) =	vpush v4, $0xB;
	[smem:$0x4AD] =	sst s12;
	s12 =	smulhi.u32 $0x14F8B589, s11;
	s11 =	sshra.s32 s11, $0x1F  }
0x12b: {  	s11 =	smul.u32 $0x14F8B589, s11;
	_ =	sdelay $0x1  }
0x12c: {  	[smem:$0x4B0] =	sst s11;
	s11 =	spop (v2sf)  }
0x12d: {  	(v2sf) =	vpush v4, $0x0;
	[smem:$0x4AF] =	sst s12;
	s12 =	smulhi.u32 $0x14F8B589, s11;
	s11 =	sshra.s32 s11, $0x1F  }
0x12e: {  	s11 =	smul.u32 $0x14F8B589, s11;
	_ =	sdelay $0x1  }
0x12f: {  	[smem:$0x4B2] =	sst s11;
	s11 =	spop (v2sf)  }
0x130: {  	(v2sf) =	vpush v4, $0x1;
	[smem:$0x4B1] =	sst s12;
	s12 =	smulhi.u32 $0x14F8B589, s11;
	s11 =	sshra.s32 s11, $0x1F  }
0x131: {  	s11 =	smul.u32 $0x14F8B589, s11;
	_ =	sdelay $0x1  }
0x132: {  	[smem:$0x4B4] =	sst s11;
	s11 =	spop (v2sf)  }
0x133: {  	(v2sf) =	vpush v4, $0x2;
	[smem:$0x4B3] =	sst s12;
	s12 =	smulhi.u32 $0x14F8B589, s11;
	s11 =	sshra.s32 s11, $0x1F  }
0x134: {  	s11 =	smul.u32 $0x14F8B589, s11;
	_ =	sdelay $0x1  }
0x135: {  	[smem:$0x4B6] =	sst s11;
	s11 =	spop (v2sf)  }
0x136: {  	(v2sf) =	vpush v4, $0x3;
	[smem:$0x4B5] =	sst s12;
	s12 =	smulhi.u32 $0x14F8B589, s11;
	s11 =	sshra.s32 s11, $0x1F  }
0x137: {  	s11 =	smul.u32 $0x14F8B589, s11;
	_ =	sdelay $0x1  }
0x138: {  	[smem:$0x4B8] =	sst s11;
	s11 =	spop (v2sf)  }
0x139: {  	(v2sf) =	vpush v4, $0x4;
	[smem:$0x4B7] =	sst s12;
	s12 =	smulhi.u32 $0x14F8B589, s11;
	s11 =	sshra.s32 s11, $0x1F  }
0x13a: {  	s11 =	smul.u32 $0x14F8B589, s11;
	_ =	sdelay $0x1  }
0x13b: {  	[smem:$0x4BA] =	sst s11;
	s11 =	spop (v2sf)  }
0x13c: {  	(v2sf) =	vpush v4, $0x5;
	[smem:$0x4B9] =	sst s12;
	s12 =	smulhi.u32 $0x14F8B589, s11;
	s11 =	sshra.s32 s11, $0x1F  }
0x13d: {  	s11 =	smul.u32 $0x14F8B589, s11;
	_ =	sdelay $0x1  }
0x13e: {  	[smem:$0x4BC] =	sst s11;
	s11 =	spop (v2sf)  }
0x13f: {  	(v2sf) =	vpush v4, $0x6;
	[smem:$0x4BB] =	sst s12;
	s12 =	smulhi.u32 $0x14F8B589, s11;
	s11 =	sshra.s32 s11, $0x1F  }
0x140: {  	s11 =	smul.u32 $0x14F8B589, s11;
	_ =	sdelay $0x1  }
0x141: {  	v5 =	vld [tilespmem:$0x60];
	[smem:$0x4BE] =	sst s11;
	s11 =	spop (v2sf)  }
0x142: {  	(v2sf) =	vpush v4, $0x7;
	[smem:$0x4BD] =	sst s12;
	s12 =	smulhi.u32 $0x14F8B589, s11;
	s11 =	sshra.s32 s11, $0x1F  }
0x143: {  	s11 =	smul.u32 $0x14F8B589, s11;
	_ =	sdelay $0x1  }
0x144: {  	[smem:$0x4C0] =	sst s11;
	s11 =	spop (v2sf)  }
0x145: {  	(v2sf) =	vpush v5, $0xD;
	[smem:$0x4BF] =	sst s12;
	s12 =	smulhi.u32 $0x14F8B589, s11;
	s11 =	sshra.s32 s11, $0x1F  }
0x146: {  	s11 =	smul.u32 $0x14F8B589, s11;
	_ =	sdelay $0x1  }
0x147: {  	[smem:$0x4C2] =	sst s11;
	s11 =	spop (v2sf)  }
0x148: {  	(v2sf) =	vpush v5, $0xC;
	[smem:$0x4C1] =	sst s12;
	s12 =	smulhi.u32 $0x14F8B589, s11;
	s11 =	sshra.s32 s11, $0x1F  }
0x149: {  	s11 =	smul.u32 $0x14F8B589, s11;
	_ =	sdelay $0x1  }
0x14a: {  	[smem:$0x4C4] =	sst s11;
	s11 =	spop (v2sf)  }
0x14b: {  	(v2sf) =	vpush v5, $0xE;
	[smem:$0x4C3] =	sst s12;
	s12 =	smulhi.u32 $0x14F8B589, s11;
	s11 =	sshra.s32 s11, $0x1F  }
0x14c: {  	s11 =	smul.u32 $0x14F8B589, s11;
	_ =	sdelay $0x1  }
0x14d: {  	[smem:$0x4C6] =	sst s11;
	s11 =	spop (v2sf)  }
0x14e: {  	(v2sf) =	vpush v5, $0xF;
	[smem:$0x4C5] =	sst s12;
	s12 =	smulhi.u32 $0x14F8B589, s11;
	s11 =	sshra.s32 s11, $0x1F  }
0x14f: {  	s11 =	smul.u32 $0x14F8B589, s11;
	_ =	sdelay $0x1  }
0x150: {  	[smem:$0x4C8] =	sst s11;
	s11 =	spop (v2sf)  }
0x151: {  	(v2sf) =	vpush v5, $0x9;
	[smem:$0x4C7] =	sst s12;
	s12 =	smulhi.u32 $0x14F8B589, s11;
	s11 =	sshra.s32 s11, $0x1F  }
0x152: {  	s11 =	smul.u32 $0x14F8B589, s11;
	_ =	sdelay $0x1  }
0x153: {  	[smem:$0x4CA] =	sst s11;
	s11 =	spop (v2sf)  }
0x154: {  	(v2sf) =	vpush v5, $0x8;
	[smem:$0x4C9] =	sst s12;
	s12 =	smulhi.u32 $0x14F8B589, s11;
	s11 =	sshra.s32 s11, $0x1F  }
0x155: {  	s11 =	smul.u32 $0x14F8B589, s11;
	_ =	sdelay $0x1  }
0x156: {  	[smem:$0x4CC] =	sst s11;
	s11 =	spop (v2sf)  }
0x157: {  	(v2sf) =	vpush v5, $0xA;
	[smem:$0x4CB] =	sst s12;
	s12 =	smulhi.u32 $0x14F8B589, s11;
	s11 =	sshra.s32 s11, $0x1F  }
0x158: {  	s11 =	smul.u32 $0x14F8B589, s11;
	_ =	sdelay $0x1  }
0x159: {  	[smem:$0x4CE] =	sst s11;
	s11 =	spop (v2sf)  }
0x15a: {  	(v2sf) =	vpush v5, $0xB;
	[smem:$0x4CD] =	sst s12;
	s12 =	smulhi.u32 $0x14F8B589, s11;
	s11 =	sshra.s32 s11, $0x1F  }
0x15b: {  	s11 =	smul.u32 $0x14F8B589, s11;
	_ =	sdelay $0x1  }
0x15c: {  	[smem:$0x4D0] =	sst s11;
	s11 =	spop (v2sf)  }
0x15d: {  	(v2sf) =	vpush v5, $0x0;
	[smem:$0x4CF] =	sst s12;
	s12 =	smulhi.u32 $0x14F8B589, s11;
	s11 =	sshra.s32 s11, $0x1F  }
0x15e: {  	s11 =	smul.u32 $0x14F8B589, s11;
	_ =	sdelay $0x1  }
0x15f: {  	[smem:$0x4D2] =	sst s11;
	s11 =	spop (v2sf)  }
0x160: {  	(v2sf) =	vpush v5, $0x1;
	[smem:$0x4D1] =	sst s12;
	s12 =	smulhi.u32 $0x14F8B589, s11;
	s11 =	sshra.s32 s11, $0x1F  }
0x161: {  	s11 =	smul.u32 $0x14F8B589, s11;
	_ =	sdelay $0x1  }
0x162: {  	[smem:$0x4D4] =	sst s11;
	s11 =	spop (v2sf)  }
0x163: {  	(v2sf) =	vpush v5, $0x2;
	[smem:$0x4D3] =	sst s12;
	s12 =	smulhi.u32 $0x14F8B589, s11;
	s11 =	sshra.s32 s11, $0x1F  }
0x164: {  	s11 =	smul.u32 $0x14F8B589, s11;
	_ =	sdelay $0x1  }
0x165: {  	[smem:$0x4D6] =	sst s11;
	s11 =	spop (v2sf)  }
0x166: {  	(v2sf) =	vpush v5, $0x3;
	[smem:$0x4D5] =	sst s12;
	s12 =	smulhi.u32 $0x14F8B589, s11;
	s11 =	sshra.s32 s11, $0x1F  }
0x167: {  	s11 =	smul.u32 $0x14F8B589, s11;
	_ =	sdelay $0x1  }
0x168: {  	[smem:$0x4D8] =	sst s11;
	s11 =	spop (v2sf)  }
0x169: {  	(v2sf) =	vpush v5, $0x4;
	[smem:$0x4D7] =	sst s12;
	s12 =	smulhi.u32 $0x14F8B589, s11;
	s11 =	sshra.s32 s11, $0x1F  }
0x16a: {  	s11 =	smul.u32 $0x14F8B589, s11;
	_ =	sdelay $0x1  }
0x16b: {  	[smem:$0x4DA] =	sst s11;
	s11 =	spop (v2sf)  }
0x16c: {  	(v2sf) =	vpush v5, $0x5;
	[smem:$0x4D9] =	sst s12;
	s12 =	smulhi.u32 $0x14F8B589, s11;
	s11 =	sshra.s32 s11, $0x1F  }
0x16d: {  	s11 =	smul.u32 $0x14F8B589, s11;
	_ =	sdelay $0x1  }
0x16e: {  	[smem:$0x4DC] =	sst s11;
	s11 =	spop (v2sf)  }
0x16f: {  	(v2sf) =	vpush v5, $0x6;
	[smem:$0x4DB] =	sst s12;
	s12 =	smulhi.u32 $0x14F8B589, s11;
	s11 =	sshra.s32 s11, $0x1F  }
0x170: {  	s11 =	smul.u32 $0x14F8B589, s11;
	_ =	sdelay $0x1  }
0x171: {  	v6 =	vld [tilespmem:$0x70];
	[smem:$0x4DE] =	sst s11;
	s11 =	spop (v2sf)  }
0x172: {  	(v2sf) =	vpush v5, $0x7;
	[smem:$0x4DD] =	sst s12;
	s12 =	smulhi.u32 $0x14F8B589, s11;
	s11 =	sshra.s32 s11, $0x1F  }
0x173: {  	s11 =	smul.u32 $0x14F8B589, s11;
	_ =	sdelay $0x1  }
0x174: {  	[smem:$0x4E0] =	sst s11;
	s11 =	spop (v2sf)  }
0x175: {  	(v2sf) =	vpush v6, $0xD;
	[smem:$0x4DF] =	sst s12;
	s12 =	smulhi.u32 $0x14F8B589, s11;
	s11 =	sshra.s32 s11, $0x1F  }
0x176: {  	s11 =	smul.u32 $0x14F8B589, s11;
	_ =	sdelay $0x1  }
0x177: {  	[smem:$0x4E2] =	sst s11;
	s11 =	spop (v2sf)  }
0x178: {  	(v2sf) =	vpush v6, $0xC;
	[smem:$0x4E1] =	sst s12;
	s12 =	smulhi.u32 $0x14F8B589, s11;
	s11 =	sshra.s32 s11, $0x1F  }
0x179: {  	s11 =	smul.u32 $0x14F8B589, s11;
	_ =	sdelay $0x1  }
0x17a: {  	[smem:$0x4E4] =	sst s11;
	s11 =	spop (v2sf)  }
0x17b: {  	(v2sf) =	vpush v6, $0xE;
	[smem:$0x4E3] =	sst s12;
	s12 =	smulhi.u32 $0x14F8B589, s11;
	s11 =	sshra.s32 s11, $0x1F  }
0x17c: {  	s11 =	smul.u32 $0x14F8B589, s11;
	_ =	sdelay $0x1  }
0x17d: {  	[smem:$0x4E6] =	sst s11;
	s11 =	spop (v2sf)  }
0x17e: {  	(v2sf) =	vpush v6, $0xF;
	[smem:$0x4E5] =	sst s12;
	s12 =	smulhi.u32 $0x14F8B589, s11;
	s11 =	sshra.s32 s11, $0x1F  }
0x17f: {  	s11 =	smul.u32 $0x14F8B589, s11;
	_ =	sdelay $0x1  }
0x180: {  	[smem:$0x4E8] =	sst s11;
	s11 =	spop (v2sf)  }
0x181: {  	(v2sf) =	vpush v6, $0x9;
	[smem:$0x4E7] =	sst s12;
	s12 =	smulhi.u32 $0x14F8B589, s11;
	s11 =	sshra.s32 s11, $0x1F  }
0x182: {  	s11 =	smul.u32 $0x14F8B589, s11;
	_ =	sdelay $0x1  }
0x183: {  	[smem:$0x4EA] =	sst s11;
	s11 =	spop (v2sf)  }
0x184: {  	(v2sf) =	vpush v6, $0x8;
	[smem:$0x4E9] =	sst s12;
	s12 =	smulhi.u32 $0x14F8B589, s11;
	s11 =	sshra.s32 s11, $0x1F  }
0x185: {  	s11 =	smul.u32 $0x14F8B589, s11;
	_ =	sdelay $0x1  }
0x186: {  	[smem:$0x4EC] =	sst s11;
	s11 =	spop (v2sf)  }
0x187: {  	(v2sf) =	vpush v6, $0xA;
	[smem:$0x4EB] =	sst s12;
	s12 =	smulhi.u32 $0x14F8B589, s11;
	s11 =	sshra.s32 s11, $0x1F  }
0x188: {  	s11 =	smul.u32 $0x14F8B589, s11;
	_ =	sdelay $0x1  }
0x189: {  	[smem:$0x4EE] =	sst s11;
	s11 =	spop (v2sf)  }
0x18a: {  	(v2sf) =	vpush v6, $0xB;
	[smem:$0x4ED] =	sst s12;
	s12 =	smulhi.u32 $0x14F8B589, s11;
	s11 =	sshra.s32 s11, $0x1F  }
0x18b: {  	s11 =	smul.u32 $0x14F8B589, s11;
	_ =	sdelay $0x1  }
0x18c: {  	[smem:$0x4F0] =	sst s11;
	s11 =	spop (v2sf)  }
0x18d: {  	(v2sf) =	vpush v6, $0x0;
	[smem:$0x4EF] =	sst s12;
	s12 =	smulhi.u32 $0x14F8B589, s11;
	s11 =	sshra.s32 s11, $0x1F  }
0x18e: {  	s11 =	smul.u32 $0x14F8B589, s11;
	_ =	sdelay $0x1  }
0x18f: {  	[smem:$0x4F2] =	sst s11;
	s11 =	spop (v2sf)  }
0x190: {  	(v2sf) =	vpush v6, $0x1;
	[smem:$0x4F1] =	sst s12;
	s12 =	smulhi.u32 $0x14F8B589, s11;
	s11 =	sshra.s32 s11, $0x1F  }
0x191: {  	s11 =	smul.u32 $0x14F8B589, s11;
	_ =	sdelay $0x1  }
0x192: {  	[smem:$0x4F4] =	sst s11;
	s11 =	spop (v2sf)  }
0x193: {  	(v2sf) =	vpush v6, $0x2;
	[smem:$0x4F3] =	sst s12;
	s12 =	smulhi.u32 $0x14F8B589, s11;
	s11 =	sshra.s32 s11, $0x1F  }
0x194: {  	s11 =	smul.u32 $0x14F8B589, s11;
	_ =	sdelay $0x1  }
0x195: {  	[smem:$0x4F6] =	sst s11;
	s11 =	spop (v2sf)  }
0x196: {  	(v2sf) =	vpush v6, $0x3;
	[smem:$0x4F5] =	sst s12;
	s12 =	smulhi.u32 $0x14F8B589, s11;
	s11 =	sshra.s32 s11, $0x1F  }
0x197: {  	s11 =	smul.u32 $0x14F8B589, s11;
	_ =	sdelay $0x1  }
0x198: {  	[smem:$0x4F8] =	sst s11;
	s11 =	spop (v2sf)  }
0x199: {  	(v2sf) =	vpush v6, $0x4;
	[smem:$0x4F7] =	sst s12;
	s12 =	smulhi.u32 $0x14F8B589, s11;
	s11 =	sshra.s32 s11, $0x1F  }
0x19a: {  	s11 =	smul.u32 $0x14F8B589, s11;
	_ =	sdelay $0x1  }
0x19b: {  	[smem:$0x4FA] =	sst s11;
	s11 =	spop (v2sf)  }
0x19c: {  	(v2sf) =	vpush v6, $0x5;
	[smem:$0x4F9] =	sst s12;
	s12 =	smulhi.u32 $0x14F8B589, s11;
	s11 =	sshra.s32 s11, $0x1F  }
0x19d: {  	s11 =	smul.u32 $0x14F8B589, s11;
	_ =	sdelay $0x1  }
0x19e: {  	[smem:$0x4FC] =	sst s11;
	s11 =	spop (v2sf)  }
0x19f: {  	(v2sf) =	vpush v6, $0x6;
	[smem:$0x4FB] =	sst s12;
	s12 =	smulhi.u32 $0x14F8B589, s11;
	s11 =	sshra.s32 s11, $0x1F  }
0x1a0: {  	s11 =	smul.u32 $0x14F8B589, s11;
	_ =	sdelay $0x1  }
0x1a1: {  	v8 =	vld [tilespmem:$0x80];
	[smem:$0x4FE] =	sst s11;
	s11 =	spop (v2sf)  }
0x1a2: {  	(v2sf) =	vpush v6, $0x7;
	[smem:$0x4FD] =	sst s12;
	s12 =	smulhi.u32 $0x14F8B589, s11;
	s11 =	sshra.s32 s11, $0x1F  }
0x1a3: {  	s11 =	smul.u32 $0x14F8B589, s11;
	_ =	sdelay $0x1  }
0x1a4: {  	[smem:$0x500] =	sst s11;
	s11 =	spop (v2sf)  }
0x1a5: {  	(v2sf) =	vpush v8, $0xD;
	[smem:$0x4FF] =	sst s12;
	s12 =	smulhi.u32 $0x14F8B589, s11;
	s11 =	sshra.s32 s11, $0x1F  }
0x1a6: {  	s11 =	smul.u32 $0x14F8B589, s11;
	_ =	sdelay $0x1  }
0x1a7: {  	[smem:$0x502] =	sst s11;
	s11 =	spop (v2sf)  }
0x1a8: {  	(v2sf) =	vpush v8, $0xC;
	[smem:$0x501] =	sst s12;
	s12 =	smulhi.u32 $0x14F8B589, s11;
	s11 =	sshra.s32 s11, $0x1F  }
0x1a9: {  	s11 =	smul.u32 $0x14F8B589, s11;
	_ =	sdelay $0x1  }
0x1aa: {  	[smem:$0x504] =	sst s11;
	s11 =	spop (v2sf)  }
0x1ab: {  	(v2sf) =	vpush v8, $0xE;
	[smem:$0x503] =	sst s12;
	s12 =	smulhi.u32 $0x14F8B589, s11;
	s11 =	sshra.s32 s11, $0x1F  }
0x1ac: {  	s11 =	smul.u32 $0x14F8B589, s11;
	_ =	sdelay $0x1  }
0x1ad: {  	[smem:$0x506] =	sst s11;
	s11 =	spop (v2sf)  }
0x1ae: {  	(v2sf) =	vpush v8, $0xF;
	[smem:$0x505] =	sst s12;
	s12 =	smulhi.u32 $0x14F8B589, s11;
	s11 =	sshra.s32 s11, $0x1F  }
0x1af: {  	s11 =	smul.u32 $0x14F8B589, s11;
	_ =	sdelay $0x1  }
0x1b0: {  	[smem:$0x508] =	sst s11;
	s11 =	spop (v2sf)  }
0x1b1: {  	(v2sf) =	vpush v8, $0x9;
	[smem:$0x507] =	sst s12;
	s12 =	smulhi.u32 $0x14F8B589, s11;
	s11 =	sshra.s32 s11, $0x1F  }
0x1b2: {  	s11 =	smul.u32 $0x14F8B589, s11;
	_ =	sdelay $0x1  }
0x1b3: {  	[smem:$0x50A] =	sst s11;
	s11 =	spop (v2sf)  }
0x1b4: {  	(v2sf) =	vpush v8, $0x8;
	[smem:$0x509] =	sst s12;
	s12 =	smulhi.u32 $0x14F8B589, s11;
	s11 =	sshra.s32 s11, $0x1F  }
0x1b5: {  	s11 =	smul.u32 $0x14F8B589, s11;
	_ =	sdelay $0x1  }
0x1b6: {  	[smem:$0x50C] =	sst s11;
	s11 =	spop (v2sf)  }
0x1b7: {  	(v2sf) =	vpush v8, $0xA;
	[smem:$0x50B] =	sst s12;
	s12 =	smulhi.u32 $0x14F8B589, s11;
	s11 =	sshra.s32 s11, $0x1F  }
0x1b8: {  	s11 =	smul.u32 $0x14F8B589, s11;
	_ =	sdelay $0x1  }
0x1b9: {  	[smem:$0x50E] =	sst s11;
	s11 =	spop (v2sf)  }
0x1ba: {  	(v2sf) =	vpush v8, $0xB;
	[smem:$0x50D] =	sst s12;
	s12 =	smulhi.u32 $0x14F8B589, s11;
	s11 =	sshra.s32 s11, $0x1F  }
0x1bb: {  	s11 =	smul.u32 $0x14F8B589, s11;
	_ =	sdelay $0x1  }
0x1bc: {  	[smem:$0x510] =	sst s11;
	s11 =	spop (v2sf)  }
0x1bd: {  	(v2sf) =	vpush v8, $0x0;
	[smem:$0x50F] =	sst s12;
	s12 =	smulhi.u32 $0x14F8B589, s11;
	s11 =	sshra.s32 s11, $0x1F  }
0x1be: {  	s11 =	smul.u32 $0x14F8B589, s11;
	_ =	sdelay $0x1  }
0x1bf: {  	[smem:$0x512] =	sst s11;
	s11 =	spop (v2sf)  }
0x1c0: {  	(v2sf) =	vpush v8, $0x1;
	[smem:$0x511] =	sst s12;
	s12 =	smulhi.u32 $0x14F8B589, s11;
	s11 =	sshra.s32 s11, $0x1F  }
0x1c1: {  	s11 =	smul.u32 $0x14F8B589, s11;
	_ =	sdelay $0x1  }
0x1c2: {  	[smem:$0x514] =	sst s11;
	s11 =	spop (v2sf)  }
0x1c3: {  	(v2sf) =	vpush v8, $0x2;
	[smem:$0x513] =	sst s12;
	s12 =	smulhi.u32 $0x14F8B589, s11;
	s11 =	sshra.s32 s11, $0x1F  }
0x1c4: {  	s11 =	smul.u32 $0x14F8B589, s11;
	_ =	sdelay $0x1  }
0x1c5: {  	[smem:$0x516] =	sst s11;
	s11 =	spop (v2sf)  }
0x1c6: {  	(v2sf) =	vpush v8, $0x3;
	[smem:$0x515] =	sst s12;
	s12 =	smulhi.u32 $0x14F8B589, s11;
	s11 =	sshra.s32 s11, $0x1F  }
0x1c7: {  	s11 =	smul.u32 $0x14F8B589, s11;
	_ =	sdelay $0x1  }
0x1c8: {  	[smem:$0x518] =	sst s11;
	s11 =	spop (v2sf)  }
0x1c9: {  	(v2sf) =	vpush v8, $0x4;
	[smem:$0x517] =	sst s12;
	s12 =	smulhi.u32 $0x14F8B589, s11;
	s11 =	sshra.s32 s11, $0x1F  }
0x1ca: {  	s11 =	smul.u32 $0x14F8B589, s11;
	_ =	sdelay $0x1  }
0x1cb: {  	[smem:$0x51A] =	sst s11;
	s11 =	spop (v2sf)  }
0x1cc: {  	(v2sf) =	vpush v8, $0x5;
	[smem:$0x519] =	sst s12;
	s12 =	smulhi.u32 $0x14F8B589, s11;
	s11 =	sshra.s32 s11, $0x1F  }
0x1cd: {  	s11 =	smul.u32 $0x14F8B589, s11;
	_ =	sdelay $0x1  }
0x1ce: {  	[smem:$0x51C] =	sst s11;
	s11 =	spop (v2sf)  }
0x1cf: {  	(v2sf) =	vpush v8, $0x6;
	[smem:$0x51B] =	sst s12;
	s12 =	smulhi.u32 $0x14F8B589, s11;
	s11 =	sshra.s32 s11, $0x1F  }
0x1d0: {  	s11 =	smul.u32 $0x14F8B589, s11;
	_ =	sdelay $0x1  }
0x1d1: {  	v7 =	vld [tilespmem:$0x90];
	[smem:$0x51E] =	sst s11;
	s11 =	spop (v2sf)  }
0x1d2: {  	(v2sf) =	vpush v8, $0x7;
	[smem:$0x51D] =	sst s12;
	s12 =	smulhi.u32 $0x14F8B589, s11;
	s11 =	sshra.s32 s11, $0x1F  }
0x1d3: {  	s11 =	smul.u32 $0x14F8B589, s11;
	_ =	sdelay $0x1  }
0x1d4: {  	[smem:$0x520] =	sst s11;
	s11 =	spop (v2sf)  }
0x1d5: {  	(v2sf) =	vpush v7, $0xD;
	[smem:$0x51F] =	sst s12;
	s12 =	smulhi.u32 $0x14F8B589, s11;
	s11 =	sshra.s32 s11, $0x1F  }
0x1d6: {  	s11 =	smul.u32 $0x14F8B589, s11;
	_ =	sdelay $0x1  }
0x1d7: {  	[smem:$0x522] =	sst s11;
	s11 =	spop (v2sf)  }
0x1d8: {  	(v2sf) =	vpush v7, $0xC;
	[smem:$0x521] =	sst s12;
	s12 =	smulhi.u32 $0x14F8B589, s11;
	s11 =	sshra.s32 s11, $0x1F  }
0x1d9: {  	s11 =	smul.u32 $0x14F8B589, s11;
	_ =	sdelay $0x1  }
0x1da: {  	[smem:$0x524] =	sst s11;
	s11 =	spop (v2sf)  }
0x1db: {  	(v2sf) =	vpush v7, $0xE;
	[smem:$0x523] =	sst s12;
	s12 =	smulhi.u32 $0x14F8B589, s11;
	s11 =	sshra.s32 s11, $0x1F  }
0x1dc: {  	s11 =	smul.u32 $0x14F8B589, s11;
	_ =	sdelay $0x1  }
0x1dd: {  	[smem:$0x526] =	sst s11;
	s11 =	spop (v2sf)  }
0x1de: {  	(v2sf) =	vpush v7, $0xF;
	[smem:$0x525] =	sst s12;
	s12 =	smulhi.u32 $0x14F8B589, s11;
	s11 =	sshra.s32 s11, $0x1F  }
0x1df: {  	s11 =	smul.u32 $0x14F8B589, s11;
	_ =	sdelay $0x1  }
0x1e0: {  	[smem:$0x528] =	sst s11;
	s11 =	spop (v2sf)  }
0x1e1: {  	(v2sf) =	vpush v7, $0x9;
	[smem:$0x527] =	sst s12;
	s12 =	smulhi.u32 $0x14F8B589, s11;
	s11 =	sshra.s32 s11, $0x1F  }
0x1e2: {  	s11 =	smul.u32 $0x14F8B589, s11;
	_ =	sdelay $0x1  }
0x1e3: {  	[smem:$0x52A] =	sst s11;
	s11 =	spop (v2sf)  }
0x1e4: {  	(v2sf) =	vpush v7, $0x8;
	[smem:$0x529] =	sst s12;
	s12 =	smulhi.u32 $0x14F8B589, s11;
	s11 =	sshra.s32 s11, $0x1F  }
0x1e5: {  	s11 =	smul.u32 $0x14F8B589, s11;
	_ =	sdelay $0x1  }
0x1e6: {  	[smem:$0x52C] =	sst s11;
	s11 =	spop (v2sf)  }
0x1e7: {  	[smem:$0x52B] =	sst s12;
	s12 =	smulhi.u32 $0x14F8B589, s11;
	s11 =	sshra.s32 s11, $0x1F  }
0x1e8: {  	s11 =	smul.u32 $0x14F8B589, s11;
	_ =	sdelay $0x1  }
0x1e9: {  	s13 =	sadd.s32 s17, s13;
	(v2sf) =	vpush v7, $0xA;
	[smem:$0x52E] =	sst s11;
	s11 =	spop (v2sf)  }
0x1ea: {  	[smem:$0x52D] =	sst s12;
	s12 =	smulhi.u32 $0x14F8B589, s11;
	s11 =	sshra.s32 s11, $0x1F  }
0x1eb: {  	[smem:$0x59D] =	sst s13;
	s14 =	sadd.s32 s19, s14;
	(v2sf) =	vpush v7, $0xB;
	s11 =	smul.u32 $0x14F8B589, s11  }
0x1ec: {  	[smem:$0x59F] =	sst s14;
	(v2sf) =	vpush v7, $0x0  }
0x1ed: {  	s15 =	sadd.s32 s20, s15;
	(v2sf) =	vpush v7, $0x1;
	[smem:$0x530] =	sst s11;
	s11 =	spop (v2sf)  }
0x1ee: {  	(v2sf) =	vpush v7, $0x2;
	[smem:$0x52F] =	sst s12;
	s12 =	smulhi.u32 $0x14F8B589, s11;
	s11 =	sshra.s32 s11, $0x1F  }
0x1ef: {  	[smem:$0x5A1] =	sst s15;
	s20 =	sadd.s32 s22, s18;
	s11 =	smul.u32 $0x14F8B589, s11  }
0x1f0: {  	[smem:$0x5A3] =	sst s20  }
0x1f1: {  	[smem:$0x532] =	sst s11;
	s11 =	spop (v2sf)  }
0x1f2: {  	s22 =	sadd.s32 s23, s21;
	[smem:$0x531] =	sst s12;
	s12 =	smulhi.u32 $0x14F8B589, s11  }
0x1f3: {  	[smem:$0x5A4] =	sst s22  }
0x1f4: {  	[smem:$0x533] =	sst s12  }
0x1f5: {  	s24 =	sadd.s32 s26, s24;
	(v2sf) =	vpush v7, $0x3;
	s11 =	sshra.s32 s11, $0x1F;
	s12 =	sld [smem:$0x486]  }
0x1f6: {  	[smem:$0x5A6] =	sst s24;
	s26 =	sadd.s32 s29, s25;
	s11 =	smul.u32 $0x14F8B589, s11  }
0x1f7: {  	v9 =	vld [tilespmem:$0xA0];
	[smem:$0x5A8] =	sst s26;
	(v2sf) =	vpush v7, $0x4  }
0x1f8: {  	[smem:$0x534] =	sst s11;
	s11 =	spop (v2sf);
	s12 =	sadd.s32 s16, s12  }
0x1f9: {  	(v2sf) =	vpush v7, $0x5;
	s16 =	smulhi.u32 $0x14F8B589, s11;
	s11 =	sshra.s32 s11, $0x1F;
	[smem:$0x59B] =	sst s12  }
0x1fa: {  	s6 =	sadd.s32 s6, s28;
	(v2sf) =	vpush v7, $0x6;
	s17 =	smul.u32 $0x14F8B589, s11;
	s11 =	spop (v2sf)  }
0x1fb: {  	(v2sf) =	vpush v7, $0x7;
	s13 =	smulhi.u32 $0x14F8B589, s11;
	s11 =	sshra.s32 s11, $0x1F;
	s19 =	spop (v2sf)  }
0x1fc: {  	s2 =	sadd.s32 s2, s30;
	(v2sf) =	vpush v9, $0xD;
	s14 =	smul.u32 $0x14F8B589, s11;
	s23 =	spop (v2sf)  }
0x1fd: {  	s1 =	sadd.s32 s1, s31;
	(v2sf) =	vpush v9, $0xC;
	s29 =	spop (v2sf);
	[smem:$0x59E] =	sst s6  }
0x1fe: {  	s15 =	smulhi.u32 $0x14F8B589, s19;
	s11 =	sshra.s32 s19, $0x1F;
	[smem:$0x5A0] =	sst s2  }
0x1ff: {  	s19 =	smul.u32 $0x14F8B589, s11;
	[smem:$0x5A2] =	sst s1  }
0x200: {  	s18 =	smulhi.u32 $0x14F8B589, s23;
	s11 =	sshra.s32 s23, $0x1F;
	s23 =	sld [smem:$0x487]  }
0x201: {  	s25 =	sld [smem:$0x488]  }
0x202: {  	s12 =	smul.u32 $0x14F8B589, s11;
	s26 =	sld [smem:$0x489]  }
0x203: {  	s20 =	smulhi.u32 $0x14F8B589, s29;
	s11 =	sshra.s32 s29, $0x1F;
	s29 =	sld [smem:$0x48A]  }
0x204: {  	s21 =	spop (v2sf);
	s30 =	sld [smem:$0x48B]  }
0x205: {  	s6 =	smulhi.u32 $0x14F8B589, s21;
	s2 =	sadd.s32 s3, s23;
	s3 =	sld [smem:$0x48C]  }
0x206: {  	s22 =	sshra.s32 s21, $0x1F;
	s24 =	spop (v2sf);
	s23 =	sld [smem:$0x48E]  }
0x207: {  	s21 =	smul.u32 $0x14F8B589, s22;
	s1 =	sshra.s32 s24, $0x1F;
	[smem:$0x5A5] =	sst s2  }
0x208: {  	s2 =	sadd.s32 s8, s25;
	s8 =	smulhi.u32 $0x14F8B589, s24;
	s24 =	sld [smem:$0x48F]  }
0x209: {  	s22 =	smul.u32 $0x14F8B589, s1;
	[smem:$0x5A7] =	sst s2  }
0x20a: {  	s28 =	spop (v2sf);
	s2 =	sadd.s32 s4, s26;
	s26 =	sld [smem:$0x490]  }
0x20b: {  	s4 =	smulhi.u32 $0x14F8B589, s28;
	s1 =	sshra.s32 s28, $0x1F;
	s28 =	sld [smem:$0x491]  }
0x20c: {  	[smem:$0x5A9] =	sst s2  }
0x20d: {  	s2 =	sadd.s32 s5, s29;
	s29 =	sld [smem:$0x492]  }
0x20e: {  	[smem:$0x5AA] =	sst s2  }
0x20f: {  	s2 =	sadd.s32 s7, s30;
	s7 =	sld [smem:$0x48D]  }
0x210: {  	s30 =	sld [smem:$0x493]  }
0x211: {  	[smem:$0x59C] =	sst s2  }
0x212: {  	s2 =	sadd.s32 s7, s3;
	s3 =	sld [smem:$0x494]  }
0x213: {  	s31 =	spop (v2sf);
	[smem:$0x5AB] =	sst s2;
	s2 =	sadd.s32 s24, s23  }
0x214: {  	(v2sf) =	vpush v9, $0xE;
	s5 =	smul.u32 $0x14F8B589, s1;
	s1 =	sshra.s32 s31, $0x1F;
	[smem:$0x5AC] =	sst s2  }
0x215: {  	s7 =	smulhi.u32 $0x14F8B589, s31;
	s2 =	sadd.s32 s28, s26;
	s26 =	sld [smem:$0x495]  }
0x216: {  	s24 =	smul.u32 $0x14F8B589, s1;
	s28 =	sld [smem:$0x496]  }
0x217: {  	s25 =	spop (v2sf);
	[smem:$0x5AE] =	sst s2  }
0x218: {  	s23 =	smulhi.u32 $0x14F8B589, s25;
	s2 =	sadd.s32 s30, s29;
	s29 =	sld [smem:$0x497]  }
0x219: {  	s1 =	sshra.s32 s25, $0x1F;
	s31 =	spop (v2sf);
	s30 =	sld [smem:$0x498]  }
0x21a: {  	s25 =	smul.u32 $0x14F8B589, s1;
	s1 =	sshra.s32 s31, $0x1F;
	[smem:$0x5B0] =	sst s2  }
0x21b: {  	s2 =	sadd.s32 s26, s3;
	s26 =	smulhi.u32 $0x14F8B589, s31;
	s31 =	sld [smem:$0x499]  }
0x21c: {  	s3 =	sld [smem:$0x49A]  }
0x21d: {  	(v2sf) =	vpush v9, $0xF;
	[smem:$0x5B2] =	sst s2;
	s2 =	sadd.s32 s29, s28  }
0x21e: {  	[smem:$0x5B4] =	sst s2  }
0x21f: {  	s2 =	sadd.s32 s31, s30;
	s30 =	sld [smem:$0x49B];
	_ =	sdelay $0x1  }
0x220: {  	s29 =	smul.u32 $0x14F8B589, s1;
	[smem:$0x5B7] =	sst s2  }
0x221: {  	(v2sf) =	vpush v9, $0x9;
	s1 =	spop (v2sf);
	s2 =	sadd.s32 s30, s3;
	s3 =	sld [smem:$0x49C]  }
0x222: {  	s28 =	smulhi.u32 $0x14F8B589, s1;
	s1 =	sshra.s32 s1, $0x1F;
	s31 =	spop (v2sf)  }
0x223: {  	s30 =	smul.u32 $0x14F8B589, s1;
	s1 =	sshra.s32 s31, $0x1F;
	[smem:$0x5B9] =	sst s2  }
0x224: {  	s2 =	sadd.s32 s9, s3;
	s9 =	smulhi.u32 $0x14F8B589, s31;
	s31 =	sld [smem:$0x49D]  }
0x225: {  	s3 =	sld [smem:$0x49E]  }
0x226: {  	[smem:$0x5AF] =	sst s2  }
0x227: {  	s2 =	sadd.s32 s10, s31;
	s31 =	sld [smem:$0x49F]  }
0x228: {  	s0 =	sshra.s32 s0, $0x1F  }
0x229: {  	s0 =	smul.u32 $0x14F8B589, s0;
	[smem:$0x5B1] =	sst s2  }
0x22a: {  	s10 =	smul.u32 $0x14F8B589, s1;
	s2 =	sadd.s32 s31, s3;
	s31 =	sld [smem:$0x4A0]  }
0x22b: {  	s1 =	spop (v2sf);
	[smem:$0x5B3] =	sst s2  }
0x22c: {  	s3 =	smulhi.u32 $0x14F8B589, s1;
	s1 =	sshra.s32 s1, $0x1F;
	s2 =	sld [smem:$0x4A2]  }
0x22d: {  	(v2sf) =	vpush v9, $0x8;
	s0 =	sadd.s32 s0, s31;
	s31 =	smul.u32 $0x14F8B589, s1;
	s1 =	sld [smem:$0x4A1]  }
0x22e: {  	_ =	sdelay $0x1  }
0x22f: {  	[smem:$0x5B5] =	sst s0;
	s0 =	spop (v2sf);
	s1 =	sadd.s32 s2, s1  }
0x230: {  	s2 =	smulhi.u32 $0x14F8B589, s0;
	[smem:$0x5B6] =	sst s1  }
0x231: {  	s1 =	sld [smem:$0x4A3]  }
0x232: {  	[smem:$0x535] =	sst s2  }
0x233: {  	s2 =	sld [smem:$0x4A4];
	_ =	sdelay $0x2  }
0x234: {  	s1 =	sadd.s32 s2, s1;
	s2 =	sld [smem:$0x4A6]  }
0x235: {  	[smem:$0x5B8] =	sst s1  }
0x236: {  	(v2sf) =	vpush v9, $0xA;
	s0 =	sshra.s32 s0, $0x1F;
	s1 =	sld [smem:$0x4A5]  }
0x237: {  	s0 =	smul.u32 $0x14F8B589, s0;
	_ =	sdelay $0x1  }
0x238: {  	[smem:$0x536] =	sst s0;
	s0 =	spop (v2sf);
	s1 =	sadd.s32 s2, s1  }
0x239: {  	s2 =	smulhi.u32 $0x14F8B589, s0;
	[smem:$0x5BA] =	sst s1  }
0x23a: {  	s1 =	sld [smem:$0x4A7]  }
0x23b: {  	[smem:$0x537] =	sst s2  }
0x23c: {  	s2 =	sld [smem:$0x4A8];
	_ =	sdelay $0x2  }
0x23d: {  	s1 =	sadd.s32 s2, s1;
	s2 =	sld [smem:$0x4AA]  }
0x23e: {  	[smem:$0x5AD] =	sst s1  }
0x23f: {  	(v2sf) =	vpush v9, $0xB;
	s0 =	sshra.s32 s0, $0x1F;
	s1 =	sld [smem:$0x4A9]  }
0x240: {  	s0 =	smul.u32 $0x14F8B589, s0;
	_ =	sdelay $0x1  }
0x241: {  	[smem:$0x538] =	sst s0;
	s0 =	spop (v2sf);
	s1 =	sadd.s32 s2, s1  }
0x242: {  	s2 =	smulhi.u32 $0x14F8B589, s0;
	[smem:$0x5BB] =	sst s1  }
0x243: {  	s1 =	sld [smem:$0x4AB]  }
0x244: {  	[smem:$0x539] =	sst s2  }
0x245: {  	s2 =	sld [smem:$0x4AC];
	_ =	sdelay $0x2  }
0x246: {  	s1 =	sadd.s32 s2, s1;
	s2 =	sld [smem:$0x4AE]  }
0x247: {  	[smem:$0x5BC] =	sst s1  }
0x248: {  	(v2sf) =	vpush v9, $0x0;
	s0 =	sshra.s32 s0, $0x1F;
	s1 =	sld [smem:$0x4AD]  }
0x249: {  	s0 =	smul.u32 $0x14F8B589, s0;
	_ =	sdelay $0x1  }
0x24a: {  	[smem:$0x53A] =	sst s0;
	s0 =	spop (v2sf);
	s1 =	sadd.s32 s2, s1  }
0x24b: {  	s2 =	smulhi.u32 $0x14F8B589, s0;
	[smem:$0x5BD] =	sst s1  }
0x24c: {  	s1 =	sld [smem:$0x4AF]  }
0x24d: {  	[smem:$0x53B] =	sst s2  }
0x24e: {  	s2 =	sld [smem:$0x4B0];
	_ =	sdelay $0x2  }
0x24f: {  	s1 =	sadd.s32 s2, s1;
	s2 =	sld [smem:$0x4B2]  }
0x250: {  	[smem:$0x5BF] =	sst s1  }
0x251: {  	(v2sf) =	vpush v9, $0x1;
	s0 =	sshra.s32 s0, $0x1F;
	s1 =	sld [smem:$0x4B1]  }
0x252: {  	s0 =	smul.u32 $0x14F8B589, s0;
	_ =	sdelay $0x1  }
0x253: {  	[smem:$0x53C] =	sst s0;
	s0 =	spop (v2sf);
	s1 =	sadd.s32 s2, s1  }
0x254: {  	s2 =	smulhi.u32 $0x14F8B589, s0;
	[smem:$0x5C1] =	sst s1  }
0x255: {  	s1 =	sld [smem:$0x4B3]  }
0x256: {  	[smem:$0x53D] =	sst s2  }
0x257: {  	s2 =	sld [smem:$0x4B4];
	_ =	sdelay $0x2  }
0x258: {  	s1 =	sadd.s32 s2, s1;
	s2 =	sld [smem:$0x4B6]  }
0x259: {  	[smem:$0x5C3] =	sst s1  }
0x25a: {  	(v2sf) =	vpush v9, $0x2;
	s0 =	sshra.s32 s0, $0x1F;
	s1 =	sld [smem:$0x4B5]  }
0x25b: {  	s0 =	smul.u32 $0x14F8B589, s0;
	_ =	sdelay $0x1  }
0x25c: {  	[smem:$0x53E] =	sst s0;
	s0 =	spop (v2sf);
	s1 =	sadd.s32 s2, s1  }
0x25d: {  	s2 =	smulhi.u32 $0x14F8B589, s0;
	[smem:$0x5C5] =	sst s1  }
0x25e: {  	s1 =	sld [smem:$0x4B7]  }
0x25f: {  	[smem:$0x53F] =	sst s2  }
0x260: {  	s2 =	sld [smem:$0x4B8];
	_ =	sdelay $0x2  }
0x261: {  	s1 =	sadd.s32 s2, s1;
	s2 =	sld [smem:$0x4BA]  }
0x262: {  	[smem:$0x5C8] =	sst s1  }
0x263: {  	(v2sf) =	vpush v9, $0x3;
	s0 =	sshra.s32 s0, $0x1F;
	s1 =	sld [smem:$0x4B9]  }
0x264: {  	s0 =	smul.u32 $0x14F8B589, s0;
	_ =	sdelay $0x1  }
0x265: {  	[smem:$0x540] =	sst s0;
	s0 =	spop (v2sf);
	s1 =	sadd.s32 s2, s1  }
0x266: {  	s2 =	smulhi.u32 $0x14F8B589, s0;
	[smem:$0x5C0] =	sst s1  }
0x267: {  	s1 =	sld [smem:$0x4BB]  }
0x268: {  	[smem:$0x541] =	sst s2  }
0x269: {  	s2 =	sld [smem:$0x4BC];
	_ =	sdelay $0x2  }
0x26a: {  	s1 =	sadd.s32 s2, s1;
	s2 =	sld [smem:$0x4BE]  }
0x26b: {  	[smem:$0x5C2] =	sst s1  }
0x26c: {  	(v2sf) =	vpush v9, $0x4;
	s0 =	sshra.s32 s0, $0x1F;
	s1 =	sld [smem:$0x4BD]  }
0x26d: {  	s0 =	smul.u32 $0x14F8B589, s0;
	_ =	sdelay $0x1  }
0x26e: {  	[smem:$0x542] =	sst s0;
	s0 =	spop (v2sf);
	s1 =	sadd.s32 s2, s1  }
0x26f: {  	s2 =	smulhi.u32 $0x14F8B589, s0;
	[smem:$0x5C4] =	sst s1  }
0x270: {  	s1 =	sld [smem:$0x4BF]  }
0x271: {  	[smem:$0x543] =	sst s2  }
0x272: {  	s2 =	sld [smem:$0x4C0];
	_ =	sdelay $0x2  }
0x273: {  	s1 =	sadd.s32 s2, s1;
	s2 =	sld [smem:$0x4C2]  }
0x274: {  	[smem:$0x5C6] =	sst s1  }
0x275: {  	(v2sf) =	vpush v9, $0x5;
	s0 =	sshra.s32 s0, $0x1F;
	s1 =	sld [smem:$0x4C1]  }
0x276: {  	s0 =	smul.u32 $0x14F8B589, s0;
	_ =	sdelay $0x1  }
0x277: {  	[smem:$0x544] =	sst s0;
	s0 =	spop (v2sf);
	s1 =	sadd.s32 s2, s1  }
0x278: {  	s2 =	smulhi.u32 $0x14F8B589, s0;
	[smem:$0x5C7] =	sst s1  }
0x279: {  	s1 =	sld [smem:$0x4C3]  }
0x27a: {  	[smem:$0x545] =	sst s2  }
0x27b: {  	s2 =	sld [smem:$0x4C4];
	_ =	sdelay $0x2  }
0x27c: {  	s1 =	sadd.s32 s2, s1;
	s2 =	sld [smem:$0x4C6]  }
0x27d: {  	[smem:$0x5C9] =	sst s1  }
0x27e: {  	(v2sf) =	vpush v9, $0x6;
	s0 =	sshra.s32 s0, $0x1F;
	s1 =	sld [smem:$0x4C5]  }
0x27f: {  	s0 =	smul.u32 $0x14F8B589, s0;
	_ =	sdelay $0x1  }
0x280: {  	[smem:$0x546] =	sst s0;
	s0 =	spop (v2sf);
	s1 =	sadd.s32 s2, s1  }
0x281: {  	s2 =	smulhi.u32 $0x14F8B589, s0;
	[smem:$0x5CA] =	sst s1  }
0x282: {  	s1 =	sld [smem:$0x4C7]  }
0x283: {  	[smem:$0x547] =	sst s2  }
0x284: {  	s2 =	sld [smem:$0x4C8];
	_ =	sdelay $0x2  }
0x285: {  	s1 =	sadd.s32 s2, s1;
	s2 =	sld [smem:$0x4CA]  }
0x286: {  	[smem:$0x5BE] =	sst s1  }
0x287: {  	(v2sf) =	vpush v9, $0x7;
	s0 =	sshra.s32 s0, $0x1F;
	s1 =	sld [smem:$0x4C9]  }
0x288: {  	s0 =	smul.u32 $0x14F8B589, s0;
	_ =	sdelay $0x1  }
0x289: {  	[smem:$0x548] =	sst s0;
	s0 =	spop (v2sf);
	s1 =	sadd.s32 s2, s1  }
0x28a: {  	s2 =	smulhi.u32 $0x14F8B589, s0;
	[smem:$0x5CB] =	sst s1  }
0x28b: {  	s1 =	sld [smem:$0x4CB]  }
0x28c: {  	[smem:$0x549] =	sst s2  }
0x28d: {  	v10 =	vld [tilespmem:$0xB0];
	s2 =	sld [smem:$0x4CC];
	_ =	sdelay $0x2  }
0x28e: {  	s1 =	sadd.s32 s2, s1;
	s2 =	sld [smem:$0x4CE]  }
0x28f: {  	[smem:$0x5CC] =	sst s1  }
0x290: {  	(v2sf) =	vpush v10, $0xD;
	s0 =	sshra.s32 s0, $0x1F;
	s1 =	sld [smem:$0x4CD]  }
0x291: {  	s0 =	smul.u32 $0x14F8B589, s0;
	_ =	sdelay $0x1  }
0x292: {  	[smem:$0x54A] =	sst s0;
	s0 =	spop (v2sf);
	s1 =	sadd.s32 s2, s1  }
0x293: {  	s2 =	smulhi.u32 $0x14F8B589, s0;
	[smem:$0x5CE] =	sst s1  }
0x294: {  	s1 =	sld [smem:$0x4CF]  }
0x295: {  	[smem:$0x54B] =	sst s2  }
0x296: {  	s2 =	sld [smem:$0x4D0];
	_ =	sdelay $0x2  }
0x297: {  	s1 =	sadd.s32 s2, s1;
	s2 =	sld [smem:$0x4D2]  }
0x298: {  	[smem:$0x5D0] =	sst s1  }
0x299: {  	(v2sf) =	vpush v10, $0xC;
	s0 =	sshra.s32 s0, $0x1F;
	s1 =	sld [smem:$0x4D1]  }
0x29a: {  	s0 =	smul.u32 $0x14F8B589, s0;
	_ =	sdelay $0x1  }
0x29b: {  	[smem:$0x54C] =	sst s0;
	s0 =	spop (v2sf);
	s1 =	sadd.s32 s2, s1  }
0x29c: {  	s2 =	smulhi.u32 $0x14F8B589, s0;
	[smem:$0x5D1] =	sst s1  }
0x29d: {  	s1 =	sld [smem:$0x4D3]  }
0x29e: {  	[smem:$0x54D] =	sst s2  }
0x29f: {  	s2 =	sld [smem:$0x4D4];
	_ =	sdelay $0x2  }
0x2a0: {  	s1 =	sadd.s32 s2, s1;
	s2 =	sld [smem:$0x4D6]  }
0x2a1: {  	[smem:$0x5D3] =	sst s1  }
0x2a2: {  	(v2sf) =	vpush v10, $0xE;
	s0 =	sshra.s32 s0, $0x1F;
	s1 =	sld [smem:$0x4D5]  }
0x2a3: {  	s0 =	smul.u32 $0x14F8B589, s0;
	_ =	sdelay $0x1  }
0x2a4: {  	[smem:$0x54E] =	sst s0;
	s0 =	spop (v2sf);
	s1 =	sadd.s32 s2, s1  }
0x2a5: {  	s2 =	smulhi.u32 $0x14F8B589, s0;
	[smem:$0x5D5] =	sst s1  }
0x2a6: {  	s1 =	sld [smem:$0x4D7]  }
0x2a7: {  	[smem:$0x54F] =	sst s2  }
0x2a8: {  	s2 =	sld [smem:$0x4D8];
	_ =	sdelay $0x2  }
0x2a9: {  	s1 =	sadd.s32 s2, s1;
	s2 =	sld [smem:$0x4DA]  }
0x2aa: {  	[smem:$0x5D7] =	sst s1  }
0x2ab: {  	(v2sf) =	vpush v10, $0xF;
	s0 =	sshra.s32 s0, $0x1F;
	s1 =	sld [smem:$0x4D9]  }
0x2ac: {  	s0 =	smul.u32 $0x14F8B589, s0;
	_ =	sdelay $0x1  }
0x2ad: {  	[smem:$0x550] =	sst s0;
	s0 =	spop (v2sf);
	s1 =	sadd.s32 s2, s1  }
0x2ae: {  	s2 =	smulhi.u32 $0x14F8B589, s0;
	[smem:$0x5CF] =	sst s1  }
0x2af: {  	s1 =	sld [smem:$0x4DB]  }
0x2b0: {  	[smem:$0x551] =	sst s2  }
0x2b1: {  	s2 =	sld [smem:$0x4DC];
	_ =	sdelay $0x2  }
0x2b2: {  	s1 =	sadd.s32 s2, s1;
	s2 =	sld [smem:$0x4DE]  }
0x2b3: {  	[smem:$0x5D2] =	sst s1  }
0x2b4: {  	(v2sf) =	vpush v10, $0x9;
	s0 =	sshra.s32 s0, $0x1F;
	s1 =	sld [smem:$0x4DD]  }
0x2b5: {  	s0 =	smul.u32 $0x14F8B589, s0;
	_ =	sdelay $0x1  }
0x2b6: {  	[smem:$0x552] =	sst s0;
	s0 =	spop (v2sf);
	s1 =	sadd.s32 s2, s1  }
0x2b7: {  	s2 =	smulhi.u32 $0x14F8B589, s0;
	[smem:$0x5D4] =	sst s1  }
0x2b8: {  	s1 =	sld [smem:$0x4DF]  }
0x2b9: {  	[smem:$0x553] =	sst s2  }
0x2ba: {  	s2 =	sld [smem:$0x4E0];
	_ =	sdelay $0x2  }
0x2bb: {  	s1 =	sadd.s32 s2, s1;
	s2 =	sld [smem:$0x4E2]  }
0x2bc: {  	[smem:$0x5D6] =	sst s1  }
0x2bd: {  	(v2sf) =	vpush v10, $0x8;
	s0 =	sshra.s32 s0, $0x1F;
	s1 =	sld [smem:$0x4E1]  }
0x2be: {  	s0 =	smul.u32 $0x14F8B589, s0;
	_ =	sdelay $0x1  }
0x2bf: {  	[smem:$0x554] =	sst s0;
	s0 =	spop (v2sf);
	s1 =	sadd.s32 s2, s1  }
0x2c0: {  	s2 =	smulhi.u32 $0x14F8B589, s0;
	[smem:$0x5D8] =	sst s1  }
0x2c1: {  	s1 =	sld [smem:$0x4E3]  }
0x2c2: {  	[smem:$0x555] =	sst s2  }
0x2c3: {  	s2 =	sld [smem:$0x4E4];
	_ =	sdelay $0x2  }
0x2c4: {  	s1 =	sadd.s32 s2, s1;
	s2 =	sld [smem:$0x4E6]  }
0x2c5: {  	[smem:$0x5D9] =	sst s1  }
0x2c6: {  	(v2sf) =	vpush v10, $0xA;
	s0 =	sshra.s32 s0, $0x1F;
	s1 =	sld [smem:$0x4E5]  }
0x2c7: {  	s0 =	smul.u32 $0x14F8B589, s0;
	_ =	sdelay $0x1  }
0x2c8: {  	[smem:$0x556] =	sst s0;
	s0 =	spop (v2sf);
	s1 =	sadd.s32 s2, s1  }
0x2c9: {  	s2 =	smulhi.u32 $0x14F8B589, s0;
	[smem:$0x5DA] =	sst s1  }
0x2ca: {  	s1 =	sld [smem:$0x4E7]  }
0x2cb: {  	[smem:$0x557] =	sst s2  }
0x2cc: {  	s2 =	sld [smem:$0x4E8];
	_ =	sdelay $0x2  }
0x2cd: {  	s1 =	sadd.s32 s2, s1;
	s2 =	sld [smem:$0x4EA]  }
0x2ce: {  	[smem:$0x5CD] =	sst s1  }
0x2cf: {  	(v2sf) =	vpush v10, $0xB;
	s0 =	sshra.s32 s0, $0x1F;
	s1 =	sld [smem:$0x4E9]  }
0x2d0: {  	s0 =	smul.u32 $0x14F8B589, s0;
	_ =	sdelay $0x1  }
0x2d1: {  	[smem:$0x558] =	sst s0;
	s0 =	spop (v2sf);
	s1 =	sadd.s32 s2, s1  }
0x2d2: {  	s2 =	smulhi.u32 $0x14F8B589, s0;
	[smem:$0x5DB] =	sst s1  }
0x2d3: {  	s1 =	sld [smem:$0x4EB]  }
0x2d4: {  	[smem:$0x559] =	sst s2  }
0x2d5: {  	s2 =	sld [smem:$0x4EC];
	_ =	sdelay $0x2  }
0x2d6: {  	s1 =	sadd.s32 s2, s1;
	s2 =	sld [smem:$0x4EE]  }
0x2d7: {  	[smem:$0x5DC] =	sst s1  }
0x2d8: {  	(v2sf) =	vpush v10, $0x0;
	s0 =	sshra.s32 s0, $0x1F;
	s1 =	sld [smem:$0x4ED]  }
0x2d9: {  	s0 =	smul.u32 $0x14F8B589, s0;
	_ =	sdelay $0x1  }
0x2da: {  	[smem:$0x55A] =	sst s0;
	s0 =	spop (v2sf);
	s1 =	sadd.s32 s2, s1  }
0x2db: {  	s2 =	smulhi.u32 $0x14F8B589, s0;
	[smem:$0x5DD] =	sst s1  }
0x2dc: {  	s1 =	sld [smem:$0x4EF]  }
0x2dd: {  	[smem:$0x55B] =	sst s2  }
0x2de: {  	s2 =	sld [smem:$0x4F0];
	_ =	sdelay $0x2  }
0x2df: {  	s1 =	sadd.s32 s2, s1;
	s2 =	sld [smem:$0x4F2]  }
0x2e0: {  	[smem:$0x5DF] =	sst s1  }
0x2e1: {  	(v2sf) =	vpush v10, $0x1;
	s0 =	sshra.s32 s0, $0x1F;
	s1 =	sld [smem:$0x4F1]  }
0x2e2: {  	s0 =	smul.u32 $0x14F8B589, s0;
	_ =	sdelay $0x1  }
0x2e3: {  	[smem:$0x55C] =	sst s0;
	s0 =	spop (v2sf);
	s1 =	sadd.s32 s2, s1  }
0x2e4: {  	s2 =	smulhi.u32 $0x14F8B589, s0;
	[smem:$0x5E1] =	sst s1  }
0x2e5: {  	s1 =	sld [smem:$0x4F3]  }
0x2e6: {  	[smem:$0x55D] =	sst s2  }
0x2e7: {  	s2 =	sld [smem:$0x4F4];
	_ =	sdelay $0x2  }
0x2e8: {  	s1 =	sadd.s32 s2, s1;
	s2 =	sld [smem:$0x4F6]  }
0x2e9: {  	[smem:$0x5E2] =	sst s1  }
0x2ea: {  	(v2sf) =	vpush v10, $0x2;
	s0 =	sshra.s32 s0, $0x1F;
	s1 =	sld [smem:$0x4F5]  }
0x2eb: {  	s0 =	smul.u32 $0x14F8B589, s0;
	_ =	sdelay $0x1  }
0x2ec: {  	[smem:$0x55E] =	sst s0;
	s0 =	spop (v2sf);
	s1 =	sadd.s32 s2, s1  }
0x2ed: {  	s2 =	smulhi.u32 $0x14F8B589, s0;
	[smem:$0x5E4] =	sst s1  }
0x2ee: {  	s1 =	sld [smem:$0x4F7]  }
0x2ef: {  	[smem:$0x55F] =	sst s2  }
0x2f0: {  	s2 =	sld [smem:$0x4F8];
	_ =	sdelay $0x2  }
0x2f1: {  	s1 =	sadd.s32 s2, s1;
	s2 =	sld [smem:$0x4FA]  }
0x2f2: {  	[smem:$0x5E7] =	sst s1  }
0x2f3: {  	(v2sf) =	vpush v10, $0x3;
	s0 =	sshra.s32 s0, $0x1F;
	s1 =	sld [smem:$0x4F9]  }
0x2f4: {  	s0 =	smul.u32 $0x14F8B589, s0;
	_ =	sdelay $0x1  }
0x2f5: {  	[smem:$0x560] =	sst s0;
	s0 =	spop (v2sf);
	s1 =	sadd.s32 s2, s1  }
0x2f6: {  	s2 =	smulhi.u32 $0x14F8B589, s0;
	[smem:$0x5E0] =	sst s1  }
0x2f7: {  	s1 =	sld [smem:$0x4FB]  }
0x2f8: {  	[smem:$0x561] =	sst s2  }
0x2f9: {  	s2 =	sld [smem:$0x4FC];
	_ =	sdelay $0x2  }
0x2fa: {  	s1 =	sadd.s32 s2, s1;
	s2 =	sld [smem:$0x4FE]  }
0x2fb: {  	[smem:$0x5E3] =	sst s1  }
0x2fc: {  	(v2sf) =	vpush v10, $0x4;
	s0 =	sshra.s32 s0, $0x1F;
	s1 =	sld [smem:$0x4FD]  }
0x2fd: {  	s0 =	smul.u32 $0x14F8B589, s0;
	_ =	sdelay $0x1  }
0x2fe: {  	[smem:$0x562] =	sst s0;
	s0 =	spop (v2sf);
	s1 =	sadd.s32 s2, s1  }
0x2ff: {  	s2 =	smulhi.u32 $0x14F8B589, s0;
	[smem:$0x5E5] =	sst s1  }
0x300: {  	s1 =	sld [smem:$0x4FF]  }
0x301: {  	[smem:$0x563] =	sst s2  }
0x302: {  	s2 =	sld [smem:$0x500];
	_ =	sdelay $0x2  }
0x303: {  	s1 =	sadd.s32 s2, s1;
	s2 =	sld [smem:$0x502]  }
0x304: {  	[smem:$0x5E6] =	sst s1  }
0x305: {  	(v2sf) =	vpush v10, $0x5;
	s0 =	sshra.s32 s0, $0x1F;
	s1 =	sld [smem:$0x501]  }
0x306: {  	s0 =	smul.u32 $0x14F8B589, s0;
	_ =	sdelay $0x1  }
0x307: {  	[smem:$0x564] =	sst s0;
	s0 =	spop (v2sf);
	s1 =	sadd.s32 s2, s1  }
0x308: {  	s2 =	smulhi.u32 $0x14F8B589, s0;
	[smem:$0x5E8] =	sst s1  }
0x309: {  	s1 =	sld [smem:$0x503]  }
0x30a: {  	[smem:$0x565] =	sst s2  }
0x30b: {  	s2 =	sld [smem:$0x504];
	_ =	sdelay $0x2  }
0x30c: {  	s1 =	sadd.s32 s2, s1;
	s2 =	sld [smem:$0x506]  }
0x30d: {  	[smem:$0x5E9] =	sst s1  }
0x30e: {  	(v2sf) =	vpush v10, $0x6;
	s0 =	sshra.s32 s0, $0x1F;
	s1 =	sld [smem:$0x505]  }
0x30f: {  	s0 =	smul.u32 $0x14F8B589, s0;
	_ =	sdelay $0x1  }
0x310: {  	[smem:$0x566] =	sst s0;
	s0 =	spop (v2sf);
	s1 =	sadd.s32 s2, s1  }
0x311: {  	s2 =	smulhi.u32 $0x14F8B589, s0;
	[smem:$0x5EA] =	sst s1  }
0x312: {  	s1 =	sld [smem:$0x507]  }
0x313: {  	[smem:$0x567] =	sst s2  }
0x314: {  	s2 =	sld [smem:$0x508];
	_ =	sdelay $0x2  }
0x315: {  	s1 =	sadd.s32 s2, s1;
	s2 =	sld [smem:$0x50A]  }
0x316: {  	[smem:$0x5DE] =	sst s1  }
0x317: {  	(v2sf) =	vpush v10, $0x7;
	s0 =	sshra.s32 s0, $0x1F;
	s1 =	sld [smem:$0x509]  }
0x318: {  	s0 =	smul.u32 $0x14F8B589, s0;
	_ =	sdelay $0x1  }
0x319: {  	[smem:$0x568] =	sst s0;
	s0 =	spop (v2sf);
	s1 =	sadd.s32 s2, s1  }
0x31a: {  	s2 =	smulhi.u32 $0x14F8B589, s0;
	[smem:$0x5EB] =	sst s1  }
0x31b: {  	s1 =	sld [smem:$0x50B]  }
0x31c: {  	[smem:$0x569] =	sst s2  }
0x31d: {  	v11 =	vld [tilespmem:$0xC0];
	s2 =	sld [smem:$0x50C];
	_ =	sdelay $0x2  }
0x31e: {  	s1 =	sadd.s32 s2, s1;
	s2 =	sld [smem:$0x50E]  }
0x31f: {  	[smem:$0x5EC] =	sst s1  }
0x320: {  	(v2sf) =	vpush v11, $0xD;
	s0 =	sshra.s32 s0, $0x1F;
	s1 =	sld [smem:$0x50D]  }
0x321: {  	s0 =	smul.u32 $0x14F8B589, s0;
	_ =	sdelay $0x1  }
0x322: {  	[smem:$0x56A] =	sst s0;
	s0 =	spop (v2sf);
	s1 =	sadd.s32 s2, s1  }
0x323: {  	s2 =	smulhi.u32 $0x14F8B589, s0;
	[smem:$0x5ED] =	sst s1  }
0x324: {  	s1 =	sld [smem:$0x50F]  }
0x325: {  	[smem:$0x56B] =	sst s2  }
0x326: {  	s2 =	sld [smem:$0x510];
	_ =	sdelay $0x2  }
0x327: {  	s1 =	sadd.s32 s2, s1;
	s2 =	sld [smem:$0x512]  }
0x328: {  	[smem:$0x5EE] =	sst s1  }
0x329: {  	(v2sf) =	vpush v11, $0xC;
	s0 =	sshra.s32 s0, $0x1F;
	s1 =	sld [smem:$0x511]  }
0x32a: {  	s0 =	smul.u32 $0x14F8B589, s0;
	_ =	sdelay $0x1  }
0x32b: {  	[smem:$0x56C] =	sst s0;
	s0 =	spop (v2sf);
	s1 =	sadd.s32 s2, s1  }
0x32c: {  	s2 =	smulhi.u32 $0x14F8B589, s0;
	[smem:$0x5F0] =	sst s1  }
0x32d: {  	s1 =	sld [smem:$0x513]  }
0x32e: {  	[smem:$0x56D] =	sst s2  }
0x32f: {  	s2 =	sld [smem:$0x514];
	_ =	sdelay $0x2  }
0x330: {  	s1 =	sadd.s32 s2, s1;
	s2 =	sld [smem:$0x516]  }
0x331: {  	[smem:$0x5F2] =	sst s1  }
0x332: {  	(v2sf) =	vpush v11, $0xE;
	s0 =	sshra.s32 s0, $0x1F;
	s1 =	sld [smem:$0x515]  }
0x333: {  	s0 =	smul.u32 $0x14F8B589, s0;
	_ =	sdelay $0x1  }
0x334: {  	[smem:$0x56E] =	sst s0;
	s0 =	spop (v2sf);
	s1 =	sadd.s32 s2, s1  }
0x335: {  	s2 =	smulhi.u32 $0x14F8B589, s0;
	[smem:$0x5F3] =	sst s1  }
0x336: {  	s1 =	sld [smem:$0x517]  }
0x337: {  	[smem:$0x56F] =	sst s2  }
0x338: {  	s2 =	sld [smem:$0x518];
	_ =	sdelay $0x2  }
0x339: {  	s1 =	sadd.s32 s2, s1;
	s2 =	sld [smem:$0x51A]  }
0x33a: {  	[smem:$0x5F5] =	sst s1  }
0x33b: {  	(v2sf) =	vpush v11, $0xF;
	s0 =	sshra.s32 s0, $0x1F;
	s1 =	sld [smem:$0x519]  }
0x33c: {  	s0 =	smul.u32 $0x14F8B589, s0;
	_ =	sdelay $0x1  }
0x33d: {  	[smem:$0x570] =	sst s0;
	s0 =	spop (v2sf);
	s1 =	sadd.s32 s2, s1  }
0x33e: {  	s2 =	smulhi.u32 $0x14F8B589, s0;
	[smem:$0x5F1] =	sst s1  }
0x33f: {  	s1 =	sld [smem:$0x51B]  }
0x340: {  	[smem:$0x571] =	sst s2  }
0x341: {  	s2 =	sld [smem:$0x51C];
	_ =	sdelay $0x2  }
0x342: {  	s1 =	sadd.s32 s2, s1;
	s2 =	sld [smem:$0x51E]  }
0x343: {  	[smem:$0x5F4] =	sst s1  }
0x344: {  	(v2sf) =	vpush v11, $0x9;
	s0 =	sshra.s32 s0, $0x1F;
	s1 =	sld [smem:$0x51D]  }
0x345: {  	s0 =	smul.u32 $0x14F8B589, s0;
	_ =	sdelay $0x1  }
0x346: {  	[smem:$0x572] =	sst s0;
	s0 =	spop (v2sf);
	s1 =	sadd.s32 s2, s1  }
0x347: {  	s2 =	smulhi.u32 $0x14F8B589, s0;
	[smem:$0x5F6] =	sst s1  }
0x348: {  	s1 =	sld [smem:$0x51F]  }
0x349: {  	[smem:$0x573] =	sst s2  }
0x34a: {  	s2 =	sld [smem:$0x520];
	_ =	sdelay $0x2  }
0x34b: {  	s1 =	sadd.s32 s2, s1;
	s2 =	sld [smem:$0x522]  }
0x34c: {  	[smem:$0x5F7] =	sst s1  }
0x34d: {  	(v2sf) =	vpush v11, $0x8;
	s0 =	sshra.s32 s0, $0x1F;
	s1 =	sld [smem:$0x521]  }
0x34e: {  	s0 =	smul.u32 $0x14F8B589, s0;
	_ =	sdelay $0x1  }
0x34f: {  	[smem:$0x574] =	sst s0;
	s0 =	spop (v2sf);
	s1 =	sadd.s32 s2, s1  }
0x350: {  	s2 =	smulhi.u32 $0x14F8B589, s0;
	[smem:$0x5F8] =	sst s1  }
0x351: {  	s1 =	sld [smem:$0x523]  }
0x352: {  	[smem:$0x575] =	sst s2  }
0x353: {  	s16 =	sadd.s32 s17, s16;
	s2 =	sld [smem:$0x524]  }
0x354: {  	[smem:$0x604] =	sst s16;
	s17 =	sadd.s32 s14, s13  }
0x355: {  	[smem:$0x605] =	sst s17  }
0x356: {  	s1 =	sadd.s32 s2, s1;
	s2 =	sld [smem:$0x526]  }
0x357: {  	[smem:$0x5F9] =	sst s1  }
0x358: {  	s17 =	sadd.s32 s19, s15;
	(v2sf) =	vpush v11, $0xA;
	s0 =	sshra.s32 s0, $0x1F;
	s1 =	sld [smem:$0x525]  }
0x359: {  	[smem:$0x601] =	sst s17;
	s19 =	sadd.s32 s12, s18;
	s0 =	smul.u32 $0x14F8B589, s0  }
0x35a: {  	[smem:$0x603] =	sst s19  }
0x35b: {  	[smem:$0x576] =	sst s0;
	s0 =	spop (v2sf);
	s1 =	sadd.s32 s2, s1  }
0x35c: {  	s2 =	smulhi.u32 $0x14F8B589, s0;
	[smem:$0x5FA] =	sst s1  }
0x35d: {  	s11 =	smul.u32 $0x14F8B589, s11;
	s1 =	sld [smem:$0x527]  }
0x35e: {  	[smem:$0x577] =	sst s2  }
0x35f: {  	s15 =	sadd.s32 s11, s20;
	s2 =	sld [smem:$0x528]  }
0x360: {  	[smem:$0x606] =	sst s15;
	s17 =	sadd.s32 s21, s6  }
0x361: {  	[smem:$0x607] =	sst s17  }
0x362: {  	s1 =	sadd.s32 s2, s1;
	s2 =	sld [smem:$0x52A]  }
0x363: {  	[smem:$0x5EF] =	sst s1  }
0x364: {  	s19 =	sadd.s32 s22, s8;
	(v2sf) =	vpush v11, $0xB;
	s0 =	sshra.s32 s0, $0x1F;
	s1 =	sld [smem:$0x529]  }
0x365: {  	[smem:$0x608] =	sst s19;
	s20 =	sadd.s32 s5, s4;
	s0 =	smul.u32 $0x14F8B589, s0  }
0x366: {  	[smem:$0x609] =	sst s20  }
0x367: {  	[smem:$0x578] =	sst s0;
	s0 =	spop (v2sf);
	s1 =	sadd.s32 s2, s1  }
0x368: {  	s2 =	smulhi.u32 $0x14F8B589, s0;
	[smem:$0x5FB] =	sst s1  }
0x369: {  	s1 =	sld [smem:$0x52B]  }
0x36a: {  	[smem:$0x579] =	sst s2  }
0x36b: {  	s22 =	sadd.s32 s24, s7;
	s2 =	sld [smem:$0x52C]  }
0x36c: {  	[smem:$0x60A] =	sst s22;
	s24 =	sadd.s32 s25, s23  }
0x36d: {  	[smem:$0x5FF] =	sst s24  }
0x36e: {  	s1 =	sadd.s32 s2, s1;
	s2 =	sld [smem:$0x52E]  }
0x36f: {  	[smem:$0x5FC] =	sst s1  }
0x370: {  	s29 =	sadd.s32 s29, s26;
	(v2sf) =	vpush v11, $0x0;
	s0 =	sshra.s32 s0, $0x1F;
	s1 =	sld [smem:$0x52D]  }
0x371: {  	[smem:$0x60B] =	sst s29;
	s30 =	sadd.s32 s30, s28;
	s0 =	smul.u32 $0x14F8B589, s0  }
0x372: {  	[smem:$0x60C] =	sst s30  }
0x373: {  	[smem:$0x57A] =	sst s0;
	s0 =	spop (v2sf);
	s1 =	sadd.s32 s2, s1  }
0x374: {  	s2 =	smulhi.u32 $0x14F8B589, s0;
	[smem:$0x5FD] =	sst s1  }
0x375: {  	s1 =	sld [smem:$0x52F]  }
0x376: {  	[smem:$0x57B] =	sst s2  }
0x377: {  	s17 =	sadd.s32 s10, s9;
	(v2sf) =	vpush v11, $0x1;
	s2 =	sld [smem:$0x530]  }
0x378: {  	[smem:$0x60D] =	sst s17  }
0x379: {  	s20 =	sld [smem:$0x535];
	(v2sf) =	vpush v11, $0x2  }
0x37a: {  	(v2sf) =	vpush v11, $0x3;
	s1 =	sadd.s32 s2, s1;
	s2 =	sld [smem:$0x532]  }
0x37b: {  	[smem:$0x5FE] =	sst s1  }
0x37c: {  	(v2sf) =	vpush v11, $0x4;
	s0 =	sshra.s32 s0, $0x1F;
	s1 =	sld [smem:$0x531]  }
0x37d: {  	s22 =	sld [smem:$0x537];
	s0 =	smul.u32 $0x14F8B589, s0  }
0x37e: {  	s23 =	sld [smem:$0x538];
	(v2sf) =	vpush v11, $0x5  }
0x37f: {  	[smem:$0x57C] =	sst s0;
	s0 =	spop (v2sf);
	s1 =	sadd.s32 s2, s1  }
0x380: {  	(v2sf) =	vpush v11, $0x6;
	s2 =	smulhi.u32 $0x14F8B589, s0;
	[smem:$0x600] =	sst s1  }
0x381: {  	v13 =	vld [tilespmem:$0xD0];
	s1 =	sld [smem:$0x533]  }
0x382: {  	[smem:$0x57D] =	sst s2  }
0x383: {  	s2 =	sld [smem:$0x534]  }
0x384: {  	s26 =	sld [smem:$0x53A];
	s0 =	sshra.s32 s0, $0x1F  }
0x385: {  	s29 =	sld [smem:$0x53B];
	(v2sf) =	vpush v11, $0x7;
	s0 =	smul.u32 $0x14F8B589, s0  }
0x386: {  	s30 =	sld [smem:$0x53C];
	(v2sf) =	vpush v13, $0xD;
	s1 =	sadd.s32 s2, s1;
	s2 =	spop (v2sf)  }
0x387: {  	[smem:$0x57E] =	sst s0;
	s16 =	smulhi.u32 $0x14F8B589, s2;
	s0 =	sshra.s32 s2, $0x1F  }
0x388: {  	s2 =	spop (v2sf);
	s13 =	smul.u32 $0x14F8B589, s0  }
0x389: {  	s14 =	smulhi.u32 $0x14F8B589, s2;
	s0 =	sshra.s32 s2, $0x1F;
	s2 =	spop (v2sf)  }
0x38a: {  	s17 =	sld [smem:$0x53D];
	s12 =	smul.u32 $0x14F8B589, s0;
	s0 =	sshra.s32 s2, $0x1F  }
0x38b: {  	s18 =	spop (v2sf);
	s6 =	smul.u32 $0x14F8B589, s0  }
0x38c: {  	[smem:$0x602] =	sst s1;
	s8 =	smulhi.u32 $0x14F8B589, s18;
	s0 =	sshra.s32 s18, $0x1F  }
0x38d: {  	(v2sf) =	vpush v13, $0xC;
	s21 =	spop (v2sf);
	s18 =	sadd.s32 s31, s3;
	s5 =	smul.u32 $0x14F8B589, s0  }
0x38e: {  	(v2sf) =	vpush v13, $0xE;
	s4 =	smulhi.u32 $0x14F8B589, s21;
	[smem:$0x60E] =	sst s18  }
0x38f: {  	s0 =	sshra.s32 s21, $0x1F;
	s25 =	spop (v2sf);
	s21 =	sld [smem:$0x536]  }
0x390: {  	s18 =	sld [smem:$0x53E];
	s7 =	smul.u32 $0x14F8B589, s0  }
0x391: {  	(v2sf) =	vpush v13, $0xF;
	s15 =	smulhi.u32 $0x14F8B589, s25;
	s0 =	sshra.s32 s25, $0x1F;
	s25 =	sld [smem:$0x539]  }
0x392: {  	s0 =	smul.u32 $0x14F8B589, s0;
	s1 =	sadd.s32 s21, s20;
	s20 =	sld [smem:$0x53F]  }
0x393: {  	s11 =	smulhi.u32 $0x14F8B589, s2;
	s21 =	sld [smem:$0x540]  }
0x394: {  	s2 =	spop (v2sf);
	[smem:$0x57F] =	sst s0  }
0x395: {  	s19 =	spop (v2sf);
	s0 =	sshra.s32 s2, $0x1F;
	[smem:$0x60F] =	sst s1  }
0x396: {  	s1 =	sadd.s32 s23, s22;
	s23 =	sld [smem:$0x541];
	s10 =	smul.u32 $0x14F8B589, s0  }
0x397: {  	s0 =	sshra.s32 s19, $0x1F;
	[smem:$0x611] =	sst s1;
	s1 =	sadd.s32 s26, s25  }
0x398: {  	s0 =	smul.u32 $0x14F8B589, s0;
	[smem:$0x613] =	sst s1;
	s1 =	sadd.s32 s30, s29  }
0x399: {  	[smem:$0x615] =	sst s1  }
0x39a: {  	s1 =	sadd.s32 s18, s17;
	[smem:$0x580] =	sst s0  }
0x39b: {  	s3 =	smulhi.u32 $0x14F8B589, s19;
	[smem:$0x612] =	sst s1;
	s1 =	sadd.s32 s21, s20  }
0x39c: {  	[smem:$0x614] =	sst s1;
	s24 =	spop (v2sf)  }
0x39d: {  	s28 =	smulhi.u32 $0x14F8B589, s24;
	s0 =	sshra.s32 s24, $0x1F;
	s31 =	spop (v2sf)  }
0x39e: {  	(v2sf) =	vpush v13, $0x9;
	s24 =	sld [smem:$0x542];
	s0 =	smul.u32 $0x14F8B589, s0  }
0x39f: {  	(v2sf) =	vpush v13, $0x8;
	s19 =	smulhi.u32 $0x14F8B589, s31;
	[smem:$0x581] =	sst s28  }
0x3a0: {  	(v2sf) =	vpush v13, $0xA;
	s22 =	spop (v2sf);
	[smem:$0x582] =	sst s0;
	s0 =	sshra.s32 s31, $0x1F  }
0x3a1: {  	(v2sf) =	vpush v13, $0xB;
	[smem:$0x583] =	sst s19;
	s1 =	sadd.s32 s24, s23;
	s0 =	smul.u32 $0x14F8B589, s0  }
0x3a2: {  	(v2sf) =	vpush v13, $0x0;
	s25 =	smulhi.u32 $0x14F8B589, s22;
	[smem:$0x616] =	sst s1  }
0x3a3: {  	(v2sf) =	vpush v13, $0x1;
	[smem:$0x584] =	sst s0  }
0x3a4: {  	s16 =	sadd.s32 s13, s16;
	(v2sf) =	vpush v13, $0x2;
	[smem:$0x585] =	sst s25  }
0x3a5: {  	[smem:$0x635] =	sst s16  }
0x3a6: {  	s1 =	sld [smem:$0x543]  }
0x3a7: {  	s26 =	sld [smem:$0x544]  }
0x3a8: {  	s29 =	sld [smem:$0x545]  }
0x3a9: {  	s30 =	sld [smem:$0x546]  }
0x3aa: {  	s9 =	smulhi.u32 $0x14F8B589, s2;
	s2 =	sld [smem:$0x547]  }
0x3ab: {  	s17 =	sld [smem:$0x548]  }
0x3ac: {  	s19 =	sld [smem:$0x549]  }
0x3ad: {  	s0 =	sshra.s32 s22, $0x1F;
	s20 =	sld [smem:$0x54A]  }
0x3ae: {  	s0 =	smul.u32 $0x14F8B589, s0;
	s22 =	sld [smem:$0x54B]  }
0x3af: {  	s28 =	spop (v2sf);
	s23 =	sld [smem:$0x54C]  }
0x3b0: {  	s25 =	sld [smem:$0x54D];
	s31 =	smulhi.u32 $0x14F8B589, s28  }
0x3b1: {  	[smem:$0x586] =	sst s0  }
0x3b2: {  	s18 =	spop (v2sf);
	[smem:$0x587] =	sst s31  }
0x3b3: {  	s21 =	smulhi.u32 $0x14F8B589, s18;
	s1 =	sadd.s32 s26, s1;
	s26 =	sld [smem:$0x54E]  }
0x3b4: {  	[smem:$0x617] =	sst s1  }
0x3b5: {  	[smem:$0x589] =	sst s21  }
0x3b6: {  	s1 =	sadd.s32 s30, s29;
	s29 =	sld [smem:$0x54F]  }
0x3b7: {  	s0 =	sshra.s32 s28, $0x1F;
	s24 =	spop (v2sf);
	s30 =	sld [smem:$0x550]  }
0x3b8: {  	s0 =	smul.u32 $0x14F8B589, s0;
	s21 =	sld [smem:$0x554]  }
0x3b9: {  	s28 =	smulhi.u32 $0x14F8B589, s24;
	[smem:$0x618] =	sst s1  }
0x3ba: {  	[smem:$0x588] =	sst s0  }
0x3bb: {  	[smem:$0x58B] =	sst s28  }
0x3bc: {  	s1 =	sadd.s32 s17, s2;
	s17 =	sld [smem:$0x551]  }
0x3bd: {  	s0 =	sshra.s32 s18, $0x1F;
	s18 =	sld [smem:$0x552]  }
0x3be: {  	s28 =	sld [smem:$0x558]  }
0x3bf: {  	[smem:$0x619] =	sst s1  }
0x3c0: {  	s1 =	sadd.s32 s20, s19;
	s20 =	sld [smem:$0x553]  }
0x3c1: {  	s31 =	spop (v2sf);
	[smem:$0x61A] =	sst s1  }
0x3c2: {  	s0 =	smul.u32 $0x14F8B589, s0;
	s1 =	sadd.s32 s23, s22;
	s23 =	sld [smem:$0x555]  }
0x3c3: {  	s19 =	smulhi.u32 $0x14F8B589, s31;
	[smem:$0x610] =	sst s1  }
0x3c4: {  	[smem:$0x58A] =	sst s0  }
0x3c5: {  	[smem:$0x58D] =	sst s19  }
0x3c6: {  	s0 =	sshra.s32 s24, $0x1F;
	s24 =	sld [smem:$0x556]  }
0x3c7: {  	s1 =	sadd.s32 s26, s25;
	s26 =	sld [smem:$0x557]  }
0x3c8: {  	s22 =	spop (v2sf);
	[smem:$0x61B] =	sst s1  }
0x3c9: {  	s25 =	smulhi.u32 $0x14F8B589, s22;
	s1 =	sadd.s32 s30, s29;
	s30 =	sld [smem:$0x559]  }
0x3ca: {  	[smem:$0x61C] =	sst s1  }
0x3cb: {  	[smem:$0x58F] =	sst s25  }
0x3cc: {  	s0 =	smul.u32 $0x14F8B589, s0;
	s1 =	sadd.s32 s18, s17;
	s17 =	sld [smem:$0x55B]  }
0x3cd: {  	s18 =	sld [smem:$0x55C]  }
0x3ce: {  	[smem:$0x58C] =	sst s0  }
0x3cf: {  	[smem:$0x61D] =	sst s1  }
0x3d0: {  	s0 =	sshra.s32 s31, $0x1F;
	s31 =	sld [smem:$0x55A]  }
0x3d1: {  	s29 =	spop (v2sf);
	s1 =	sadd.s32 s21, s20;
	s20 =	sld [smem:$0x55D]  }
0x3d2: {  	s2 =	smulhi.u32 $0x14F8B589, s29;
	s21 =	sld [smem:$0x55E]  }
0x3d3: {  	[smem:$0x61E] =	sst s1  }
0x3d4: {  	[smem:$0x591] =	sst s2  }
0x3d5: {  	s1 =	sadd.s32 s24, s23;
	s23 =	sld [smem:$0x55F]  }
0x3d6: {  	s24 =	sld [smem:$0x560]  }
0x3d7: {  	s2 =	sadd.s32 s5, s8;
	s5 =	sadd.s32 s7, s4;
	s7 =	sld [smem:$0x57F]  }
0x3d8: {  	s8 =	sadd.s32 s10, s9;
	s10 =	sld [smem:$0x580]  }
0x3d9: {  	s4 =	sld [smem:$0x584]  }
0x3da: {  	[smem:$0x61F] =	sst s1  }
0x3db: {  	s1 =	sadd.s32 s28, s26;
	s26 =	sld [smem:$0x561]  }
0x3dc: {  	s28 =	sld [smem:$0x562]  }
0x3dd: {  	[smem:$0x638] =	sst s2  }
0x3de: {  	[smem:$0x639] =	sst s5  }
0x3df: {  	(v2sf) =	vpush v13, $0x3;
	[smem:$0x630] =	sst s8  }
0x3e0: {  	(v2sf) =	vpush v13, $0x4;
	s0 =	smul.u32 $0x14F8B589, s0;
	s5 =	sld [smem:$0x585]  }
0x3e1: {  	s2 =	sld [smem:$0x589]  }
0x3e2: {  	[smem:$0x58E] =	sst s0  }
0x3e3: {  	[smem:$0x620] =	sst s1  }
0x3e4: {  	s1 =	sadd.s32 s31, s30;
	s30 =	sld [smem:$0x563]  }
0x3e5: {  	s31 =	sld [smem:$0x564]  }
0x3e6: {  	s19 =	spop (v2sf);
	s0 =	sshra.s32 s22, $0x1F;
	[smem:$0x622] =	sst s1  }
0x3e7: {  	(v2sf) =	vpush v13, $0x5;
	s22 =	smulhi.u32 $0x14F8B589, s19;
	s1 =	sadd.s32 s18, s17;
	s18 =	sld [smem:$0x565]  }
0x3e8: {  	[smem:$0x624] =	sst s1  }
0x3e9: {  	[smem:$0x593] =	sst s22  }
0x3ea: {  	s0 =	smul.u32 $0x14F8B589, s0;
	s1 =	sadd.s32 s21, s20;
	s21 =	sld [smem:$0x567]  }
0x3eb: {  	s22 =	sld [smem:$0x568]  }
0x3ec: {  	[smem:$0x590] =	sst s0  }
0x3ed: {  	[smem:$0x623] =	sst s1  }
0x3ee: {  	(v2sf) =	vpush v13, $0x6;
	s25 =	spop (v2sf);
	s1 =	sadd.s32 s24, s23;
	s24 =	sld [smem:$0x569]  }
0x3ef: {  	s17 =	spop (v2sf);
	s0 =	sshra.s32 s29, $0x1F;
	[smem:$0x625] =	sst s1  }
0x3f0: {  	s29 =	smulhi.u32 $0x14F8B589, s25;
	s1 =	sadd.s32 s28, s26;
	s28 =	sld [smem:$0x56B]  }
0x3f1: {  	s20 =	smulhi.u32 $0x14F8B589, s17;
	[smem:$0x626] =	sst s1  }
0x3f2: {  	[smem:$0x595] =	sst s29  }
0x3f3: {  	[smem:$0x597] =	sst s20  }
0x3f4: {  	s0 =	smul.u32 $0x14F8B589, s0;
	s1 =	sadd.s32 s31, s30;
	s30 =	sld [smem:$0x56C]  }
0x3f5: {  	s20 =	sld [smem:$0x56F]  }
0x3f6: {  	s23 =	spop (v2sf);
	[smem:$0x592] =	sst s0  }
0x3f7: {  	s26 =	smulhi.u32 $0x14F8B589, s23;
	s0 =	sshra.s32 s19, $0x1F;
	[smem:$0x627] =	sst s1  }
0x3f8: {  	s19 =	sld [smem:$0x566];
	s0 =	smul.u32 $0x14F8B589, s0  }
0x3f9: {  	[smem:$0x598] =	sst s26  }
0x3fa: {  	[smem:$0x594] =	sst s0  }
0x3fb: {  	v12 =	vld [tilespmem:$0xE0];
	s0 =	sshra.s32 s25, $0x1F;
	s25 =	sld [smem:$0x56A]  }
0x3fc: {  	s1 =	sadd.s32 s19, s18;
	s18 =	sld [smem:$0x56E]  }
0x3fd: {  	(v2sf) =	vpush v13, $0x7;
	s31 =	spop (v2sf);
	[smem:$0x628] =	sst s1  }
0x3fe: {  	s19 =	smulhi.u32 $0x14F8B589, s31;
	s1 =	sadd.s32 s22, s21;
	s21 =	sld [smem:$0x570]  }
0x3ff: {  	[smem:$0x629] =	sst s1  }
0x400: {  	(v2sf) =	vpush v12, $0xD;
	s0 =	smul.u32 $0x14F8B589, s0;
	[smem:$0x59A] =	sst s19  }
0x401: {  	s19 =	sld [smem:$0x577]  }
0x402: {  	[smem:$0x596] =	sst s0  }
0x403: {  	s0 =	sshra.s32 s17, $0x1F;
	s17 =	sld [smem:$0x56D]  }
0x404: {  	(v2sf) =	vpush v12, $0xC;
	s1 =	sadd.s32 s25, s24;
	s24 =	sld [smem:$0x572]  }
0x405: {  	s25 =	sld [smem:$0x573]  }
0x406: {  	[smem:$0x62A] =	sst s1  }
0x407: {  	s29 =	smul.u32 $0x14F8B589, s0;
	s0 =	sshra.s32 s23, $0x1F;
	s23 =	sld [smem:$0x571]  }
0x408: {  	s1 =	sadd.s32 s30, s28;
	s30 =	sld [smem:$0x574]  }
0x409: {  	(v2sf) =	vpush v12, $0xE;
	[smem:$0x621] =	sst s1  }
0x40a: {  	s0 =	smul.u32 $0x14F8B589, s0;
	s1 =	sadd.s32 s18, s17;
	s17 =	sld [smem:$0x575]  }
0x40b: {  	s18 =	sld [smem:$0x576]  }
0x40c: {  	s22 =	spop (v2sf);
	[smem:$0x599] =	sst s0  }
0x40d: {  	(v2sf) =	vpush v12, $0xF;
	s28 =	smulhi.u32 $0x14F8B589, s22;
	[smem:$0x62B] =	sst s1  }
0x40e: {  	s0 =	sshra.s32 s31, $0x1F;
	s1 =	sadd.s32 s21, s20;
	s20 =	sld [smem:$0x578]  }
0x40f: {  	s31 =	spop (v2sf);
	[smem:$0x62C] =	sst s1;
	s1 =	sadd.s32 s24, s23  }
0x410: {  	(v2sf) =	vpush v12, $0x9;
	s26 =	smul.u32 $0x14F8B589, s0;
	s0 =	sshra.s32 s22, $0x1F;
	[smem:$0x62D] =	sst s1  }
0x411: {  	s1 =	sadd.s32 s30, s25;
	s24 =	smul.u32 $0x14F8B589, s0;
	s30 =	sld [smem:$0x579]  }
0x412: {  	(v2sf) =	vpush v12, $0x8;
	s25 =	smulhi.u32 $0x14F8B589, s31;
	s0 =	sshra.s32 s31, $0x1F;
	s31 =	sld [smem:$0x57A]  }
0x413: {  	s21 =	spop (v2sf);
	[smem:$0x62E] =	sst s1  }
0x414: {  	s23 =	smulhi.u32 $0x14F8B589, s21;
	s1 =	sadd.s32 s18, s17;
	s17 =	sld [smem:$0x57B]  }
0x415: {  	(v2sf) =	vpush v12, $0xA;
	s22 =	smul.u32 $0x14F8B589, s0;
	s18 =	sld [smem:$0x57C]  }
0x416: {  	s0 =	sshra.s32 s21, $0x1F;
	[smem:$0x62F] =	sst s1;
	s1 =	sadd.s32 s20, s19  }
0x417: {  	(v2sf) =	vpush v12, $0xB;
	s20 =	smul.u32 $0x14F8B589, s0;
	[smem:$0x631] =	sst s1  }
0x418: {  	s19 =	spop (v2sf);
	s1 =	sadd.s32 s31, s30;
	s30 =	sld [smem:$0x57D]  }
0x419: {  	s31 =	sld [smem:$0x57E];
	s21 =	smulhi.u32 $0x14F8B589, s19  }
0x41a: {  	s0 =	sshra.s32 s19, $0x1F;
	s19 =	sadd.s32 s12, s14;
	[smem:$0x633] =	sst s1  }
0x41b: {  	s1 =	sadd.s32 s18, s17;
	s18 =	smul.u32 $0x14F8B589, s0;
	[smem:$0x636] =	sst s19  }
0x41c: {  	s17 =	spop (v2sf);
	[smem:$0x634] =	sst s1  }
0x41d: {  	s19 =	smulhi.u32 $0x14F8B589, s17;
	s0 =	sshra.s32 s17, $0x1F;
	s1 =	sadd.s32 s31, s30  }
0x41e: {  	s30 =	sadd.s32 s6, s11;
	s16 =	smul.u32 $0x14F8B589, s0;
	s11 =	sld [smem:$0x581]  }
0x41f: {  	s31 =	spop (v2sf);
	[smem:$0x632] =	sst s1  }
0x420: {  	[smem:$0x637] =	sst s30;
	s17 =	smulhi.u32 $0x14F8B589, s31;
	s0 =	sshra.s32 s31, $0x1F  }
0x421: {  	(v2sf) =	vpush v12, $0x0;
	s6 =	spop (v2sf);
	s1 =	sadd.s32 s7, s15;
	s30 =	sld [smem:$0x582]  }
0x422: {  	s14 =	smul.u32 $0x14F8B589, s0;
	[smem:$0x63A] =	sst s1  }
0x423: {  	(v2sf) =	vpush v12, $0x1;
	s15 =	smulhi.u32 $0x14F8B589, s6;
	s1 =	sadd.s32 s10, s3;
	s3 =	sld [smem:$0x583]  }
0x424: {  	s0 =	sshra.s32 s6, $0x1F;
	s9 =	spop (v2sf);
	s6 =	sld [smem:$0x586]  }
0x425: {  	s16 =	sadd.s32 s16, s19;
	s13 =	smul.u32 $0x14F8B589, s0;
	[smem:$0x63B] =	sst s1  }
0x426: {  	s0 =	sshra.s32 s9, $0x1F;
	s31 =	spop (v2sf);
	[dreg:$0x1f] =	wrdreg s16  }
0x427: {  	s1 =	sadd.s32 s30, s11;
	s10 =	smul.u32 $0x14F8B589, s0;
	s30 =	sld [smem:$0x587]  }
0x428: {  	(v2sf) =	vpush v12, $0x2;
	s11 =	smulhi.u32 $0x14F8B589, s31;
	s0 =	sshra.s32 s31, $0x1F;
	s31 =	sld [smem:$0x588]  }
0x429: {  	[smem:$0x63C] =	sst s1  }
0x42a: {  	s1 =	sadd.s32 s4, s3;
	s3 =	sld [smem:$0x58A]  }
0x42b: {  	[smem:$0x63D] =	sst s1  }
0x42c: {  	s1 =	sadd.s32 s6, s5;
	s5 =	sld [smem:$0x58B]  }
0x42d: {  	s6 =	sld [smem:$0x58C]  }
0x42e: {  	s12 =	smulhi.u32 $0x14F8B589, s9;
	[smem:$0x63E] =	sst s1  }
0x42f: {  	s8 =	smul.u32 $0x14F8B589, s0;
	s1 =	sadd.s32 s31, s30;
	s30 =	sld [smem:$0x58D]  }
0x430: {  	s7 =	spop (v2sf);
	s31 =	sld [smem:$0x58E]  }
0x431: {  	[smem:$0x63F] =	sst s1;
	s9 =	smulhi.u32 $0x14F8B589, s7;
	s0 =	sshra.s32 s7, $0x1F  }
0x432: {  	s1 =	sadd.s32 s3, s2;
	s4 =	spop (v2sf);
	s2 =	sld [smem:$0x591]  }
0x433: {  	[smem:$0x640] =	sst s1;
	s7 =	smul.u32 $0x14F8B589, s0;
	s1 =	sadd.s32 s6, s5  }
0x434: {  	s6 =	smulhi.u32 $0x14F8B589, s4;
	[smem:$0x641] =	sst s1  }
0x435: {  	s0 =	sshra.s32 s4, $0x1F;
	s1 =	sadd.s32 s31, s30;
	s30 =	sld [smem:$0x58F]  }
0x436: {  	s5 =	smul.u32 $0x14F8B589, s0;
	s31 =	sld [smem:$0x590]  }
0x437: {  	(v2sf) =	vpush v12, $0x3;
	[smem:$0x642] =	sst s1;
	s3 =	spop (v2sf)  }
0x438: {  	s4 =	smulhi.u32 $0x14F8B589, s3;
	s0 =	sshra.s32 s3, $0x1F;
	s3 =	sld [smem:$0x592]  }
0x439: {  	s1 =	sadd.s32 s31, s30;
	s30 =	sld [smem:$0x593]  }
0x43a: {  	(v2sf) =	vpush v12, $0x4;
	s31 =	sld [smem:$0x594]  }
0x43b: {  	[smem:$0x643] =	sst s1;
	s1 =	sadd.s32 s3, s2  }
0x43c: {  	[smem:$0x644] =	sst s1  }
0x43d: {  	(v2sf) =	vpush v12, $0x5;
	s1 =	sadd.s32 s31, s30;
	s30 =	sld [smem:$0x596]  }
0x43e: {  	v14 =	vld [tilespmem:$0xF0];
	[smem:$0x645] =	sst s1  }
0x43f: {  	(v2sf) =	vpush v12, $0x6;
	s13 =	sadd.s32 s13, s15;
	s1 =	sld [smem:$0x595]  }
0x440: {  	[dreg:$0x1e] =	wrdreg s13;
	s10 =	sadd.s32 s10, s12  }
0x441: {  	(v2sf) =	vpush v12, $0x7;
	[dreg:$0x1c] =	wrdreg s10  }
0x442: {  	s8 =	sadd.s32 s8, s11;
	s1 =	sadd.s32 s30, s1;
	s30 =	sld [smem:$0x597]  }
0x443: {  	(v2sf) =	vpush v14, $0xD;
	[dreg:$0x1d] =	wrdreg s8;
	s7 =	sadd.s32 s7, s9  }
0x444: {  	[dreg:$0x1b] =	wrdreg s7  }
0x445: {  	(v2sf) =	vpush v14, $0xC;
	s3 =	smul.u32 $0x14F8B589, s0;
	s31 =	sadd.s32 s29, s30;
	s29 =	sld [smem:$0x598]  }
0x446: {  	s5 =	sadd.s32 s5, s6;
	s0 =	spop (v2sf);
	s30 =	sld [smem:$0x599]  }
0x447: {  	(v2sf) =	vpush v14, $0xE;
	[dreg:$0x1a] =	wrdreg s5;
	s2 =	smulhi.u32 $0x14F8B589, s0;
	s0 =	sshra.s32 s0, $0x1F  }
0x448: {  	s3 =	sadd.s32 s3, s4;
	[smem:$0x646] =	sst s1;
	s1 =	smul.u32 $0x14F8B589, s0  }
0x449: {  	s0 =	spop (v2sf);
	s29 =	sadd.s32 s30, s29;
	s30 =	sld [smem:$0x59A]  }
0x44a: {  	[smem:$0x647] =	sst s31;
	s31 =	smulhi.u32 $0x14F8B589, s0;
	s0 =	sshra.s32 s0, $0x1F  }
0x44b: {  	(v2sf) =	vpush v14, $0xF;
	[dreg:$0x18] =	wrdreg s3;
	s0 =	smul.u32 $0x14F8B589, s0  }
0x44c: {  	[smem:$0x648] =	sst s29;
	s29 =	spop (v2sf);
	s26 =	sadd.s32 s26, s30  }
0x44d: {  	(v2sf) =	vpush v14, $0x9;
	[smem:$0x649] =	sst s26;
	s26 =	smulhi.u32 $0x14F8B589, s29;
	s29 =	sshra.s32 s29, $0x1F  }
0x44e: {  	s30 =	sadd.s32 s24, s28;
	s28 =	spop (v2sf);
	s24 =	smul.u32 $0x14F8B589, s29  }
0x44f: {  	s29 =	sadd.s32 s22, s25;
	s22 =	smulhi.u32 $0x14F8B589, s28;
	s25 =	sshra.s32 s28, $0x1F  }
0x450: {  	s28 =	sadd.s32 s20, s23;
	s23 =	spop (v2sf);
	s20 =	smul.u32 $0x14F8B589, s25  }
0x451: {  	s25 =	sadd.s32 s18, s21;
	s18 =	smulhi.u32 $0x14F8B589, s23;
	s23 =	sshra.s32 s23, $0x1F  }
0x452: {  	(v2sf) =	vpush v14, $0x8;
	s21 =	spop (v2sf);
	s16 =	smul.u32 $0x14F8B589, s23  }
0x453: {  	s23 =	sadd.s32 s14, s17;
	s14 =	smulhi.u32 $0x14F8B589, s21;
	s19 =	sshra.s32 s21, $0x1F  }
0x454: {  	s1 =	sadd.s32 s1, s2;
	(v2sf) =	vpush v14, $0xA;
	s21 =	spop (v2sf);
	s13 =	smul.u32 $0x14F8B589, s19  }
0x455: {  	[dreg:$0x17] =	wrdreg s1;
	s10 =	smulhi.u32 $0x14F8B589, s21;
	s15 =	sshra.s32 s21, $0x1F  }
0x456: {  	s17 =	spop (v2sf);
	s8 =	smul.u32 $0x14F8B589, s15  }
0x457: {  	s7 =	smulhi.u32 $0x14F8B589, s17;
	s19 =	sshra.s32 s17, $0x1F;
	s15 =	sadd.s32 s24, s26  }
0x458: {  	s5 =	smul.u32 $0x14F8B589, s19;
	[dreg:$0x16] =	wrdreg s15  }
0x459: {  	s19 =	sadd.s32 s20, s22;
	s22 =	sadd.s32 s13, s14;
	s14 =	sld [smem:$0x59B]  }
0x45a: {  	s21 =	spop (v2sf);
	[dreg:$0x15] =	wrdreg s19  }
0x45b: {  	s3 =	smulhi.u32 $0x14F8B589, s21;
	[dreg:$0x13] =	wrdreg s22  }
0x45c: {  	s9 =	sshra.s32 s21, $0x1F;
	s11 =	spop (v2sf);
	s19 =	sld [smem:$0x59E]  }
0x45d: {  	s1 =	smul.u32 $0x14F8B589, s9;
	s8 =	sadd.s32 s8, s10;
	s22 =	sld [smem:$0x59F]  }
0x45e: {  	s12 =	smulhi.u32 $0x14F8B589, s11;
	[dreg:$0x14] =	wrdreg s8  }
0x45f: {  	s2 =	sshra.s32 s11, $0x1F;
	s5 =	sadd.s32 s5, s7;
	s8 =	sld [smem:$0x5A0]  }
0x460: {  	s2 =	smul.u32 $0x14F8B589, s2;
	[dreg:$0x12] =	wrdreg s5;
	s1 =	sadd.s32 s1, s3  }
0x461: {  	s31 =	sadd.s32 s0, s31;
	[dreg:$0xf] =	wrdreg s1;
	s17 =	spop (v2sf)  }
0x462: {  	s0 =	sadd.s32 s2, s12;
	s20 =	smulhi.u32 $0x14F8B589, s17;
	s4 =	sshra.s32 s17, $0x1F  }
0x463: {  	s5 =	sshra.s32 s19, $0x1F;
	s4 =	smul.u32 $0x14F8B589, s4;
	s21 =	spop (v2sf)  }
0x464: {  	[dreg:$0x11] =	wrdreg s0;
	s24 =	smulhi.u32 $0x14F8B589, s21;
	s9 =	sshra.s32 s21, $0x1F  }
0x465: {  	s17 =	sld [smem:$0x59D];
	s21 =	sshrl.u32 s19, $0x1F;
	s10 =	smul.u32 $0x14F8B589, s9  }
0x466: {  	s12 =	sadd.s32 s4, s20;
	s20 =	sshra.s32 s19, $0xB;
	s19 =	sld [smem:$0x5A3]  }
0x467: {  	v17 =	vmov s21;
	s21 =	sld [smem:$0x5A4];
	s13 =	sadd.s32 s10, s24  }
0x468: {  	s26 =	sadd.s32 s16, s18;
	s18 =	sshrl.u32 s17, $0x1F;
	[dreg:$0x10] =	wrdreg s13  }
0x469: {  	s15 =	sshrl.u32 s14, $0x1F;
	v56 =	vmov s18;
	s13 =	sld [smem:$0x59C]  }
0x46a: {  	s1 =	sshra.s32 s14, $0xB;
	s11 =	sshra.s32 s8, $0x1F;
	v16 =	vsel vm0, s15, v56;
	s15 =	sld [smem:$0x5A2]  }
0x46b: {  	s3 =	sshra.s32 s17, $0xB;
	[dreg:$0xe] =	wrdreg s12;
	s24 =	sshrl.u32 s22, $0x1F  }
0x46c: {  	s12 =	sld [smem:$0x5A1];
	v16 =	vsel vm1, s24, v16;
	s24 =	sshrl.u32 s21, $0x1F;
	s16 =	sshra.s32 s13, $0x1F  }
0x46d: {  	s9 =	sshra.s32 s8, $0xB;
	v58 =	vmov s24;
	s24 =	sld [smem:$0x5A7];
	s17 =	sshra.s32 s15, $0xB;
	v55 =	vmov s16  }
0x46e: {  	s18 =	sshra.s32 s15, $0x1F;
	s16 =	sshrl.u32 s15, $0x1F;
	s15 =	sld [smem:$0x5A6];
	v15 =	vsel vm3, s20, v55  }
0x46f: {  	s10 =	sshrl.u32 s8, $0x1F;
	s0 =	sshra.s32 s19, $0xB;
	s14 =	sshrl.u32 s12, $0x1F;
	v15 =	vsel vm9, s5, v15  }
0x470: {  	v17 =	vnsel vm3, $0x0, v17;
	s2 =	sshra.s32 s12, $0xB;
	s20 =	sshrl.u32 s19, $0x1F;
	v15 =	vsel vm0, s9, v15;
	s9 =	sld [smem:$0x5A5]  }
0x471: {  	v57 =	vsel vm0, s10, v17;
	s8 =	sshrl.u32 s24, $0x1F;
	s5 =	sshra.s32 s22, $0xB;
	v17 =	vsel vm0, s20, v58;
	s22 =	sshrl.u32 s15, $0x1F;
	v15 =	vsel vm10, s11, v15  }
0x472: {  	s19 =	sshra.s32 s24, $0xB;
	s20 =	sshra.s32 s21, $0xB;
	v17 =	vsel vm1, s22, v17;
	s22 =	sld [smem:$0x5AA];
	v15 =	vsel vm1, s17, v15  }
0x473: {  	v0 =	vsel vm2, s14, v16;
	v16 =	vsel vm1, s16, v57;
	s17 =	sld [smem:$0x5A9];
	v15 =	vsel vm11, s18, v15;
	s11 =	sshrl.u32 s9, $0x1F;
	s12 =	sshra.s32 s9, $0xB  }
0x474: {  	s21 =	sshra.s32 s24, $0x1F;
	s14 =	sshra.s32 s9, $0x1F;
	v16 =	vsel vm2, s11, v16;
	v15 =	vsel vm2, s12, v15;
	s11 =	sld [smem:$0x5A8]  }
0x475: {  	v62 =	vmov s20;
	s20 =	sshra.s32 s13, $0xB;
	v15 =	vsel vm12, s14, v15;
	s14 =	sshrl.u32 s13, $0x1F;
	s13 =	sld [smem:$0x5AF]  }
0x476: {  	s24 =	sshrl.u32 s22, $0x1F;
	v16 =	vsel vm4, s8, v16;
	s18 =	sshrl.u32 s17, $0x1F;
	s8 =	sld [smem:$0x5B2]  }
0x477: {  	v16 =	vsel vm5, s18, v16;
	v15 =	vsel vm4, s19, v15;
	s18 =	sshra.s32 s22, $0xB;
	s19 =	sshra.s32 s22, $0x1F;
	s22 =	sld [smem:$0x5AC]  }
0x478: {  	v59 =	vmov s3;
	s12 =	sshra.s32 s15, $0xB;
	v16 =	vsel vm6, s24, v16;
	v15 =	vsel vm13, s21, v15;
	s21 =	sld [smem:$0x5AB]  }
0x479: {  	v61 =	vsel vm0, s1, v59;
	v63 =	vsel vm0, s0, v62;
	s15 =	sshra.s32 s17, $0xB;
	s16 =	sshrl.u32 s11, $0x1F;
	v24 =	vsel vm7, s14, v16;
	s14 =	sld [smem:$0x5AD]  }
0x47a: {  	s17 =	sshra.s32 s17, $0x1F;
	v18 =	vsel vm2, s16, v17;
	v15 =	vsel vm5, s15, v15;
	s16 =	sshra.s32 s11, $0xB;
	v16 =	vsel vm1, s5, v61;
	s11 =	sld [smem:$0x5AE]  }
0x47b: {  	s15 =	sshra.s32 s13, $0xB;
	s4 =	sshra.s32 s8, $0xB;
	v15 =	vsel vm14, s17, v15;
	v48 =	vsel vm2, s2, v16;
	s24 =	sshrl.u32 s22, $0x1F;
	v16 =	vsel vm1, s12, v63  }
0x47c: {  	s3 =	sshra.s32 s22, $0xB;
	v15 =	vsel vm6, s18, v15;
	v16 =	vsel vm2, s16, v16;
	s16 =	sshrl.u32 s13, $0x1F;
	s18 =	sld [smem:$0x5B0]  }
0x47d: {  	s17 =	sshra.s32 s13, $0x1F;
	s6 =	sshrl.u32 s21, $0x1F;
	v15 =	vsel vm15, s19, v15;
	v23 =	vmov s16;
	s16 =	sld [smem:$0x5B4]  }
0x47e: {  	s0 =	sshra.s32 s21, $0xB;
	s10 =	sshra.s32 s14, $0x1F;
	v46 =	vsel vm7, s20, v15;
	s20 =	sld [smem:$0x5B1]  }
0x47f: {  	s12 =	sshrl.u32 s11, $0x1F;
	s1 =	sshra.s32 s11, $0xB;
	s11 =	sld [smem:$0x5B3];
	v20 =	vmov s10  }
0x480: {  	v22 =	vmov s24;
	s10 =	sshrl.u32 s8, $0x1F;
	v21 =	vsel vm3, s15, v20;
	s19 =	sshrl.u32 s18, $0x1F;
	s5 =	sshra.s32 s18, $0xB  }
0x481: {  	[tilespmem:$0x1FD30] =	vst v16;
	v16 =	vsel vm0, s6, v22;
	s18 =	sld [smem:$0x5B5];
	v15 =	vsel vm9, s17, v21;
	s17 =	sshrl.u32 s16, $0x1F;
	s21 =	sshra.s32 s20, $0xB  }
0x482: {  	v17 =	vnsel vm3, $0x0, v23;
	s22 =	sshrl.u32 s20, $0x1F;
	s24 =	sshra.s32 s20, $0x1F;
	v26 =	vmov s17;
	s17 =	sld [smem:$0x5BA];
	v15 =	vsel vm0, s21, v15  }
0x483: {  	v16 =	vsel vm1, s12, v16;
	s12 =	sshrl.u32 s11, $0x1F;
	s13 =	sshra.s32 s11, $0xB;
	v17 =	vsel vm0, s22, v17;
	v15 =	vsel vm10, s24, v15;
	s24 =	sld [smem:$0x5B7]  }
0x484: {  	s15 =	sshra.s32 s11, $0x1F;
	s2 =	sshra.s32 s16, $0xB;
	v25 =	vsel vm1, s12, v17;
	s12 =	sld [smem:$0x5B8]  }
0x485: {  	v49 =	vsel vm2, s19, v16;
	s19 =	sshrl.u32 s18, $0x1F;
	s21 =	sshra.s32 s18, $0xB;
	v15 =	vsel vm1, s13, v15;
	s13 =	sld [smem:$0x5B6]  }
0x486: {  	s22 =	sshra.s32 s18, $0x1F;
	v17 =	vsel vm0, s10, v26;
	s18 =	sshrl.u32 s17, $0x1F;
	s10 =	sshra.s32 s17, $0xB  }
0x487: {  	v15 =	vsel vm11, s15, v15;
	s15 =	sld [smem:$0x5B9];
	s9 =	sshrl.u32 s24, $0x1F;
	s11 =	sshrl.u32 s12, $0x1F  }
0x488: {  	v16 =	vsel vm2, s19, v25;
	s8 =	sshra.s32 s12, $0xB;
	s20 =	sshrl.u32 s13, $0x1F;
	s19 =	sshra.s32 s13, $0xB  }
0x489: {  	v15 =	vsel vm2, s21, v15;
	v17 =	vsel vm1, s9, v17;
	s9 =	sshra.s32 s12, $0x1F;
	s12 =	sshra.s32 s17, $0x1F;
	s17 =	sld [smem:$0x5BC]  }
0x48a: {  	v15 =	vsel vm12, s22, v15;
	s21 =	sshra.s32 s13, $0x1F;
	s13 =	sld [smem:$0x5BE];
	s16 =	sshrl.u32 s15, $0x1F  }
0x48b: {  	v27 =	vmov s3;
	v16 =	vsel vm4, s20, v16;
	v15 =	vsel vm4, s19, v15;
	s20 =	sshra.s32 s24, $0xB;
	s24 =	sshra.s32 s15, $0xB;
	s15 =	sld [smem:$0x5BB]  }
0x48c: {  	v28 =	vmov s2;
	s19 =	sld [smem:$0x5BD];
	v16 =	vsel vm5, s11, v16;
	v15 =	vsel vm13, s21, v15  }
0x48d: {  	s22 =	sshrl.u32 s14, $0x1F;
	v17 =	vsel vm2, s16, v17;
	s11 =	sld [smem:$0x5C0];
	v16 =	vsel vm6, s18, v16;
	v15 =	vsel vm5, s8, v15  }
0x48e: {  	s14 =	sshra.s32 s14, $0xB;
	[tilespmem:$0x1FD40] =	vst v17;
	v17 =	vsel vm0, s4, v28;
	s18 =	sshrl.u32 s17, $0x1F;
	s21 =	sshra.s32 s13, $0x1F;
	v16 =	vsel vm7, s22, v16;
	v15 =	vsel vm14, s9, v15  }
0x48f: {  	s16 =	sshrl.u32 s15, $0x1F;
	v29 =	vsel vm1, s20, v17;
	s20 =	sshrl.u32 s19, $0x1F;
	s22 =	sld [smem:$0x5BF];
	[tilespmem:$0x1FD70] =	vst v16;
	v16 =	vsel vm0, s0, v27;
	v15 =	vsel vm6, s10, v15  }
0x490: {  	v30 =	vmov s21;
	s21 =	sld [smem:$0x5C3];
	s0 =	sshra.s32 s15, $0xB;
	s15 =	sshra.s32 s11, $0x1F;
	v16 =	vsel vm1, s1, v16;
	v15 =	vsel vm15, s12, v15  }
0x491: {  	v31 =	vmov s18;
	s1 =	sshra.s32 s19, $0xB;
	v16 =	vsel vm2, s5, v16;
	s5 =	sshra.s32 s17, $0xB;
	v15 =	vsel vm7, s14, v15;
	s17 =	sld [smem:$0x5C2]  }
0x492: {  	s12 =	sshra.s32 s11, $0xB;
	s14 =	sshrl.u32 s11, $0x1F;
	[tilespmem:$0x1FD80] =	vst v15;
	v15 =	vsel vm0, s16, v31;
	s16 =	sld [smem:$0x5C1]  }
0x493: {  	s2 =	sshra.s32 s22, $0xB;
	[tilespmem:$0x1FD50] =	vst v16;
	v16 =	vsel vm2, s24, v29;
	s24 =	sshrl.u32 s22, $0x1F;
	v32 =	vmov s14;
	s14 =	sld [smem:$0x5C5];
	v15 =	vsel vm1, s20, v15  }
0x494: {  	s3 =	sshra.s32 s21, $0xB;
	s22 =	sshrl.u32 s21, $0x1F;
	v15 =	vsel vm2, s24, v15;
	s24 =	sld [smem:$0x5C4]  }
0x495: {  	s21 =	sld [smem:$0x5C8];
	s18 =	sshra.s32 s17, $0xB;
	s19 =	sshrl.u32 s17, $0x1F  }
0x496: {  	[tilespmem:$0x1FD60] =	vst v16;
	v16 =	vsel vm3, s12, v30;
	s20 =	sshra.s32 s17, $0x1F;
	s4 =	sshrl.u32 s16, $0x1F;
	s7 =	sshra.s32 s16, $0xB  }
0x497: {  	v17 =	vnsel vm3, $0x0, v32;
	v34 =	vmov s22;
	v16 =	vsel vm9, s15, v16;
	s15 =	sshrl.u32 s14, $0x1F;
	s16 =	sld [smem:$0x5C6];
	s8 =	sshrl.u32 s24, $0x1F  }
0x498: {  	v16 =	vsel vm0, s18, v16;
	v33 =	vsel vm0, s19, v17;
	v17 =	vsel vm0, s4, v34;
	s11 =	sshra.s32 s24, $0xB;
	s12 =	sshra.s32 s24, $0x1F;
	s24 =	sld [smem:$0x5C9]  }
0x499: {  	v37 =	vmov s3;
	s22 =	sshrl.u32 s21, $0x1F;
	s6 =	sshra.s32 s21, $0xB;
	v16 =	vsel vm10, s20, v16;
	v17 =	vsel vm1, s15, v17;
	s15 =	sld [smem:$0x5CA]  }
0x49a: {  	s4 =	sshra.s32 s14, $0xB;
	v38 =	vsel vm0, s7, v37;
	s7 =	sld [smem:$0x5CC];
	v16 =	vsel vm1, s11, v16;
	s17 =	sshrl.u32 s16, $0x1F  }
0x49b: {  	s19 =	sshra.s32 s16, $0xB;
	s20 =	sshra.s32 s16, $0x1F;
	v16 =	vsel vm11, s12, v16;
	s12 =	sld [smem:$0x5C7]  }
0x49c: {  	v16 =	vsel vm2, s19, v16;
	s14 =	sshrl.u32 s24, $0x1F;
	s16 =	sshrl.u32 s15, $0x1F;
	s19 =	sshrl.u32 s13, $0x1F  }
0x49d: {  	[tilespmem:$0x1FD90] =	vst v15;
	v15 =	vsel vm1, s8, v33;
	v17 =	vsel vm2, s22, v17;
	s22 =	sshra.s32 s15, $0xB;
	s10 =	sshra.s32 s15, $0x1F;
	s15 =	sld [smem:$0x5CF]  }
0x49e: {  	v15 =	vsel vm2, s17, v15;
	s21 =	sshra.s32 s24, $0x1F;
	v16 =	vsel vm12, s20, v16;
	s20 =	sshra.s32 s24, $0xB;
	s18 =	sshrl.u32 s12, $0x1F  }
0x49f: {  	s24 =	sshra.s32 s13, $0xB;
	s13 =	sld [smem:$0x5CE];
	s17 =	sshra.s32 s12, $0xB;
	v15 =	vsel vm4, s18, v15  }
0x4a0: {  	v16 =	vsel vm4, s17, v16;
	s17 =	sshrl.u32 s15, $0x1F;
	v15 =	vsel vm5, s14, v15;
	s14 =	sld [smem:$0x5CD]  }
0x4a1: {  	s18 =	sshra.s32 s12, $0x1F;
	v43 =	vmov s17;
	s17 =	sld [smem:$0x5D4]  }
0x4a2: {  	v16 =	vsel vm13, s18, v16;
	s18 =	sshra.s32 s15, $0x1F;
	v15 =	vsel vm6, s16, v15;
	s16 =	sshra.s32 s15, $0xB;
	s15 =	sld [smem:$0x5D3]  }
0x4a3: {  	v35 =	vmov s5;
	v16 =	vsel vm5, s20, v16;
	v15 =	vsel vm7, s19, v15;
	s19 =	sld [smem:$0x5D0]  }
0x4a4: {  	v36 =	vsel vm0, s0, v35;
	v16 =	vsel vm14, s21, v16;
	s21 =	sld [smem:$0x5D1]  }
0x4a5: {  	[tilespmem:$0x1FDD0] =	vst v15;
	v15 =	vsel vm1, s1, v36;
	s1 =	sld [smem:$0x5CB]  }
0x4a6: {  	s11 =	sshrl.u32 s7, $0x1F;
	s12 =	sshra.s32 s14, $0x1F;
	v16 =	vsel vm6, s22, v16;
	s22 =	sld [smem:$0x5D2]  }
0x4a7: {  	v15 =	vsel vm2, s2, v15;
	s2 =	sshra.s32 s7, $0xB;
	s7 =	sshrl.u32 s13, $0x1F;
	s20 =	sshrl.u32 s19, $0x1F  }
0x4a8: {  	v39 =	vmov s12;
	[tilespmem:$0x1FDB0] =	vst v15;
	v15 =	vsel vm1, s4, v38;
	s4 =	sshra.s32 s19, $0xB;
	s3 =	sshrl.u32 s21, $0x1F;
	s5 =	sshra.s32 s21, $0xB  }
0x4a9: {  	v40 =	vsel vm15, s10, v16;
	v41 =	vsel vm3, s16, v39;
	s16 =	sshrl.u32 s15, $0x1F;
	s19 =	sshrl.u32 s17, $0x1F;
	s21 =	sld [smem:$0x5D5];
	v15 =	vsel vm2, s6, v15  }
0x4aa: {  	s9 =	sshrl.u32 s1, $0x1F;
	s0 =	sshra.s32 s1, $0xB;
	v16 =	vsel vm9, s18, v41;
	[tilespmem:$0x1FDC0] =	vst v15;
	v15 =	vsel vm7, s24, v40;
	s24 =	sshra.s32 s22, $0xB  }
0x4ab: {  	v42 =	vmov s11;
	s1 =	sshra.s32 s13, $0xB;
	s12 =	sshrl.u32 s22, $0x1F;
	v16 =	vsel vm0, s24, v16;
	s24 =	sld [smem:$0x5D6]  }
0x4ac: {  	s13 =	sshra.s32 s22, $0x1F;
	[tilespmem:$0x1FDE0] =	vst v15;
	v15 =	vsel vm0, s9, v42;
	s9 =	sshra.s32 s15, $0xB;
	s15 =	sld [smem:$0x5D7]  }
0x4ad: {  	[tilespmem:$0x1FDA0] =	vst v17;
	v17 =	vnsel vm3, $0x0, v43;
	s18 =	sshra.s32 s17, $0xB;
	s22 =	sshrl.u32 s21, $0x1F;
	v15 =	vsel vm1, s7, v15;
	v16 =	vsel vm10, s13, v16;
	s7 =	sld [smem:$0x5DD]  }
0x4ae: {  	v44 =	vsel vm0, s12, v17;
	s6 =	sshra.s32 s21, $0xB;
	v15 =	vsel vm2, s20, v15;
	v16 =	vsel vm1, s18, v16;
	s20 =	sshra.s32 s17, $0x1F;
	s17 =	sld [smem:$0x5D8]  }
0x4af: {  	[tilespmem:$0x1FDF0] =	vst v15;
	v15 =	vsel vm1, s19, v44;
	v16 =	vsel vm11, s20, v16;
	s8 =	sshrl.u32 s24, $0x1F;
	s12 =	sshra.s32 s24, $0xB;
	s19 =	sld [smem:$0x5D9]  }
0x4b0: {  	v45 =	vmov s16;
	s13 =	sshra.s32 s24, $0x1F;
	s16 =	sshrl.u32 s15, $0x1F;
	s24 =	sld [smem:$0x5DA];
	v16 =	vsel vm2, s12, v16  }
0x4b1: {  	v17 =	vsel vm0, s3, v45;
	v15 =	vsel vm2, s8, v15;
	s8 =	sshra.s32 s15, $0xB;
	s18 =	sshrl.u32 s17, $0x1F;
	v16 =	vsel vm12, s13, v16;
	s21 =	sshra.s32 s17, $0xB  }
0x4b2: {  	v17 =	vsel vm1, s22, v17;
	s22 =	sshra.s32 s17, $0x1F;
	s17 =	sshrl.u32 s14, $0x1F;
	v16 =	vsel vm4, s21, v16;
	s21 =	sld [smem:$0x5DB]  }
0x4b3: {  	v15 =	vsel vm4, s18, v15;
	s20 =	sshrl.u32 s19, $0x1F;
	s15 =	sshra.s32 s19, $0xB;
	v16 =	vsel vm13, s22, v16;
	s22 =	sld [smem:$0x5DC]  }
0x4b4: {  	v17 =	vsel vm2, s16, v17;
	s13 =	sshrl.u32 s24, $0x1F;
	s16 =	sshra.s32 s19, $0x1F;
	v15 =	vsel vm5, s20, v15;
	v16 =	vsel vm5, s15, v16;
	s15 =	sld [smem:$0x5DE]  }
0x4b5: {  	s18 =	sshra.s32 s24, $0xB;
	s19 =	sshra.s32 s24, $0x1F;
	v15 =	vsel vm6, s13, v15;
	v16 =	vsel vm14, s16, v16;
	s16 =	sld [smem:$0x5DF]  }
0x4b6: {  	v47 =	vmov s2;
	s20 =	sshra.s32 s14, $0xB;
	s13 =	sshrl.u32 s7, $0x1F;
	v15 =	vsel vm7, s17, v15;
	s17 =	sld [smem:$0x5E0]  }
0x4b7: {  	v50 =	vsel vm0, s0, v47;
	s12 =	sshrl.u32 s21, $0x1F;
	s0 =	sshra.s32 s21, $0xB;
	s21 =	sld [smem:$0x5E2]  }
0x4b8: {  	v51 =	vmov s9;
	s24 =	sshrl.u32 s22, $0x1F;
	s3 =	sshra.s32 s22, $0xB;
	s22 =	sld [smem:$0x5E3]  }
0x4b9: {  	[tilespmem:$0x1FE10] =	vst v15;
	v15 =	vsel vm1, s1, v50;
	v16 =	vsel vm6, s18, v16;
	s1 =	sshra.s32 s7, $0xB;
	s14 =	sshra.s32 s15, $0x1F;
	v61 =	vmov s3;
	s3 =	sld [smem:$0x5ED]  }
0x4ba: {  	v52 =	vsel vm0, s5, v51;
	v16 =	vsel vm15, s19, v16;
	s5 =	sshrl.u32 s16, $0x1F;
	s2 =	sshra.s32 s16, $0xB;
	s18 =	sshra.s32 s17, $0xB  }
0x4bb: {  	v56 =	vmov s24;
	v54 =	vsel vm7, s20, v16;
	s19 =	sshrl.u32 s17, $0x1F;
	s7 =	sshra.s32 s17, $0x1F;
	s20 =	sld [smem:$0x5E1]  }
0x4bc: {  	v39 =	vsel vm2, s4, v15;
	v53 =	vmov s14;
	v16 =	vsel vm0, s12, v56;
	s9 =	sshra.s32 s21, $0xB;
	s16 =	sld [smem:$0x5E5];
	s24 =	sshra.s32 s22, $0xB  }
0x4bd: {  	v15 =	vsel vm1, s6, v52;
	v55 =	vsel vm3, s18, v53;
	s12 =	sshrl.u32 s22, $0x1F;
	s11 =	sshra.s32 s22, $0x1F;
	v16 =	vsel vm1, s13, v16;
	s13 =	sld [smem:$0x5E4]  }
0x4be: {  	v42 =	vsel vm2, s8, v15;
	v57 =	vmov s19;
	s22 =	sld [smem:$0x5E7];
	v15 =	vsel vm9, s7, v55;
	s7 =	sshrl.u32 s21, $0x1F;
	s8 =	sshrl.u32 s20, $0x1F  }
0x4bf: {  	[tilespmem:$0x1FE00] =	vst v17;
	v17 =	vnsel vm3, $0x0, v57;
	s6 =	sshra.s32 s20, $0xB;
	s17 =	sshrl.u32 s16, $0x1F;
	s20 =	sld [smem:$0x5E6]  }
0x4c0: {  	v15 =	vsel vm0, s24, v15;
	v17 =	vsel vm0, s12, v17;
	s18 =	sshra.s32 s16, $0xB;
	s19 =	sshra.s32 s16, $0x1F;
	v59 =	vmov s7;
	s24 =	sld [smem:$0x5E8]  }
0x4c1: {  	v15 =	vsel vm10, s11, v15;
	v58 =	vsel vm1, s17, v17;
	s7 =	sshrl.u32 s22, $0x1F;
	v17 =	vsel vm0, s8, v59;
	s8 =	sshra.s32 s22, $0xB;
	s22 =	sld [smem:$0x5EA]  }
0x4c2: {  	s14 =	sshrl.u32 s13, $0x1F;
	v15 =	vsel vm1, s18, v15;
	s18 =	sld [smem:$0x5E9];
	s21 =	sshrl.u32 s20, $0x1F  }
0x4c3: {  	v16 =	vsel vm2, s5, v16;
	s11 =	sshrl.u32 s24, $0x1F;
	s16 =	sshra.s32 s20, $0xB;
	s17 =	sshra.s32 s20, $0x1F  }
0x4c4: {  	[tilespmem:$0x1FE30] =	vst v16;
	v17 =	vsel vm1, s14, v17;
	v15 =	vsel vm11, s19, v15;
	s20 =	sshra.s32 s24, $0xB;
	v16 =	vsel vm2, s21, v58;
	s21 =	sshra.s32 s24, $0x1F;
	s24 =	sshrl.u32 s22, $0x1F  }
0x4c5: {  	v17 =	vsel vm2, s7, v17;
	v15 =	vsel vm2, s16, v15;
	s19 =	sshrl.u32 s18, $0x1F;
	s7 =	sshra.s32 s18, $0xB;
	s14 =	sshra.s32 s18, $0x1F  }
0x4c6: {  	v15 =	vsel vm12, s17, v15;
	s17 =	sshra.s32 s22, $0xB;
	s18 =	sshra.s32 s22, $0x1F;
	s22 =	sld [smem:$0x5EC]  }
0x4c7: {  	v16 =	vsel vm4, s11, v16;
	v15 =	vsel vm4, s20, v15;
	s20 =	sld [smem:$0x5EB]  }
0x4c8: {  	s16 =	sshrl.u32 s15, $0x1F;
	v16 =	vsel vm5, s19, v16;
	s19 =	sshra.s32 s15, $0xB;
	s15 =	sld [smem:$0x5F0];
	v15 =	vsel vm13, s21, v15  }
0x4c9: {  	v16 =	vsel vm6, s24, v16;
	v15 =	vsel vm5, s7, v15;
	s7 =	sld [smem:$0x5EE]  }
0x4ca: {  	v62 =	vmov s9;
	v16 =	vsel vm7, s16, v16;
	s16 =	sld [smem:$0x5F1]  }
0x4cb: {  	s5 =	sshra.s32 s13, $0xB;
	[tilespmem:$0x1FE40] =	vst v17;
	v17 =	vsel vm0, s6, v62;
	s6 =	sshrl.u32 s3, $0x1F;
	v15 =	vsel vm14, s14, v15;
	s14 =	sld [smem:$0x5EF]  }
0x4cc: {  	s24 =	sshrl.u32 s22, $0x1F;
	s4 =	sshra.s32 s22, $0xB;
	s22 =	sld [smem:$0x5F4];
	[tilespmem:$0x1FE60] =	vst v16;
	v16 =	vsel vm0, s0, v61  }
0x4cd: {  	v63 =	vsel vm1, s5, v17;
	v16 =	vsel vm1, s1, v16;
	v15 =	vsel vm6, s17, v15;
	s5 =	sshrl.u32 s7, $0x1F;
	s1 =	sshra.s32 s7, $0xB;
	s7 =	sshrl.u32 s15, $0x1F  }
0x4ce: {  	v16 =	vsel vm2, s2, v16;
	v15 =	vsel vm15, s18, v15;
	s2 =	sshra.s32 s15, $0xB;
	s15 =	sld [smem:$0x5F5];
	s10 =	sshra.s32 s14, $0x1F  }
0x4cf: {  	s21 =	sshrl.u32 s20, $0x1F;
	s17 =	sshra.s32 s16, $0xB;
	v15 =	vsel vm7, s19, v15;
	s19 =	sld [smem:$0x5F2];
	v20 =	vmov s10  }
0x4d0: {  	v21 =	vmov s24;
	s18 =	sshrl.u32 s16, $0x1F;
	[tilespmem:$0x1FE50] =	vst v16;
	s10 =	sshra.s32 s16, $0x1F;
	s16 =	sld [smem:$0x5F6];
	v16 =	vsel vm3, s17, v20  }
0x4d1: {  	v43 =	vsel vm2, s8, v63;
	s0 =	sshra.s32 s20, $0xB;
	s24 =	sshra.s32 s22, $0xB;
	s13 =	sshra.s32 s22, $0x1F;
	[tilespmem:$0x1FE70] =	vst v15;
	v15 =	vsel vm0, s21, v21;
	v16 =	vsel vm9, s10, v16  }
0x4d2: {  	v22 =	vmov s18;
	s21 =	sld [smem:$0x5F3];
	v15 =	vsel vm1, s6, v15;
	s20 =	sshrl.u32 s19, $0x1F;
	s8 =	sshra.s32 s19, $0xB;
	v16 =	vsel vm0, s24, v16  }
0x4d3: {  	v15 =	vsel vm2, s5, v15;
	s5 =	sshrl.u32 s15, $0x1F;
	s18 =	sshra.s32 s16, $0xB;
	v25 =	vmov s20;
	s20 =	sld [smem:$0x5F7];
	v16 =	vsel vm10, s13, v16  }
0x4d4: {  	s10 =	sshra.s32 s15, $0xB;
	s15 =	sld [smem:$0x5F8];
	s19 =	sshra.s32 s16, $0x1F;
	v16 =	vsel vm1, s18, v16  }
0x4d5: {  	s12 =	sshrl.u32 s22, $0x1F;
	v17 =	vnsel vm3, $0x0, v22;
	s9 =	sshrl.u32 s21, $0x1F;
	v16 =	vsel vm11, s19, v16;
	s19 =	sld [smem:$0x5F9]  }
0x4d6: {  	v23 =	vsel vm0, s12, v17;
	s6 =	sshra.s32 s21, $0xB;
	s17 =	sshrl.u32 s16, $0x1F;
	s22 =	sshra.s32 s20, $0xB  }
0x4d7: {  	[tilespmem:$0x1FE80] =	vst v15;
	v15 =	vsel vm1, s17, v23;
	s17 =	sshra.s32 s15, $0xB;
	s18 =	sshra.s32 s15, $0x1F;
	s24 =	sshra.s32 s20, $0x1F;
	v16 =	vsel vm2, s22, v16  }
0x4d8: {  	s21 =	sshrl.u32 s20, $0x1F;
	v16 =	vsel vm12, s24, v16;
	s24 =	sld [smem:$0x5FA];
	s20 =	sshrl.u32 s19, $0x1F  }
0x4d9: {  	v17 =	vsel vm0, s7, v25;
	v15 =	vsel vm2, s21, v15;
	s21 =	sshra.s32 s19, $0xB;
	s22 =	sshra.s32 s19, $0x1F;
	s19 =	sld [smem:$0x5FC]  }
0x4da: {  	v17 =	vsel vm1, s9, v17;
	s9 =	sshra.s32 s14, $0xB;
	v16 =	vsel vm4, s17, v16;
	s17 =	sshrl.u32 s14, $0x1F;
	s14 =	sld [smem:$0x5FF]  }
0x4db: {  	s16 =	sshrl.u32 s15, $0x1F;
	v16 =	vsel vm13, s18, v16;
	s18 =	sld [smem:$0x5FB]  }
0x4dc: {  	s3 =	sshra.s32 s3, $0xB;
	v15 =	vsel vm4, s16, v15;
	v16 =	vsel vm5, s21, v16;
	s21 =	sld [smem:$0x5FD]  }
0x4dd: {  	v15 =	vsel vm5, s20, v15;
	s15 =	sshrl.u32 s24, $0x1F;
	s16 =	sshra.s32 s24, $0xB;
	v16 =	vsel vm14, s22, v16;
	s22 =	sld [smem:$0x5FE]  }
0x4de: {  	v26 =	vmov s4;
	s7 =	sshra.s32 s24, $0x1F;
	v15 =	vsel vm6, s15, v15;
	s20 =	sshrl.u32 s19, $0x1F;
	s15 =	sld [smem:$0x600]  }
0x4df: {  	v27 =	vsel vm0, s0, v26;
	s24 =	sshra.s32 s14, $0x1F;
	v15 =	vsel vm7, s17, v15;
	s12 =	sshrl.u32 s18, $0x1F;
	v16 =	vsel vm6, s16, v16;
	s16 =	sld [smem:$0x601]  }
0x4e0: {  	s0 =	sshra.s32 s18, $0xB;
	v33 =	vmov s20;
	s20 =	sld [smem:$0x602];
	[tilespmem:$0x1FEB0] =	vst v15;
	v15 =	vsel vm1, s3, v27;
	s3 =	sshra.s32 s19, $0xB  }
0x4e1: {  	v28 =	vmov s8;
	s13 =	sshrl.u32 s21, $0x1F;
	v15 =	vsel vm2, s1, v15;
	s1 =	sshra.s32 s21, $0xB;
	s11 =	sshrl.u32 s22, $0x1F  }
0x4e2: {  	v29 =	vsel vm0, s2, v28;
	s2 =	sshra.s32 s22, $0xB;
	s4 =	sshrl.u32 s15, $0x1F;
	s21 =	sld [smem:$0x603]  }
0x4e3: {  	v17 =	vsel vm2, s5, v17;
	s5 =	sshra.s32 s15, $0xB;
	s15 =	sld [smem:$0x604];
	s17 =	sshra.s32 s16, $0xB  }
0x4e4: {  	v30 =	vmov s24;
	v31 =	vsel vm15, s7, v16;
	[tilespmem:$0x1FEA0] =	vst v15;
	v15 =	vsel vm1, s6, v29;
	s18 =	sshrl.u32 s16, $0x1F;
	s19 =	sshra.s32 s16, $0x1F;
	s16 =	sld [smem:$0x605]  }
0x4e5: {  	s7 =	sshrl.u32 s20, $0x1F;
	s8 =	sshra.s32 s20, $0xB;
	v44 =	vsel vm2, s10, v15;
	v32 =	vsel vm3, s17, v30;
	v15 =	vsel vm7, s9, v31;
	s17 =	sld [smem:$0x606]  }
0x4e6: {  	[tilespmem:$0x1FEC0] =	vst v15;
	v16 =	vsel vm9, s19, v32;
	s22 =	sshra.s32 s21, $0xB;
	v15 =	vsel vm0, s12, v33;
	s24 =	sshrl.u32 s21, $0x1F;
	s12 =	sshra.s32 s21, $0x1F  }
0x4e7: {  	s10 =	sshrl.u32 s15, $0x1F;
	s9 =	sshra.s32 s15, $0xB;
	s21 =	sld [smem:$0x607];
	v16 =	vsel vm0, s22, v16  }
0x4e8: {  	v34 =	vmov s18;
	s15 =	sld [smem:$0x608];
	s6 =	sshra.s32 s16, $0xB;
	v16 =	vsel vm10, s12, v16;
	s12 =	sshrl.u32 s16, $0x1F  }
0x4e9: {  	[tilespmem:$0x1FE90] =	vst v17;
	v17 =	vnsel vm3, $0x0, v34;
	s18 =	sshra.s32 s17, $0xB;
	s19 =	sshrl.u32 s17, $0x1F;
	s20 =	sshra.s32 s17, $0x1F  }
0x4ea: {  	v15 =	vsel vm1, s13, v15;
	v35 =	vsel vm0, s24, v17;
	v16 =	vsel vm1, s18, v16;
	s22 =	sshrl.u32 s21, $0x1F;
	s24 =	sshra.s32 s21, $0xB;
	s18 =	sld [smem:$0x609]  }
0x4eb: {  	v45 =	vsel vm2, s11, v15;
	v15 =	vsel vm1, s19, v35;
	s13 =	sshra.s32 s21, $0x1F;
	s16 =	sshrl.u32 s15, $0x1F;
	s21 =	sld [smem:$0x60A]  }
0x4ec: {  	v36 =	vmov s7;
	s17 =	sshra.s32 s15, $0xB;
	s11 =	sshra.s32 s15, $0x1F;
	s15 =	sld [smem:$0x60B];
	v16 =	vsel vm11, s20, v16;
	v15 =	vsel vm2, s22, v15  }
0x4ed: {  	v17 =	vsel vm0, s4, v36;
	v16 =	vsel vm2, s24, v16;
	v15 =	vsel vm4, s16, v15;
	s16 =	sld [smem:$0x60C];
	s19 =	sshrl.u32 s18, $0x1F;
	s20 =	sshra.s32 s18, $0xB  }
0x4ee: {  	v17 =	vsel vm1, s10, v17;
	v16 =	vsel vm12, s13, v16;
	s13 =	sshra.s32 s18, $0x1F;
	s22 =	sshrl.u32 s21, $0x1F;
	s18 =	sld [smem:$0x60E]  }
0x4ef: {  	v53 =	vsel vm2, s12, v17;
	s24 =	sshra.s32 s21, $0xB;
	s12 =	sshra.s32 s21, $0x1F;
	s21 =	sld [smem:$0x611]  }
0x4f0: {  	s4 =	sshrl.u32 s14, $0x1F;
	v15 =	vsel vm5, s19, v15;
	v16 =	vsel vm4, s17, v16;
	s17 =	sld [smem:$0x60D]  }
0x4f1: {  	v37 =	vmov s3;
	s19 =	sld [smem:$0x60F];
	v15 =	vsel vm6, s22, v15;
	v16 =	vsel vm13, s11, v16;
	s11 =	sshra.s32 s14, $0xB;
	s14 =	sshrl.u32 s15, $0x1F  }
0x4f2: {  	v38 =	vsel vm0, s0, v37;
	s10 =	sshrl.u32 s16, $0x1F;
	v52 =	vsel vm7, s4, v15;
	s4 =	sshra.s32 s16, $0xB;
	s16 =	sld [smem:$0x610]  }
0x4f3: {  	v40 =	vmov s8;
	s22 =	sld [smem:$0x612];
	v16 =	vsel vm5, s20, v16;
	v15 =	vsel vm1, s1, v38;
	s1 =	sshra.s32 s18, $0xB;
	s8 =	sshrl.u32 s17, $0x1F  }
0x4f4: {  	[tilespmem:$0x1FE20] =	vst v54;
	v16 =	vsel vm14, s13, v16;
	s3 =	sshra.s32 s17, $0xB;
	s13 =	sshrl.u32 s18, $0x1F;
	v54 =	vsel vm2, s2, v15;
	s2 =	sshrl.u32 s19, $0x1F  }
0x4f5: {  	v41 =	vsel vm0, s5, v40;
	s5 =	sshra.s32 s19, $0xB;
	s19 =	sld [smem:$0x614];
	s20 =	sshra.s32 s16, $0x1F  }
0x4f6: {  	v15 =	vsel vm1, s9, v41;
	s9 =	sshrl.u32 s21, $0x1F;
	s18 =	sld [smem:$0x613];
	v16 =	vsel vm6, s24, v16;
	s24 =	sshra.s32 s22, $0xB;
	v47 =	vmov s20  }
0x4f7: {  	v55 =	vsel vm2, s6, v15;
	s6 =	sshra.s32 s21, $0xB;
	s17 =	sshra.s32 s22, $0x1F;
	v56 =	vsel vm3, s24, v47;
	s24 =	sld [smem:$0x616]  }
0x4f8: {  	v16 =	vsel vm15, s12, v16;
	s12 =	sshrl.u32 s22, $0x1F;
	s22 =	sld [smem:$0x615];
	s20 =	sshra.s32 s19, $0xB;
	v15 =	vsel vm9, s17, v56  }
0x4f9: {  	v57 =	vmov s10;
	v58 =	vmov s12;
	s10 =	sshrl.u32 s18, $0x1F;
	s7 =	sshra.s32 s18, $0xB;
	s12 =	sshra.s32 s19, $0x1F;
	v15 =	vsel vm0, s20, v15  }
0x4fa: {  	s21 =	sshrl.u32 s19, $0x1F;
	s19 =	sld [smem:$0x617];
	v15 =	vsel vm10, s12, v15;
	s17 =	sshra.s32 s24, $0xB  }
0x4fb: {  	v51 =	vsel vm7, s11, v16;
	s12 =	sshrl.u32 s24, $0x1F;
	s18 =	sshra.s32 s24, $0x1F;
	s24 =	sld [smem:$0x618];
	v15 =	vsel vm1, s17, v15  }
0x4fc: {  	v16 =	vsel vm0, s14, v57;
	v17 =	vnsel vm3, $0x0, v58;
	v15 =	vsel vm11, s18, v15;
	s18 =	sld [smem:$0x619]  }
0x4fd: {  	v16 =	vsel vm1, s8, v16;
	s14 =	sshrl.u32 s22, $0x1F;
	v17 =	vsel vm0, s21, v17;
	s8 =	sshra.s32 s22, $0xB;
	s21 =	sshra.s32 s19, $0xB  }
0x4fe: {  	s20 =	sshrl.u32 s19, $0x1F;
	s22 =	sshra.s32 s19, $0x1F;
	v59 =	vsel vm1, s12, v17;
	v15 =	vsel vm2, s21, v15;
	s21 =	sld [smem:$0x61A]  }
0x4ff: {  	v56 =	vsel vm2, s13, v16;
	v16 =	vsel vm2, s20, v59;
	s12 =	sshrl.u32 s24, $0x1F;
	s17 =	sshra.s32 s24, $0xB;
	s19 =	sshrl.u32 s18, $0x1F  }
0x500: {  	v61 =	vmov s9;
	v16 =	vsel vm4, s12, v16;
	v15 =	vsel vm12, s22, v15;
	s20 =	sshra.s32 s18, $0xB;
	s11 =	sshra.s32 s18, $0x1F;
	s18 =	sld [smem:$0x61B]  }
0x501: {  	v17 =	vsel vm0, s2, v61;
	s13 =	sshra.s32 s24, $0x1F;
	v15 =	vsel vm4, s17, v15;
	v16 =	vsel vm5, s19, v16;
	s22 =	sshrl.u32 s21, $0x1F;
	s19 =	sld [smem:$0x61C]  }
0x502: {  	v17 =	vsel vm1, s10, v17;
	s24 =	sshra.s32 s21, $0xB;
	s10 =	sshra.s32 s21, $0x1F;
	v15 =	vsel vm13, s13, v15;
	s21 =	sld [smem:$0x61E]  }
0x503: {  	v15 =	vsel vm5, s20, v15;
	s20 =	sld [smem:$0x61D]  }
0x504: {  	s0 =	sshra.s32 s15, $0xB;
	s17 =	sshrl.u32 s16, $0x1F;
	v16 =	vsel vm6, s22, v16;
	s22 =	sld [smem:$0x61F]  }
0x505: {  	v57 =	vsel vm2, s14, v17;
	s14 =	sshra.s32 s16, $0xB;
	v59 =	vsel vm7, s17, v16;
	s12 =	sshrl.u32 s18, $0x1F;
	s17 =	sld [smem:$0x621]  }
0x506: {  	s2 =	sshra.s32 s18, $0xB;
	v15 =	vsel vm14, s11, v15;
	s18 =	sld [smem:$0x622];
	s15 =	sshrl.u32 s19, $0x1F  }
0x507: {  	v62 =	vmov s4;
	v63 =	vmov s6;
	s6 =	sshra.s32 s19, $0xB;
	s9 =	sshrl.u32 s21, $0x1F;
	v15 =	vsel vm6, s24, v15;
	s24 =	sld [smem:$0x620]  }
0x508: {  	v16 =	vsel vm0, s0, v62;
	s0 =	sshra.s32 s21, $0xB;
	s19 =	sld [smem:$0x623];
	s13 =	sshrl.u32 s20, $0x1F  }
0x509: {  	v17 =	vsel vm0, s5, v63;
	v16 =	vsel vm1, s3, v16;
	s4 =	sshra.s32 s20, $0xB;
	s16 =	sshrl.u32 s22, $0x1F;
	s5 =	sshra.s32 s22, $0xB  }
0x50a: {  	v20 =	vsel vm1, s7, v17;
	v62 =	vsel vm2, s1, v16;
	s22 =	sld [smem:$0x624];
	s11 =	sshra.s32 s17, $0x1F;
	s1 =	sshrl.u32 s24, $0x1F  }
0x50b: {  	v15 =	vsel vm15, s10, v15;
	v22 =	vmov s15;
	v21 =	vmov s11;
	s3 =	sshra.s32 s24, $0xB;
	s20 =	sshra.s32 s19, $0xB;
	s24 =	sld [smem:$0x625]  }
0x50c: {  	s10 =	sshrl.u32 s18, $0x1F;
	v61 =	vsel vm7, s14, v15;
	s7 =	sshra.s32 s18, $0xB;
	v15 =	vsel vm0, s12, v22;
	v16 =	vsel vm3, s20, v21;
	s20 =	sld [smem:$0x626]  }
0x50d: {  	s21 =	sshrl.u32 s19, $0x1F;
	s11 =	sshra.s32 s19, $0x1F;
	v15 =	vsel vm1, s13, v15;
	s13 =	sld [smem:$0x627]  }
0x50e: {  	v63 =	vsel vm2, s8, v20;
	s8 =	sshra.s32 s22, $0xB;
	v16 =	vsel vm9, s11, v16;
	s11 =	sshrl.u32 s22, $0x1F;
	s15 =	sshra.s32 s24, $0xB  }
0x50f: {  	v23 =	vmov s21;
	s18 =	sshrl.u32 s24, $0x1F;
	s19 =	sshra.s32 s24, $0x1F;
	s21 =	sshrl.u32 s20, $0x1F  }
0x510: {  	s22 =	sshra.s32 s20, $0xB;
	s24 =	sshra.s32 s20, $0x1F;
	s20 =	sld [smem:$0x628]  }
0x511: {  	v27 =	vmov s6;
	v17 =	vnsel vm3, $0x0, v23;
	v16 =	vsel vm0, s15, v16  }
0x512: {  	s6 =	sld [smem:$0x62B];
	v50 =	vsel vm2, s9, v15;
	s9 =	sshra.s32 s13, $0x1F;
	v25 =	vsel vm0, s18, v17;
	s18 =	sshrl.u32 s13, $0x1F;
	v16 =	vsel vm10, s19, v16  }
0x513: {  	v15 =	vsel vm1, s21, v25;
	s19 =	sshra.s32 s13, $0xB;
	v16 =	vsel vm1, s22, v16;
	s22 =	sld [smem:$0x629];
	s21 =	sshrl.u32 s20, $0x1F  }
0x514: {  	s12 =	sshra.s32 s20, $0xB;
	s13 =	sshra.s32 s20, $0x1F;
	s20 =	sld [smem:$0x62A]  }
0x515: {  	v16 =	vsel vm11, s24, v16  }
0x516: {  	v26 =	vmov s1;
	s1 =	sshra.s32 s6, $0xB;
	v15 =	vsel vm2, s18, v15;
	v16 =	vsel vm2, s19, v16  }
0x517: {  	s15 =	sld [smem:$0x62C];
	v15 =	vsel vm4, s21, v15;
	s24 =	sshrl.u32 s22, $0x1F;
	v16 =	vsel vm12, s9, v16;
	s21 =	sshrl.u32 s20, $0x1F  }
0x518: {  	v15 =	vsel vm5, s24, v15;
	s24 =	sshrl.u32 s17, $0x1F;
	v16 =	vsel vm4, s12, v16;
	s12 =	sshra.s32 s17, $0xB;
	s17 =	sld [smem:$0x62D]  }
0x519: {  	v17 =	vsel vm0, s16, v26;
	s16 =	sshrl.u32 s6, $0x1F;
	s18 =	sshra.s32 s22, $0xB;
	v15 =	vsel vm6, s21, v15;
	v16 =	vsel vm13, s13, v16;
	s21 =	sld [smem:$0x631]  }
0x51a: {  	s6 =	sshra.s32 s15, $0xB;
	s19 =	sshra.s32 s22, $0x1F;
	v16 =	vsel vm5, s18, v16;
	s18 =	sld [smem:$0x62E]  }
0x51b: {  	v29 =	vmov s3;
	v17 =	vsel vm1, s10, v17;
	s22 =	sshra.s32 s20, $0xB;
	s13 =	sshrl.u32 s15, $0x1F;
	v16 =	vsel vm14, s19, v16;
	s19 =	sld [smem:$0x62F]  }
0x51c: {  	v28 =	vsel vm0, s2, v27;
	v30 =	vsel vm0, s5, v29;
	v37 =	vsel vm2, s11, v17;
	s15 =	sshrl.u32 s17, $0x1F;
	s2 =	sshra.s32 s17, $0xB;
	s17 =	sld [smem:$0x630]  }
0x51d: {  	s11 =	sshra.s32 s20, $0x1F;
	v47 =	vsel vm7, s24, v15;
	v15 =	vsel vm1, s4, v28;
	v16 =	vsel vm6, s22, v16;
	s5 =	sshrl.u32 s21, $0x1F;
	s22 =	sld [smem:$0x632]  }
0x51e: {  	v40 =	vsel vm2, s0, v15;
	v15 =	vsel vm1, s7, v30;
	s7 =	sshra.s32 s21, $0xB;
	s21 =	sld [smem:$0x634];
	s10 =	sshrl.u32 s18, $0x1F  }
0x51f: {  	s3 =	sshra.s32 s18, $0xB;
	s0 =	sshrl.u32 s19, $0x1F;
	s20 =	sshra.s32 s17, $0x1F  }
0x520: {  	s4 =	sshra.s32 s19, $0xB;
	v31 =	vmov s20;
	s24 =	sshra.s32 s22, $0xB;
	s20 =	sld [smem:$0x633]  }
0x521: {  	s18 =	sshrl.u32 s22, $0x1F;
	s19 =	sshra.s32 s22, $0x1F;
	s22 =	sld [smem:$0x635]  }
0x522: {  	v34 =	vsel vm15, s11, v16  }
0x523: {  	v36 =	vmov s13;
	v41 =	vsel vm7, s12, v34;
	s13 =	sshrl.u32 s21, $0x1F;
	s12 =	sshra.s32 s21, $0xB;
	s21 =	sld [smem:$0x636];
	v35 =	vsel vm3, s24, v31  }
0x524: {  	v33 =	vsel vm2, s8, v15;
	s8 =	sld [smem:$0x637];
	v38 =	vmov s18;
	v16 =	vsel vm9, s19, v35;
	s11 =	sshrl.u32 s20, $0x1F;
	s24 =	sshra.s32 s22, $0xB  }
0x525: {  	v15 =	vsel vm0, s16, v36;
	v17 =	vnsel vm3, $0x0, v38;
	s9 =	sshra.s32 s20, $0xB;
	s19 =	sshrl.u32 s22, $0x1F;
	s20 =	sshra.s32 s22, $0x1F;
	v16 =	vsel vm0, s24, v16  }
0x526: {  	v15 =	vsel vm1, s15, v15;
	s22 =	sshrl.u32 s21, $0x1F;
	s24 =	sshra.s32 s21, $0xB;
	v58 =	vsel vm0, s19, v17;
	s19 =	sld [smem:$0x638];
	v16 =	vsel vm10, s20, v16  }
0x527: {  	v36 =	vsel vm2, s10, v15;
	s16 =	sshra.s32 s21, $0x1F;
	v15 =	vsel vm1, s22, v58;
	s22 =	sld [smem:$0x639];
	v16 =	vsel vm1, s24, v16  }
0x528: {  	s18 =	sshra.s32 s8, $0xB;
	v16 =	vsel vm11, s16, v16  }
0x529: {  	s10 =	sshrl.u32 s8, $0x1F;
	s15 =	sshra.s32 s8, $0x1F;
	v16 =	vsel vm2, s18, v16;
	s18 =	sld [smem:$0x63A]  }
0x52a: {  	s20 =	sshrl.u32 s19, $0x1F;
	s21 =	sshra.s32 s19, $0xB;
	s24 =	sshrl.u32 s22, $0x1F  }
0x52b: {  	v20 =	vmov s5;
	v15 =	vsel vm2, s10, v15;
	s8 =	sshra.s32 s22, $0xB;
	s10 =	sshra.s32 s22, $0x1F;
	s22 =	sld [smem:$0x63C];
	v16 =	vsel vm12, s15, v16  }
0x52c: {  	v17 =	vsel vm0, s0, v20;
	s16 =	sshra.s32 s19, $0x1F;
	v16 =	vsel vm4, s21, v16;
	s21 =	sld [smem:$0x63B];
	s19 =	sshrl.u32 s18, $0x1F  }
0x52d: {  	v17 =	vsel vm1, s11, v17;
	v15 =	vsel vm4, s20, v15;
	s11 =	sshra.s32 s18, $0xB;
	s15 =	sshra.s32 s18, $0x1F;
	s18 =	sld [smem:$0x63D]  }
0x52e: {  	v21 =	vmov s6;
	v23 =	vmov s7;
	v15 =	vsel vm5, s24, v15;
	s24 =	sshrl.u32 s22, $0x1F;
	s5 =	sshra.s32 s22, $0xB;
	s22 =	sld [smem:$0x641]  }
0x52f: {  	v22 =	vsel vm0, s1, v21;
	v25 =	vsel vm0, s4, v23;
	v15 =	vsel vm6, s19, v15;
	s19 =	sld [smem:$0x63E]  }
0x530: {  	s14 =	sshra.s32 s17, $0xB;
	v29 =	vsel vm2, s13, v17;
	s20 =	sshrl.u32 s17, $0x1F;
	v16 =	vsel vm13, s16, v16;
	v26 =	vmov s24;
	s24 =	sld [smem:$0x642]  }
0x531: {  	v16 =	vsel vm5, s8, v16;
	s17 =	sshrl.u32 s21, $0x1F;
	s0 =	sshra.s32 s21, $0xB;
	v38 =	vsel vm7, s20, v15;
	v15 =	vsel vm1, s2, v22;
	s20 =	sld [smem:$0x63F]  }
0x532: {  	v16 =	vsel vm14, s10, v16;
	s21 =	sld [smem:$0x640];
	s13 =	sshrl.u32 s18, $0x1F;
	s1 =	sshra.s32 s18, $0xB;
	v32 =	vsel vm2, s3, v15;
	v15 =	vsel vm1, s9, v25  }
0x533: {  	v16 =	vsel vm6, s11, v16;
	s4 =	sshrl.u32 s22, $0x1F;
	s10 =	sshra.s32 s22, $0xB;
	v28 =	vsel vm2, s12, v15;
	s12 =	sld [smem:$0x643]  }
0x534: {  	s16 =	sshrl.u32 s19, $0x1F;
	s2 =	sshra.s32 s19, $0xB;
	v16 =	vsel vm15, s15, v16;
	s15 =	sld [smem:$0x644]  }
0x535: {  	(v2sf) =	vpush v14, $0xB;
	s9 =	sshrl.u32 s24, $0x1F;
	s6 =	sshra.s32 s24, $0xB;
	s24 =	sld [smem:$0x645]  }
0x536: {  	s7 =	sshrl.u32 s20, $0x1F;
	s8 =	sshra.s32 s20, $0xB;
	s3 =	sshrl.u32 s21, $0x1F  }
0x537: {  	v30 =	vsel vm0, s17, v26;
	s11 =	sshra.s32 s21, $0xB;
	s21 =	smov.u32 s30;
	s20 =	sshra.s32 s30, $0x1F  }
0x538: {  	v15 =	vsel vm1, s13, v30;
	v34 =	vsel vm7, s14, v16;
	v31 =	vmov s20;
	s20 =	sld [smem:$0x646];
	s14 =	sshrl.u32 s12, $0x1F;
	s18 =	sshra.s32 s12, $0xB  }
0x539: {  	v35 =	vsel vm2, s16, v15;
	v20 =	vmov s3;
	s22 =	sshra.s32 s12, $0x1F;
	s17 =	sshrl.u32 s15, $0x1F;
	s19 =	sshra.s32 s15, $0xB;
	v58 =	vmov s14  }
0x53a: {  	s12 =	sshra.s32 s15, $0x1F;
	s30 =	sshrl.u32 s24, $0x1F;
	s16 =	sshra.s32 s24, $0xB;
	v17 =	vsel vm0, s7, v20;
	v16 =	vsel vm3, s18, v31;
	v15 =	vnsel vm3, $0x0, v58  }
0x53b: {  	s3 =	sshra.s32 s24, $0x1F;
	s24 =	sld [smem:$0x647];
	v17 =	vsel vm1, s4, v17;
	s4 =	sshra.s32 s25, $0xB;
	v16 =	vsel vm9, s22, v16;
	v15 =	vsel vm0, s17, v15  }
0x53c: {  	v21 =	vmov s5;
	s22 =	sshrl.u32 s20, $0x1F;
	s18 =	sshra.s32 s20, $0xB;
	v16 =	vsel vm0, s19, v16;
	v15 =	vsel vm1, s30, v15;
	s30 =	sld [smem:$0x648]  }
0x53d: {  	s15 =	sshra.s32 s20, $0x1F;
	v30 =	vsel vm2, s9, v17;
	s9 =	sshra.s32 s28, $0xB;
	v17 =	vsel vm0, s0, v21;
	s0 =	sshra.s32 s23, $0xB;
	v16 =	vsel vm10, s12, v16  }
0x53e: {  	s17 =	sshrl.u32 s24, $0x1F;
	s19 =	sshra.s32 s24, $0xB;
	v15 =	vsel vm2, s22, v15;
	v16 =	vsel vm1, s16, v16;
	s22 =	sld [smem:$0x649]  }
0x53f: {  	(v2sf) =	vpush v14, $0x0;
	s7 =	sshra.s32 s24, $0x1F;
	v16 =	vsel vm11, s3, v16;
	s3 =	sshra.s32 s29, $0xB;
	s12 =	sshrl.u32 s30, $0x1F  }
0x540: {  	s14 =	sshra.s32 s30, $0xB;
	v16 =	vsel vm2, s18, v16;
	s18 =	sshrl.u32 s28, $0x1F;
	s28 =	rddreg [dreg:$0x1e]  }
0x541: {  	s13 =	sshra.s32 s30, $0x1F;
	s30 =	rddreg [dreg:$0x1d];
	s24 =	sshrl.u32 s22, $0x1F  }
0x542: {  	v15 =	vsel vm4, s17, v15;
	s20 =	sshra.s32 s22, $0xB;
	s17 =	sshra.s32 s22, $0x1F;
	s22 =	smov.u32 s21;
	v16 =	vsel vm12, s15, v16  }
0x543: {  	v22 =	vsel vm1, s1, v17;
	s21 =	sshrl.u32 s21, $0x1F;
	v15 =	vsel vm5, s12, v15;
	s12 =	sshrl.u32 s29, $0x1F;
	s15 =	sshrl.u32 s25, $0x1F;
	v16 =	vsel vm4, s19, v16  }
0x544: {  	(v2sf) =	vpush v14, $0x1;
	v27 =	vsel vm2, s2, v22;
	s29 =	rddreg [dreg:$0x1c];
	s2 =	sshra.s32 s30, $0xB;
	s25 =	spop (v2sf);
	v16 =	vsel vm13, s7, v16  }
0x545: {  	v23 =	vmov s11;
	s22 =	sshra.s32 s22, $0xB;
	v15 =	vsel vm6, s24, v15;
	s24 =	rddreg [dreg:$0x1f];
	s19 =	sshrl.u32 s23, $0x1F;
	v16 =	vsel vm5, s14, v16  }
0x546: {  	(v2sf) =	vpush v14, $0x2;
	v26 =	vsel vm0, s8, v23;
	s1 =	sshra.s32 s29, $0xB;
	s23 =	sshrl.u32 s30, $0x1F;
	s16 =	sshrl.u32 s24, $0x1F;
	v16 =	vsel vm14, s13, v16  }
0x547: {  	v58 =	vmov s18;
	s5 =	sshra.s32 s24, $0xB;
	v31 =	vsel vm7, s21, v15;
	s21 =	sshrl.u32 s28, $0x1F;
	s24 =	rddreg [dreg:$0x1b];
	v16 =	vsel vm6, s20, v16  }
0x548: {  	v17 =	vsel vm0, s12, v58;
	s7 =	sshra.s32 s28, $0xB;
	v15 =	vsel vm1, s10, v26;
	s28 =	rddreg [dreg:$0x1a];
	s10 =	sshra.s32 s25, $0x1F;
	v16 =	vsel vm15, s17, v16  }
0x549: {  	v19 =	vsel vm1, s15, v17;
	s14 =	sshrl.u32 s29, $0x1F;
	s8 =	sshrl.u32 s24, $0x1F;
	v25 =	vsel vm7, s22, v16;
	s22 =	sshra.s32 s26, $0x1F  }
0x54a: {  	s11 =	sshra.s32 s24, $0xB;
	s18 =	sshrl.u32 s28, $0x1F;
	s12 =	sshra.s32 s28, $0x1F;
	v23 =	vsel vm2, s6, v15;
	v22 =	vmov s8;
	v20 =	vmov s22  }
0x54b: {  	s29 =	rddreg [dreg:$0x18];
	v26 =	vsel vm2, s16, v19;
	s6 =	smulhi.u32 $0x14F8B589, s25;
	s13 =	sshra.s32 s24, $0x1F;
	v17 =	vnsel vm3, $0x0, v22;
	v15 =	vsel vm3, s11, v20  }
0x54c: {  	v21 =	vmov s21;
	s25 =	sshra.s32 s31, $0xB;
	s30 =	sshrl.u32 s29, $0x1F;
	s20 =	sshra.s32 s28, $0xB;
	v17 =	vsel vm0, s18, v17;
	v15 =	vsel vm9, s13, v15  }
0x54d: {  	s24 =	sshra.s32 s29, $0xB;
	s15 =	sshra.s32 s29, $0x1F;
	s28 =	rddreg [dreg:$0x17];
	v16 =	vsel vm0, s19, v21;
	v17 =	vsel vm1, s30, v17;
	v15 =	vsel vm0, s20, v15  }
0x54e: {  	s29 =	spop (v2sf);
	s16 =	sshrl.u32 s28, $0x1F;
	s8 =	sshra.s32 s28, $0xB;
	v21 =	vmov s9;
	v16 =	vsel vm1, s14, v16;
	v15 =	vsel vm10, s12, v15  }
0x54f: {  	s21 =	sshra.s32 s28, $0x1F;
	s30 =	rddreg [dreg:$0x16];
	s22 =	sshrl.u32 s31, $0x1F;
	v17 =	vsel vm2, s16, v17;
	v20 =	vsel vm2, s23, v16;
	v15 =	vsel vm1, s24, v15  }
0x550: {  	s18 =	sshra.s32 s31, $0x1F;
	s31 =	sshrl.u32 s30, $0x1F;
	v58 =	vsel vm4, s22, v17;
	v17 =	vsel vm0, s3, v21;
	s24 =	rddreg [dreg:$0x15];
	v15 =	vsel vm11, s15, v15  }
0x551: {  	s11 =	smulhi.u32 $0x14F8B589, s29;
	s13 =	sshra.s32 s29, $0x1F;
	v16 =	vsel vm5, s31, v58;
	v22 =	vsel vm1, s4, v17;
	s29 =	sshrl.u32 s24, $0x1F;
	v15 =	vsel vm2, s8, v15  }
0x552: {  	s31 =	sshrl.u32 s26, $0x1F;
	v19 =	vsel vm2, s5, v22;
	v16 =	vsel vm6, s29, v16;
	v15 =	vsel vm12, s21, v15  }
0x553: {  	s20 =	spop (v2sf);
	v22 =	vmov s7;
	s12 =	smul.u32 $0x14F8B589, s13;
	v21 =	vsel vm7, s31, v16;
	v15 =	vsel vm4, s25, v15  }
0x554: {  	s14 =	sshra.s32 s30, $0xB;
	s16 =	sshra.s32 s30, $0x1F;
	s13 =	smulhi.u32 $0x14F8B589, s20;
	v16 =	vsel vm0, s0, v22;
	v22 =	vcombine.low v18, v0;
	v0 =	vld [tilespmem:$0x1FD30];
	v15 =	vsel vm13, s18, v15  }
0x555: {  	s23 =	sshra.s32 s20, $0x1F;
	s30 =	spop (v2sf);
	s20 =	sshra.s32 s24, $0xB;
	v15 =	vsel vm5, s14, v15  }
0x556: {  	s8 =	sshra.s32 s30, $0x1F;
	s21 =	smulhi.u32 $0x14F8B589, s30;
	s30 =	rddreg [dreg:$0x14];
	v16 =	vsel vm1, s1, v16;
	v15 =	vsel vm14, s16, v15  }
0x557: {  	(v2sf) =	vpush v14, $0x3;
	s4 =	rddreg [dreg:$0x13];
	s9 =	sshra.s32 s24, $0x1F;
	s22 =	sshrl.u32 s30, $0x1F;
	v18 =	vsel vm2, s2, v16;
	v15 =	vsel vm6, s20, v15  }
0x558: {  	s17 =	sshra.s32 s26, $0xB;
	s19 =	sshrl.u32 s4, $0x1F;
	v16 =	vperm.xlane v24, v1;
	v24 =	vmov s22;
	v15 =	vsel vm15, s9, v15  }
0x559: {  	v0 =	vcombine.low v0, v48;
	v17 =	vsel vm7, s17, v15;
	v15 =	vsel vm0, s19, v24;
	v24 =	vld [tilespmem:$0x1FD40];
	_ =	sdelay $0x1  }
0x55a: {  	(v2sf) =	vpush v14, $0x4;
	v46 =	vperm.xlane v46, v1;
	v0 =	vperm.xlane v0, v60  }
0x55b: {  	v22 =	vperm.xlane v22, v60;
	v48 =	vld [tilespmem:$0x1FD60]  }
0x55c: {  	(v2sf) =	vpush v14, $0x5;
	v0 =	vsel vm8, v46, v0;
	v46 =	vld [tilespmem:$0x1FD50]  }
0x55d: {  	v16 =	vsel vm8, v16, v22;
	v22 =	vcombine.low v24, v49;
	v49 =	vld [tilespmem:$0x1FD70]  }
0x55e: {  	(v2sf) =	vpush v14, $0x6;
	v24 =	vld [tilespmem:$0x1FD80];
	_ =	sdelay $0x1  }
0x55f: {  	(v2sf) =	vpush v14, $0x7;
	v0 =	vadd.s32 v16, v0  }
0x560: {  	v0 =	vmul.u32 $0x61A8, v0;
	v16 =	vcombine.low v48, v46  }
0x561: {  	v46 =	vperm.xlane v22, v60;
	v48 =	vperm.xlane v49, v1  }
0x562: {  	s28 =	rddreg [dreg:$0xe];
	v22 =	vperm.xlane v24, v1;
	v24 =	vsub.s32 v2, v0;
	v0 =	vld [tilespmem:$0x1FD90]  }
0x563: {  	s10 =	smul.u32 $0x14F8B589, s10;
	s26 =	rddreg [dreg:$0x11];
	v2 =	vsel vm8, v48, v46;
	v48 =	vld [tilespmem:$0x1FDA0]  }
0x564: {  	s15 =	smul.u32 $0x14F8B589, s23;
	s29 =	rddreg [dreg:$0x10]  }
0x565: {  	v58 =	vld [tilespmem:$0x100];
	s5 =	sshrl.u32 s28, $0x1F;
	s31 =	rddreg [dreg:$0x12];
	s7 =	smul.u32 $0x14F8B589, s8  }
0x566: {  	s12 =	sadd.s32 s12, s11;
	s0 =	rddreg [dreg:$0xf];
	s18 =	spop (v2sf)  }
0x567: {  	s25 =	sshrl.u32 s29, $0x1F;
	s14 =	smulhi.u32 $0x14F8B589, s18;
	s24 =	sshra.s32 s18, $0x1F;
	v49 =	vld [tilespmem:$0x1FDC0]  }
0x568: {  	s1 =	sadd.s32 s10, s6;
	s10 =	smul.u32 $0x14F8B589, s24;
	s20 =	spop (v2sf);
	v16 =	vperm.xlane v16, v60;
	v46 =	vcombine.low v48, v0;
	v0 =	vld [tilespmem:$0x1FDB0]  }
0x569: {  	[smem:$0x64A] =	sst s25;
	s24 =	smulhi.u32 $0x14F8B589, s20;
	s6 =	sshra.s32 s20, $0x1F  }
0x56a: {  	s23 =	sshrl.u32 s31, $0x1F;
	(v2sf) =	vpush v58, $0xD;
	s25 =	spop (v2sf);
	s6 =	smul.u32 $0x14F8B589, s6;
	v16 =	vsel vm8, v22, v16  }
0x56b: {  	s3 =	sshrl.u32 s0, $0x1F;
	(v2sf) =	vpush v58, $0xC;
	s20 =	smulhi.u32 $0x14F8B589, s25;
	s9 =	sshra.s32 s25, $0x1F;
	v16 =	vadd.s32 v2, v16;
	v2 =	vld [tilespmem:$0x1FDD0]  }
0x56c: {  	s18 =	sadd.s32 s7, s21;
	s16 =	spop (v2sf);
	(v2sf) =	vpush v58, $0xE;
	s9 =	smul.u32 $0x14F8B589, s9  }
0x56d: {  	s17 =	sshrl.u32 s12, $0x1F;
	s19 =	sadd.s32 s15, s13;
	s7 =	smulhi.u32 $0x14F8B589, s16;
	(v2sf) =	vpush v58, $0xF;
	v22 =	vcombine.low v49, v0;
	v49 =	vld [tilespmem:$0x1FDE0]  }
0x56e: {  	s13 =	sshra.s32 s16, $0x1F;
	s16 =	sadd.s32 s10, s14;
	s25 =	spop (v2sf);
	v15 =	vsel vm1, s23, v15;
	(v2sf) =	vpush v58, $0x9  }
0x56f: {  	v39 =	vcombine.low v42, v39;
	s15 =	sadd.s32 s6, s24;
	s14 =	smulhi.u32 $0x14F8B589, s25;
	s24 =	sshra.s32 s25, $0x1F;
	v15 =	vsel vm2, s3, v15;
	(v2sf) =	vpush v58, $0x8  }
0x570: {  	s8 =	sshrl.u32 s26, $0x1F;
	s21 =	sshrl.u32 s18, $0x1F;
	s25 =	smul.u32 $0x14F8B589, s24;
	v48 =	vmov s5;
	v2 =	vperm.xlane v2, v1;
	v0 =	vmov s17  }
0x571: {  	s22 =	smul.u32 $0x14F8B589, s13;
	s13 =	sadd.s32 s9, s20;
	s20 =	sshrl.u32 s19, $0x1F;
	v46 =	vperm.xlane v46, v60;
	(v2sf) =	vpush v58, $0xA;
	v0 =	vnsel vm3, $0x0, v0  }
0x572: {  	s3 =	sshra.s32 s29, $0xB;
	s2 =	sadd.s32 s25, s14;
	s29 =	sld [smem:$0x64A];
	v22 =	vperm.xlane v22, v60;
	v0 =	vsel vm0, s20, v0;
	v49 =	vperm.xlane v49, v1  }
0x573: {  	s10 =	sadd.s32 s22, s7;
	s22 =	sshrl.u32 s16, $0x1F;
	v48 =	vsel vm0, s8, v48;
	v2 =	vsel vm8, v2, v46;
	s20 =	sshra.s32 s2, $0x1F;
	v0 =	vsel vm1, s21, v0  }
0x574: {  	s8 =	sshra.s32 s12, $0xB;
	v46 =	vld [tilespmem:$0x1FDF0];
	v0 =	vsel vm2, s22, v0;
	v22 =	vsel vm8, v49, v22;
	v49 =	vmov s20  }
0x575: {  	s23 =	sshrl.u32 s15, $0x1F;
	s12 =	sshra.s32 s12, $0x1F;
	v22 =	vadd.s32 v2, v22;
	v2 =	vsel vm1, s29, v48;
	v48 =	vld [tilespmem:$0x1FE00];
	v42 =	vsel vm3, s8, v49  }
0x576: {  	s24 =	sshrl.u32 s13, $0x1F;
	s21 =	sshra.s32 s19, $0xB;
	v0 =	vsel vm4, s23, v0;
	v42 =	vsel vm9, s12, v42  }
0x577: {  	s25 =	sshrl.u32 s10, $0x1F;
	s19 =	sshra.s32 s19, $0x1F;
	v0 =	vsel vm5, s24, v0;
	v42 =	vsel vm0, s21, v42  }
0x578: {  	s6 =	sshra.s32 s0, $0xB;
	s0 =	sshra.s32 s18, $0xB;
	s17 =	sshrl.u32 s2, $0x1F;
	v0 =	vsel vm6, s25, v0;
	v49 =	vsel vm10, s19, v42  }
0x579: {  	v42 =	vsel vm7, s17, v0;
	v0 =	vsel vm1, s0, v49;
	v49 =	vperm.xlane v39, v60;
	v39 =	vld [tilespmem:$0x1FE20]  }
0x57a: {  	v46 =	vcombine.low v48, v46;
	v48 =	vld [tilespmem:$0x1FE10];
	_ =	sdelay $0x3  }
0x57b: {  	v46 =	vperm.xlane v46, v60  }
0x57c: {  	v39 =	vperm.xlane v39, v1;
	v48 =	vperm.xlane v48, v1  }
0x57d: {  	v16 =	vmul.u32 $0x61A8, v16;
	v22 =	vmul.u32 $0x61A8, v22  }
0x57e: {  	v49 =	vsel vm8, v39, v49;
	v48 =	vsel vm8, v48, v46  }
0x57f: {  	v16 =	vsub.s32 v3, v16;
	v3 =	vsub.s32 v4, v22;
	v4 =	vadd.s32 v48, v49;
	v48 =	vld [tilespmem:$0x1FE30]  }
0x580: {  	v49 =	vld [tilespmem:$0x1FE40];
	_ =	sdelay $0x1  }
0x581: {  	s11 =	sshrl.u32 s1, $0x1F;
	s9 =	sshra.s32 s4, $0xB;
	s4 =	sshra.s32 s31, $0xB;
	(v2sf) =	vpush v58, $0xB  }
0x582: {  	s14 =	sshra.s32 s30, $0xB;
	s5 =	sshra.s32 s26, $0xB;
	s30 =	spop (v2sf)  }
0x583: {  	s26 =	smulhi.u32 $0x14F8B589, s30;
	s31 =	sshra.s32 s30, $0x1F;
	s22 =	sshra.s32 s18, $0x1F  }
0x584: {  	(v2sf) =	vpush v58, $0x0;
	s18 =	sshra.s32 s16, $0x1F;
	s23 =	sshra.s32 s16, $0xB;
	s16 =	spop (v2sf);
	v22 =	vcombine.low v49, v48;
	v48 =	vld [tilespmem:$0x1FE50]  }
0x585: {  	s7 =	sshra.s32 s28, $0xB;
	s28 =	smul.u32 $0x14F8B589, s31;
	s30 =	spop (v2sf)  }
0x586: {  	s1 =	sshra.s32 s1, $0xB;
	(v2sf) =	vpush v58, $0x1;
	s20 =	smulhi.u32 $0x14F8B589, s16;
	s31 =	spop (v2sf)  }
0x587: {  	s8 =	sshra.s32 s15, $0xB;
	s29 =	sshra.s32 s16, $0x1F;
	s25 =	smulhi.u32 $0x14F8B589, s31  }
0x588: {  	(v2sf) =	vpush v58, $0x2;
	s16 =	sshra.s32 s13, $0xB;
	v2 =	vsel vm2, s11, v2;
	s11 =	sshra.s32 s15, $0x1F;
	s24 =	smul.u32 $0x14F8B589, s29;
	v46 =	vmov s14;
	v49 =	vld [tilespmem:$0x1FE60]  }
0x589: {  	s12 =	sshra.s32 s30, $0x1F;
	s15 =	sshra.s32 s13, $0x1F;
	s21 =	smulhi.u32 $0x14F8B589, s30;
	v39 =	vsel vm0, s9, v46;
	v4 =	vmul.u32 $0x61A8, v4;
	v46 =	vcombine.low v43, v48  }
0x58a: {  	(v2sf) =	vpush v58, $0x3;
	s29 =	sshra.s32 s31, $0x1F;
	s30 =	spop (v2sf);
	s19 =	smul.u32 $0x14F8B589, s12  }
0x58b: {  	(v2sf) =	vpush v58, $0x4;
	s31 =	sshra.s32 s30, $0x1F;
	s0 =	sadd.s32 s28, s26;
	s26 =	smulhi.u32 $0x14F8B589, s30;
	v5 =	vsub.s32 v5, v4;
	v4 =	vperm.xlane v46, v60;
	v46 =	vld [tilespmem:$0x1FE70]  }
0x58c: {  	s13 =	sshra.s32 s10, $0xB;
	(v2sf) =	vpush v58, $0x5;
	s17 =	spop (v2sf);
	s28 =	smul.u32 $0x14F8B589, s31;
	v0 =	vsel vm11, s22, v0  }
0x58d: {  	s12 =	sshra.s32 s10, $0x1F;
	s22 =	smul.u32 $0x14F8B589, s29;
	s29 =	sshra.s32 s17, $0x1F;
	v0 =	vsel vm2, s23, v0;
	v22 =	vperm.xlane v22, v60;
	v48 =	vperm.xlane v49, v1  }
0x58e: {  	s10 =	sshra.s32 s2, $0xB;
	s30 =	smul.u32 $0x14F8B589, s29;
	s31 =	spop (v2sf);
	v0 =	vsel vm12, s18, v0;
	v49 =	vld [tilespmem:$0x1FE90]  }
0x58f: {  	s2 =	sadd.s32 s24, s20;
	(v2sf) =	vpush v58, $0x6;
	s18 =	smulhi.u32 $0x14F8B589, s31;
	s23 =	sshra.s32 s31, $0x1F;
	v39 =	vsel vm1, s4, v39;
	v22 =	vsel vm8, v48, v22;
	v48 =	vld [tilespmem:$0x1FEA0]  }
0x590: {  	s24 =	spop (v2sf);
	s14 =	sshrl.u32 s0, $0x1F;
	s9 =	smulhi.u32 $0x14F8B589, s17;
	v43 =	vsel vm2, s6, v39;
	v39 =	vperm.xlane v46, v1;
	v46 =	vld [tilespmem:$0x1FE80]  }
0x591: {  	s0 =	sshra.s32 s0, $0xB;
	s4 =	sadd.s32 s19, s21;
	s19 =	smul.u32 $0x14F8B589, s23  }
0x592: {  	(v2sf) =	vpush v58, $0x7;
	s17 =	sshrl.u32 s2, $0x1F;
	s23 =	smulhi.u32 $0x14F8B589, s24;
	s21 =	sshra.s32 s24, $0x1F  }
0x593: {  	s21 =	smul.u32 $0x14F8B589, s21;
	s6 =	sadd.s32 s22, s25;
	s25 =	spop (v2sf)  }
0x594: {  	v0 =	vsel vm4, s8, v0;
	s8 =	sshrl.u32 s4, $0x1F;
	s24 =	smulhi.u32 $0x14F8B589, s25;
	s22 =	sshra.s32 s25, $0x1F;
	v4 =	vsel vm8, v39, v4  }
0x595: {  	s22 =	smul.u32 $0x14F8B589, s22;
	v39 =	vcombine.low v44, v48;
	v48 =	vld [tilespmem:$0x1FEB0];
	v46 =	vcombine.low v49, v46;
	v49 =	vmov s7;
	s7 =	sadd.s32 s28, s26;
	s28 =	spop (v2sf)  }
0x596: {  	v45 =	vcombine.low v53, v45;
	v0 =	vsel vm13, s11, v0;
	s9 =	sadd.s32 s30, s9;
	s26 =	smulhi.u32 $0x14F8B589, s28;
	s29 =	sshra.s32 s28, $0x1F  }
0x597: {  	v0 =	vsel vm5, s16, v0;
	s16 =	sshrl.u32 s9, $0x1F;
	s30 =	spop (v2sf);
	v44 =	vperm.xlane v46, v60;
	v46 =	vsel vm0, s5, v49;
	s20 =	smul.u32 $0x14F8B589, s29;
	v49 =	vld [tilespmem:$0x1FEC0]  }
0x598: {  	v55 =	vcombine.low v55, v54;
	v0 =	vsel vm14, s15, v0;
	s15 =	sadd.s32 s19, s18;
	v22 =	vadd.s32 v22, v4;
	v4 =	vld [tilespmem:$0x110];
	s28 =	smulhi.u32 $0x14F8B589, s30;
	s31 =	sshra.s32 s30, $0x1F  }
0x599: {  	v53 =	vperm.xlane v51, v1;
	v51 =	vcombine.low v57, v56;
	v0 =	vsel vm6, s13, v0;
	s13 =	sadd.s32 s21, s23;
	s18 =	spop (v2sf);
	s19 =	smul.u32 $0x14F8B589, s31  }
0x59a: {  	v56 =	vperm.xlane v59, v1;
	s11 =	sshrl.u32 s6, $0x1F;
	v48 =	vperm.xlane v48, v1;
	v46 =	vsel vm1, s3, v46;
	s25 =	smulhi.u32 $0x14F8B589, s18;
	s3 =	sshra.s32 s18, $0x1F  }
0x59b: {  	v57 =	vcombine.low v63, v62;
	v0 =	vsel vm15, s12, v0;
	v39 =	vperm.xlane v39, v60;
	s5 =	sshrl.u32 s7, $0x1F;
	s23 =	spop (v2sf);
	s21 =	smul.u32 $0x14F8B589, s3  }
0x59c: {  	v48 =	vsel vm8, v48, v44;
	v44 =	vsel vm2, s1, v46;
	s1 =	sshrl.u32 s15, $0x1F;
	s12 =	smulhi.u32 $0x14F8B589, s23;
	s29 =	spop (v2sf);
	v49 =	vperm.xlane v49, v1  }
0x59d: {  	(v2sf) =	vpush v4, $0xD;
	v46 =	vperm.xlane v45, v60;
	s3 =	sshrl.u32 s13, $0x1F;
	s18 =	sshra.s32 s23, $0x1F;
	v45 =	vsel vm7, s10, v0;
	s10 =	smulhi.u32 $0x14F8B589, s29  }
0x59e: {  	(v2sf) =	vpush v4, $0xC;
	s31 =	spop (v2sf);
	v39 =	vsel vm8, v49, v39;
	v49 =	vmov s17;
	s17 =	sadd.s32 s22, s24;
	s22 =	smul.u32 $0x14F8B589, s18  }
0x59f: {  	v63 =	vperm.xlane v57, v60;
	v47 =	vperm.xlane v47, v1;
	s30 =	sshra.s32 s29, $0x1F;
	(v2sf) =	vpush v4, $0xE;
	s18 =	sadd.s32 s20, s26;
	s26 =	smulhi.u32 $0x14F8B589, s31  }
0x5a0: {  	v22 =	vmul.u32 $0x61A8, v22;
	(v2sf) =	vpush v4, $0xF;
	s20 =	sadd.s32 s19, s28;
	s24 =	sshra.s32 s31, $0x1F;
	v0 =	vsel vm0, s14, v49;
	s14 =	smul.u32 $0x14F8B589, s30  }
0x5a1: {  	v33 =	vcombine.low v33, v40;
	v29 =	vcombine.low v29, v36;
	(v2sf) =	vpush v4, $0x9;
	s19 =	sadd.s32 s21, s25;
	s28 =	spop (v2sf);
	s24 =	smul.u32 $0x14F8B589, s24  }
0x5a2: {  	v54 =	vmov s16;
	v6 =	vsub.s32 v6, v22;
	(v2sf) =	vpush v4, $0x8;
	s23 =	sshrl.u32 s17, $0x1F;
	s29 =	smulhi.u32 $0x14F8B589, s28;
	s30 =	sshra.s32 s28, $0x1F  }
0x5a3: {  	(v2sf) =	vpush v4, $0xA;
	v39 =	vadd.s32 v48, v39;
	v48 =	vperm.xlane v52, v1;
	s31 =	sshrl.u32 s18, $0x1F;
	s28 =	sshrl.u32 s20, $0x1F;
	s25 =	sshra.s32 s17, $0xB  }
0x5a4: {  	v52 =	vperm.xlane v55, v60;
	(v2sf) =	vpush v4, $0xB;
	s21 =	sadd.s32 s22, s12;
	s22 =	smul.u32 $0x14F8B589, s30;
	v0 =	vsel vm1, s8, v0;
	s8 =	sshra.s32 s9, $0xB  }
0x5a5: {  	v22 =	vmul.u32 $0x61A8, v39;
	v55 =	vmov s23;
	s30 =	sshra.s32 s17, $0x1F;
	s9 =	sshra.s32 s19, $0xB;
	v39 =	vsel vm8, v48, v46;
	s10 =	sadd.s32 s14, s10  }
0x5a6: {  	v46 =	vsel vm8, v53, v52;
	s14 =	sadd.s32 s24, s26;
	s24 =	sshrl.u32 s19, $0x1F;
	v53 =	vcombine.low v37, v50;
	v37 =	vsel vm2, s11, v0;
	s11 =	sshrl.u32 s21, $0x1F  }
0x5a7: {  	(v2sf) =	vpush v4, $0x0;
	v48 =	vperm.xlane v51, v60;
	v52 =	vperm.xlane v61, v1;
	s26 =	sshra.s32 s2, $0xB;
	s2 =	sshra.s32 s4, $0xB;
	s4 =	sshra.s32 s6, $0xB  }
0x5a8: {  	v57 =	vnsel vm3, $0x0, v55;
	s6 =	sshra.s32 s15, $0xB;
	s17 =	sshra.s32 s21, $0x1F;
	(v2sf) =	vpush v4, $0x1;
	v8 =	vsub.s32 v8, v22;
	s12 =	sadd.s32 s22, s29  }
0x5a9: {  	v59 =	vadd.s32 v39, v46;
	s22 =	sshrl.u32 s10, $0x1F;
	s16 =	sshrl.u32 s14, $0x1F;
	v46 =	vsel vm0, s5, v54;
	v40 =	vsel vm0, s31, v57;
	s5 =	sshra.s32 s13, $0xB  }
0x5aa: {  	s31 =	sshra.s32 s18, $0xB;
	s18 =	sshra.s32 s18, $0x1F;
	s15 =	sshra.s32 s10, $0x1F;
	v62 =	vsel vm8, v56, v48;
	v0 =	vsel vm8, v52, v63;
	v61 =	vsel vm1, s28, v40  }
0x5ab: {  	s23 =	sshrl.u32 s12, $0x1F;
	s29 =	sshra.s32 s12, $0x1F;
	v0 =	vadd.s32 v62, v0;
	v62 =	vsel vm1, s1, v46;
	v63 =	vsel vm2, s24, v61;
	s1 =	sshra.s32 s20, $0xB  }
0x5ac: {  	v22 =	vmul.u32 $0x61A8, v59;
	v59 =	vperm.xlane v33, v60;
	s24 =	sshra.s32 s20, $0x1F;
	s20 =	sshra.s32 s19, $0x1F;
	v48 =	vsel vm4, s11, v63;
	s11 =	spop (v2sf)  }
0x5ad: {  	s19 =	sshra.s32 s21, $0xB;
	v50 =	vmov s29;
	v33 =	vsel vm2, s3, v62;
	v49 =	vsel vm5, s22, v48;
	s21 =	smulhi.u32 $0x14F8B589, s11;
	s3 =	sshra.s32 s11, $0x1F  }
0x5ae: {  	v40 =	vsel vm3, s25, v50;
	v36 =	vsel vm6, s16, v49;
	s16 =	sshra.s32 s10, $0xB;
	(v2sf) =	vpush v4, $0x2;
	s22 =	spop (v2sf);
	s3 =	smul.u32 $0x14F8B589, s3  }
0x5af: {  	v51 =	vperm.xlane v29, v60;
	v52 =	vsel vm9, s30, v40;
	(v2sf) =	vpush v4, $0x3;
	s13 =	smulhi.u32 $0x14F8B589, s22;
	s11 =	sshra.s32 s22, $0x1F;
	s29 =	spop (v2sf)  }
0x5b0: {  	s10 =	sshra.s32 s14, $0xB;
	v29 =	vsel vm7, s23, v36;
	v36 =	vsel vm0, s31, v52;
	(v2sf) =	vpush v4, $0x4;
	s22 =	smul.u32 $0x14F8B589, s11;
	s31 =	spop (v2sf)  }
0x5b1: {  	v41 =	vperm.xlane v41, v1;
	v54 =	vsel vm10, s18, v36;
	s23 =	smulhi.u32 $0x14F8B589, s29;
	s30 =	sshra.s32 s29, $0x1F;
	(v2sf) =	vpush v4, $0x5;
	s18 =	spop (v2sf)  }
0x5b2: {  	v38 =	vperm.xlane v38, v1;
	v28 =	vcombine.low v28, v32;
	s11 =	sshra.s32 s14, $0x1F;
	s14 =	smul.u32 $0x14F8B589, s30;
	s29 =	spop (v2sf);
	(v2sf) =	vpush v4, $0x6  }
0x5b3: {  	v34 =	vperm.xlane v34, v1;
	v56 =	vperm.xlane v53, v60;
	s25 =	smulhi.u32 $0x14F8B589, s31;
	s28 =	sshra.s32 s31, $0x1F;
	s31 =	spop (v2sf);
	(v2sf) =	vpush v4, $0x7  }
0x5b4: {  	s7 =	sshra.s32 s7, $0xB;
	v57 =	vperm.xlane v28, v60;
	v53 =	vmov s26;
	s12 =	sshra.s32 s12, $0xB;
	v0 =	vmul.u32 $0x61A8, v0;
	s30 =	smul.u32 $0x14F8B589, s28  }
0x5b5: {  	v55 =	vsel vm0, s0, v53;
	v39 =	vsel vm8, v47, v56;
	v56 =	vsel vm8, v41, v59;
	s0 =	sadd.s32 s3, s21;
	s21 =	smulhi.u32 $0x14F8B589, s18;
	s18 =	sshra.s32 s18, $0x1F  }
0x5b6: {  	v28 =	vsub.s32 v7, v22;
	v7 =	vsub.s32 v9, v0;
	v0 =	vadd.s32 v39, v56;
	s3 =	sadd.s32 s22, s13;
	s13 =	sshrl.u32 s0, $0x1F;
	s22 =	smul.u32 $0x14F8B589, s18  }
0x5b7: {  	v30 =	vcombine.low v30, v35;
	v0 =	vmul.u32 $0x61A8, v0;
	v32 =	vsel vm1, s1, v54;
	s1 =	sadd.s32 s14, s23;
	s23 =	smulhi.u32 $0x14F8B589, s29;
	s29 =	sshra.s32 s29, $0x1F  }
0x5b8: {  	v34 =	vsel vm8, v34, v57;
	v59 =	vsel vm8, v38, v51;
	v32 =	vsel vm11, s24, v32;
	s0 =	sshra.s32 s0, $0xB;
	s18 =	sshrl.u32 s3, $0x1F;
	s26 =	smul.u32 $0x14F8B589, s29  }
0x5b9: {  	v61 =	vsel vm1, s2, v55;
	v9 =	vsub.s32 v10, v0;
	v32 =	vsel vm2, s9, v32;
	s2 =	sadd.s32 s30, s25;
	s24 =	smulhi.u32 $0x14F8B589, s31;
	s30 =	sshra.s32 s31, $0x1F  }
0x5ba: {  	v0 =	vadd.s32 v59, v34;
	v34 =	vsel vm2, s4, v61;
	v35 =	vsel vm12, s20, v32;
	s31 =	spop (v2sf);
	s20 =	smul.u32 $0x14F8B589, s30;
	s4 =	sadd.s32 s22, s21  }
0x5bb: {  	s21 =	smulhi.u32 $0x14F8B589, s31;
	s25 =	sshra.s32 s31, $0x1F;
	s28 =	spop (v2sf)  }
0x5bc: {  	v62 =	vcombine.low v23, v27;
	s3 =	sshra.s32 s3, $0xB;
	v27 =	vsel vm4, s19, v35;
	s19 =	smul.u32 $0x14F8B589, s25;
	s29 =	spop (v2sf)  }
0x5bd: {  	v38 =	vmov s8;
	s9 =	sshrl.u32 s1, $0x1F;
	v27 =	vsel vm13, s17, v27;
	s17 =	smulhi.u32 $0x14F8B589, s28;
	s30 =	spop (v2sf)  }
0x5be: {  	v39 =	vsel vm0, s7, v38;
	s22 =	sshra.s32 s28, $0x1F;
	s7 =	sadd.s32 s26, s23;
	s26 =	spop (v2sf)  }
0x5bf: {  	v25 =	vperm.xlane v25, v1;
	v41 =	vsel vm1, s6, v39;
	v10 =	vperm.xlane v62, v60;
	s22 =	smul.u32 $0x14F8B589, s22;
	s6 =	sadd.s32 s20, s24;
	s24 =	spop (v2sf)  }
0x5c0: {  	v46 =	vsel vm5, s16, v27;
	s16 =	smulhi.u32 $0x14F8B589, s29;
	s25 =	sshra.s32 s29, $0x1F;
	s23 =	spop (v2sf)  }
0x5c1: {  	v18 =	vcombine.low v18, v19;
	v10 =	vsel vm8, v25, v10;
	s14 =	sshrl.u32 s2, $0x1F;
	v25 =	vsel vm14, s15, v46;
	s31 =	smul.u32 $0x14F8B589, s25;
	s15 =	spop (v2sf)  }
0x5c2: {  	v20 =	vcombine.low v20, v26;
	s25 =	smulhi.u32 $0x14F8B589, s30;
	s28 =	sshra.s32 s30, $0x1F;
	s30 =	spop (v2sf)  }
0x5c3: {  	v21 =	vperm.xlane v21, v1;
	v18 =	vperm.xlane v18, v60;
	v49 =	vsel vm6, s10, v25;
	s16 =	sadd.s32 s31, s16;
	s31 =	smulhi.u32 $0x14F8B589, s30;
	s10 =	sshra.s32 s30, $0x1F  }
0x5c4: {  	v17 =	vperm.xlane v17, v1;
	v40 =	vperm.xlane v20, v60;
	v20 =	vsel vm2, s5, v41;
	s8 =	sshrl.u32 s4, $0x1F;
	s5 =	sadd.s32 s19, s21;
	s10 =	smul.u32 $0x14F8B589, s10  }
0x5c5: {  	v63 =	vperm.xlane v30, v60;
	v36 =	vperm.xlane v31, v1;
	s17 =	sadd.s32 s22, s17;
	v53 =	vsel vm15, s11, v49;
	s11 =	sshrl.u32 s7, $0x1F;
	s29 =	smul.u32 $0x14F8B589, s28  }
0x5c6: {  	v17 =	vsel vm8, v17, v18;
	v15 =	vcombine.low v2, v15;
	v0 =	vmul.u32 $0x61A8, v0;
	s21 =	smulhi.u32 $0x14F8B589, s26;
	s28 =	sshra.s32 s26, $0x1F;
	s10 =	sadd.s32 s10, s31  }
0x5c7: {  	v22 =	vsel vm8, v36, v63;
	v56 =	vcombine.low v20, v34;
	v57 =	vmov s18;
	s18 =	sshrl.u32 s16, $0x1F;
	s22 =	smul.u32 $0x14F8B589, s28;
	s30 =	sshra.s32 s10, $0x1F  }
0x5c8: {  	v22 =	vadd.s32 v22, v10;
	v19 =	vsel vm0, s13, v57;
	s13 =	smulhi.u32 $0x14F8B589, s24;
	s24 =	sshra.s32 s24, $0x1F;
	s31 =	sshra.s32 s17, $0xB;
	v59 =	vmov s30  }
0x5c9: {  	v47 =	vsub.s32 v11, v0;
	v0 =	vmul.u32 $0x61A8, v22;
	s19 =	sadd.s32 s29, s25;
	s29 =	sshrl.u32 s17, $0x1F;
	s17 =	sshra.s32 s17, $0x1F;
	v20 =	vsel vm3, s31, v59  }
0x5ca: {  	v48 =	vsel vm8, v21, v40;
	v61 =	vperm.xlane v29, v1;
	s28 =	sshra.s32 s16, $0xB;
	s16 =	sshra.s32 s16, $0x1F;
	s24 =	smul.u32 $0x14F8B589, s24;
	v20 =	vsel vm9, s17, v20  }
0x5cb: {  	v2 =	vsub.s32 v13, v0;
	s25 =	sshrl.u32 s6, $0x1F;
	s26 =	smulhi.u32 $0x14F8B589, s23;
	s23 =	sshra.s32 s23, $0x1F;
	v62 =	vmov s29;
	v20 =	vsel vm0, s28, v20  }
0x5cc: {  	v0 =	vadd.s32 v48, v17;
	s21 =	sadd.s32 s22, s21;
	s23 =	smul.u32 $0x14F8B589, s23;
	v22 =	vnsel vm3, $0x0, v62;
	s31 =	sshra.s32 s19, $0xB;
	v20 =	vsel vm10, s16, v20  }
0x5cd: {  	v19 =	vsel vm1, s9, v19;
	s22 =	sshrl.u32 s19, $0x1F;
	s29 =	sshrl.u32 s21, $0x1F;
	v22 =	vsel vm0, s18, v22;
	s19 =	sshra.s32 s19, $0x1F;
	v20 =	vsel vm1, s31, v20  }
0x5ce: {  	v63 =	vmov s11;
	v22 =	vsel vm1, s22, v22;
	s17 =	sadd.s32 s24, s13;
	s24 =	sadd.s32 s23, s26;
	s26 =	sshra.s32 s21, $0xB;
	v20 =	vsel vm11, s19, v20  }
0x5cf: {  	v23 =	vsel vm0, s8, v63;
	v22 =	vsel vm2, s29, v22;
	s29 =	sshra.s32 s21, $0x1F;
	s30 =	smulhi.u32 $0x14F8B589, s15;
	s15 =	sshra.s32 s15, $0x1F;
	v20 =	vsel vm2, s26, v20  }
0x5d0: {  	v17 =	vsel vm7, s12, v53;
	s12 =	sshrl.u32 s5, $0x1F;
	v23 =	vsel vm1, s25, v23;
	s18 =	smul.u32 $0x14F8B589, s15;
	s31 =	sshra.s32 s17, $0xB;
	v20 =	vsel vm12, s29, v20  }
0x5d1: {  	v19 =	vsel vm2, s14, v19;
	s14 =	sshra.s32 s4, $0xB;
	s7 =	sshra.s32 s7, $0xB;
	v23 =	vsel vm2, s12, v23;
	s12 =	sshra.s32 s17, $0x1F;
	v20 =	vsel vm4, s31, v20  }
0x5d2: {  	v25 =	vmov s3;
	v26 =	vmov s7;
	s22 =	sshrl.u32 s17, $0x1F;
	s13 =	sadd.s32 s18, s30;
	s15 =	sshra.s32 s24, $0xB;
	v20 =	vsel vm13, s12, v20  }
0x5d3: {  	[tilespmem:$0x250] =	vst v3;
	v3 =	vsel vm0, s0, v25;
	v27 =	vsel vm0, s14, v26;
	s18 =	sshra.s32 s24, $0x1F;
	s16 =	sshra.s32 s1, $0xB;
	s17 =	sshra.s32 s6, $0xB;
	v20 =	vsel vm5, s15, v20  }
0x5d4: {  	s20 =	sshra.s32 s5, $0xB;
	s21 =	sshra.s32 s13, $0xB;
	v3 =	vsel vm1, s16, v3;
	s19 =	sshra.s32 s2, $0xB;
	v29 =	vsel vm1, s17, v27;
	v30 =	vsel vm14, s18, v20  }
0x5d5: {  	[tilespmem:$0x260] =	vst v5;
	s23 =	sshra.s32 s13, $0x1F;
	v3 =	vsel vm2, s19, v3;
	v5 =	vsel vm2, s20, v29;
	v31 =	vsel vm6, s21, v30  }
0x5d6: {  	v55 =	vcombine.low v33, v37;
	s28 =	sshrl.u32 s24, $0x1F;
	s24 =	sshra.s32 s10, $0xB;
	v3 =	vcombine.low v5, v3;
	v33 =	vsel vm15, s23, v31  }
0x5d7: {  	v5 =	vsel vm7, s24, v33  }
0x5d8: {  	v3 =	vperm.xlane v3, v60;
	v5 =	vperm.xlane v5, v1;
	_ =	sdelay $0x1  }
0x5d9: {  	v3 =	vsel vm8, v5, v3;
	v5 =	vld [tilespmem:$0x120];
	_ =	sdelay $0x4  }
0x5da: {  	(v2sf) =	vpush v5, $0xD;
	_ =	sdelay $0x1  }
0x5db: {  	(v2sf) =	vpush v5, $0xC;
	_ =	sdelay $0x1  }
0x5dc: {  	(v2sf) =	vpush v5, $0xE;
	_ =	sdelay $0x1  }
0x5dd: {  	(v2sf) =	vpush v5, $0xF;
	_ =	sdelay $0x1  }
0x5de: {  	(v2sf) =	vpush v5, $0x9;
	_ =	sdelay $0x1  }
0x5df: {  	(v2sf) =	vpush v5, $0x8;
	_ =	sdelay $0x1  }
0x5e0: {  	(v2sf) =	vpush v5, $0xA;
	_ =	sdelay $0x1  }
0x5e1: {  	(v2sf) =	vpush v5, $0xB  }
0x5e2: {  	s25 =	spop (v2sf)  }
0x5e3: {  	v22 =	vsel vm4, s22, v22;
	(v2sf) =	vpush v5, $0x0;
	s26 =	smulhi.u32 $0x14F8B589, s25;
	s0 =	sshra.s32 s25, $0x1F  }
0x5e4: {  	v50 =	vcombine.low v44, v43;
	v51 =	vperm.xlane v15, v60;
	v22 =	vsel vm5, s28, v22;
	s28 =	spop (v2sf);
	s15 =	smul.u32 $0x14F8B589, s0  }
0x5e5: {  	v52 =	vperm.xlane v42, v1;
	v15 =	vperm.xlane v55, v60;
	(v2sf) =	vpush v5, $0x1;
	s14 =	smulhi.u32 $0x14F8B589, s28;
	s0 =	sshra.s32 s28, $0x1F  }
0x5e6: {  	v54 =	vperm.xlane v45, v1;
	v11 =	vperm.xlane v50, v60;
	s29 =	spop (v2sf);
	s17 =	smul.u32 $0x14F8B589, s0  }
0x5e7: {  	v36 =	vsel vm8, v61, v15;
	v18 =	vperm.xlane v56, v60;
	s30 =	sshrl.u32 s13, $0x1F;
	(v2sf) =	vpush v5, $0x2;
	s16 =	smulhi.u32 $0x14F8B589, s29;
	s0 =	sshra.s32 s29, $0x1F  }
0x5e8: {  	v11 =	vsel vm8, v54, v11;
	v17 =	vperm.xlane v17, v1;
	v22 =	vsel vm6, s30, v22;
	s30 =	spop (v2sf);
	s19 =	smul.u32 $0x14F8B589, s0  }
0x5e9: {  	v13 =	vsel vm8, v52, v51;
	v0 =	vmul.u32 $0x61A8, v0;
	(v2sf) =	vpush v5, $0x3;
	s18 =	smulhi.u32 $0x14F8B589, s30;
	s0 =	sshra.s32 s30, $0x1F  }
0x5ea: {  	[tilespmem:$0x2A0] =	vst v7;
	v35 =	vadd.s32 v13, v11;
	v37 =	vsel vm8, v17, v18;
	s31 =	spop (v2sf);
	(v2sf) =	vpush v5, $0x4;
	s21 =	smul.u32 $0x14F8B589, s0  }
0x5eb: {  	[tilespmem:$0x2B0] =	vst v9;
	v7 =	vmul.u32 $0x61A8, v35;
	v9 =	vadd.s32 v36, v37;
	s20 =	smulhi.u32 $0x14F8B589, s31;
	s0 =	sshra.s32 s31, $0x1F  }
0x5ec: {  	[tilespmem:$0x2D0] =	vst v2;
	v0 =	vsub.s32 v12, v0;
	v2 =	vmul.u32 $0x61A8, v9;
	s22 =	sshrl.u32 s10, $0x1F;
	s1 =	spop (v2sf);
	s23 =	smul.u32 $0x14F8B589, s0  }
0x5ed: {  	[tilespmem:$0x2E0] =	vst v0;
	v0 =	vsub.s32 v14, v7;
	v32 =	vsel vm7, s22, v22;
	(v2sf) =	vpush v5, $0x5;
	s22 =	smulhi.u32 $0x14F8B589, s1;
	s0 =	sshra.s32 s1, $0x1F  }
0x5ee: {  	[tilespmem:$0x2F0] =	vst v0;
	v0 =	vsub.s32 v58, v2;
	v2 =	vld [tilespmem:$0x130];
	s2 =	spop (v2sf);
	s25 =	smul.u32 $0x14F8B589, s0  }
0x5ef: {  	(v2sf) =	vpush v5, $0x6;
	s24 =	smulhi.u32 $0x14F8B589, s2;
	s0 =	sshra.s32 s2, $0x1F  }
0x5f0: {  	s3 =	spop (v2sf);
	(v2sf) =	vpush v5, $0x7;
	s28 =	smul.u32 $0x14F8B589, s0  }
0x5f1: {  	[smem:$0x64B] =	sst s26;
	s26 =	smulhi.u32 $0x14F8B589, s3;
	s0 =	sshra.s32 s3, $0x1F  }
0x5f2: {  	s30 =	smul.u32 $0x14F8B589, s0;
	s4 =	spop (v2sf)  }
0x5f3: {  	(v2sf) =	vpush v2, $0xD;
	s29 =	smulhi.u32 $0x14F8B589, s4;
	s0 =	sshra.s32 s4, $0x1F  }
0x5f4: {  	s5 =	spop (v2sf);
	s10 =	smul.u32 $0x14F8B589, s0  }
0x5f5: {  	(v2sf) =	vpush v2, $0xC;
	s31 =	smulhi.u32 $0x14F8B589, s5;
	s0 =	sshra.s32 s5, $0x1F  }
0x5f6: {  	s6 =	spop (v2sf);
	s3 =	smul.u32 $0x14F8B589, s0  }
0x5f7: {  	(v2sf) =	vpush v2, $0xE;
	s7 =	smulhi.u32 $0x14F8B589, s6;
	s0 =	sshra.s32 s6, $0x1F  }
0x5f8: {  	s8 =	spop (v2sf);
	s2 =	smul.u32 $0x14F8B589, s0  }
0x5f9: {  	s9 =	smulhi.u32 $0x14F8B589, s8;
	s0 =	sshra.s32 s8, $0x1F;
	s11 =	spop (v2sf)  }
0x5fa: {  	(v2sf) =	vpush v2, $0xF;
	[smem:$0x64C] =	sst s7;
	s7 =	smul.u32 $0x14F8B589, s0  }
0x5fb: {  	s12 =	smulhi.u32 $0x14F8B589, s11;
	s0 =	sshra.s32 s11, $0x1F  }
0x5fc: {  	(v2sf) =	vpush v2, $0x9;
	s13 =	spop (v2sf);
	s1 =	smul.u32 $0x14F8B589, s0  }
0x5fd: {  	[smem:$0x64D] =	sst s9;
	s5 =	smulhi.u32 $0x14F8B589, s13;
	s0 =	sshra.s32 s13, $0x1F  }
0x5fe: {  	s6 =	spop (v2sf);
	s8 =	smul.u32 $0x14F8B589, s0  }
0x5ff: {  	s9 =	smulhi.u32 $0x14F8B589, s6;
	s0 =	sshra.s32 s6, $0x1F;
	s11 =	spop (v2sf)  }
0x600: {  	[smem:$0x64F] =	sst s5;
	s5 =	smul.u32 $0x14F8B589, s0  }
0x601: {  	(v2sf) =	vpush v2, $0x8;
	[smem:$0x64E] =	sst s12;
	s12 =	smulhi.u32 $0x14F8B589, s11;
	s0 =	sshra.s32 s11, $0x1F  }
0x602: {  	(v2sf) =	vpush v2, $0xA;
	s4 =	smul.u32 $0x14F8B589, s0;
	s13 =	spop (v2sf)  }
0x603: {  	[smem:$0x650] =	sst s9;
	s9 =	smulhi.u32 $0x14F8B589, s13;
	s0 =	sshra.s32 s13, $0x1F  }
0x604: {  	s11 =	spop (v2sf);
	s0 =	smul.u32 $0x14F8B589, s0  }
0x605: {  	[smem:$0x651] =	sst s12;
	s12 =	smulhi.u32 $0x14F8B589, s11  }
0x606: {  	s13 =	spop (v2sf);
	[smem:$0x653] =	sst s0;
	s0 =	sshra.s32 s11, $0x1F  }
0x607: {  	(v2sf) =	vpush v2, $0xB;
	[smem:$0x652] =	sst s9;
	s0 =	smul.u32 $0x14F8B589, s0  }
0x608: {  	(v2sf) =	vpush v2, $0x0;
	s9 =	smulhi.u32 $0x14F8B589, s13;
	[smem:$0x654] =	sst s12  }
0x609: {  	s11 =	spop (v2sf);
	[smem:$0x655] =	sst s0;
	s0 =	sshra.s32 s13, $0x1F  }
0x60a: {  	[smem:$0x656] =	sst s9;
	s0 =	smul.u32 $0x14F8B589, s0  }
0x60b: {  	(v2sf) =	vpush v2, $0x1;
	s12 =	smulhi.u32 $0x14F8B589, s11;
	s13 =	spop (v2sf)  }
0x60c: {  	s9 =	smulhi.u32 $0x14F8B589, s13;
	[smem:$0x657] =	sst s0;
	s0 =	sshra.s32 s11, $0x1F  }
0x60d: {  	(v2sf) =	vpush v2, $0x2;
	[smem:$0x658] =	sst s12;
	s0 =	smul.u32 $0x14F8B589, s0  }
0x60e: {  	[smem:$0x65A] =	sst s9  }
0x60f: {  	[smem:$0x659] =	sst s0;
	s0 =	sshra.s32 s13, $0x1F  }
0x610: {  	(v2sf) =	vpush v2, $0x3;
	s11 =	spop (v2sf);
	s0 =	smul.u32 $0x14F8B589, s0  }
0x611: {  	s12 =	smulhi.u32 $0x14F8B589, s11;
	s13 =	spop (v2sf)  }
0x612: {  	(v2sf) =	vpush v2, $0x4;
	s9 =	smulhi.u32 $0x14F8B589, s13;
	[smem:$0x65B] =	sst s0;
	s0 =	sshra.s32 s11, $0x1F  }
0x613: {  	[smem:$0x65C] =	sst s12;
	s0 =	smul.u32 $0x14F8B589, s0  }
0x614: {  	[smem:$0x65E] =	sst s9  }
0x615: {  	v19 =	vcombine.low v23, v19;
	[smem:$0x65D] =	sst s0;
	s0 =	sshra.s32 s13, $0x1F  }
0x616: {  	(v2sf) =	vpush v2, $0x5;
	s11 =	spop (v2sf);
	s0 =	smul.u32 $0x14F8B589, s0  }
0x617: {  	[tilespmem:$0x280] =	vst v8;
	v34 =	vperm.xlane v19, v60;
	v8 =	vperm.xlane v32, v1;
	s12 =	smulhi.u32 $0x14F8B589, s11;
	s13 =	spop (v2sf)  }
0x618: {  	s9 =	smulhi.u32 $0x14F8B589, s13;
	[smem:$0x65F] =	sst s0;
	s0 =	sshra.s32 s11, $0x1F  }
0x619: {  	[tilespmem:$0x270] =	vst v6;
	v6 =	vsel vm8, v8, v34;
	[smem:$0x660] =	sst s12;
	s0 =	smul.u32 $0x14F8B589, s0  }
0x61a: {  	v3 =	vadd.s32 v6, v3;
	(v2sf) =	vpush v2, $0x6;
	[smem:$0x662] =	sst s9;
	s11 =	spop (v2sf)  }
0x61b: {  	v3 =	vmul.u32 $0x61A8, v3;
	s12 =	smulhi.u32 $0x14F8B589, s11;
	[smem:$0x661] =	sst s0;
	s0 =	sshra.s32 s13, $0x1F  }
0x61c: {  	s13 =	spop (v2sf);
	s9 =	smul.u32 $0x14F8B589, s0  }
0x61d: {  	[tilespmem:$0x300] =	vst v0;
	v0 =	vsub.s32 v4, v3;
	v3 =	vld [tilespmem:$0x140];
	[smem:$0x663] =	sst s12;
	s0 =	sshra.s32 s11, $0x1F;
	s12 =	smulhi.u32 $0x14F8B589, s13  }
0x61e: {  	(v2sf) =	vpush v2, $0x7;
	s11 =	smul.u32 $0x14F8B589, s0;
	s0 =	sshra.s32 s13, $0x1F  }
0x61f: {  	s6 =	smul.u32 $0x14F8B589, s0;
	s0 =	spop (v2sf)  }
0x620: {  	s13 =	smulhi.u32 $0x14F8B589, s0  }
0x621: {  	[smem:$0x664] =	sst s12;
	s12 =	spop (v2sf)  }
0x622: {  	(v2sf) =	vpush v3, $0xD;
	[smem:$0x665] =	sst s13;
	s13 =	smulhi.u32 $0x14F8B589, s12;
	s12 =	sshra.s32 s12, $0x1F  }
0x623: {  	s12 =	smul.u32 $0x14F8B589, s12;
	_ =	sdelay $0x1  }
0x624: {  	[smem:$0x667] =	sst s12;
	s12 =	spop (v2sf)  }
0x625: {  	(v2sf) =	vpush v3, $0xC;
	[smem:$0x666] =	sst s13;
	s13 =	smulhi.u32 $0x14F8B589, s12;
	s12 =	sshra.s32 s12, $0x1F  }
0x626: {  	s12 =	smul.u32 $0x14F8B589, s12;
	_ =	sdelay $0x1  }
0x627: {  	[smem:$0x669] =	sst s12;
	s12 =	spop (v2sf)  }
0x628: {  	(v2sf) =	vpush v3, $0xE;
	[smem:$0x668] =	sst s13;
	s13 =	smulhi.u32 $0x14F8B589, s12;
	s12 =	sshra.s32 s12, $0x1F  }
0x629: {  	s12 =	smul.u32 $0x14F8B589, s12;
	_ =	sdelay $0x1  }
0x62a: {  	[smem:$0x66B] =	sst s12;
	s12 =	spop (v2sf)  }
0x62b: {  	(v2sf) =	vpush v3, $0xF;
	[smem:$0x66A] =	sst s13;
	s13 =	smulhi.u32 $0x14F8B589, s12;
	s12 =	sshra.s32 s12, $0x1F  }
0x62c: {  	s12 =	smul.u32 $0x14F8B589, s12;
	_ =	sdelay $0x1  }
0x62d: {  	[smem:$0x66D] =	sst s12;
	s12 =	spop (v2sf)  }
0x62e: {  	(v2sf) =	vpush v3, $0x9;
	[smem:$0x66C] =	sst s13;
	s13 =	smulhi.u32 $0x14F8B589, s12;
	s12 =	sshra.s32 s12, $0x1F  }
0x62f: {  	s12 =	smul.u32 $0x14F8B589, s12;
	_ =	sdelay $0x1  }
0x630: {  	[smem:$0x66F] =	sst s12;
	s12 =	spop (v2sf)  }
0x631: {  	(v2sf) =	vpush v3, $0x8;
	[smem:$0x66E] =	sst s13;
	s13 =	smulhi.u32 $0x14F8B589, s12;
	s12 =	sshra.s32 s12, $0x1F  }
0x632: {  	s12 =	smul.u32 $0x14F8B589, s12;
	_ =	sdelay $0x1  }
0x633: {  	[smem:$0x671] =	sst s12;
	s12 =	spop (v2sf)  }
0x634: {  	(v2sf) =	vpush v3, $0xA;
	[smem:$0x670] =	sst s13;
	s13 =	smulhi.u32 $0x14F8B589, s12;
	s12 =	sshra.s32 s12, $0x1F  }
0x635: {  	s12 =	smul.u32 $0x14F8B589, s12;
	_ =	sdelay $0x1  }
0x636: {  	[smem:$0x673] =	sst s12;
	s12 =	spop (v2sf)  }
0x637: {  	(v2sf) =	vpush v3, $0xB;
	[smem:$0x672] =	sst s13;
	s13 =	smulhi.u32 $0x14F8B589, s12;
	s12 =	sshra.s32 s12, $0x1F  }
0x638: {  	s12 =	smul.u32 $0x14F8B589, s12;
	_ =	sdelay $0x1  }
0x639: {  	[smem:$0x675] =	sst s12;
	s12 =	spop (v2sf)  }
0x63a: {  	(v2sf) =	vpush v3, $0x0;
	[smem:$0x674] =	sst s13;
	s13 =	smulhi.u32 $0x14F8B589, s12;
	s12 =	sshra.s32 s12, $0x1F  }
0x63b: {  	s12 =	smul.u32 $0x14F8B589, s12;
	_ =	sdelay $0x1  }
0x63c: {  	[smem:$0x677] =	sst s12;
	s12 =	spop (v2sf)  }
0x63d: {  	(v2sf) =	vpush v3, $0x1;
	[smem:$0x676] =	sst s13;
	s13 =	smulhi.u32 $0x14F8B589, s12;
	s12 =	sshra.s32 s12, $0x1F  }
0x63e: {  	s12 =	smul.u32 $0x14F8B589, s12;
	_ =	sdelay $0x1  }
0x63f: {  	[smem:$0x679] =	sst s12;
	s12 =	spop (v2sf)  }
0x640: {  	(v2sf) =	vpush v3, $0x2;
	[smem:$0x678] =	sst s13;
	s13 =	smulhi.u32 $0x14F8B589, s12;
	s12 =	sshra.s32 s12, $0x1F  }
0x641: {  	s12 =	smul.u32 $0x14F8B589, s12;
	_ =	sdelay $0x1  }
0x642: {  	[smem:$0x67B] =	sst s12;
	s12 =	spop (v2sf)  }
0x643: {  	(v2sf) =	vpush v3, $0x3;
	[smem:$0x67A] =	sst s13;
	s13 =	smulhi.u32 $0x14F8B589, s12;
	s12 =	sshra.s32 s12, $0x1F  }
0x644: {  	s12 =	smul.u32 $0x14F8B589, s12;
	_ =	sdelay $0x1  }
0x645: {  	[smem:$0x67D] =	sst s12;
	s12 =	spop (v2sf)  }
0x646: {  	(v2sf) =	vpush v3, $0x4;
	[smem:$0x67C] =	sst s13;
	s13 =	smulhi.u32 $0x14F8B589, s12;
	s12 =	sshra.s32 s12, $0x1F  }
0x647: {  	s12 =	smul.u32 $0x14F8B589, s12;
	_ =	sdelay $0x1  }
0x648: {  	[smem:$0x67F] =	sst s12;
	s12 =	spop (v2sf)  }
0x649: {  	(v2sf) =	vpush v3, $0x5;
	[smem:$0x67E] =	sst s13;
	s13 =	smulhi.u32 $0x14F8B589, s12;
	s12 =	sshra.s32 s12, $0x1F  }
0x64a: {  	s12 =	smul.u32 $0x14F8B589, s12;
	_ =	sdelay $0x1  }
0x64b: {  	[smem:$0x681] =	sst s12;
	s12 =	spop (v2sf)  }
0x64c: {  	(v2sf) =	vpush v3, $0x6;
	[smem:$0x680] =	sst s13;
	s13 =	smulhi.u32 $0x14F8B589, s12;
	s12 =	sshra.s32 s12, $0x1F  }
0x64d: {  	s12 =	smul.u32 $0x14F8B589, s12;
	_ =	sdelay $0x1  }
0x64e: {  	v4 =	vld [tilespmem:$0x150];
	[smem:$0x683] =	sst s12;
	s12 =	spop (v2sf)  }
0x64f: {  	(v2sf) =	vpush v3, $0x7;
	[smem:$0x682] =	sst s13;
	s13 =	smulhi.u32 $0x14F8B589, s12;
	s12 =	sshra.s32 s12, $0x1F  }
0x650: {  	s12 =	smul.u32 $0x14F8B589, s12;
	_ =	sdelay $0x1  }
0x651: {  	[smem:$0x685] =	sst s12;
	s12 =	spop (v2sf)  }
0x652: {  	(v2sf) =	vpush v4, $0xD;
	[smem:$0x684] =	sst s13;
	s13 =	smulhi.u32 $0x14F8B589, s12;
	s12 =	sshra.s32 s12, $0x1F  }
0x653: {  	s12 =	smul.u32 $0x14F8B589, s12;
	_ =	sdelay $0x1  }
0x654: {  	[smem:$0x687] =	sst s12;
	s12 =	spop (v2sf)  }
0x655: {  	(v2sf) =	vpush v4, $0xC;
	[smem:$0x686] =	sst s13;
	s13 =	smulhi.u32 $0x14F8B589, s12;
	s12 =	sshra.s32 s12, $0x1F  }
0x656: {  	s12 =	smul.u32 $0x14F8B589, s12;
	_ =	sdelay $0x1  }
0x657: {  	[smem:$0x689] =	sst s12;
	s12 =	spop (v2sf)  }
0x658: {  	(v2sf) =	vpush v4, $0xE;
	[smem:$0x688] =	sst s13;
	s13 =	smulhi.u32 $0x14F8B589, s12;
	s12 =	sshra.s32 s12, $0x1F  }
0x659: {  	s12 =	smul.u32 $0x14F8B589, s12;
	_ =	sdelay $0x1  }
0x65a: {  	[smem:$0x68B] =	sst s12;
	s12 =	spop (v2sf)  }
0x65b: {  	(v2sf) =	vpush v4, $0xF;
	[smem:$0x68A] =	sst s13;
	s13 =	smulhi.u32 $0x14F8B589, s12;
	s12 =	sshra.s32 s12, $0x1F  }
0x65c: {  	s12 =	smul.u32 $0x14F8B589, s12;
	_ =	sdelay $0x1  }
0x65d: {  	[smem:$0x68D] =	sst s12;
	s12 =	spop (v2sf)  }
0x65e: {  	(v2sf) =	vpush v4, $0x9;
	[smem:$0x68C] =	sst s13;
	s13 =	smulhi.u32 $0x14F8B589, s12;
	s12 =	sshra.s32 s12, $0x1F  }
0x65f: {  	s12 =	smul.u32 $0x14F8B589, s12;
	_ =	sdelay $0x1  }
0x660: {  	[smem:$0x68F] =	sst s12;
	s12 =	spop (v2sf)  }
0x661: {  	(v2sf) =	vpush v4, $0x8;
	[smem:$0x68E] =	sst s13;
	s13 =	smulhi.u32 $0x14F8B589, s12;
	s12 =	sshra.s32 s12, $0x1F  }
0x662: {  	s12 =	smul.u32 $0x14F8B589, s12;
	_ =	sdelay $0x1  }
0x663: {  	[smem:$0x691] =	sst s12;
	s12 =	spop (v2sf)  }
0x664: {  	(v2sf) =	vpush v4, $0xA;
	[smem:$0x690] =	sst s13;
	s13 =	smulhi.u32 $0x14F8B589, s12;
	s12 =	sshra.s32 s12, $0x1F  }
0x665: {  	s12 =	smul.u32 $0x14F8B589, s12;
	_ =	sdelay $0x1  }
0x666: {  	[smem:$0x693] =	sst s12;
	s12 =	spop (v2sf)  }
0x667: {  	(v2sf) =	vpush v4, $0xB;
	[smem:$0x692] =	sst s13;
	s13 =	smulhi.u32 $0x14F8B589, s12;
	s12 =	sshra.s32 s12, $0x1F  }
0x668: {  	s12 =	smul.u32 $0x14F8B589, s12;
	_ =	sdelay $0x1  }
0x669: {  	[smem:$0x695] =	sst s12;
	s12 =	spop (v2sf)  }
0x66a: {  	(v2sf) =	vpush v4, $0x0;
	[smem:$0x694] =	sst s13;
	s13 =	smulhi.u32 $0x14F8B589, s12;
	s12 =	sshra.s32 s12, $0x1F  }
0x66b: {  	s12 =	smul.u32 $0x14F8B589, s12;
	_ =	sdelay $0x1  }
0x66c: {  	[smem:$0x697] =	sst s12;
	s12 =	spop (v2sf)  }
0x66d: {  	(v2sf) =	vpush v4, $0x1;
	[smem:$0x696] =	sst s13;
	s13 =	smulhi.u32 $0x14F8B589, s12;
	s12 =	sshra.s32 s12, $0x1F  }
0x66e: {  	s12 =	smul.u32 $0x14F8B589, s12;
	_ =	sdelay $0x1  }
0x66f: {  	[smem:$0x699] =	sst s12;
	s12 =	spop (v2sf)  }
0x670: {  	(v2sf) =	vpush v4, $0x2;
	[smem:$0x698] =	sst s13;
	s13 =	smulhi.u32 $0x14F8B589, s12;
	s12 =	sshra.s32 s12, $0x1F  }
0x671: {  	s12 =	smul.u32 $0x14F8B589, s12;
	_ =	sdelay $0x1  }
0x672: {  	[smem:$0x69B] =	sst s12;
	s12 =	spop (v2sf)  }
0x673: {  	(v2sf) =	vpush v4, $0x3;
	[smem:$0x69A] =	sst s13;
	s13 =	smulhi.u32 $0x14F8B589, s12;
	s12 =	sshra.s32 s12, $0x1F  }
0x674: {  	s12 =	smul.u32 $0x14F8B589, s12;
	_ =	sdelay $0x1  }
0x675: {  	[smem:$0x69D] =	sst s12;
	s12 =	spop (v2sf)  }
0x676: {  	(v2sf) =	vpush v4, $0x4;
	[smem:$0x69C] =	sst s13;
	s13 =	smulhi.u32 $0x14F8B589, s12;
	s12 =	sshra.s32 s12, $0x1F  }
0x677: {  	s12 =	smul.u32 $0x14F8B589, s12;
	_ =	sdelay $0x1  }
0x678: {  	[smem:$0x69F] =	sst s12;
	s12 =	spop (v2sf)  }
0x679: {  	(v2sf) =	vpush v4, $0x5;
	[smem:$0x69E] =	sst s13;
	s13 =	smulhi.u32 $0x14F8B589, s12;
	s12 =	sshra.s32 s12, $0x1F  }
0x67a: {  	s12 =	smul.u32 $0x14F8B589, s12;
	_ =	sdelay $0x1  }
0x67b: {  	[smem:$0x6A1] =	sst s12;
	s12 =	spop (v2sf)  }
0x67c: {  	(v2sf) =	vpush v4, $0x6;
	[smem:$0x6A0] =	sst s13;
	s13 =	smulhi.u32 $0x14F8B589, s12;
	s12 =	sshra.s32 s12, $0x1F  }
0x67d: {  	s12 =	smul.u32 $0x14F8B589, s12;
	_ =	sdelay $0x1  }
0x67e: {  	v6 =	vld [tilespmem:$0x160];
	[smem:$0x6A3] =	sst s12;
	s12 =	spop (v2sf)  }
0x67f: {  	(v2sf) =	vpush v4, $0x7;
	[smem:$0x6A2] =	sst s13;
	s13 =	smulhi.u32 $0x14F8B589, s12;
	s12 =	sshra.s32 s12, $0x1F  }
0x680: {  	s12 =	smul.u32 $0x14F8B589, s12;
	_ =	sdelay $0x1  }
0x681: {  	[smem:$0x6A5] =	sst s12;
	s12 =	spop (v2sf)  }
0x682: {  	(v2sf) =	vpush v6, $0xD;
	[smem:$0x6A4] =	sst s13;
	s13 =	smulhi.u32 $0x14F8B589, s12;
	s12 =	sshra.s32 s12, $0x1F  }
0x683: {  	s12 =	smul.u32 $0x14F8B589, s12;
	_ =	sdelay $0x1  }
0x684: {  	[smem:$0x6A7] =	sst s12;
	s12 =	spop (v2sf)  }
0x685: {  	(v2sf) =	vpush v6, $0xC;
	[smem:$0x6A6] =	sst s13;
	s13 =	smulhi.u32 $0x14F8B589, s12;
	s12 =	sshra.s32 s12, $0x1F  }
0x686: {  	s12 =	smul.u32 $0x14F8B589, s12;
	_ =	sdelay $0x1  }
0x687: {  	[smem:$0x6A9] =	sst s12;
	s12 =	spop (v2sf)  }
0x688: {  	(v2sf) =	vpush v6, $0xE;
	[smem:$0x6A8] =	sst s13;
	s13 =	smulhi.u32 $0x14F8B589, s12;
	s12 =	sshra.s32 s12, $0x1F  }
0x689: {  	s12 =	smul.u32 $0x14F8B589, s12;
	_ =	sdelay $0x1  }
0x68a: {  	[smem:$0x6AB] =	sst s12;
	s12 =	spop (v2sf)  }
0x68b: {  	(v2sf) =	vpush v6, $0xF;
	[smem:$0x6AA] =	sst s13;
	s13 =	smulhi.u32 $0x14F8B589, s12;
	s12 =	sshra.s32 s12, $0x1F  }
0x68c: {  	s12 =	smul.u32 $0x14F8B589, s12;
	_ =	sdelay $0x1  }
0x68d: {  	[smem:$0x6AD] =	sst s12;
	s12 =	spop (v2sf)  }
0x68e: {  	(v2sf) =	vpush v6, $0x9;
	[smem:$0x6AC] =	sst s13;
	s13 =	smulhi.u32 $0x14F8B589, s12;
	s12 =	sshra.s32 s12, $0x1F  }
0x68f: {  	s12 =	smul.u32 $0x14F8B589, s12;
	_ =	sdelay $0x1  }
0x690: {  	[smem:$0x6AF] =	sst s12;
	s12 =	spop (v2sf)  }
0x691: {  	(v2sf) =	vpush v6, $0x8;
	[smem:$0x6AE] =	sst s13;
	s13 =	smulhi.u32 $0x14F8B589, s12;
	s12 =	sshra.s32 s12, $0x1F  }
0x692: {  	s12 =	smul.u32 $0x14F8B589, s12;
	_ =	sdelay $0x1  }
0x693: {  	[smem:$0x6B1] =	sst s12;
	s12 =	spop (v2sf)  }
0x694: {  	(v2sf) =	vpush v6, $0xA;
	[smem:$0x6B0] =	sst s13;
	s13 =	smulhi.u32 $0x14F8B589, s12;
	s12 =	sshra.s32 s12, $0x1F  }
0x695: {  	s12 =	smul.u32 $0x14F8B589, s12;
	_ =	sdelay $0x1  }
0x696: {  	[smem:$0x6B3] =	sst s12;
	s12 =	spop (v2sf)  }
0x697: {  	(v2sf) =	vpush v6, $0xB;
	[smem:$0x6B2] =	sst s13;
	s13 =	smulhi.u32 $0x14F8B589, s12;
	s12 =	sshra.s32 s12, $0x1F  }
0x698: {  	s12 =	smul.u32 $0x14F8B589, s12;
	_ =	sdelay $0x1  }
0x699: {  	[smem:$0x6B5] =	sst s12;
	s12 =	spop (v2sf)  }
0x69a: {  	(v2sf) =	vpush v6, $0x0;
	[smem:$0x6B4] =	sst s13;
	s13 =	smulhi.u32 $0x14F8B589, s12;
	s12 =	sshra.s32 s12, $0x1F  }
0x69b: {  	s12 =	smul.u32 $0x14F8B589, s12;
	_ =	sdelay $0x1  }
0x69c: {  	[smem:$0x6B7] =	sst s12;
	s12 =	spop (v2sf)  }
0x69d: {  	(v2sf) =	vpush v6, $0x1;
	[smem:$0x6B6] =	sst s13;
	s13 =	smulhi.u32 $0x14F8B589, s12;
	s12 =	sshra.s32 s12, $0x1F  }
0x69e: {  	s12 =	smul.u32 $0x14F8B589, s12;
	_ =	sdelay $0x1  }
0x69f: {  	[smem:$0x6B9] =	sst s12;
	s12 =	spop (v2sf)  }
0x6a0: {  	(v2sf) =	vpush v6, $0x2;
	[smem:$0x6B8] =	sst s13;
	s13 =	smulhi.u32 $0x14F8B589, s12;
	s12 =	sshra.s32 s12, $0x1F  }
0x6a1: {  	s12 =	smul.u32 $0x14F8B589, s12;
	_ =	sdelay $0x1  }
0x6a2: {  	[smem:$0x6BB] =	sst s12;
	s12 =	spop (v2sf)  }
0x6a3: {  	(v2sf) =	vpush v6, $0x3;
	[smem:$0x6BA] =	sst s13;
	s13 =	smulhi.u32 $0x14F8B589, s12;
	s12 =	sshra.s32 s12, $0x1F  }
0x6a4: {  	s12 =	smul.u32 $0x14F8B589, s12;
	_ =	sdelay $0x1  }
0x6a5: {  	[smem:$0x6BD] =	sst s12;
	s12 =	spop (v2sf)  }
0x6a6: {  	(v2sf) =	vpush v6, $0x4;
	[smem:$0x6BC] =	sst s13;
	s13 =	smulhi.u32 $0x14F8B589, s12;
	s12 =	sshra.s32 s12, $0x1F  }
0x6a7: {  	s12 =	smul.u32 $0x14F8B589, s12;
	_ =	sdelay $0x1  }
0x6a8: {  	[smem:$0x6BF] =	sst s12;
	s12 =	spop (v2sf)  }
0x6a9: {  	(v2sf) =	vpush v6, $0x5;
	[smem:$0x6BE] =	sst s13;
	s13 =	smulhi.u32 $0x14F8B589, s12;
	s12 =	sshra.s32 s12, $0x1F  }
0x6aa: {  	s12 =	smul.u32 $0x14F8B589, s12;
	_ =	sdelay $0x1  }
0x6ab: {  	[smem:$0x6C1] =	sst s12;
	s12 =	spop (v2sf)  }
0x6ac: {  	(v2sf) =	vpush v6, $0x6;
	[smem:$0x6C0] =	sst s13;
	s13 =	smulhi.u32 $0x14F8B589, s12;
	s12 =	sshra.s32 s12, $0x1F  }
0x6ad: {  	s12 =	smul.u32 $0x14F8B589, s12;
	_ =	sdelay $0x1  }
0x6ae: {  	v7 =	vld [tilespmem:$0x170];
	[smem:$0x6C3] =	sst s12;
	s12 =	spop (v2sf)  }
0x6af: {  	(v2sf) =	vpush v6, $0x7;
	[smem:$0x6C2] =	sst s13;
	s13 =	smulhi.u32 $0x14F8B589, s12;
	s12 =	sshra.s32 s12, $0x1F  }
0x6b0: {  	s12 =	smul.u32 $0x14F8B589, s12;
	_ =	sdelay $0x1  }
0x6b1: {  	[smem:$0x6C5] =	sst s12;
	s12 =	spop (v2sf)  }
0x6b2: {  	(v2sf) =	vpush v7, $0xD;
	[smem:$0x6C4] =	sst s13;
	s13 =	smulhi.u32 $0x14F8B589, s12;
	s12 =	sshra.s32 s12, $0x1F  }
0x6b3: {  	s12 =	smul.u32 $0x14F8B589, s12;
	_ =	sdelay $0x1  }
0x6b4: {  	[smem:$0x6C7] =	sst s12;
	s12 =	spop (v2sf)  }
0x6b5: {  	(v2sf) =	vpush v7, $0xC;
	[smem:$0x6C6] =	sst s13;
	s13 =	smulhi.u32 $0x14F8B589, s12;
	s12 =	sshra.s32 s12, $0x1F  }
0x6b6: {  	s12 =	smul.u32 $0x14F8B589, s12;
	_ =	sdelay $0x1  }
0x6b7: {  	[smem:$0x6C9] =	sst s12;
	s12 =	spop (v2sf)  }
0x6b8: {  	(v2sf) =	vpush v7, $0xE;
	[smem:$0x6C8] =	sst s13;
	s13 =	smulhi.u32 $0x14F8B589, s12;
	s12 =	sshra.s32 s12, $0x1F  }
0x6b9: {  	s12 =	smul.u32 $0x14F8B589, s12;
	_ =	sdelay $0x1  }
0x6ba: {  	[smem:$0x6CB] =	sst s12;
	s12 =	spop (v2sf)  }
0x6bb: {  	(v2sf) =	vpush v7, $0xF;
	[smem:$0x6CA] =	sst s13;
	s13 =	smulhi.u32 $0x14F8B589, s12;
	s12 =	sshra.s32 s12, $0x1F  }
0x6bc: {  	s12 =	smul.u32 $0x14F8B589, s12;
	_ =	sdelay $0x1  }
0x6bd: {  	[smem:$0x6CD] =	sst s12;
	s12 =	spop (v2sf)  }
0x6be: {  	(v2sf) =	vpush v7, $0x9;
	[smem:$0x6CC] =	sst s13;
	s13 =	smulhi.u32 $0x14F8B589, s12;
	s12 =	sshra.s32 s12, $0x1F  }
0x6bf: {  	s12 =	smul.u32 $0x14F8B589, s12;
	_ =	sdelay $0x1  }
0x6c0: {  	[smem:$0x6CF] =	sst s12;
	s12 =	spop (v2sf)  }
0x6c1: {  	(v2sf) =	vpush v7, $0x8;
	[smem:$0x6CE] =	sst s13;
	s13 =	smulhi.u32 $0x14F8B589, s12;
	s12 =	sshra.s32 s12, $0x1F  }
0x6c2: {  	s12 =	smul.u32 $0x14F8B589, s12;
	_ =	sdelay $0x1  }
0x6c3: {  	[smem:$0x6D1] =	sst s12;
	s12 =	spop (v2sf)  }
0x6c4: {  	(v2sf) =	vpush v7, $0xA;
	[smem:$0x6D0] =	sst s13;
	s13 =	smulhi.u32 $0x14F8B589, s12;
	s12 =	sshra.s32 s12, $0x1F  }
0x6c5: {  	s12 =	smul.u32 $0x14F8B589, s12;
	_ =	sdelay $0x1  }
0x6c6: {  	[smem:$0x6D3] =	sst s12;
	s12 =	spop (v2sf)  }
0x6c7: {  	(v2sf) =	vpush v7, $0xB;
	[smem:$0x6D2] =	sst s13;
	s13 =	smulhi.u32 $0x14F8B589, s12;
	s12 =	sshra.s32 s12, $0x1F  }
0x6c8: {  	s12 =	smul.u32 $0x14F8B589, s12;
	_ =	sdelay $0x1  }
0x6c9: {  	[smem:$0x6D5] =	sst s12;
	s12 =	spop (v2sf)  }
0x6ca: {  	(v2sf) =	vpush v7, $0x0;
	[smem:$0x6D4] =	sst s13;
	s13 =	smulhi.u32 $0x14F8B589, s12;
	s12 =	sshra.s32 s12, $0x1F  }
0x6cb: {  	s12 =	smul.u32 $0x14F8B589, s12;
	_ =	sdelay $0x1  }
0x6cc: {  	[smem:$0x6D7] =	sst s12;
	s12 =	spop (v2sf)  }
0x6cd: {  	(v2sf) =	vpush v7, $0x1;
	[smem:$0x6D6] =	sst s13;
	s13 =	smulhi.u32 $0x14F8B589, s12;
	s12 =	sshra.s32 s12, $0x1F  }
0x6ce: {  	s12 =	smul.u32 $0x14F8B589, s12;
	_ =	sdelay $0x1  }
0x6cf: {  	[smem:$0x6D9] =	sst s12;
	s12 =	spop (v2sf)  }
0x6d0: {  	(v2sf) =	vpush v7, $0x2;
	[smem:$0x6D8] =	sst s13;
	s13 =	smulhi.u32 $0x14F8B589, s12;
	s12 =	sshra.s32 s12, $0x1F  }
0x6d1: {  	s12 =	smul.u32 $0x14F8B589, s12;
	_ =	sdelay $0x1  }
0x6d2: {  	[smem:$0x6DB] =	sst s12;
	s12 =	spop (v2sf)  }
0x6d3: {  	(v2sf) =	vpush v7, $0x3;
	[smem:$0x6DA] =	sst s13;
	s13 =	smulhi.u32 $0x14F8B589, s12;
	s12 =	sshra.s32 s12, $0x1F  }
0x6d4: {  	s12 =	smul.u32 $0x14F8B589, s12;
	_ =	sdelay $0x1  }
0x6d5: {  	[smem:$0x6DD] =	sst s12;
	s12 =	spop (v2sf)  }
0x6d6: {  	(v2sf) =	vpush v7, $0x4;
	[smem:$0x6DC] =	sst s13;
	s13 =	smulhi.u32 $0x14F8B589, s12;
	s12 =	sshra.s32 s12, $0x1F  }
0x6d7: {  	s12 =	smul.u32 $0x14F8B589, s12;
	_ =	sdelay $0x1  }
0x6d8: {  	[smem:$0x6DF] =	sst s12;
	s12 =	spop (v2sf)  }
0x6d9: {  	(v2sf) =	vpush v7, $0x5;
	[smem:$0x6DE] =	sst s13;
	s13 =	smulhi.u32 $0x14F8B589, s12;
	s12 =	sshra.s32 s12, $0x1F  }
0x6da: {  	s12 =	smul.u32 $0x14F8B589, s12;
	_ =	sdelay $0x1  }
0x6db: {  	[smem:$0x6E1] =	sst s12;
	s12 =	spop (v2sf)  }
0x6dc: {  	(v2sf) =	vpush v7, $0x6;
	[smem:$0x6E0] =	sst s13;
	s13 =	smulhi.u32 $0x14F8B589, s12;
	s12 =	sshra.s32 s12, $0x1F  }
0x6dd: {  	s12 =	smul.u32 $0x14F8B589, s12;
	_ =	sdelay $0x1  }
0x6de: {  	v8 =	vld [tilespmem:$0x180];
	[smem:$0x6E3] =	sst s12;
	s12 =	spop (v2sf)  }
0x6df: {  	(v2sf) =	vpush v7, $0x7;
	[smem:$0x6E2] =	sst s13;
	s13 =	smulhi.u32 $0x14F8B589, s12;
	s12 =	sshra.s32 s12, $0x1F  }
0x6e0: {  	s12 =	smul.u32 $0x14F8B589, s12;
	_ =	sdelay $0x1  }
0x6e1: {  	[smem:$0x6E5] =	sst s12;
	s12 =	spop (v2sf)  }
0x6e2: {  	(v2sf) =	vpush v8, $0xD;
	[smem:$0x6E4] =	sst s13;
	s13 =	smulhi.u32 $0x14F8B589, s12;
	s12 =	sshra.s32 s12, $0x1F  }
0x6e3: {  	s12 =	smul.u32 $0x14F8B589, s12;
	_ =	sdelay $0x1  }
0x6e4: {  	s14 =	sadd.s32 s17, s14;
	[smem:$0x6E7] =	sst s12;
	s12 =	spop (v2sf)  }
0x6e5: {  	[smem:$0x6E6] =	sst s13;
	s13 =	smulhi.u32 $0x14F8B589, s12;
	s12 =	sshra.s32 s12, $0x1F  }
0x6e6: {  	[smem:$0x74D] =	sst s14;
	s17 =	sadd.s32 s19, s16;
	s12 =	smul.u32 $0x14F8B589, s12  }
0x6e7: {  	[smem:$0x74E] =	sst s17  }
0x6e8: {  	s19 =	sadd.s32 s21, s18;
	(v2sf) =	vpush v8, $0xC;
	[smem:$0x6E9] =	sst s12;
	s12 =	spop (v2sf)  }
0x6e9: {  	[smem:$0x6E8] =	sst s13;
	s13 =	smulhi.u32 $0x14F8B589, s12;
	s12 =	sshra.s32 s12, $0x1F  }
0x6ea: {  	[smem:$0x750] =	sst s19;
	s20 =	sadd.s32 s23, s20;
	(v2sf) =	vpush v8, $0xE;
	s12 =	smul.u32 $0x14F8B589, s12  }
0x6eb: {  	[smem:$0x754] =	sst s20  }
0x6ec: {  	s23 =	sadd.s32 s25, s22;
	(v2sf) =	vpush v8, $0xF;
	[smem:$0x6EB] =	sst s12;
	s12 =	spop (v2sf)  }
0x6ed: {  	[smem:$0x6EA] =	sst s13;
	s13 =	smulhi.u32 $0x14F8B589, s12;
	s12 =	sshra.s32 s12, $0x1F  }
0x6ee: {  	[smem:$0x752] =	sst s23;
	s25 =	sadd.s32 s28, s24;
	(v2sf) =	vpush v8, $0x9;
	s12 =	smul.u32 $0x14F8B589, s12  }
0x6ef: {  	[smem:$0x756] =	sst s25  }
0x6f0: {  	[smem:$0x6ED] =	sst s12;
	s12 =	spop (v2sf)  }
0x6f1: {  	(v2sf) =	vpush v8, $0x8;
	[smem:$0x6EC] =	sst s13;
	s13 =	smulhi.u32 $0x14F8B589, s12  }
0x6f2: {  	s24 =	sld [smem:$0x64C];
	(v2sf) =	vpush v8, $0xA  }
0x6f3: {  	[smem:$0x6EE] =	sst s13  }
0x6f4: {  	s10 =	sadd.s32 s10, s29;
	s13 =	sld [smem:$0x64B]  }
0x6f5: {  	[smem:$0x74C] =	sst s10;
	s3 =	sadd.s32 s3, s31  }
0x6f6: {  	[smem:$0x74F] =	sst s3;
	s2 =	sadd.s32 s2, s24;
	s12 =	sshra.s32 s12, $0x1F  }
0x6f7: {  	(v2sf) =	vpush v8, $0xB;
	s13 =	sadd.s32 s15, s13;
	s15 =	smul.u32 $0x14F8B589, s12;
	s12 =	spop (v2sf)  }
0x6f8: {  	[smem:$0x751] =	sst s2;
	(v2sf) =	vpush v8, $0x0;
	s14 =	smulhi.u32 $0x14F8B589, s12;
	s12 =	sshra.s32 s12, $0x1F  }
0x6f9: {  	s17 =	smul.u32 $0x14F8B589, s12;
	s12 =	spop (v2sf)  }
0x6fa: {  	s31 =	sld [smem:$0x650];
	s16 =	smulhi.u32 $0x14F8B589, s12;
	s12 =	sshra.s32 s12, $0x1F  }
0x6fb: {  	s21 =	spop (v2sf);
	s18 =	smul.u32 $0x14F8B589, s12  }
0x6fc: {  	[smem:$0x74B] =	sst s13;
	s19 =	smulhi.u32 $0x14F8B589, s21;
	s12 =	sshra.s32 s21, $0x1F  }
0x6fd: {  	s28 =	spop (v2sf);
	s21 =	sadd.s32 s30, s26;
	s26 =	sld [smem:$0x64D]  }
0x6fe: {  	s30 =	sld [smem:$0x64F];
	s20 =	smul.u32 $0x14F8B589, s12  }
0x6ff: {  	[smem:$0x758] =	sst s21;
	s13 =	smulhi.u32 $0x14F8B589, s28  }
0x700: {  	(v2sf) =	vpush v8, $0x1;
	s12 =	sshra.s32 s28, $0x1F;
	s22 =	spop (v2sf);
	s28 =	sld [smem:$0x64E]  }
0x701: {  	s21 =	smulhi.u32 $0x14F8B589, s22;
	s23 =	sshra.s32 s22, $0x1F;
	s25 =	spop (v2sf)  }
0x702: {  	(v2sf) =	vpush v8, $0x2;
	s10 =	smul.u32 $0x14F8B589, s23;
	s3 =	sadd.s32 s7, s26;
	s23 =	sld [smem:$0x651]  }
0x703: {  	[tilespmem:$0x230] =	vst v24;
	(v2sf) =	vpush v8, $0x3;
	s2 =	sshra.s32 s25, $0x1F;
	[smem:$0x753] =	sst s3;
	s1 =	sadd.s32 s1, s28  }
0x704: {  	[tilespmem:$0x240] =	vst v16;
	(v2sf) =	vpush v8, $0x4;
	s22 =	smul.u32 $0x14F8B589, s2;
	s2 =	sadd.s32 s8, s30;
	[smem:$0x755] =	sst s1  }
0x705: {  	[tilespmem:$0x290] =	vst v28;
	(v2sf) =	vpush v8, $0x5;
	[smem:$0x757] =	sst s2;
	s2 =	sadd.s32 s5, s31  }
0x706: {  	[tilespmem:$0x2C0] =	vst v47;
	(v2sf) =	vpush v8, $0x6;
	s29 =	spop (v2sf);
	[smem:$0x759] =	sst s2;
	s2 =	sadd.s32 s4, s23  }
0x707: {  	v9 =	vld [tilespmem:$0x190];
	[tilespmem:$0x310] =	vst v0;
	(v2sf) =	vpush v8, $0x7;
	s3 =	spop (v2sf);
	[smem:$0x74A] =	sst s2  }
0x708: {  	s2 =	sld [smem:$0x652]  }
0x709: {  	s24 =	sld [smem:$0x653]  }
0x70a: {  	s7 =	smulhi.u32 $0x14F8B589, s25;
	s26 =	sld [smem:$0x654]  }
0x70b: {  	s8 =	smulhi.u32 $0x14F8B589, s29;
	s1 =	sshra.s32 s29, $0x1F;
	s28 =	sld [smem:$0x655]  }
0x70c: {  	s5 =	smul.u32 $0x14F8B589, s1;
	s29 =	sld [smem:$0x656]  }
0x70d: {  	s4 =	smulhi.u32 $0x14F8B589, s3;
	s1 =	sshra.s32 s3, $0x1F;
	s30 =	sld [smem:$0x657]  }
0x70e: {  	s23 =	smul.u32 $0x14F8B589, s1;
	s3 =	sld [smem:$0x65C];
	s2 =	sadd.s32 s24, s2  }
0x70f: {  	s25 =	spop (v2sf);
	[smem:$0x75A] =	sst s2  }
0x710: {  	s24 =	smulhi.u32 $0x14F8B589, s25;
	s1 =	sshra.s32 s25, $0x1F;
	s25 =	sld [smem:$0x658]  }
0x711: {  	s2 =	sadd.s32 s28, s26;
	s28 =	sld [smem:$0x659]  }
0x712: {  	[smem:$0x75C] =	sst s2  }
0x713: {  	s2 =	sadd.s32 s30, s29;
	s29 =	sld [smem:$0x65A]  }
0x714: {  	s30 =	sld [smem:$0x65B]  }
0x715: {  	s26 =	smul.u32 $0x14F8B589, s1;
	[smem:$0x75E] =	sst s2  }
0x716: {  	s31 =	spop (v2sf);
	s2 =	sadd.s32 s28, s25;
	s28 =	sld [smem:$0x65D]  }
0x717: {  	s1 =	sshra.s32 s31, $0x1F;
	s25 =	smulhi.u32 $0x14F8B589, s31;
	[smem:$0x75F] =	sst s2  }
0x718: {  	s31 =	spop (v2sf);
	s2 =	sadd.s32 s30, s29;
	s30 =	sld [smem:$0x65E]  }
0x719: {  	s29 =	smul.u32 $0x14F8B589, s1;
	s1 =	sshra.s32 s31, $0x1F;
	[smem:$0x763] =	sst s2  }
0x71a: {  	s2 =	sadd.s32 s28, s3;
	s28 =	smulhi.u32 $0x14F8B589, s31;
	s31 =	sld [smem:$0x65F]  }
0x71b: {  	s3 =	sld [smem:$0x660]  }
0x71c: {  	[smem:$0x761] =	sst s2  }
0x71d: {  	s2 =	sadd.s32 s31, s30;
	s31 =	sld [smem:$0x661];
	_ =	sdelay $0x1  }
0x71e: {  	[smem:$0x765] =	sst s2  }
0x71f: {  	s2 =	sadd.s32 s31, s3;
	s31 =	sld [smem:$0x662];
	_ =	sdelay $0x1  }
0x720: {  	[smem:$0x767] =	sst s2  }
0x721: {  	s2 =	sadd.s32 s9, s31;
	s31 =	sld [smem:$0x663];
	_ =	sdelay $0x1  }
0x722: {  	s0 =	sshra.s32 s0, $0x1F;
	[smem:$0x75D] =	sst s2  }
0x723: {  	s0 =	smul.u32 $0x14F8B589, s0;
	s2 =	sadd.s32 s11, s31;
	s31 =	sld [smem:$0x664]  }
0x724: {  	s30 =	smul.u32 $0x14F8B589, s1;
	s1 =	spop (v2sf)  }
0x725: {  	s3 =	smulhi.u32 $0x14F8B589, s1;
	[smem:$0x760] =	sst s2  }
0x726: {  	s1 =	sshra.s32 s1, $0x1F;
	s2 =	sadd.s32 s6, s31;
	s6 =	sld [smem:$0x665]  }
0x727: {  	s9 =	smul.u32 $0x14F8B589, s1;
	s1 =	spop (v2sf)  }
0x728: {  	s11 =	smulhi.u32 $0x14F8B589, s1;
	s1 =	sshra.s32 s1, $0x1F;
	[smem:$0x762] =	sst s2  }
0x729: {  	s31 =	smul.u32 $0x14F8B589, s1;
	s2 =	sld [smem:$0x667];
	s0 =	sadd.s32 s0, s6  }
0x72a: {  	s1 =	spop (v2sf);
	[smem:$0x764] =	sst s0  }
0x72b: {  	s6 =	smulhi.u32 $0x14F8B589, s1;
	s0 =	sshra.s32 s1, $0x1F;
	s1 =	sld [smem:$0x666]  }
0x72c: {  	_ =	sdelay $0x1  }
0x72d: {  	s1 =	sadd.s32 s2, s1;
	s2 =	sld [smem:$0x669]  }
0x72e: {  	[smem:$0x766] =	sst s1  }
0x72f: {  	(v2sf) =	vpush v9, $0xD;
	s1 =	sld [smem:$0x668]  }
0x730: {  	s0 =	smul.u32 $0x14F8B589, s0;
	_ =	sdelay $0x1  }
0x731: {  	[smem:$0x6EF] =	sst s0;
	s0 =	spop (v2sf);
	s1 =	sadd.s32 s2, s1  }
0x732: {  	s2 =	smulhi.u32 $0x14F8B589, s0;
	[smem:$0x768] =	sst s1  }
0x733: {  	s1 =	sld [smem:$0x66A]  }
0x734: {  	[smem:$0x6F0] =	sst s2  }
0x735: {  	s2 =	sld [smem:$0x66B];
	_ =	sdelay $0x2  }
0x736: {  	s1 =	sadd.s32 s2, s1;
	s2 =	sld [smem:$0x66D]  }
0x737: {  	[smem:$0x769] =	sst s1  }
0x738: {  	(v2sf) =	vpush v9, $0xC;
	s0 =	sshra.s32 s0, $0x1F;
	s1 =	sld [smem:$0x66C]  }
0x739: {  	s0 =	smul.u32 $0x14F8B589, s0;
	_ =	sdelay $0x1  }
0x73a: {  	[smem:$0x6F1] =	sst s0;
	s0 =	spop (v2sf);
	s1 =	sadd.s32 s2, s1  }
0x73b: {  	s2 =	smulhi.u32 $0x14F8B589, s0;
	[smem:$0x75B] =	sst s1  }
0x73c: {  	s1 =	sld [smem:$0x66E]  }
0x73d: {  	[smem:$0x6F2] =	sst s2  }
0x73e: {  	s2 =	sld [smem:$0x66F];
	_ =	sdelay $0x2  }
0x73f: {  	s1 =	sadd.s32 s2, s1;
	s2 =	sld [smem:$0x671]  }
0x740: {  	[smem:$0x76A] =	sst s1  }
0x741: {  	(v2sf) =	vpush v9, $0xE;
	s0 =	sshra.s32 s0, $0x1F;
	s1 =	sld [smem:$0x670]  }
0x742: {  	s0 =	smul.u32 $0x14F8B589, s0;
	_ =	sdelay $0x1  }
0x743: {  	[smem:$0x6F3] =	sst s0;
	s0 =	spop (v2sf);
	s1 =	sadd.s32 s2, s1  }
0x744: {  	s2 =	smulhi.u32 $0x14F8B589, s0;
	[smem:$0x76C] =	sst s1  }
0x745: {  	s1 =	sld [smem:$0x672]  }
0x746: {  	[smem:$0x6F4] =	sst s2  }
0x747: {  	s2 =	sld [smem:$0x673];
	_ =	sdelay $0x2  }
0x748: {  	s1 =	sadd.s32 s2, s1;
	s2 =	sld [smem:$0x675]  }
0x749: {  	[smem:$0x76E] =	sst s1  }
0x74a: {  	(v2sf) =	vpush v9, $0xF;
	s0 =	sshra.s32 s0, $0x1F;
	s1 =	sld [smem:$0x674]  }
0x74b: {  	s0 =	smul.u32 $0x14F8B589, s0;
	_ =	sdelay $0x1  }
0x74c: {  	[smem:$0x6F5] =	sst s0;
	s0 =	spop (v2sf);
	s1 =	sadd.s32 s2, s1  }
0x74d: {  	s2 =	smulhi.u32 $0x14F8B589, s0;
	[smem:$0x770] =	sst s1  }
0x74e: {  	s1 =	sld [smem:$0x676]  }
0x74f: {  	[smem:$0x6F6] =	sst s2  }
0x750: {  	s2 =	sld [smem:$0x677];
	_ =	sdelay $0x2  }
0x751: {  	s1 =	sadd.s32 s2, s1;
	s2 =	sld [smem:$0x679]  }
0x752: {  	[smem:$0x772] =	sst s1  }
0x753: {  	(v2sf) =	vpush v9, $0x9;
	s0 =	sshra.s32 s0, $0x1F;
	s1 =	sld [smem:$0x678]  }
0x754: {  	s0 =	smul.u32 $0x14F8B589, s0;
	_ =	sdelay $0x1  }
0x755: {  	[smem:$0x6F7] =	sst s0;
	s0 =	spop (v2sf);
	s1 =	sadd.s32 s2, s1  }
0x756: {  	s2 =	smulhi.u32 $0x14F8B589, s0;
	[smem:$0x773] =	sst s1  }
0x757: {  	s1 =	sld [smem:$0x67A]  }
0x758: {  	[smem:$0x6F8] =	sst s2  }
0x759: {  	s2 =	sld [smem:$0x67B];
	_ =	sdelay $0x2  }
0x75a: {  	s1 =	sadd.s32 s2, s1;
	s2 =	sld [smem:$0x67D]  }
0x75b: {  	[smem:$0x775] =	sst s1  }
0x75c: {  	(v2sf) =	vpush v9, $0x8;
	s0 =	sshra.s32 s0, $0x1F;
	s1 =	sld [smem:$0x67C]  }
0x75d: {  	s0 =	smul.u32 $0x14F8B589, s0;
	_ =	sdelay $0x1  }
0x75e: {  	[smem:$0x6F9] =	sst s0;
	s0 =	spop (v2sf);
	s1 =	sadd.s32 s2, s1  }
0x75f: {  	s2 =	smulhi.u32 $0x14F8B589, s0;
	[smem:$0x777] =	sst s1  }
0x760: {  	s1 =	sld [smem:$0x67E]  }
0x761: {  	[smem:$0x6FA] =	sst s2  }
0x762: {  	s2 =	sld [smem:$0x67F];
	_ =	sdelay $0x2  }
0x763: {  	s1 =	sadd.s32 s2, s1;
	s2 =	sld [smem:$0x681]  }
0x764: {  	[smem:$0x76D] =	sst s1  }
0x765: {  	(v2sf) =	vpush v9, $0xA;
	s0 =	sshra.s32 s0, $0x1F;
	s1 =	sld [smem:$0x680]  }
0x766: {  	s0 =	smul.u32 $0x14F8B589, s0;
	_ =	sdelay $0x1  }
0x767: {  	[smem:$0x6FB] =	sst s0;
	s0 =	spop (v2sf);
	s1 =	sadd.s32 s2, s1  }
0x768: {  	s2 =	smulhi.u32 $0x14F8B589, s0;
	[smem:$0x76F] =	sst s1  }
0x769: {  	s1 =	sld [smem:$0x682]  }
0x76a: {  	[smem:$0x6FC] =	sst s2  }
0x76b: {  	s2 =	sld [smem:$0x683];
	_ =	sdelay $0x2  }
0x76c: {  	s1 =	sadd.s32 s2, s1;
	s2 =	sld [smem:$0x685]  }
0x76d: {  	[smem:$0x771] =	sst s1  }
0x76e: {  	(v2sf) =	vpush v9, $0xB;
	s0 =	sshra.s32 s0, $0x1F;
	s1 =	sld [smem:$0x684]  }
0x76f: {  	s0 =	smul.u32 $0x14F8B589, s0;
	_ =	sdelay $0x1  }
0x770: {  	[smem:$0x6FD] =	sst s0;
	s0 =	spop (v2sf);
	s1 =	sadd.s32 s2, s1  }
0x771: {  	s2 =	smulhi.u32 $0x14F8B589, s0;
	[smem:$0x774] =	sst s1  }
0x772: {  	s1 =	sld [smem:$0x686]  }
0x773: {  	[smem:$0x6FE] =	sst s2  }
0x774: {  	s2 =	sld [smem:$0x687];
	_ =	sdelay $0x2  }
0x775: {  	s1 =	sadd.s32 s2, s1;
	s2 =	sld [smem:$0x689]  }
0x776: {  	[smem:$0x776] =	sst s1  }
0x777: {  	(v2sf) =	vpush v9, $0x0;
	s0 =	sshra.s32 s0, $0x1F;
	s1 =	sld [smem:$0x688]  }
0x778: {  	s0 =	smul.u32 $0x14F8B589, s0;
	_ =	sdelay $0x1  }
0x779: {  	[smem:$0x6FF] =	sst s0;
	s0 =	spop (v2sf);
	s1 =	sadd.s32 s2, s1  }
0x77a: {  	s2 =	smulhi.u32 $0x14F8B589, s0;
	[smem:$0x778] =	sst s1  }
0x77b: {  	s1 =	sld [smem:$0x68A]  }
0x77c: {  	[smem:$0x700] =	sst s2  }
0x77d: {  	s2 =	sld [smem:$0x68B];
	_ =	sdelay $0x2  }
0x77e: {  	s1 =	sadd.s32 s2, s1;
	s2 =	sld [smem:$0x68D]  }
0x77f: {  	[smem:$0x779] =	sst s1  }
0x780: {  	(v2sf) =	vpush v9, $0x1;
	s0 =	sshra.s32 s0, $0x1F;
	s1 =	sld [smem:$0x68C]  }
0x781: {  	s0 =	smul.u32 $0x14F8B589, s0;
	_ =	sdelay $0x1  }
0x782: {  	[smem:$0x701] =	sst s0;
	s0 =	spop (v2sf);
	s1 =	sadd.s32 s2, s1  }
0x783: {  	s2 =	smulhi.u32 $0x14F8B589, s0;
	[smem:$0x76B] =	sst s1  }
0x784: {  	s1 =	sld [smem:$0x68E]  }
0x785: {  	[smem:$0x702] =	sst s2  }
0x786: {  	s2 =	sld [smem:$0x68F];
	_ =	sdelay $0x2  }
0x787: {  	s1 =	sadd.s32 s2, s1;
	s2 =	sld [smem:$0x691]  }
0x788: {  	[smem:$0x77A] =	sst s1  }
0x789: {  	(v2sf) =	vpush v9, $0x2;
	s0 =	sshra.s32 s0, $0x1F;
	s1 =	sld [smem:$0x690]  }
0x78a: {  	s0 =	smul.u32 $0x14F8B589, s0;
	_ =	sdelay $0x1  }
0x78b: {  	[smem:$0x703] =	sst s0;
	s0 =	spop (v2sf);
	s1 =	sadd.s32 s2, s1  }
0x78c: {  	s2 =	smulhi.u32 $0x14F8B589, s0;
	[smem:$0x77B] =	sst s1  }
0x78d: {  	s1 =	sld [smem:$0x692]  }
0x78e: {  	[smem:$0x704] =	sst s2  }
0x78f: {  	s2 =	sld [smem:$0x693];
	_ =	sdelay $0x2  }
0x790: {  	s1 =	sadd.s32 s2, s1;
	s2 =	sld [smem:$0x695]  }
0x791: {  	[smem:$0x77D] =	sst s1  }
0x792: {  	(v2sf) =	vpush v9, $0x3;
	s0 =	sshra.s32 s0, $0x1F;
	s1 =	sld [smem:$0x694]  }
0x793: {  	s0 =	smul.u32 $0x14F8B589, s0;
	_ =	sdelay $0x1  }
0x794: {  	[smem:$0x705] =	sst s0;
	s0 =	spop (v2sf);
	s1 =	sadd.s32 s2, s1  }
0x795: {  	s2 =	smulhi.u32 $0x14F8B589, s0;
	[smem:$0x77F] =	sst s1  }
0x796: {  	s1 =	sld [smem:$0x696]  }
0x797: {  	[smem:$0x706] =	sst s2  }
0x798: {  	s2 =	sld [smem:$0x697];
	_ =	sdelay $0x2  }
0x799: {  	s1 =	sadd.s32 s2, s1;
	s2 =	sld [smem:$0x699]  }
0x79a: {  	[smem:$0x781] =	sst s1  }
0x79b: {  	(v2sf) =	vpush v9, $0x4;
	s0 =	sshra.s32 s0, $0x1F;
	s1 =	sld [smem:$0x698]  }
0x79c: {  	s0 =	smul.u32 $0x14F8B589, s0;
	_ =	sdelay $0x1  }
0x79d: {  	[smem:$0x707] =	sst s0;
	s0 =	spop (v2sf);
	s1 =	sadd.s32 s2, s1  }
0x79e: {  	s2 =	smulhi.u32 $0x14F8B589, s0;
	[smem:$0x783] =	sst s1  }
0x79f: {  	s1 =	sld [smem:$0x69A]  }
0x7a0: {  	[smem:$0x708] =	sst s2  }
0x7a1: {  	s2 =	sld [smem:$0x69B];
	_ =	sdelay $0x2  }
0x7a2: {  	s1 =	sadd.s32 s2, s1;
	s2 =	sld [smem:$0x69D]  }
0x7a3: {  	[smem:$0x786] =	sst s1  }
0x7a4: {  	(v2sf) =	vpush v9, $0x5;
	s0 =	sshra.s32 s0, $0x1F;
	s1 =	sld [smem:$0x69C]  }
0x7a5: {  	s0 =	smul.u32 $0x14F8B589, s0;
	_ =	sdelay $0x1  }
0x7a6: {  	[smem:$0x709] =	sst s0;
	s0 =	spop (v2sf);
	s1 =	sadd.s32 s2, s1  }
0x7a7: {  	s2 =	smulhi.u32 $0x14F8B589, s0;
	[smem:$0x788] =	sst s1  }
0x7a8: {  	s1 =	sld [smem:$0x69E]  }
0x7a9: {  	[smem:$0x70A] =	sst s2  }
0x7aa: {  	s2 =	sld [smem:$0x69F];
	_ =	sdelay $0x2  }
0x7ab: {  	s1 =	sadd.s32 s2, s1;
	s2 =	sld [smem:$0x6A1]  }
0x7ac: {  	[smem:$0x77E] =	sst s1  }
0x7ad: {  	(v2sf) =	vpush v9, $0x6;
	s0 =	sshra.s32 s0, $0x1F;
	s1 =	sld [smem:$0x6A0]  }
0x7ae: {  	s0 =	smul.u32 $0x14F8B589, s0;
	_ =	sdelay $0x1  }
0x7af: {  	[smem:$0x70B] =	sst s0;
	s0 =	spop (v2sf);
	s1 =	sadd.s32 s2, s1  }
0x7b0: {  	s2 =	smulhi.u32 $0x14F8B589, s0;
	[smem:$0x780] =	sst s1  }
0x7b1: {  	s1 =	sld [smem:$0x6A2]  }
0x7b2: {  	[smem:$0x70C] =	sst s2  }
0x7b3: {  	s2 =	sld [smem:$0x6A3];
	_ =	sdelay $0x2  }
0x7b4: {  	s1 =	sadd.s32 s2, s1;
	s2 =	sld [smem:$0x6A5]  }
0x7b5: {  	[smem:$0x782] =	sst s1  }
0x7b6: {  	(v2sf) =	vpush v9, $0x7;
	s0 =	sshra.s32 s0, $0x1F;
	s1 =	sld [smem:$0x6A4]  }
0x7b7: {  	s0 =	smul.u32 $0x14F8B589, s0;
	_ =	sdelay $0x1  }
0x7b8: {  	[smem:$0x70D] =	sst s0;
	s0 =	spop (v2sf);
	s1 =	sadd.s32 s2, s1  }
0x7b9: {  	s2 =	smulhi.u32 $0x14F8B589, s0;
	[smem:$0x784] =	sst s1  }
0x7ba: {  	s1 =	sld [smem:$0x6A6]  }
0x7bb: {  	[smem:$0x70E] =	sst s2  }
0x7bc: {  	v10 =	vld [tilespmem:$0x1A0];
	s2 =	sld [smem:$0x6A7];
	_ =	sdelay $0x2  }
0x7bd: {  	s1 =	sadd.s32 s2, s1;
	s2 =	sld [smem:$0x6A9]  }
0x7be: {  	[smem:$0x785] =	sst s1  }
0x7bf: {  	(v2sf) =	vpush v10, $0xD;
	s0 =	sshra.s32 s0, $0x1F;
	s1 =	sld [smem:$0x6A8]  }
0x7c0: {  	s0 =	smul.u32 $0x14F8B589, s0;
	_ =	sdelay $0x1  }
0x7c1: {  	[smem:$0x70F] =	sst s0;
	s0 =	spop (v2sf);
	s1 =	sadd.s32 s2, s1  }
0x7c2: {  	s2 =	smulhi.u32 $0x14F8B589, s0;
	[smem:$0x787] =	sst s1  }
0x7c3: {  	s1 =	sld [smem:$0x6AA]  }
0x7c4: {  	[smem:$0x710] =	sst s2  }
0x7c5: {  	s2 =	sld [smem:$0x6AB];
	_ =	sdelay $0x2  }
0x7c6: {  	s1 =	sadd.s32 s2, s1;
	s2 =	sld [smem:$0x6AD]  }
0x7c7: {  	[smem:$0x789] =	sst s1  }
0x7c8: {  	(v2sf) =	vpush v10, $0xC;
	s0 =	sshra.s32 s0, $0x1F;
	s1 =	sld [smem:$0x6AC]  }
0x7c9: {  	s0 =	smul.u32 $0x14F8B589, s0;
	_ =	sdelay $0x1  }
0x7ca: {  	[smem:$0x711] =	sst s0;
	s0 =	spop (v2sf);
	s1 =	sadd.s32 s2, s1  }
0x7cb: {  	s2 =	smulhi.u32 $0x14F8B589, s0;
	[smem:$0x77C] =	sst s1  }
0x7cc: {  	s1 =	sld [smem:$0x6AE]  }
0x7cd: {  	[smem:$0x712] =	sst s2  }
0x7ce: {  	s2 =	sld [smem:$0x6AF];
	_ =	sdelay $0x2  }
0x7cf: {  	s1 =	sadd.s32 s2, s1;
	s2 =	sld [smem:$0x6B1]  }
0x7d0: {  	[smem:$0x78A] =	sst s1  }
0x7d1: {  	(v2sf) =	vpush v10, $0xE;
	s0 =	sshra.s32 s0, $0x1F;
	s1 =	sld [smem:$0x6B0]  }
0x7d2: {  	s0 =	smul.u32 $0x14F8B589, s0;
	_ =	sdelay $0x1  }
0x7d3: {  	[smem:$0x713] =	sst s0;
	s0 =	spop (v2sf);
	s1 =	sadd.s32 s2, s1  }
0x7d4: {  	s2 =	smulhi.u32 $0x14F8B589, s0;
	[smem:$0x78B] =	sst s1  }
0x7d5: {  	s1 =	sld [smem:$0x6B2]  }
0x7d6: {  	[smem:$0x714] =	sst s2  }
0x7d7: {  	s2 =	sld [smem:$0x6B3];
	_ =	sdelay $0x2  }
0x7d8: {  	s1 =	sadd.s32 s2, s1;
	s2 =	sld [smem:$0x6B5]  }
0x7d9: {  	[smem:$0x78C] =	sst s1  }
0x7da: {  	(v2sf) =	vpush v10, $0xF;
	s0 =	sshra.s32 s0, $0x1F;
	s1 =	sld [smem:$0x6B4]  }
0x7db: {  	s0 =	smul.u32 $0x14F8B589, s0;
	_ =	sdelay $0x1  }
0x7dc: {  	[smem:$0x715] =	sst s0;
	s0 =	spop (v2sf);
	s1 =	sadd.s32 s2, s1  }
0x7dd: {  	s2 =	smulhi.u32 $0x14F8B589, s0;
	[smem:$0x78E] =	sst s1  }
0x7de: {  	s1 =	sld [smem:$0x6B6]  }
0x7df: {  	[smem:$0x716] =	sst s2  }
0x7e0: {  	s2 =	sld [smem:$0x6B7];
	_ =	sdelay $0x2  }
0x7e1: {  	s1 =	sadd.s32 s2, s1;
	s2 =	sld [smem:$0x6B9]  }
0x7e2: {  	[smem:$0x790] =	sst s1  }
0x7e3: {  	(v2sf) =	vpush v10, $0x9;
	s0 =	sshra.s32 s0, $0x1F;
	s1 =	sld [smem:$0x6B8]  }
0x7e4: {  	s0 =	smul.u32 $0x14F8B589, s0;
	_ =	sdelay $0x1  }
0x7e5: {  	[smem:$0x717] =	sst s0;
	s0 =	spop (v2sf);
	s1 =	sadd.s32 s2, s1  }
0x7e6: {  	s2 =	smulhi.u32 $0x14F8B589, s0;
	[smem:$0x792] =	sst s1  }
0x7e7: {  	s1 =	sld [smem:$0x6BA]  }
0x7e8: {  	[smem:$0x718] =	sst s2  }
0x7e9: {  	s2 =	sld [smem:$0x6BB];
	_ =	sdelay $0x2  }
0x7ea: {  	s1 =	sadd.s32 s2, s1;
	s2 =	sld [smem:$0x6BD]  }
0x7eb: {  	[smem:$0x794] =	sst s1  }
0x7ec: {  	(v2sf) =	vpush v10, $0x8;
	s0 =	sshra.s32 s0, $0x1F;
	s1 =	sld [smem:$0x6BC]  }
0x7ed: {  	s0 =	smul.u32 $0x14F8B589, s0;
	_ =	sdelay $0x1  }
0x7ee: {  	[smem:$0x719] =	sst s0;
	s0 =	spop (v2sf);
	s1 =	sadd.s32 s2, s1  }
0x7ef: {  	s2 =	smulhi.u32 $0x14F8B589, s0;
	[smem:$0x797] =	sst s1  }
0x7f0: {  	s1 =	sld [smem:$0x6BE]  }
0x7f1: {  	[smem:$0x71A] =	sst s2  }
0x7f2: {  	s2 =	sld [smem:$0x6BF];
	_ =	sdelay $0x2  }
0x7f3: {  	s1 =	sadd.s32 s2, s1;
	s2 =	sld [smem:$0x6C1]  }
0x7f4: {  	[smem:$0x78F] =	sst s1  }
0x7f5: {  	(v2sf) =	vpush v10, $0xA;
	s0 =	sshra.s32 s0, $0x1F;
	s1 =	sld [smem:$0x6C0]  }
0x7f6: {  	s0 =	smul.u32 $0x14F8B589, s0;
	_ =	sdelay $0x1  }
0x7f7: {  	[smem:$0x71B] =	sst s0;
	s0 =	spop (v2sf);
	s1 =	sadd.s32 s2, s1  }
0x7f8: {  	s2 =	smulhi.u32 $0x14F8B589, s0;
	[smem:$0x791] =	sst s1  }
0x7f9: {  	s1 =	sld [smem:$0x6C2]  }
0x7fa: {  	[smem:$0x71C] =	sst s2  }
0x7fb: {  	s2 =	sld [smem:$0x6C3];
	_ =	sdelay $0x2  }
0x7fc: {  	s1 =	sadd.s32 s2, s1;
	s2 =	sld [smem:$0x6C5]  }
0x7fd: {  	[smem:$0x793] =	sst s1  }
0x7fe: {  	(v2sf) =	vpush v10, $0xB;
	s0 =	sshra.s32 s0, $0x1F;
	s1 =	sld [smem:$0x6C4]  }
0x7ff: {  	s0 =	smul.u32 $0x14F8B589, s0;
	_ =	sdelay $0x1  }
0x800: {  	[smem:$0x71D] =	sst s0;
	s0 =	spop (v2sf);
	s1 =	sadd.s32 s2, s1  }
0x801: {  	s2 =	smulhi.u32 $0x14F8B589, s0;
	[smem:$0x795] =	sst s1  }
0x802: {  	s1 =	sld [smem:$0x6C6]  }
0x803: {  	[smem:$0x71E] =	sst s2  }
0x804: {  	s2 =	sld [smem:$0x6C7];
	_ =	sdelay $0x2  }
0x805: {  	s1 =	sadd.s32 s2, s1;
	s2 =	sld [smem:$0x6C9]  }
0x806: {  	[smem:$0x796] =	sst s1  }
0x807: {  	(v2sf) =	vpush v10, $0x0;
	s0 =	sshra.s32 s0, $0x1F;
	s1 =	sld [smem:$0x6C8]  }
0x808: {  	s0 =	smul.u32 $0x14F8B589, s0;
	_ =	sdelay $0x1  }
0x809: {  	[smem:$0x71F] =	sst s0;
	s0 =	spop (v2sf);
	s1 =	sadd.s32 s2, s1  }
0x80a: {  	s2 =	smulhi.u32 $0x14F8B589, s0;
	[smem:$0x798] =	sst s1  }
0x80b: {  	s1 =	sld [smem:$0x6CA]  }
0x80c: {  	[smem:$0x720] =	sst s2  }
0x80d: {  	s2 =	sld [smem:$0x6CB];
	_ =	sdelay $0x2  }
0x80e: {  	s1 =	sadd.s32 s2, s1;
	s2 =	sld [smem:$0x6CD]  }
0x80f: {  	[smem:$0x799] =	sst s1  }
0x810: {  	(v2sf) =	vpush v10, $0x1;
	s0 =	sshra.s32 s0, $0x1F;
	s1 =	sld [smem:$0x6CC]  }
0x811: {  	s0 =	smul.u32 $0x14F8B589, s0;
	_ =	sdelay $0x1  }
0x812: {  	[smem:$0x721] =	sst s0;
	s0 =	spop (v2sf);
	s1 =	sadd.s32 s2, s1  }
0x813: {  	s2 =	smulhi.u32 $0x14F8B589, s0;
	[smem:$0x78D] =	sst s1  }
0x814: {  	s1 =	sld [smem:$0x6CE]  }
0x815: {  	[smem:$0x722] =	sst s2  }
0x816: {  	s2 =	sld [smem:$0x6CF];
	_ =	sdelay $0x2  }
0x817: {  	s1 =	sadd.s32 s2, s1;
	s2 =	sld [smem:$0x6D1]  }
0x818: {  	[smem:$0x79A] =	sst s1  }
0x819: {  	(v2sf) =	vpush v10, $0x2;
	s0 =	sshra.s32 s0, $0x1F;
	s1 =	sld [smem:$0x6D0]  }
0x81a: {  	s0 =	smul.u32 $0x14F8B589, s0;
	_ =	sdelay $0x1  }
0x81b: {  	[smem:$0x723] =	sst s0;
	s0 =	spop (v2sf);
	s1 =	sadd.s32 s2, s1  }
0x81c: {  	s2 =	smulhi.u32 $0x14F8B589, s0;
	[smem:$0x79B] =	sst s1  }
0x81d: {  	s1 =	sld [smem:$0x6D2]  }
0x81e: {  	[smem:$0x724] =	sst s2  }
0x81f: {  	s2 =	sld [smem:$0x6D3];
	_ =	sdelay $0x2  }
0x820: {  	s1 =	sadd.s32 s2, s1;
	s2 =	sld [smem:$0x6D5]  }
0x821: {  	[smem:$0x79D] =	sst s1  }
0x822: {  	(v2sf) =	vpush v10, $0x3;
	s0 =	sshra.s32 s0, $0x1F;
	s1 =	sld [smem:$0x6D4]  }
0x823: {  	s0 =	smul.u32 $0x14F8B589, s0;
	_ =	sdelay $0x1  }
0x824: {  	[smem:$0x725] =	sst s0;
	s0 =	spop (v2sf);
	s1 =	sadd.s32 s2, s1  }
0x825: {  	s2 =	smulhi.u32 $0x14F8B589, s0;
	[smem:$0x79F] =	sst s1  }
0x826: {  	s1 =	sld [smem:$0x6D6]  }
0x827: {  	[smem:$0x726] =	sst s2  }
0x828: {  	s2 =	sld [smem:$0x6D7];
	_ =	sdelay $0x2  }
0x829: {  	s1 =	sadd.s32 s2, s1;
	s2 =	sld [smem:$0x6D9]  }
0x82a: {  	[smem:$0x7A0] =	sst s1  }
0x82b: {  	(v2sf) =	vpush v10, $0x4;
	s0 =	sshra.s32 s0, $0x1F;
	s1 =	sld [smem:$0x6D8]  }
0x82c: {  	s0 =	smul.u32 $0x14F8B589, s0;
	_ =	sdelay $0x1  }
0x82d: {  	[smem:$0x727] =	sst s0;
	s0 =	spop (v2sf);
	s1 =	sadd.s32 s2, s1  }
0x82e: {  	s2 =	smulhi.u32 $0x14F8B589, s0;
	[smem:$0x7A2] =	sst s1  }
0x82f: {  	s1 =	sld [smem:$0x6DA]  }
0x830: {  	[smem:$0x728] =	sst s2  }
0x831: {  	s2 =	sld [smem:$0x6DB];
	_ =	sdelay $0x2  }
0x832: {  	s1 =	sadd.s32 s2, s1;
	s2 =	sld [smem:$0x6DD]  }
0x833: {  	[smem:$0x7A4] =	sst s1  }
0x834: {  	(v2sf) =	vpush v10, $0x5;
	s0 =	sshra.s32 s0, $0x1F;
	s1 =	sld [smem:$0x6DC]  }
0x835: {  	s0 =	smul.u32 $0x14F8B589, s0;
	_ =	sdelay $0x1  }
0x836: {  	[smem:$0x729] =	sst s0;
	s0 =	spop (v2sf);
	s1 =	sadd.s32 s2, s1  }
0x837: {  	s2 =	smulhi.u32 $0x14F8B589, s0;
	[smem:$0x7A6] =	sst s1  }
0x838: {  	s1 =	sld [smem:$0x6DE]  }
0x839: {  	[smem:$0x72A] =	sst s2  }
0x83a: {  	s2 =	sld [smem:$0x6DF];
	_ =	sdelay $0x2  }
0x83b: {  	s1 =	sadd.s32 s2, s1;
	s2 =	sld [smem:$0x6E1]  }
0x83c: {  	[smem:$0x79E] =	sst s1  }
0x83d: {  	(v2sf) =	vpush v10, $0x6;
	s0 =	sshra.s32 s0, $0x1F;
	s1 =	sld [smem:$0x6E0]  }
0x83e: {  	s0 =	smul.u32 $0x14F8B589, s0;
	_ =	sdelay $0x1  }
0x83f: {  	[smem:$0x72B] =	sst s0;
	s0 =	spop (v2sf);
	s1 =	sadd.s32 s2, s1  }
0x840: {  	s2 =	smulhi.u32 $0x14F8B589, s0;
	[smem:$0x7A1] =	sst s1  }
0x841: {  	s1 =	sld [smem:$0x6E2]  }
0x842: {  	[smem:$0x72C] =	sst s2  }
0x843: {  	s2 =	sld [smem:$0x6E3];
	_ =	sdelay $0x2  }
0x844: {  	s1 =	sadd.s32 s2, s1;
	s2 =	sld [smem:$0x6E5]  }
0x845: {  	[smem:$0x7A3] =	sst s1  }
0x846: {  	(v2sf) =	vpush v10, $0x7;
	s0 =	sshra.s32 s0, $0x1F;
	s1 =	sld [smem:$0x6E4]  }
0x847: {  	s0 =	smul.u32 $0x14F8B589, s0;
	_ =	sdelay $0x1  }
0x848: {  	[smem:$0x72D] =	sst s0;
	s0 =	spop (v2sf);
	s1 =	sadd.s32 s2, s1  }
0x849: {  	s2 =	smulhi.u32 $0x14F8B589, s0;
	[smem:$0x7A5] =	sst s1  }
0x84a: {  	s1 =	sld [smem:$0x6E6]  }
0x84b: {  	v12 =	vld [tilespmem:$0x1B0];
	[smem:$0x72E] =	sst s2  }
0x84c: {  	s14 =	sadd.s32 s17, s14;
	s2 =	sld [smem:$0x6E7]  }
0x84d: {  	s17 =	sadd.s32 s18, s16;
	[smem:$0x7AB] =	sst s14  }
0x84e: {  	[smem:$0x7AC] =	sst s17  }
0x84f: {  	s1 =	sadd.s32 s2, s1;
	s2 =	sld [smem:$0x6E9]  }
0x850: {  	s12 =	smul.u32 $0x14F8B589, s12;
	(v2sf) =	vpush v12, $0xD;
	[smem:$0x7A7] =	sst s1  }
0x851: {  	s20 =	sadd.s32 s20, s19;
	s0 =	sshra.s32 s0, $0x1F;
	s1 =	sld [smem:$0x6E8]  }
0x852: {  	s13 =	sadd.s32 s12, s13;
	[smem:$0x7AE] =	sst s20;
	s0 =	smul.u32 $0x14F8B589, s0  }
0x853: {  	[smem:$0x7B0] =	sst s13  }
0x854: {  	[smem:$0x72F] =	sst s0;
	s0 =	spop (v2sf);
	s1 =	sadd.s32 s2, s1  }
0x855: {  	s2 =	smulhi.u32 $0x14F8B589, s0;
	[smem:$0x7A8] =	sst s1  }
0x856: {  	s1 =	sld [smem:$0x6EA]  }
0x857: {  	(v2sf) =	vpush v12, $0xC;
	[smem:$0x730] =	sst s2  }
0x858: {  	s19 =	sadd.s32 s22, s7;
	s2 =	sld [smem:$0x6EB]  }
0x859: {  	[smem:$0x7B3] =	sst s19;
	s22 =	sadd.s32 s23, s4;
	(v2sf) =	vpush v12, $0xE  }
0x85a: {  	[smem:$0x7AF] =	sst s22  }
0x85b: {  	(v2sf) =	vpush v12, $0xF;
	s1 =	sadd.s32 s2, s1;
	s2 =	sld [smem:$0x6ED]  }
0x85c: {  	s0 =	sshra.s32 s0, $0x1F;
	[smem:$0x7A9] =	sst s1  }
0x85d: {  	s24 =	sadd.s32 s26, s24;
	s0 =	smul.u32 $0x14F8B589, s0;
	s1 =	sld [smem:$0x6EC]  }
0x85e: {  	[smem:$0x7B2] =	sst s24;
	(v2sf) =	vpush v12, $0x9  }
0x85f: {  	s26 =	sadd.s32 s29, s25;
	[smem:$0x731] =	sst s0;
	s0 =	spop (v2sf)  }
0x860: {  	[smem:$0x7B4] =	sst s26;
	s1 =	sadd.s32 s2, s1;
	s2 =	smulhi.u32 $0x14F8B589, s0  }
0x861: {  	s24 =	sld [smem:$0x6F1];
	(v2sf) =	vpush v12, $0x8  }
0x862: {  	[smem:$0x732] =	sst s2  }
0x863: {  	s2 =	sld [smem:$0x6EE]  }
0x864: {  	s25 =	sld [smem:$0x6F2];
	(v2sf) =	vpush v12, $0xA  }
0x865: {  	s0 =	sshra.s32 s0, $0x1F;
	[smem:$0x79C] =	sst s1  }
0x866: {  	s1 =	sadd.s32 s15, s2;
	s15 =	smul.u32 $0x14F8B589, s0;
	s2 =	spop (v2sf)  }
0x867: {  	s26 =	sld [smem:$0x6F3];
	(v2sf) =	vpush v12, $0xB;
	s14 =	smulhi.u32 $0x14F8B589, s2;
	s0 =	sshra.s32 s2, $0x1F  }
0x868: {  	s18 =	spop (v2sf);
	s17 =	smul.u32 $0x14F8B589, s0  }
0x869: {  	[smem:$0x7AA] =	sst s1;
	s2 =	smulhi.u32 $0x14F8B589, s18  }
0x86a: {  	(v2sf) =	vpush v12, $0x0;
	s0 =	sshra.s32 s18, $0x1F;
	s16 =	spop (v2sf);
	s18 =	sadd.s32 s10, s21  }
0x86b: {  	s21 =	sadd.s32 s5, s8;
	s12 =	smul.u32 $0x14F8B589, s0;
	[smem:$0x7B1] =	sst s18  }
0x86c: {  	s10 =	smulhi.u32 $0x14F8B589, s16;
	[smem:$0x7B6] =	sst s21  }
0x86d: {  	s0 =	sshra.s32 s16, $0x1F;
	s20 =	spop (v2sf);
	s21 =	sld [smem:$0x6EF]  }
0x86e: {  	s18 =	sadd.s32 s9, s3;
	[smem:$0x733] =	sst s2;
	s7 =	smul.u32 $0x14F8B589, s0  }
0x86f: {  	s5 =	smulhi.u32 $0x14F8B589, s20;
	s0 =	sshra.s32 s20, $0x1F;
	[smem:$0x7B7] =	sst s18  }
0x870: {  	s23 =	spop (v2sf);
	s2 =	sadd.s32 s30, s28;
	s30 =	sld [smem:$0x6F5]  }
0x871: {  	s20 =	sadd.s32 s31, s11;
	s4 =	smul.u32 $0x14F8B589, s0;
	[smem:$0x7B5] =	sst s2  }
0x872: {  	s8 =	smulhi.u32 $0x14F8B589, s23;
	[smem:$0x7B8] =	sst s20  }
0x873: {  	s0 =	sshra.s32 s23, $0x1F;
	s29 =	spop (v2sf);
	s23 =	sld [smem:$0x6F0]  }
0x874: {  	s2 =	sld [smem:$0x6F6];
	s13 =	smul.u32 $0x14F8B589, s0  }
0x875: {  	s20 =	sld [smem:$0x6F9];
	s16 =	smulhi.u32 $0x14F8B589, s29;
	s0 =	sshra.s32 s29, $0x1F  }
0x876: {  	s19 =	spop (v2sf);
	s1 =	sadd.s32 s21, s6;
	s29 =	sld [smem:$0x6F4]  }
0x877: {  	s3 =	smul.u32 $0x14F8B589, s0;
	[smem:$0x7B9] =	sst s1  }
0x878: {  	s9 =	smulhi.u32 $0x14F8B589, s19;
	s0 =	sshra.s32 s19, $0x1F;
	s19 =	sld [smem:$0x6F8]  }
0x879: {  	s22 =	spop (v2sf);
	[smem:$0x734] =	sst s16  }
0x87a: {  	s11 =	smul.u32 $0x14F8B589, s0;
	s16 =	sld [smem:$0x6F7]  }
0x87b: {  	s6 =	smulhi.u32 $0x14F8B589, s22;
	s0 =	sshra.s32 s22, $0x1F;
	s22 =	sld [smem:$0x6FA]  }
0x87c: {  	s1 =	sadd.s32 s24, s23;
	s23 =	sld [smem:$0x6FB]  }
0x87d: {  	[smem:$0x7AD] =	sst s1  }
0x87e: {  	(v2sf) =	vpush v12, $0x1;
	s1 =	sadd.s32 s26, s25;
	s25 =	sld [smem:$0x6FC]  }
0x87f: {  	(v2sf) =	vpush v12, $0x2;
	s26 =	sld [smem:$0x6FD]  }
0x880: {  	[smem:$0x7BA] =	sst s1  }
0x881: {  	s0 =	smul.u32 $0x14F8B589, s0;
	s1 =	sadd.s32 s30, s29;
	s29 =	sld [smem:$0x6FE]  }
0x882: {  	s30 =	sld [smem:$0x6FF]  }
0x883: {  	(v2sf) =	vpush v12, $0x3;
	[smem:$0x735] =	sst s0  }
0x884: {  	[smem:$0x7BB] =	sst s1  }
0x885: {  	(v2sf) =	vpush v12, $0x4;
	s1 =	sadd.s32 s16, s2;
	s16 =	sld [smem:$0x700]  }
0x886: {  	[smem:$0x7BC] =	sst s1  }
0x887: {  	s1 =	sadd.s32 s20, s19;
	s20 =	sld [smem:$0x702]  }
0x888: {  	[smem:$0x7BD] =	sst s1  }
0x889: {  	(v2sf) =	vpush v12, $0x5;
	s1 =	sadd.s32 s23, s22;
	s23 =	sld [smem:$0x704]  }
0x88a: {  	[smem:$0x7BF] =	sst s1  }
0x88b: {  	s1 =	sadd.s32 s26, s25;
	s26 =	sld [smem:$0x706]  }
0x88c: {  	[smem:$0x7C1] =	sst s1  }
0x88d: {  	s28 =	spop (v2sf);
	s1 =	sadd.s32 s30, s29;
	s30 =	sld [smem:$0x708]  }
0x88e: {  	s31 =	smulhi.u32 $0x14F8B589, s28;
	s0 =	sshra.s32 s28, $0x1F;
	s18 =	spop (v2sf)  }
0x88f: {  	(v2sf) =	vpush v12, $0x6;
	[smem:$0x7C2] =	sst s1;
	s0 =	smul.u32 $0x14F8B589, s0  }
0x890: {  	s21 =	smulhi.u32 $0x14F8B589, s18;
	[smem:$0x736] =	sst s31  }
0x891: {  	[smem:$0x737] =	sst s0  }
0x892: {  	s24 =	spop (v2sf);
	[smem:$0x738] =	sst s21  }
0x893: {  	s28 =	smulhi.u32 $0x14F8B589, s24;
	s0 =	sshra.s32 s18, $0x1F;
	s18 =	sld [smem:$0x701]  }
0x894: {  	s31 =	spop (v2sf);
	s21 =	sld [smem:$0x703]  }
0x895: {  	(v2sf) =	vpush v12, $0x7;
	s19 =	smulhi.u32 $0x14F8B589, s31;
	[smem:$0x73A] =	sst s28  }
0x896: {  	s28 =	sld [smem:$0x707]  }
0x897: {  	s0 =	smul.u32 $0x14F8B589, s0;
	[smem:$0x73C] =	sst s19  }
0x898: {  	s22 =	spop (v2sf);
	s19 =	sld [smem:$0x70B]  }
0x899: {  	s25 =	smulhi.u32 $0x14F8B589, s22;
	[smem:$0x739] =	sst s0  }
0x89a: {  	s0 =	sshra.s32 s24, $0x1F;
	s24 =	sld [smem:$0x705]  }
0x89b: {  	[smem:$0x73E] =	sst s25  }
0x89c: {  	s1 =	sadd.s32 s18, s16;
	s18 =	sld [smem:$0x70A]  }
0x89d: {  	s25 =	sld [smem:$0x70F]  }
0x89e: {  	s29 =	spop (v2sf);
	[smem:$0x7C4] =	sst s1  }
0x89f: {  	s16 =	smulhi.u32 $0x14F8B589, s29;
	s1 =	sadd.s32 s21, s20;
	s21 =	sld [smem:$0x70C]  }
0x8a0: {  	s0 =	smul.u32 $0x14F8B589, s0;
	[smem:$0x7C0] =	sst s1  }
0x8a1: {  	[smem:$0x740] =	sst s16  }
0x8a2: {  	[smem:$0x73B] =	sst s0  }
0x8a3: {  	s0 =	sshra.s32 s31, $0x1F;
	s31 =	sld [smem:$0x709]  }
0x8a4: {  	v11 =	vld [tilespmem:$0x1C0];
	s20 =	spop (v2sf);
	s1 =	sadd.s32 s24, s23;
	s24 =	sld [smem:$0x70E]  }
0x8a5: {  	s0 =	smul.u32 $0x14F8B589, s0;
	[smem:$0x7C3] =	sst s1;
	s1 =	sadd.s32 s28, s26  }
0x8a6: {  	s23 =	smulhi.u32 $0x14F8B589, s20;
	[smem:$0x7C5] =	sst s1  }
0x8a7: {  	[smem:$0x73D] =	sst s0;
	s0 =	sshra.s32 s22, $0x1F  }
0x8a8: {  	[smem:$0x742] =	sst s23;
	s0 =	smul.u32 $0x14F8B589, s0  }
0x8a9: {  	(v2sf) =	vpush v11, $0xD;
	s22 =	sld [smem:$0x70D]  }
0x8aa: {  	(v2sf) =	vpush v11, $0xC;
	s1 =	sadd.s32 s31, s30;
	[smem:$0x73F] =	sst s0;
	s0 =	sshra.s32 s29, $0x1F  }
0x8ab: {  	(v2sf) =	vpush v11, $0xE;
	[smem:$0x7C6] =	sst s1;
	s1 =	sadd.s32 s19, s18;
	s0 =	smul.u32 $0x14F8B589, s0  }
0x8ac: {  	(v2sf) =	vpush v11, $0xF;
	[smem:$0x7C7] =	sst s1  }
0x8ad: {  	(v2sf) =	vpush v11, $0x9;
	s1 =	sadd.s32 s22, s21;
	[smem:$0x741] =	sst s0;
	s0 =	sshra.s32 s20, $0x1F  }
0x8ae: {  	(v2sf) =	vpush v11, $0x8;
	[smem:$0x7C8] =	sst s1;
	s1 =	sadd.s32 s25, s24;
	s0 =	smul.u32 $0x14F8B589, s0  }
0x8af: {  	(v2sf) =	vpush v11, $0xA;
	[smem:$0x7C9] =	sst s1  }
0x8b0: {  	s10 =	sadd.s32 s7, s10;
	(v2sf) =	vpush v11, $0xB;
	[smem:$0x743] =	sst s0  }
0x8b1: {  	[smem:$0x7DD] =	sst s10  }
0x8b2: {  	s26 =	sld [smem:$0x710]  }
0x8b3: {  	s28 =	sld [smem:$0x711]  }
0x8b4: {  	s30 =	sld [smem:$0x712]  }
0x8b5: {  	s31 =	sld [smem:$0x713]  }
0x8b6: {  	s18 =	sld [smem:$0x714]  }
0x8b7: {  	s19 =	sld [smem:$0x715]  }
0x8b8: {  	s21 =	sld [smem:$0x716]  }
0x8b9: {  	s22 =	sld [smem:$0x717]  }
0x8ba: {  	s0 =	spop (v2sf);
	s24 =	sld [smem:$0x718]  }
0x8bb: {  	s25 =	sld [smem:$0x719];
	s29 =	smulhi.u32 $0x14F8B589, s0  }
0x8bc: {  	s2 =	sld [smem:$0x72A]  }
0x8bd: {  	s0 =	sshra.s32 s0, $0x1F;
	s16 =	spop (v2sf);
	[smem:$0x744] =	sst s29  }
0x8be: {  	s0 =	smul.u32 $0x14F8B589, s0;
	s1 =	sadd.s32 s28, s26;
	s28 =	sld [smem:$0x71A]  }
0x8bf: {  	s20 =	smulhi.u32 $0x14F8B589, s16;
	[smem:$0x7BE] =	sst s1  }
0x8c0: {  	[smem:$0x745] =	sst s0  }
0x8c1: {  	[smem:$0x746] =	sst s20  }
0x8c2: {  	s1 =	sadd.s32 s31, s30;
	s30 =	sld [smem:$0x71B]  }
0x8c3: {  	s23 =	spop (v2sf);
	s0 =	sshra.s32 s16, $0x1F;
	s16 =	sld [smem:$0x71C]  }
0x8c4: {  	s26 =	smulhi.u32 $0x14F8B589, s23;
	s20 =	sld [smem:$0x71E]  }
0x8c5: {  	[smem:$0x7CA] =	sst s1  }
0x8c6: {  	[smem:$0x747] =	sst s26  }
0x8c7: {  	s1 =	sadd.s32 s19, s18;
	s18 =	sld [smem:$0x71D]  }
0x8c8: {  	s29 =	smul.u32 $0x14F8B589, s0;
	s0 =	sshra.s32 s23, $0x1F;
	s23 =	sld [smem:$0x720]  }
0x8c9: {  	s31 =	spop (v2sf);
	[smem:$0x7CB] =	sst s1  }
0x8ca: {  	s19 =	smulhi.u32 $0x14F8B589, s31;
	s1 =	sadd.s32 s22, s21;
	s21 =	sld [smem:$0x71F]  }
0x8cb: {  	[smem:$0x7CC] =	sst s1  }
0x8cc: {  	[smem:$0x749] =	sst s19  }
0x8cd: {  	s1 =	sadd.s32 s25, s24;
	s24 =	sld [smem:$0x721]  }
0x8ce: {  	s25 =	sld [smem:$0x722]  }
0x8cf: {  	s0 =	smul.u32 $0x14F8B589, s0;
	s19 =	sld [smem:$0x726]  }
0x8d0: {  	[smem:$0x7CD] =	sst s1  }
0x8d1: {  	[smem:$0x748] =	sst s0  }
0x8d2: {  	s1 =	sadd.s32 s30, s28;
	s30 =	sld [smem:$0x723]  }
0x8d3: {  	s22 =	spop (v2sf);
	[smem:$0x7CF] =	sst s1  }
0x8d4: {  	s28 =	smulhi.u32 $0x14F8B589, s22;
	s1 =	sadd.s32 s18, s16;
	s16 =	sld [smem:$0x724]  }
0x8d5: {  	s0 =	sshra.s32 s31, $0x1F;
	s31 =	spop (v2sf);
	s18 =	sld [smem:$0x725]  }
0x8d6: {  	s26 =	smul.u32 $0x14F8B589, s0;
	[smem:$0x7D1] =	sst s1  }
0x8d7: {  	s0 =	sshra.s32 s22, $0x1F;
	s1 =	sadd.s32 s21, s20;
	s20 =	sld [smem:$0x727]  }
0x8d8: {  	s21 =	spop (v2sf);
	[smem:$0x7D3] =	sst s1;
	s1 =	sadd.s32 s24, s23  }
0x8d9: {  	s24 =	smul.u32 $0x14F8B589, s0;
	[smem:$0x7D5] =	sst s1  }
0x8da: {  	s22 =	smulhi.u32 $0x14F8B589, s21;
	s1 =	sadd.s32 s30, s25;
	s30 =	sld [smem:$0x728]  }
0x8db: {  	(v2sf) =	vpush v11, $0x0;
	s0 =	sshra.s32 s31, $0x1F;
	s25 =	smulhi.u32 $0x14F8B589, s31;
	s31 =	sld [smem:$0x729]  }
0x8dc: {  	s23 =	smul.u32 $0x14F8B589, s0;
	s0 =	sshra.s32 s21, $0x1F;
	s21 =	sld [smem:$0x72D]  }
0x8dd: {  	[smem:$0x7D0] =	sst s1  }
0x8de: {  	s1 =	sadd.s32 s18, s16;
	s16 =	sld [smem:$0x72B]  }
0x8df: {  	[smem:$0x7D2] =	sst s1  }
0x8e0: {  	s24 =	sadd.s32 s24, s28;
	s1 =	sadd.s32 s20, s19;
	s19 =	sld [smem:$0x72C]  }
0x8e1: {  	(v2sf) =	vpush v11, $0x1;
	[smem:$0x7EE] =	sst s24  }
0x8e2: {  	[smem:$0x7D4] =	sst s1  }
0x8e3: {  	(v2sf) =	vpush v11, $0x2;
	s1 =	sadd.s32 s31, s30;
	s30 =	sld [smem:$0x72E]  }
0x8e4: {  	s23 =	sadd.s32 s23, s25;
	s31 =	sld [smem:$0x72F]  }
0x8e5: {  	[smem:$0x7EF] =	sst s23  }
0x8e6: {  	[smem:$0x7D6] =	sst s1  }
0x8e7: {  	s1 =	sadd.s32 s16, s2;
	s2 =	sld [smem:$0x732]  }
0x8e8: {  	(v2sf) =	vpush v11, $0x3;
	s18 =	spop (v2sf);
	[smem:$0x7D7] =	sst s1;
	s1 =	sadd.s32 s21, s19  }
0x8e9: {  	s20 =	smul.u32 $0x14F8B589, s0;
	s0 =	sshra.s32 s18, $0x1F;
	[smem:$0x7D8] =	sst s1  }
0x8ea: {  	s16 =	spop (v2sf);
	s1 =	sadd.s32 s31, s30;
	s30 =	sld [smem:$0x730]  }
0x8eb: {  	s20 =	sadd.s32 s20, s22;
	s21 =	smulhi.u32 $0x14F8B589, s18;
	s31 =	sld [smem:$0x731]  }
0x8ec: {  	s18 =	smul.u32 $0x14F8B589, s0;
	[smem:$0x7F0] =	sst s20  }
0x8ed: {  	(v2sf) =	vpush v11, $0x4;
	s19 =	smulhi.u32 $0x14F8B589, s16;
	[smem:$0x7D9] =	sst s1  }
0x8ee: {  	s0 =	sshra.s32 s16, $0x1F;
	s1 =	sadd.s32 s31, s30;
	s31 =	sld [smem:$0x733]  }
0x8ef: {  	s16 =	smul.u32 $0x14F8B589, s0;
	s30 =	sadd.s32 s17, s14;
	[smem:$0x7CE] =	sst s1  }
0x8f0: {  	s1 =	sadd.s32 s15, s2;
	s15 =	spop (v2sf);
	[smem:$0x7DB] =	sst s30  }
0x8f1: {  	[smem:$0x7DA] =	sst s1;
	s17 =	smulhi.u32 $0x14F8B589, s15;
	s0 =	sshra.s32 s15, $0x1F  }
0x8f2: {  	(v2sf) =	vpush v11, $0x5;
	s2 =	spop (v2sf);
	s14 =	smul.u32 $0x14F8B589, s0  }
0x8f3: {  	s15 =	smulhi.u32 $0x14F8B589, s2;
	s0 =	sshra.s32 s2, $0x1F;
	s2 =	sld [smem:$0x734]  }
0x8f4: {  	s1 =	sadd.s32 s12, s31;
	s12 =	sadd.s32 s4, s5;
	s5 =	sld [smem:$0x735]  }
0x8f5: {  	(v2sf) =	vpush v11, $0x6;
	[smem:$0x7DC] =	sst s1  }
0x8f6: {  	s31 =	sadd.s32 s13, s8;
	[smem:$0x7DE] =	sst s12  }
0x8f7: {  	(v2sf) =	vpush v11, $0x7;
	s30 =	spop (v2sf);
	s4 =	sadd.s32 s11, s9;
	[smem:$0x7DF] =	sst s31  }
0x8f8: {  	s12 =	smul.u32 $0x14F8B589, s0;
	[smem:$0x7E3] =	sst s4  }
0x8f9: {  	s13 =	smulhi.u32 $0x14F8B589, s30;
	s0 =	sshra.s32 s30, $0x1F;
	s30 =	sld [smem:$0x736]  }
0x8fa: {  	s31 =	sld [smem:$0x737]  }
0x8fb: {  	s10 =	smul.u32 $0x14F8B589, s0;
	s1 =	sadd.s32 s3, s2;
	s2 =	sld [smem:$0x738]  }
0x8fc: {  	s3 =	spop (v2sf);
	[smem:$0x7E1] =	sst s1  }
0x8fd: {  	s11 =	smulhi.u32 $0x14F8B589, s3;
	s0 =	sshra.s32 s3, $0x1F;
	s3 =	sld [smem:$0x739]  }
0x8fe: {  	s1 =	sadd.s32 s5, s6;
	s5 =	sld [smem:$0x73A]  }
0x8ff: {  	s6 =	sld [smem:$0x73B]  }
0x900: {  	[smem:$0x7E2] =	sst s1  }
0x901: {  	s7 =	spop (v2sf);
	s1 =	sadd.s32 s31, s30;
	s30 =	sld [smem:$0x73C]  }
0x902: {  	s8 =	smul.u32 $0x14F8B589, s0;
	s31 =	sld [smem:$0x73D]  }
0x903: {  	s9 =	smulhi.u32 $0x14F8B589, s7;
	s0 =	sshra.s32 s7, $0x1F;
	[smem:$0x7E4] =	sst s1  }
0x904: {  	v13 =	vld [tilespmem:$0x1D0];
	s4 =	spop (v2sf);
	s1 =	sadd.s32 s3, s2;
	s2 =	sld [smem:$0x740]  }
0x905: {  	s7 =	smul.u32 $0x14F8B589, s0;
	[smem:$0x7E5] =	sst s1;
	s1 =	sadd.s32 s6, s5  }
0x906: {  	s0 =	sshra.s32 s4, $0x1F;
	s3 =	spop (v2sf);
	[smem:$0x7E6] =	sst s1  }
0x907: {  	s6 =	smulhi.u32 $0x14F8B589, s4;
	s1 =	sadd.s32 s31, s30;
	s30 =	sld [smem:$0x73E]  }
0x908: {  	s5 =	smul.u32 $0x14F8B589, s0;
	s31 =	sld [smem:$0x73F]  }
0x909: {  	(v2sf) =	vpush v13, $0xD;
	s4 =	smulhi.u32 $0x14F8B589, s3;
	s0 =	sshra.s32 s3, $0x1F;
	s3 =	sld [smem:$0x741]  }
0x90a: {  	[smem:$0x7E7] =	sst s1  }
0x90b: {  	s1 =	sadd.s32 s31, s30;
	s30 =	sld [smem:$0x742]  }
0x90c: {  	(v2sf) =	vpush v13, $0xC;
	s31 =	sld [smem:$0x743]  }
0x90d: {  	[smem:$0x7E8] =	sst s1;
	s1 =	sadd.s32 s3, s2  }
0x90e: {  	(v2sf) =	vpush v13, $0xE;
	[smem:$0x7E9] =	sst s1  }
0x90f: {  	(v2sf) =	vpush v13, $0xF;
	s1 =	sadd.s32 s31, s30;
	s30 =	sld [smem:$0x745]  }
0x910: {  	[smem:$0x7E0] =	sst s1  }
0x911: {  	s14 =	sadd.s32 s14, s17;
	s1 =	sld [smem:$0x744]  }
0x912: {  	[smem:$0x7F1] =	sst s14;
	s12 =	sadd.s32 s12, s15  }
0x913: {  	(v2sf) =	vpush v13, $0x9;
	[smem:$0x7F2] =	sst s12  }
0x914: {  	s10 =	sadd.s32 s10, s13;
	s1 =	sadd.s32 s30, s1;
	s30 =	sld [smem:$0x746]  }
0x915: {  	(v2sf) =	vpush v13, $0x8;
	[smem:$0x7F3] =	sst s10;
	s8 =	sadd.s32 s8, s11  }
0x916: {  	[smem:$0x7F4] =	sst s8  }
0x917: {  	(v2sf) =	vpush v13, $0xA;
	s3 =	smul.u32 $0x14F8B589, s0;
	s31 =	sadd.s32 s29, s30;
	s29 =	sld [smem:$0x747]  }
0x918: {  	(v2sf) =	vpush v13, $0xB;
	s7 =	sadd.s32 s7, s9;
	s0 =	spop (v2sf);
	s30 =	sld [smem:$0x748]  }
0x919: {  	[smem:$0x7F5] =	sst s7;
	s2 =	smulhi.u32 $0x14F8B589, s0;
	s0 =	sshra.s32 s0, $0x1F  }
0x91a: {  	[smem:$0x7EA] =	sst s1;
	s1 =	smul.u32 $0x14F8B589, s0  }
0x91b: {  	s0 =	spop (v2sf);
	s29 =	sadd.s32 s30, s29;
	s30 =	sld [smem:$0x749]  }
0x91c: {  	s25 =	sadd.s32 s18, s21;
	(v2sf) =	vpush v13, $0x0;
	[smem:$0x7EB] =	sst s31;
	s31 =	smulhi.u32 $0x14F8B589, s0  }
0x91d: {  	s0 =	sshra.s32 s0, $0x1F;
	[smem:$0x7EC] =	sst s29;
	s29 =	spop (v2sf)  }
0x91e: {  	(v2sf) =	vpush v13, $0x1;
	s0 =	smul.u32 $0x14F8B589, s0;
	s26 =	sadd.s32 s26, s30;
	s30 =	spop (v2sf)  }
0x91f: {  	s22 =	sadd.s32 s16, s19;
	[smem:$0x7ED] =	sst s26;
	s26 =	smulhi.u32 $0x14F8B589, s29  }
0x920: {  	s5 =	sadd.s32 s5, s6;
	s29 =	sshra.s32 s29, $0x1F;
	s23 =	smulhi.u32 $0x14F8B589, s30  }
0x921: {  	[smem:$0x7F6] =	sst s5;
	s28 =	sshra.s32 s30, $0x1F;
	s24 =	smul.u32 $0x14F8B589, s29  }
0x922: {  	s1 =	sadd.s32 s1, s2;
	s20 =	smul.u32 $0x14F8B589, s28;
	s29 =	spop (v2sf)  }
0x923: {  	[smem:$0x7F7] =	sst s1;
	s18 =	smulhi.u32 $0x14F8B589, s29;
	s30 =	sshra.s32 s29, $0x1F  }
0x924: {  	(v2sf) =	vpush v13, $0x2;
	s0 =	sadd.s32 s0, s31;
	s28 =	spop (v2sf);
	s16 =	smul.u32 $0x14F8B589, s30  }
0x925: {  	[smem:$0x7F8] =	sst s0;
	s14 =	smulhi.u32 $0x14F8B589, s28;
	s29 =	sshra.s32 s28, $0x1F  }
0x926: {  	s30 =	spop (v2sf);
	s23 =	sadd.s32 s20, s23;
	s20 =	sld [smem:$0x751]  }
0x927: {  	s12 =	smul.u32 $0x14F8B589, s29;
	s19 =	spop (v2sf)  }
0x928: {  	s7 =	smulhi.u32 $0x14F8B589, s19;
	s21 =	sshra.s32 s19, $0x1F;
	s19 =	sadd.s32 s24, s26  }
0x929: {  	s10 =	smulhi.u32 $0x14F8B589, s30;
	s17 =	sshra.s32 s30, $0x1F;
	[smem:$0x7F9] =	sst s19  }
0x92a: {  	s8 =	smul.u32 $0x14F8B589, s17;
	s30 =	sadd.s32 s12, s14;
	s14 =	sld [smem:$0x74A]  }
0x92b: {  	s28 =	spop (v2sf);
	s12 =	sld [smem:$0x74E]  }
0x92c: {  	s5 =	smul.u32 $0x14F8B589, s21;
	[smem:$0x7FA] =	sst s30  }
0x92d: {  	s15 =	spop (v2sf);
	s8 =	sadd.s32 s8, s10;
	s10 =	sld [smem:$0x74D]  }
0x92e: {  	s17 =	smulhi.u32 $0x14F8B589, s15;
	s2 =	sshra.s32 s15, $0x1F;
	s15 =	sld [smem:$0x74F]  }
0x92f: {  	s29 =	smulhi.u32 $0x14F8B589, s28;
	s11 =	sshra.s32 s28, $0x1F;
	[smem:$0x7FB] =	sst s8  }
0x930: {  	s13 =	smul.u32 $0x14F8B589, s11;
	s5 =	sadd.s32 s5, s7;
	s7 =	sld [smem:$0x74C]  }
0x931: {  	s31 =	sadd.s32 s16, s18;
	s2 =	smul.u32 $0x14F8B589, s2;
	[dreg:$0x19] =	wrdreg s5  }
0x932: {  	s21 =	sadd.s32 s3, s4;
	s28 =	sadd.s32 s13, s29;
	s5 =	sld [smem:$0x74B]  }
0x933: {  	s13 =	sshrl.u32 s12, $0x1F;
	s29 =	sadd.s32 s2, s17;
	s24 =	spop (v2sf)  }
0x934: {  	s11 =	sshrl.u32 s10, $0x1F;
	s26 =	smulhi.u32 $0x14F8B589, s24;
	s4 =	sshra.s32 s24, $0x1F  }
0x935: {  	s2 =	sshra.s32 s10, $0xB;
	s16 =	sshra.s32 s15, $0xB;
	s4 =	smul.u32 $0x14F8B589, s4  }
0x936: {  	s17 =	sshrl.u32 s15, $0x1F;
	s10 =	sld [smem:$0x753];
	s9 =	sshrl.u32 s7, $0x1F  }
0x937: {  	v39 =	vmov s9;
	s9 =	sld [smem:$0x752];
	s30 =	sadd.s32 s4, s26;
	s4 =	sshra.s32 s14, $0x1F  }
0x938: {  	s18 =	sshra.s32 s15, $0x1F;
	s8 =	sshra.s32 s7, $0xB;
	v38 =	vmov s11;
	s6 =	sshrl.u32 s5, $0x1F;
	v0 =	vmov s4  }
0x939: {  	s3 =	sshra.s32 s7, $0x1F;
	v14 =	vsel vm0, s6, v38;
	s24 =	sshrl.u32 s20, $0x1F;
	v0 =	vsel vm3, s8, v0;
	s8 =	sld [smem:$0x750]  }
0x93a: {  	v15 =	vnsel vm3, $0x0, v39;
	s11 =	sshrl.u32 s10, $0x1F;
	v14 =	vsel vm1, s13, v14;
	s13 =	sld [smem:$0x755];
	s7 =	sshrl.u32 s9, $0x1F;
	v0 =	vsel vm9, s3, v0  }
0x93b: {  	v15 =	vsel vm0, s17, v15;
	s17 =	sshra.s32 s10, $0x1F;
	s26 =	sshra.s32 s20, $0xB;
	v41 =	vmov s7;
	s7 =	sld [smem:$0x756];
	v0 =	vsel vm0, s16, v0  }
0x93c: {  	v40 =	vsel vm1, s24, v15;
	s16 =	sshra.s32 s10, $0xB;
	s10 =	sld [smem:$0x758];
	v0 =	vsel vm10, s18, v0;
	s19 =	sshrl.u32 s8, $0x1F  }
0x93d: {  	s0 =	sshra.s32 s12, $0xB;
	s6 =	sshra.s32 s20, $0x1F;
	v17 =	vsel vm2, s19, v14;
	v0 =	vsel vm1, s26, v0;
	v14 =	vsel vm2, s11, v40;
	s11 =	sld [smem:$0x757]  }
0x93e: {  	s1 =	sshra.s32 s5, $0xB;
	s15 =	sshrl.u32 s13, $0x1F;
	v0 =	vsel vm11, s6, v0;
	s6 =	sld [smem:$0x754]  }
0x93f: {  	s18 =	sshrl.u32 s7, $0x1F;
	s8 =	sshra.s32 s8, $0xB;
	s26 =	sshra.s32 s13, $0xB;
	v0 =	vsel vm2, s16, v0  }
0x940: {  	v14 =	vsel vm4, s15, v14;
	s20 =	sshrl.u32 s10, $0x1F;
	s15 =	sshra.s32 s13, $0x1F;
	s13 =	sld [smem:$0x75B];
	v0 =	vsel vm12, s17, v0  }
0x941: {  	s16 =	sshrl.u32 s14, $0x1F;
	s19 =	sshrl.u32 s11, $0x1F;
	s12 =	sshrl.u32 s6, $0x1F;
	v0 =	vsel vm4, s26, v0  }
0x942: {  	v14 =	vsel vm5, s19, v14;
	s17 =	sshra.s32 s6, $0xB;
	s19 =	sshra.s32 s11, $0xB;
	v15 =	vsel vm0, s12, v41;
	s12 =	sld [smem:$0x759];
	v0 =	vsel vm13, s15, v0  }
0x943: {  	s26 =	sshra.s32 s11, $0x1F;
	v15 =	vsel vm1, s18, v15;
	s18 =	sshra.s32 s9, $0xB;
	v0 =	vsel vm5, s19, v0;
	s19 =	sld [smem:$0x75F]  }
0x944: {  	s6 =	sshra.s32 s14, $0xB;
	v24 =	vsel vm2, s20, v15;
	v43 =	vmov s18;
	s20 =	sshra.s32 s7, $0xB;
	s7 =	sld [smem:$0x75A]  }
0x945: {  	s9 =	sshra.s32 s13, $0x1F;
	s24 =	sshrl.u32 s12, $0x1F;
	v15 =	vsel vm0, s17, v43;
	s17 =	sld [smem:$0x75E]  }
0x946: {  	v42 =	vmov s2;
	v0 =	vsel vm14, s26, v0;
	s2 =	sshra.s32 s12, $0xB;
	v14 =	vsel vm6, s24, v14;
	s24 =	sshra.s32 s10, $0xB;
	s10 =	sld [smem:$0x75C]  }
0x947: {  	s5 =	sshra.s32 s12, $0x1F;
	s12 =	sld [smem:$0x75D];
	v44 =	vsel vm1, s20, v15;
	s20 =	sshrl.u32 s19, $0x1F;
	v28 =	vsel vm7, s16, v14;
	v14 =	vsel vm0, s1, v42  }
0x948: {  	v0 =	vsel vm6, s2, v0;
	v14 =	vsel vm1, s0, v14;
	s18 =	sshrl.u32 s17, $0x1F;
	s1 =	sshra.s32 s17, $0xB;
	s17 =	sld [smem:$0x764]  }
0x949: {  	v0 =	vsel vm15, s5, v0;
	s0 =	sshra.s32 s7, $0xB;
	v56 =	vsel vm2, s8, v14;
	v14 =	vsel vm2, s24, v44;
	s11 =	sshrl.u32 s10, $0x1F;
	s24 =	sld [smem:$0x760]  }
0x94a: {  	v51 =	vsel vm7, s6, v0;
	s15 =	sshrl.u32 s12, $0x1F;
	s8 =	sshrl.u32 s7, $0x1F;
	s7 =	sld [smem:$0x765];
	v0 =	vmov s11  }
0x94b: {  	v45 =	vmov s9;
	s14 =	sshra.s32 s12, $0xB;
	s16 =	sshra.s32 s12, $0x1F;
	v46 =	vmov s15;
	s11 =	sld [smem:$0x762];
	v0 =	vsel vm0, s8, v0  }
0x94c: {  	[tilespmem:$0x1FED0] =	vst v14;
	v14 =	vsel vm3, s14, v45;
	v15 =	vnsel vm3, $0x0, v46;
	s26 =	sshra.s32 s24, $0xB;
	v0 =	vsel vm1, s18, v0;
	s8 =	sshrl.u32 s24, $0x1F;
	s9 =	sshra.s32 s24, $0x1F  }
0x94d: {  	v14 =	vsel vm9, s16, v14;
	s18 =	sshrl.u32 s17, $0x1F;
	s24 =	sshra.s32 s17, $0xB;
	v55 =	vsel vm2, s20, v0;
	v0 =	vsel vm0, s8, v15;
	s8 =	sld [smem:$0x761]  }
0x94e: {  	v14 =	vsel vm0, s26, v14;
	s12 =	sshrl.u32 s11, $0x1F;
	s26 =	sshra.s32 s17, $0x1F;
	s17 =	sld [smem:$0x769]  }
0x94f: {  	s14 =	sshra.s32 s11, $0xB;
	v14 =	vsel vm10, s9, v14;
	v0 =	vsel vm1, s12, v0;
	s12 =	sld [smem:$0x766]  }
0x950: {  	v14 =	vsel vm1, s14, v14;
	s14 =	sld [smem:$0x768]  }
0x951: {  	s3 =	sshra.s32 s10, $0xB;
	s9 =	sld [smem:$0x767];
	s10 =	sshrl.u32 s8, $0x1F  }
0x952: {  	s15 =	sshra.s32 s11, $0x1F;
	v0 =	vsel vm2, s18, v0;
	v47 =	vmov s10;
	s10 =	sld [smem:$0x763];
	s20 =	sshrl.u32 s12, $0x1F  }
0x953: {  	s4 =	sshra.s32 s19, $0xB;
	s6 =	sld [smem:$0x772];
	v14 =	vsel vm11, s15, v14;
	v0 =	vsel vm4, s20, v0;
	s15 =	sshrl.u32 s14, $0x1F  }
0x954: {  	s19 =	sshrl.u32 s7, $0x1F;
	s7 =	sshra.s32 s7, $0xB;
	s18 =	sshrl.u32 s17, $0x1F;
	v14 =	vsel vm2, s24, v14;
	v0 =	vsel vm5, s15, v0  }
0x955: {  	v48 =	vmov s3;
	s11 =	sshrl.u32 s9, $0x1F;
	v14 =	vsel vm12, s26, v14;
	s26 =	sshrl.u32 s13, $0x1F;
	s16 =	sshrl.u32 s10, $0x1F;
	v0 =	vsel vm6, s18, v0  }
0x956: {  	s20 =	sshra.s32 s8, $0xB;
	s15 =	sshra.s32 s13, $0xB;
	s13 =	sld [smem:$0x76B];
	v15 =	vsel vm0, s16, v47;
	v57 =	vsel vm7, s26, v0;
	v0 =	vsel vm0, s0, v48  }
0x957: {  	s16 =	sshra.s32 s10, $0xB;
	s10 =	sld [smem:$0x76E];
	v15 =	vsel vm1, s19, v15;
	s19 =	sshra.s32 s12, $0xB;
	v0 =	vsel vm1, s1, v0  }
0x958: {  	s24 =	sshra.s32 s12, $0x1F;
	s8 =	sshra.s32 s9, $0xB;
	v49 =	vmov s20;
	v14 =	vsel vm4, s19, v14;
	v0 =	vsel vm2, s4, v0;
	s19 =	sld [smem:$0x76C]  }
0x959: {  	s9 =	sshra.s32 s14, $0xB;
	s12 =	sshra.s32 s17, $0xB;
	v14 =	vsel vm13, s24, v14;
	[tilespmem:$0x1FEF0] =	vst v0;
	v0 =	vsel vm0, s16, v49;
	s16 =	sld [smem:$0x76A]  }
0x95a: {  	v15 =	vsel vm2, s11, v15;
	s11 =	sshra.s32 s14, $0x1F;
	s14 =	sshra.s32 s17, $0x1F;
	s24 =	sld [smem:$0x76D];
	v14 =	vsel vm5, s9, v14  }
0x95b: {  	v0 =	vsel vm1, s7, v0;
	v14 =	vsel vm14, s11, v14;
	s20 =	sshrl.u32 s19, $0x1F;
	s4 =	sshra.s32 s19, $0xB;
	s19 =	sld [smem:$0x771]  }
0x95c: {  	s3 =	sshra.s32 s10, $0xB;
	v0 =	vsel vm2, s8, v0;
	s11 =	sshrl.u32 s10, $0x1F;
	s10 =	sld [smem:$0x773];
	v14 =	vsel vm6, s12, v14  }
0x95d: {  	s2 =	sshra.s32 s6, $0xB;
	[tilespmem:$0x1FF00] =	vst v0;
	s12 =	sld [smem:$0x76F];
	v0 =	vsel vm15, s14, v14  }
0x95e: {  	s18 =	sshra.s32 s13, $0x1F;
	s8 =	sld [smem:$0x777];
	s17 =	sshrl.u32 s16, $0x1F;
	v0 =	vsel vm7, s15, v0  }
0x95f: {  	v50 =	vmov s18;
	s0 =	sshra.s32 s16, $0xB;
	s26 =	sshra.s32 s24, $0xB;
	s9 =	sshra.s32 s24, $0x1F;
	[tilespmem:$0x1FF10] =	vst v0;
	v0 =	vmov s20  }
0x960: {  	v52 =	vsel vm3, s26, v50;
	s14 =	sshra.s32 s12, $0xB;
	s15 =	sshrl.u32 s12, $0x1F;
	v0 =	vsel vm0, s17, v0;
	s17 =	sld [smem:$0x770]  }
0x961: {  	v14 =	vsel vm9, s9, v52;
	s16 =	sshra.s32 s12, $0x1F;
	s12 =	sld [smem:$0x774];
	v0 =	vsel vm1, s11, v0;
	s11 =	sshrl.u32 s10, $0x1F  }
0x962: {  	s7 =	sshrl.u32 s24, $0x1F;
	v14 =	vsel vm0, s14, v14;
	s10 =	sshra.s32 s10, $0xB;
	v54 =	vmov s11;
	s11 =	sld [smem:$0x778]  }
0x963: {  	v53 =	vmov s7;
	s24 =	sshra.s32 s19, $0xB;
	v14 =	vsel vm10, s16, v14;
	v59 =	vmov s10;
	s10 =	sld [smem:$0x77A];
	s18 =	sshrl.u32 s17, $0x1F  }
0x964: {  	[tilespmem:$0x1FEE0] =	vst v15;
	v15 =	vnsel vm3, $0x0, v53;
	s26 =	sshra.s32 s19, $0x1F;
	s9 =	sshrl.u32 s6, $0x1F;
	v14 =	vsel vm1, s24, v14;
	v0 =	vsel vm2, s18, v0;
	s18 =	sld [smem:$0x776]  }
0x965: {  	s20 =	sshrl.u32 s19, $0x1F;
	v14 =	vsel vm11, s26, v14;
	[tilespmem:$0x1FF20] =	vst v0;
	v0 =	vsel vm0, s15, v15;
	s15 =	sshra.s32 s12, $0xB;
	v15 =	vsel vm0, s9, v54;
	s9 =	sld [smem:$0x775]  }
0x966: {  	s14 =	sshrl.u32 s12, $0x1F;
	s16 =	sshra.s32 s12, $0x1F;
	v0 =	vsel vm1, s20, v0;
	v14 =	vsel vm2, s15, v14;
	s15 =	sld [smem:$0x779]  }
0x967: {  	s1 =	sshra.s32 s17, $0xB;
	s24 =	sshrl.u32 s11, $0x1F;
	v0 =	vsel vm2, s14, v0;
	s19 =	sshrl.u32 s18, $0x1F  }
0x968: {  	s20 =	sshrl.u32 s8, $0x1F;
	s26 =	sshra.s32 s18, $0xB;
	s14 =	sshra.s32 s18, $0x1F;
	v0 =	vsel vm4, s19, v0  }
0x969: {  	v14 =	vsel vm12, s16, v14;
	s18 =	sshrl.u32 s13, $0x1F;
	s17 =	sshrl.u32 s9, $0x1F;
	v0 =	vsel vm5, s24, v0;
	s16 =	sshrl.u32 s15, $0x1F  }
0x96a: {  	v58 =	vmov s4;
	v14 =	vsel vm4, s26, v14;
	s19 =	sshra.s32 s11, $0xB;
	s24 =	sshra.s32 s11, $0x1F;
	s11 =	sld [smem:$0x77B];
	v0 =	vsel vm6, s16, v0  }
0x96b: {  	v15 =	vsel vm1, s17, v15;
	v14 =	vsel vm13, s14, v14;
	s17 =	sshra.s32 s9, $0xB;
	s26 =	sshra.s32 s15, $0xB;
	s14 =	sld [smem:$0x77C];
	v0 =	vsel vm7, s18, v0  }
0x96c: {  	s5 =	sshra.s32 s15, $0x1F;
	s9 =	sshra.s32 s13, $0xB;
	s15 =	sld [smem:$0x77D];
	v14 =	vsel vm5, s19, v14;
	[tilespmem:$0x1FF50] =	vst v0;
	v0 =	vsel vm0, s0, v58  }
0x96d: {  	v15 =	vsel vm2, s20, v15;
	s20 =	sshra.s32 s8, $0xB;
	v14 =	vsel vm14, s24, v14;
	s24 =	sld [smem:$0x77F];
	s12 =	sshrl.u32 s11, $0x1F;
	v0 =	vsel vm1, s3, v0  }
0x96e: {  	s8 =	sshrl.u32 s10, $0x1F;
	s0 =	sshra.s32 s10, $0xB;
	v62 =	vmov s12;
	s12 =	sld [smem:$0x781];
	v0 =	vsel vm2, s1, v0  }
0x96f: {  	s16 =	sshrl.u32 s15, $0x1F;
	s1 =	sshra.s32 s15, $0xB;
	s15 =	sld [smem:$0x782];
	[tilespmem:$0x1FF40] =	vst v0;
	v0 =	vsel vm0, s2, v59  }
0x970: {  	v14 =	vsel vm6, s26, v14;
	s13 =	sshra.s32 s14, $0x1F;
	s3 =	sshra.s32 s11, $0xB;
	v0 =	vsel vm1, s17, v0;
	s17 =	sld [smem:$0x77E]  }
0x971: {  	v14 =	vsel vm15, s5, v14;
	v61 =	vmov s13;
	s26 =	sshrl.u32 s24, $0x1F;
	s5 =	sshra.s32 s24, $0xB;
	s24 =	sld [smem:$0x784]  }
0x972: {  	s13 =	sshrl.u32 s12, $0x1F;
	s4 =	sshra.s32 s12, $0xB;
	v25 =	vsel vm2, s20, v0;
	v0 =	vsel vm7, s9, v14;
	s9 =	sld [smem:$0x780];
	v14 =	vsel vm0, s8, v62  }
0x973: {  	s12 =	sld [smem:$0x787];
	v14 =	vsel vm1, s16, v14;
	s16 =	sshrl.u32 s15, $0x1F;
	s18 =	sshra.s32 s17, $0xB  }
0x974: {  	s19 =	sshrl.u32 s17, $0x1F;
	s20 =	sshra.s32 s17, $0x1F;
	s17 =	sshra.s32 s15, $0xB  }
0x975: {  	[tilespmem:$0x1FF60] =	vst v0;
	v34 =	vsel vm2, s26, v14;
	s26 =	sshrl.u32 s24, $0x1F;
	v0 =	vsel vm3, s18, v61;
	v63 =	vmov s19;
	s10 =	sshra.s32 s9, $0xB;
	s19 =	sld [smem:$0x783]  }
0x976: {  	[tilespmem:$0x1FF30] =	vst v15;
	s11 =	sshrl.u32 s9, $0x1F;
	s7 =	sshra.s32 s9, $0x1F;
	s9 =	sld [smem:$0x785];
	v0 =	vsel vm9, s20, v0;
	v15 =	vnsel vm3, $0x0, v63  }
0x977: {  	s18 =	sshra.s32 s15, $0x1F;
	v0 =	vsel vm0, s10, v0;
	v15 =	vsel vm0, s11, v15;
	s11 =	sld [smem:$0x789];
	s10 =	sshra.s32 s14, $0xB  }
0x978: {  	v0 =	vsel vm10, s7, v0;
	v18 =	vsel vm1, s16, v15;
	s20 =	sshrl.u32 s19, $0x1F;
	s2 =	sshra.s32 s19, $0xB;
	s19 =	sld [smem:$0x786]  }
0x979: {  	s16 =	sshrl.u32 s9, $0x1F;
	v0 =	vsel vm1, s17, v0;
	v14 =	vsel vm2, s26, v18;
	s17 =	sshra.s32 s24, $0xB;
	s26 =	sld [smem:$0x788]  }
0x97a: {  	v19 =	vmov s20;
	v0 =	vsel vm11, s18, v0;
	s18 =	sshra.s32 s24, $0x1F;
	s24 =	sshrl.u32 s12, $0x1F;
	s15 =	sshrl.u32 s11, $0x1F  }
0x97b: {  	v15 =	vsel vm0, s13, v19;
	v14 =	vsel vm4, s16, v14;
	s16 =	sshra.s32 s9, $0xB;
	s7 =	sshra.s32 s11, $0xB;
	s13 =	sld [smem:$0x78D];
	v0 =	vsel vm2, s17, v0  }
0x97c: {  	s20 =	sshrl.u32 s19, $0x1F;
	v14 =	vsel vm5, s24, v14;
	s17 =	sshra.s32 s19, $0xB;
	s19 =	sshrl.u32 s14, $0x1F;
	v0 =	vsel vm12, s18, v0  }
0x97d: {  	s24 =	sshra.s32 s12, $0xB;
	s14 =	sld [smem:$0x78B];
	v14 =	vsel vm6, s15, v14;
	s18 =	sshra.s32 s9, $0x1F;
	v0 =	vsel vm4, s16, v0  }
0x97e: {  	v20 =	vmov s3;
	s8 =	sshrl.u32 s26, $0x1F;
	s9 =	sshra.s32 s11, $0x1F;
	s11 =	sld [smem:$0x78A];
	v14 =	vsel vm7, s19, v14;
	v0 =	vsel vm13, s18, v0  }
0x97f: {  	v15 =	vsel vm1, s20, v15;
	s20 =	sshra.s32 s26, $0xB;
	s26 =	sshra.s32 s12, $0x1F;
	[tilespmem:$0x1FF70] =	vst v14;
	v14 =	vsel vm0, s0, v20;
	v0 =	vsel vm5, s24, v0;
	s24 =	sld [smem:$0x78F]  }
0x980: {  	v21 =	vmov s2;
	s16 =	sld [smem:$0x78C];
	s15 =	sshrl.u32 s14, $0x1F;
	v14 =	vsel vm1, s1, v14;
	v0 =	vsel vm14, s26, v0  }
0x981: {  	v40 =	vsel vm2, s8, v15;
	s18 =	sshra.s32 s13, $0x1F;
	v46 =	vsel vm2, s5, v14;
	s5 =	sshra.s32 s14, $0xB;
	s14 =	sld [smem:$0x791];
	v0 =	vsel vm6, s7, v0  }
0x982: {  	v15 =	vsel vm0, s4, v21;
	s19 =	sld [smem:$0x78E];
	s12 =	sshrl.u32 s11, $0x1F;
	v23 =	vmov s18;
	v0 =	vsel vm15, s9, v0;
	s26 =	sshra.s32 s24, $0xB  }
0x983: {  	s0 =	sshra.s32 s11, $0xB;
	s18 =	sld [smem:$0x792];
	s11 =	sshra.s32 s24, $0x1F;
	v36 =	vsel vm7, s10, v0;
	v0 =	vmov s15;
	v14 =	vsel vm3, s26, v23  }
0x984: {  	v22 =	vsel vm1, s17, v15;
	s17 =	sshrl.u32 s16, $0x1F;
	s15 =	sshra.s32 s14, $0xB;
	v0 =	vsel vm0, s12, v0;
	v14 =	vsel vm9, s11, v14;
	s12 =	sld [smem:$0x790]  }
0x985: {  	v48 =	vsel vm2, s20, v22;
	s1 =	sshra.s32 s16, $0xB;
	s20 =	sshrl.u32 s19, $0x1F;
	v0 =	vsel vm1, s17, v0;
	v14 =	vsel vm0, s15, v14;
	s15 =	sld [smem:$0x795]  }
0x986: {  	s2 =	sshra.s32 s19, $0xB;
	s9 =	sshrl.u32 s24, $0x1F;
	v0 =	vsel vm2, s20, v0;
	s20 =	sld [smem:$0x793]  }
0x987: {  	v26 =	vmov s9;
	s4 =	sshrl.u32 s12, $0x1F;
	s7 =	sshra.s32 s12, $0xB;
	s12 =	sld [smem:$0x794]  }
0x988: {  	s19 =	sshrl.u32 s18, $0x1F;
	s3 =	sshra.s32 s18, $0xB;
	s16 =	sshrl.u32 s14, $0x1F;
	v15 =	vnsel vm3, $0x0, v26  }
0x989: {  	v27 =	vmov s19;
	s17 =	sshra.s32 s14, $0x1F;
	[tilespmem:$0x1FF80] =	vst v0;
	v0 =	vsel vm0, s16, v15;
	s16 =	sshrl.u32 s15, $0x1F;
	s26 =	sshra.s32 s20, $0xB  }
0x98a: {  	v14 =	vsel vm10, s17, v14;
	v15 =	vsel vm0, s4, v27;
	s14 =	sshrl.u32 s12, $0x1F;
	s4 =	sshra.s32 s12, $0xB;
	s12 =	sld [smem:$0x796]  }
0x98b: {  	s18 =	sshra.s32 s15, $0xB;
	s19 =	sshra.s32 s15, $0x1F;
	v14 =	vsel vm1, s26, v14;
	s26 =	sld [smem:$0x798]  }
0x98c: {  	s15 =	sld [smem:$0x799];
	s24 =	sshrl.u32 s20, $0x1F;
	s11 =	sshra.s32 s20, $0x1F  }
0x98d: {  	v30 =	vmov s3;
	s3 =	sshra.s32 s13, $0xB;
	s20 =	sld [smem:$0x797];
	v0 =	vsel vm1, s24, v0;
	v14 =	vsel vm11, s11, v14  }
0x98e: {  	v0 =	vsel vm2, s16, v0;
	v15 =	vsel vm1, s14, v15;
	s11 =	sld [smem:$0x79A];
	v14 =	vsel vm2, s18, v14;
	s17 =	sshrl.u32 s12, $0x1F;
	s14 =	sshrl.u32 s26, $0x1F  }
0x98f: {  	v14 =	vsel vm12, s19, v14;
	s18 =	sshra.s32 s12, $0x1F;
	v0 =	vsel vm4, s17, v0;
	s17 =	sshra.s32 s12, $0xB;
	s12 =	sld [smem:$0x79B]  }
0x990: {  	s16 =	sshrl.u32 s15, $0x1F;
	s24 =	sshrl.u32 s20, $0x1F;
	v0 =	vsel vm5, s14, v0;
	v14 =	vsel vm4, s17, v14;
	s14 =	sld [smem:$0x79C]  }
0x991: {  	s6 =	sshra.s32 s20, $0xB;
	s20 =	sshra.s32 s26, $0xB;
	s17 =	sld [smem:$0x79E];
	v14 =	vsel vm13, s18, v14  }
0x992: {  	v42 =	vsel vm2, s24, v15;
	s19 =	sshrl.u32 s13, $0x1F;
	s24 =	sshra.s32 s26, $0x1F;
	v0 =	vsel vm6, s16, v0;
	s16 =	sld [smem:$0x79D];
	v14 =	vsel vm5, s20, v14  }
0x993: {  	v29 =	vmov s5;
	s10 =	sshra.s32 s15, $0x1F;
	s9 =	sshrl.u32 s11, $0x1F;
	v0 =	vsel vm7, s19, v0;
	v14 =	vsel vm14, s24, v14;
	s24 =	sld [smem:$0x79F]  }
0x994: {  	[tilespmem:$0x1FF90] =	vst v0;
	v0 =	vsel vm0, s0, v29;
	s0 =	sshra.s32 s11, $0xB;
	s18 =	sshra.s32 s17, $0xB;
	s11 =	sld [smem:$0x7A0]  }
0x995: {  	s19 =	sshrl.u32 s17, $0x1F;
	s20 =	sshra.s32 s17, $0x1F;
	s17 =	sld [smem:$0x7A2]  }
0x996: {  	s26 =	sshra.s32 s15, $0xB;
	s13 =	sshrl.u32 s12, $0x1F;
	v0 =	vsel vm1, s1, v0;
	v38 =	vmov s19;
	s19 =	sld [smem:$0x7A3]  }
0x997: {  	s15 =	sshra.s32 s14, $0x1F;
	v14 =	vsel vm6, s26, v14;
	v41 =	vsel vm2, s2, v0;
	s2 =	sshra.s32 s12, $0xB;
	s12 =	sld [smem:$0x7A1]  }
0x998: {  	v37 =	vmov s13;
	s1 =	sshra.s32 s16, $0xB;
	v0 =	vsel vm0, s7, v30;
	s7 =	sshrl.u32 s16, $0x1F;
	v14 =	vsel vm15, s10, v14;
	s10 =	sld [smem:$0x7A4]  }
0x999: {  	v31 =	vmov s15;
	v0 =	vsel vm1, s4, v0;
	s26 =	sshrl.u32 s24, $0x1F;
	v39 =	vsel vm7, s3, v14;
	s4 =	sshra.s32 s24, $0xB;
	s3 =	sshrl.u32 s11, $0x1F  }
0x99a: {  	v15 =	vsel vm3, s18, v31;
	v16 =	vnsel vm3, $0x0, v38;
	v14 =	vsel vm0, s9, v37;
	s5 =	sshra.s32 s11, $0xB;
	s18 =	sshrl.u32 s17, $0x1F;
	s9 =	sshra.s32 s17, $0xB  }
0x99b: {  	v15 =	vsel vm9, s20, v15;
	v14 =	vsel vm1, s7, v14;
	s20 =	sshra.s32 s19, $0xB;
	v44 =	vmov s18;
	s18 =	sld [smem:$0x7A6];
	s13 =	sshra.s32 s12, $0xB  }
0x99c: {  	v35 =	vsel vm2, s6, v0;
	s15 =	sshrl.u32 s12, $0x1F;
	s16 =	sshra.s32 s12, $0x1F;
	v0 =	vsel vm2, s26, v14;
	v15 =	vsel vm0, s13, v15;
	s13 =	sld [smem:$0x7A5]  }
0x99d: {  	s24 =	sshrl.u32 s19, $0x1F;
	s26 =	sshra.s32 s19, $0x1F;
	v43 =	vsel vm0, s15, v16;
	v16 =	vsel vm0, s3, v44;
	s3 =	sld [smem:$0x7AA];
	v15 =	vsel vm10, s16, v15  }
0x99e: {  	s12 =	sshrl.u32 s10, $0x1F;
	s6 =	sshra.s32 s10, $0xB;
	v15 =	vsel vm1, s20, v15;
	s20 =	sld [smem:$0x7A7]  }
0x99f: {  	v14 =	vsel vm1, s24, v43;
	v15 =	vsel vm11, s26, v15;
	s15 =	sshrl.u32 s13, $0x1F;
	s16 =	sshra.s32 s13, $0xB;
	s26 =	sld [smem:$0x7A8]  }
0x9a0: {  	s19 =	sshrl.u32 s18, $0x1F;
	s17 =	sshra.s32 s13, $0x1F;
	v14 =	vsel vm2, s15, v14;
	v15 =	vsel vm2, s16, v15;
	s15 =	sld [smem:$0x7A9]  }
0x9a1: {  	s8 =	sshra.s32 s18, $0xB;
	s24 =	sshrl.u32 s20, $0x1F;
	v15 =	vsel vm12, s17, v15;
	s11 =	sshra.s32 s20, $0xB  }
0x9a2: {  	s13 =	sshra.s32 s20, $0x1F;
	s10 =	sshrl.u32 s26, $0x1F;
	v15 =	vsel vm4, s11, v15;
	s11 =	sld [smem:$0x7B1]  }
0x9a3: {  	v14 =	vsel vm4, s24, v14;
	s17 =	sshra.s32 s26, $0xB;
	s16 =	sshrl.u32 s15, $0x1F;
	v15 =	vsel vm13, s13, v15;
	s13 =	sld [smem:$0x7AB]  }
0x9a4: {  	v45 =	vmov s2;
	v16 =	vsel vm1, s12, v16;
	v14 =	vsel vm5, s10, v14;
	s20 =	sshra.s32 s15, $0xB;
	s24 =	sshra.s32 s15, $0x1F;
	s15 =	sld [smem:$0x7AD]  }
0x9a5: {  	[tilespmem:$0x1FFA0] =	vst v0;
	v0 =	vsel vm2, s19, v16;
	s19 =	sshrl.u32 s14, $0x1F;
	s18 =	sshra.s32 s26, $0x1F;
	v14 =	vsel vm6, s16, v14;
	v15 =	vsel vm5, s17, v15;
	s16 =	sld [smem:$0x7AC]  }
0x9a6: {  	v47 =	vsel vm0, s0, v45;
	s12 =	sshrl.u32 s3, $0x1F;
	s0 =	sshra.s32 s3, $0xB;
	v15 =	vsel vm14, s18, v15;
	s18 =	sld [smem:$0x7AE]  }
0x9a7: {  	v49 =	vmov s9;
	[tilespmem:$0x1FFB0] =	vst v0;
	s26 =	sshra.s32 s14, $0xB;
	v0 =	vsel vm7, s19, v14;
	s19 =	sld [smem:$0x7AF];
	s9 =	sshra.s32 s11, $0xB  }
0x9a8: {  	v14 =	vsel vm1, s1, v47;
	s14 =	sshrl.u32 s13, $0x1F;
	s3 =	sshra.s32 s13, $0xB;
	s17 =	sshra.s32 s15, $0x1F  }
0x9a9: {  	[tilespmem:$0x1FFD0] =	vst v0;
	v0 =	vsel vm2, s4, v14;
	v15 =	vsel vm6, s20, v15;
	s13 =	sld [smem:$0x7B2];
	s4 =	sshrl.u32 s16, $0x1F;
	s1 =	sshra.s32 s16, $0xB  }
0x9aa: {  	v50 =	vsel vm0, s5, v49;
	v15 =	vsel vm15, s24, v15;
	v52 =	vmov s17;
	s17 =	sld [smem:$0x7B3];
	s5 =	sshrl.u32 s18, $0x1F;
	s2 =	sshra.s32 s18, $0xB  }
0x9ab: {  	v14 =	vsel vm1, s6, v50;
	[tilespmem:$0x1FFC0] =	vst v0;
	s20 =	sshra.s32 s19, $0xB;
	v0 =	vsel vm7, s26, v15;
	s24 =	sshrl.u32 s19, $0x1F;
	s26 =	sld [smem:$0x7B0]  }
0x9ac: {  	v37 =	vsel vm2, s8, v14;
	v54 =	vmov s14;
	s7 =	sshra.s32 s19, $0x1F;
	s18 =	sld [smem:$0x7B4];
	v53 =	vsel vm3, s20, v52;
	s14 =	sshra.s32 s13, $0xB  }
0x9ad: {  	v15 =	vsel vm0, s12, v54;
	v58 =	vmov s24;
	s16 =	sshrl.u32 s13, $0x1F;
	v14 =	vsel vm9, s7, v53;
	s7 =	sshrl.u32 s11, $0x1F;
	s11 =	sshra.s32 s13, $0x1F  }
0x9ae: {  	v15 =	vsel vm1, s4, v15;
	v16 =	vnsel vm3, $0x0, v58;
	s4 =	sshrl.u32 s17, $0x1F;
	s10 =	sshra.s32 s17, $0xB;
	s17 =	sld [smem:$0x7B7];
	v14 =	vsel vm0, s14, v14  }
0x9af: {  	s8 =	sshrl.u32 s26, $0x1F;
	v16 =	vsel vm0, s16, v16;
	s20 =	sshra.s32 s18, $0xB;
	s16 =	sld [smem:$0x7B6];
	v14 =	vsel vm10, s11, v14  }
0x9b0: {  	s6 =	sshra.s32 s26, $0xB;
	s24 =	sshra.s32 s18, $0x1F;
	s26 =	sld [smem:$0x7B5];
	v14 =	vsel vm1, s20, v14  }
0x9b1: {  	s19 =	sshrl.u32 s18, $0x1F;
	v14 =	vsel vm11, s24, v14;
	s24 =	sld [smem:$0x7B8]  }
0x9b2: {  	[tilespmem:$0x1FFE0] =	vst v0;
	v0 =	vsel vm2, s5, v15;
	v61 =	vmov s7;
	s5 =	sshrl.u32 s16, $0x1F;
	s7 =	sshra.s32 s16, $0xB;
	s16 =	sld [smem:$0x7B9]  }
0x9b3: {  	v59 =	vsel vm1, s19, v16;
	s18 =	sshrl.u32 s17, $0x1F;
	s14 =	sshrl.u32 s26, $0x1F;
	s19 =	sshra.s32 s26, $0xB  }
0x9b4: {  	s12 =	sshra.s32 s17, $0xB;
	s20 =	sshra.s32 s26, $0x1F;
	v15 =	vsel vm2, s14, v59;
	v14 =	vsel vm2, s19, v14;
	s14 =	sshra.s32 s17, $0x1F  }
0x9b5: {  	v14 =	vsel vm12, s20, v14;
	s20 =	sld [smem:$0x7BA];
	s26 =	sshrl.u32 s24, $0x1F;
	s17 =	sshrl.u32 s16, $0x1F  }
0x9b6: {  	v15 =	vsel vm4, s18, v15;
	s18 =	sshra.s32 s24, $0xB;
	s19 =	sshra.s32 s24, $0x1F;
	s24 =	sld [smem:$0x7BB]  }
0x9b7: {  	v63 =	vmov s9;
	v14 =	vsel vm4, s12, v14;
	s11 =	sshra.s32 s16, $0xB;
	s12 =	sshra.s32 s16, $0x1F;
	s16 =	sld [smem:$0x7BD]  }
0x9b8: {  	v62 =	vmov s3;
	s13 =	sshra.s32 s15, $0xB;
	v16 =	vsel vm0, s8, v61;
	v15 =	vsel vm5, s26, v15;
	s26 =	sshrl.u32 s15, $0x1F;
	s15 =	sld [smem:$0x7BC]  }
0x9b9: {  	v16 =	vsel vm1, s4, v16;
	v14 =	vsel vm13, s14, v14;
	s14 =	sld [smem:$0x7BE];
	v15 =	vsel vm6, s17, v15;
	s9 =	sshrl.u32 s20, $0x1F  }
0x9ba: {  	v14 =	vsel vm5, s18, v14;
	s18 =	sld [smem:$0x7BF];
	v50 =	vsel vm7, s26, v15;
	v15 =	vsel vm0, s0, v62;
	s0 =	sshra.s32 s20, $0xB;
	s26 =	sshrl.u32 s24, $0x1F  }
0x9bb: {  	v52 =	vsel vm2, s5, v16;
	v16 =	vsel vm0, s6, v63;
	v14 =	vsel vm14, s19, v14;
	s5 =	sshra.s32 s24, $0xB;
	s19 =	sld [smem:$0x7C0];
	s6 =	sshrl.u32 s15, $0x1F  }
0x9bc: {  	v15 =	vsel vm1, s1, v15;
	s3 =	sshra.s32 s15, $0xB;
	s1 =	sshra.s32 s16, $0xB;
	v22 =	vmov s26;
	s26 =	sld [smem:$0x7C1]  }
0x9bd: {  	v20 =	vsel vm1, s10, v16;
	v14 =	vsel vm6, s11, v14;
	s17 =	sshra.s32 s14, $0x1F;
	s15 =	sld [smem:$0x7C3];
	v54 =	vsel vm2, s2, v15;
	s2 =	sshrl.u32 s16, $0x1F  }
0x9be: {  	v49 =	vsel vm2, s7, v20;
	v14 =	vsel vm15, s12, v14;
	s7 =	sshrl.u32 s18, $0x1F;
	s4 =	sshra.s32 s18, $0xB;
	s20 =	sshra.s32 s19, $0xB  }
0x9bf: {  	v53 =	vsel vm7, s13, v14;
	s24 =	sshrl.u32 s19, $0x1F;
	s10 =	sshra.s32 s19, $0x1F;
	s13 =	sld [smem:$0x7C2]  }
0x9c0: {  	v21 =	vmov s17;
	s19 =	sld [smem:$0x7C4];
	s11 =	sshrl.u32 s26, $0x1F;
	s8 =	sshra.s32 s26, $0xB  }
0x9c1: {  	v14 =	vsel vm0, s9, v22;
	v15 =	vsel vm3, s20, v21;
	s16 =	sshra.s32 s15, $0xB;
	s17 =	sshrl.u32 s15, $0x1F;
	s20 =	sld [smem:$0x7C5]  }
0x9c2: {  	v14 =	vsel vm1, s6, v14;
	s18 =	sshra.s32 s15, $0x1F;
	s15 =	sld [smem:$0x7C6];
	v15 =	vsel vm9, s10, v15;
	s9 =	sshrl.u32 s13, $0x1F  }
0x9c3: {  	v47 =	vsel vm2, s2, v14;
	v15 =	vsel vm0, s16, v15;
	s2 =	sshrl.u32 s19, $0x1F;
	s10 =	sshra.s32 s19, $0xB;
	s19 =	sld [smem:$0x7C7]  }
0x9c4: {  	v23 =	vmov s24;
	s6 =	sshra.s32 s13, $0xB;
	v15 =	vsel vm10, s18, v15;
	s24 =	sshrl.u32 s20, $0x1F;
	s26 =	sshra.s32 s20, $0xB  }
0x9c5: {  	v16 =	vnsel vm3, $0x0, v23;
	v27 =	vmov s11;
	s13 =	sshra.s32 s20, $0x1F;
	s16 =	sshrl.u32 s15, $0x1F;
	v15 =	vsel vm1, s26, v15;
	s26 =	sld [smem:$0x7C8]  }
0x9c6: {  	v26 =	vsel vm0, s17, v16;
	v16 =	vsel vm0, s7, v27;
	s17 =	sshra.s32 s15, $0xB;
	s18 =	sshra.s32 s15, $0x1F;
	v15 =	vsel vm11, s13, v15;
	s20 =	sshrl.u32 s19, $0x1F  }
0x9c7: {  	v16 =	vsel vm1, s9, v16;
	v14 =	vsel vm1, s24, v26;
	s24 =	sshra.s32 s19, $0xB;
	s9 =	sshra.s32 s19, $0x1F;
	s13 =	sld [smem:$0x7CB];
	v15 =	vsel vm2, s17, v15  }
0x9c8: {  	v14 =	vsel vm2, s16, v14;
	s15 =	sshrl.u32 s26, $0x1F;
	v15 =	vsel vm12, s18, v15;
	s16 =	sshra.s32 s26, $0xB;
	s18 =	sld [smem:$0x7C9]  }
0x9c9: {  	v14 =	vsel vm4, s20, v14;
	s17 =	sshra.s32 s26, $0x1F;
	s26 =	sld [smem:$0x7CA];
	v15 =	vsel vm4, s24, v15;
	s24 =	sshrl.u32 s14, $0x1F  }
0x9ca: {  	v31 =	vmov s8;
	v44 =	vsel vm2, s2, v16;
	v14 =	vsel vm5, s15, v14;
	s8 =	sshrl.u32 s13, $0x1F;
	s2 =	sshra.s32 s13, $0xB;
	s15 =	sld [smem:$0x7CD]  }
0x9cb: {  	v15 =	vsel vm13, s9, v15;
	s9 =	sshra.s32 s14, $0xB;
	s14 =	sld [smem:$0x7CC];
	s19 =	sshrl.u32 s18, $0x1F  }
0x9cc: {  	v29 =	vmov s5;
	s20 =	sshra.s32 s18, $0xB;
	s7 =	sshra.s32 s18, $0x1F;
	v15 =	vsel vm5, s16, v15;
	s16 =	sld [smem:$0x7CE]  }
0x9cd: {  	v30 =	vsel vm0, s0, v29;
	s12 =	sshrl.u32 s26, $0x1F;
	s0 =	sshra.s32 s26, $0xB;
	v14 =	vsel vm6, s19, v14;
	s19 =	sld [smem:$0x7D0]  }
0x9ce: {  	v32 =	vsel vm0, s4, v31;
	s18 =	sld [smem:$0x7CF];
	s11 =	sshrl.u32 s15, $0x1F;
	v45 =	vsel vm7, s24, v14;
	v14 =	vsel vm1, s3, v30;
	s13 =	sshrl.u32 s14, $0x1F  }
0x9cf: {  	v15 =	vsel vm14, s17, v15;
	v61 =	vsel vm2, s1, v14;
	s1 =	sshra.s32 s14, $0xB;
	s17 =	sshra.s32 s16, $0x1F;
	v14 =	vsel vm1, s6, v32;
	s14 =	sld [smem:$0x7D2]  }
0x9d0: {  	v15 =	vsel vm6, s20, v15;
	s3 =	sshra.s32 s15, $0xB;
	v33 =	vmov s17;
	s20 =	sshra.s32 s19, $0xB;
	v62 =	vsel vm2, s10, v14;
	s10 =	sld [smem:$0x7D1]  }
0x9d1: {  	s5 =	sshrl.u32 s18, $0x1F;
	s26 =	sshra.s32 s19, $0x1F;
	v43 =	vsel vm3, s20, v33;
	s20 =	sld [smem:$0x7D4]  }
0x9d2: {  	v38 =	vsel vm15, s7, v15;
	s4 =	sshra.s32 s18, $0xB;
	s24 =	sshrl.u32 s19, $0x1F;
	v15 =	vsel vm9, s26, v43;
	s15 =	sshra.s32 s14, $0xB  }
0x9d3: {  	s19 =	sld [smem:$0x7D3];
	s17 =	sshrl.u32 s14, $0x1F;
	s18 =	sshra.s32 s14, $0x1F;
	v15 =	vsel vm0, s15, v15  }
0x9d4: {  	v59 =	vmov s24;
	s6 =	sshrl.u32 s10, $0x1F;
	v15 =	vsel vm10, s18, v15;
	s24 =	sshrl.u32 s20, $0x1F;
	s18 =	sld [smem:$0x7D6]  }
0x9d5: {  	v14 =	vnsel vm3, $0x0, v59;
	s26 =	sshra.s32 s20, $0xB;
	s15 =	sshra.s32 s20, $0x1F;
	s20 =	sld [smem:$0x7D7]  }
0x9d6: {  	v63 =	vmov s8;
	s7 =	sshra.s32 s10, $0xB;
	s10 =	sshrl.u32 s19, $0x1F;
	v14 =	vsel vm0, s17, v14;
	s17 =	sld [smem:$0x7D5];
	v15 =	vsel vm1, s26, v15  }
0x9d7: {  	v16 =	vsel vm0, s12, v63;
	s8 =	sshra.s32 s19, $0xB;
	v15 =	vsel vm11, s15, v15;
	s15 =	sld [smem:$0x7D8];
	s19 =	sshrl.u32 s18, $0x1F  }
0x9d8: {  	v16 =	vsel vm1, s13, v16;
	v14 =	vsel vm1, s24, v14;
	s24 =	sshrl.u32 s20, $0x1F;
	s26 =	sshra.s32 s18, $0xB;
	s13 =	sshra.s32 s18, $0x1F  }
0x9d9: {  	s18 =	sshra.s32 s20, $0xB;
	v14 =	vsel vm2, s19, v14;
	s19 =	sshra.s32 s20, $0x1F;
	s20 =	sld [smem:$0x7D9]  }
0x9da: {  	v15 =	vsel vm2, s26, v15  }
0x9db: {  	v58 =	vsel vm7, s9, v38;
	s12 =	sshrl.u32 s17, $0x1F;
	s9 =	sshra.s32 s17, $0xB;
	v14 =	vsel vm4, s24, v14;
	s17 =	sshrl.u32 s15, $0x1F;
	v15 =	vsel vm12, s13, v15  }
0x9dc: {  	v14 =	vsel vm5, s17, v14;
	v15 =	vsel vm4, s18, v15;
	s24 =	sshrl.u32 s20, $0x1F  }
0x9dd: {  	v20 =	vmov s6;
	s26 =	sshra.s32 s15, $0xB;
	s13 =	sshra.s32 s15, $0x1F;
	s15 =	sshrl.u32 s16, $0x1F;
	v21 =	vsel vm13, s19, v15;
	v14 =	vsel vm6, s24, v14  }
0x9de: {  	v23 =	vmov s7;
	s7 =	sld [smem:$0x7DD];
	v63 =	vsel vm7, s15, v14;
	v14 =	vsel vm5, s26, v21  }
0x9df: {  	v43 =	vsel vm2, s11, v16;
	v16 =	vsel vm0, s5, v20;
	s5 =	sld [smem:$0x7DC];
	s17 =	sshra.s32 s20, $0xB;
	v14 =	vsel vm14, s13, v14  }
0x9e0: {  	v22 =	vmov s2;
	v14 =	vsel vm6, s17, v14;
	s17 =	sld [smem:$0x7DF]  }
0x9e1: {  	s18 =	sshra.s32 s20, $0x1F;
	s19 =	sshra.s32 s16, $0xB;
	s20 =	sld [smem:$0x7DA];
	v15 =	vsel vm0, s0, v22  }
0x9e2: {  	s16 =	sshrl.u32 s7, $0x1F;
	s0 =	sshra.s32 s7, $0xB;
	s24 =	sld [smem:$0x7DB];
	v15 =	vsel vm1, s1, v15  }
0x9e3: {  	v32 =	vsel vm2, s3, v15;
	s3 =	sshrl.u32 s17, $0x1F;
	s7 =	sshra.s32 s17, $0xB;
	s17 =	sld [smem:$0x7E0]  }
0x9e4: {  	v16 =	vsel vm1, s10, v16;
	s15 =	sshrl.u32 s20, $0x1F;
	s2 =	sshra.s32 s20, $0xB;
	s20 =	sld [smem:$0x7E2]  }
0x9e5: {  	v33 =	vsel vm2, s12, v16;
	v16 =	vsel vm0, s4, v23;
	s10 =	sshrl.u32 s5, $0x1F;
	s4 =	sshra.s32 s5, $0xB;
	s13 =	sld [smem:$0x7DE];
	v14 =	vsel vm15, s18, v14  }
0x9e6: {  	s26 =	sshrl.u32 s24, $0x1F;
	v38 =	vsel vm7, s19, v14;
	s19 =	sld [smem:$0x7E1];
	s18 =	sshra.s32 s17, $0x1F  }
0x9e7: {  	s6 =	sshra.s32 s24, $0xB;
	v26 =	vmov s26;
	s26 =	sshra.s32 s20, $0xB;
	v27 =	vmov s18;
	s18 =	sld [smem:$0x7E4]  }
0x9e8: {  	s1 =	sshrl.u32 s13, $0x1F;
	s24 =	sshrl.u32 s20, $0x1F;
	v15 =	vsel vm3, s26, v27;
	s26 =	sld [smem:$0x7E5]  }
0x9e9: {  	v16 =	vsel vm1, s8, v16;
	v14 =	vsel vm0, s15, v26;
	s14 =	sshra.s32 s20, $0x1F;
	s15 =	sld [smem:$0x7E3];
	v30 =	vmov s24;
	s11 =	sshrl.u32 s19, $0x1F  }
0x9ea: {  	v29 =	vsel vm2, s9, v16;
	v16 =	vnsel vm3, $0x0, v30;
	s9 =	sshra.s32 s19, $0xB;
	v15 =	vsel vm9, s14, v15;
	s19 =	sshrl.u32 s18, $0x1F;
	s20 =	sshra.s32 s18, $0xB  }
0x9eb: {  	v14 =	vsel vm1, s10, v14;
	s24 =	sshra.s32 s18, $0x1F;
	v31 =	vsel vm0, s19, v16;
	v15 =	vsel vm0, s20, v15;
	s14 =	sshrl.u32 s26, $0x1F;
	s19 =	sld [smem:$0x7E6]  }
0x9ec: {  	v27 =	vsel vm2, s16, v14;
	s16 =	sshra.s32 s26, $0xB;
	s18 =	sshra.s32 s26, $0x1F;
	s26 =	sld [smem:$0x7E7];
	v15 =	vsel vm10, s24, v15  }
0x9ed: {  	v22 =	vmov s7;
	s7 =	sld [smem:$0x7EF];
	s12 =	sshrl.u32 s15, $0x1F;
	s8 =	sshra.s32 s15, $0xB;
	v15 =	vsel vm1, s16, v15  }
0x9ee: {  	v59 =	vmov s3;
	s20 =	sshrl.u32 s19, $0x1F;
	s24 =	sshra.s32 s19, $0xB;
	v15 =	vsel vm11, s18, v15;
	s18 =	sld [smem:$0x7E8]  }
0x9ef: {  	v16 =	vsel vm0, s1, v59;
	v14 =	vsel vm1, s14, v31;
	s1 =	sshra.s32 s19, $0x1F;
	s16 =	sshrl.u32 s26, $0x1F;
	s14 =	sshra.s32 s26, $0xB  }
0x9f0: {  	s3 =	sshra.s32 s26, $0x1F;
	s26 =	sshrl.u32 s17, $0x1F;
	v14 =	vsel vm2, s20, v14;
	s20 =	sld [smem:$0x7E9]  }
0x9f1: {  	v14 =	vsel vm4, s16, v14;
	s16 =	sshra.s32 s17, $0xB;
	s17 =	sld [smem:$0x7EA];
	s19 =	sshrl.u32 s18, $0x1F  }
0x9f2: {  	v15 =	vsel vm2, s24, v15;
	s15 =	sshra.s32 s18, $0xB;
	s10 =	sshra.s32 s18, $0x1F;
	s18 =	sld [smem:$0x7EB]  }
0x9f3: {  	v20 =	vmov s6;
	s5 =	sshra.s32 s13, $0xB;
	v15 =	vsel vm12, s1, v15;
	v14 =	vsel vm5, s19, v14;
	s24 =	sshrl.u32 s20, $0x1F;
	s19 =	sld [smem:$0x7EC]  }
0x9f4: {  	v16 =	vsel vm1, s11, v16;
	v19 =	vsel vm4, s14, v15;
	v15 =	vsel vm0, s2, v20;
	s13 =	sshra.s32 s20, $0xB;
	s11 =	sshra.s32 s20, $0x1F;
	s20 =	sld [smem:$0x7ED]  }
0x9f5: {  	v21 =	vsel vm2, s12, v16;
	s2 =	sshra.s32 s21, $0x1F;
	v15 =	vsel vm1, s4, v15;
	v14 =	vsel vm6, s24, v14;
	s12 =	sshrl.u32 s17, $0x1F;
	s24 =	sld [smem:$0x7EE]  }
0x9f6: {  	s1 =	sshra.s32 s17, $0xB;
	v20 =	vsel vm2, s0, v15;
	s0 =	sshra.s32 s25, $0xB;
	s14 =	sshrl.u32 s18, $0x1F  }
0x9f7: {  	(v2sf) =	vpush v13, $0x3;
	v31 =	vsel vm7, s26, v14;
	v14 =	vsel vm13, s3, v19;
	s6 =	sshra.s32 s18, $0xB;
	s17 =	sshrl.u32 s19, $0x1F;
	s3 =	sshra.s32 s19, $0xB  }
0x9f8: {  	(v2sf) =	vpush v13, $0x4;
	v14 =	vsel vm5, s15, v14;
	s18 =	sshrl.u32 s24, $0x1F;
	s4 =	sshra.s32 s24, $0xB;
	s24 =	sld [smem:$0x7F1]  }
0x9f9: {  	(v2sf) =	vpush v13, $0x5;
	v16 =	vsel vm0, s5, v22;
	s15 =	sshrl.u32 s20, $0x1F;
	s26 =	sshra.s32 s20, $0xB;
	s19 =	sld [smem:$0x7F0];
	v14 =	vsel vm14, s10, v14  }
0x9fa: {  	v16 =	vsel vm1, s9, v16;
	s20 =	sshrl.u32 s22, $0x1F;
	v23 =	vmov s14;
	s14 =	sshra.s32 s22, $0x1F;
	s10 =	sshrl.u32 s7, $0x1F;
	v14 =	vsel vm6, s13, v14  }
0x9fb: {  	v19 =	vsel vm2, s8, v16;
	v30 =	vmov s20;
	s20 =	sld [smem:$0x7F2];
	s13 =	sshrl.u32 s25, $0x1F;
	v14 =	vsel vm15, s11, v14;
	s25 =	sshrl.u32 s24, $0x1F  }
0x9fc: {  	v15 =	vnsel vm3, $0x0, v30;
	v26 =	vsel vm7, s16, v14;
	v14 =	vsel vm0, s12, v23;
	s8 =	sshra.s32 s24, $0xB;
	s12 =	sshra.s32 s24, $0x1F;
	s24 =	sld [smem:$0x7F3]  }
0x9fd: {  	(v2sf) =	vpush v13, $0x6;
	v59 =	vmov s2;
	s9 =	sshrl.u32 s19, $0x1F;
	s11 =	sshra.s32 s22, $0xB;
	v22 =	vsel vm0, s25, v15;
	s25 =	sld [smem:$0x7F4]  }
0x9fe: {  	(v2sf) =	vpush v13, $0x7;
	s5 =	sshra.s32 s19, $0xB;
	s19 =	sshrl.u32 s20, $0x1F;
	v16 =	vsel vm3, s11, v59;
	s11 =	sshra.s32 s20, $0xB  }
0x9ff: {  	v59 =	vmov s10;
	v14 =	vsel vm1, s17, v14;
	s17 =	sshra.s32 s20, $0x1F;
	v23 =	vsel vm9, s14, v16;
	s20 =	sshrl.u32 s24, $0x1F;
	s14 =	sshra.s32 s24, $0xB  }
0xa00: {  	v16 =	vsel vm0, s18, v59;
	v30 =	vsel vm2, s15, v14;
	v15 =	vsel vm0, s8, v23;
	s15 =	sshra.s32 s24, $0x1F;
	s24 =	sld [smem:$0x7F5];
	s2 =	sshrl.u32 s25, $0x1F  }
0xa01: {  	v14 =	vsel vm1, s19, v22;
	v16 =	vsel vm1, s9, v16;
	v15 =	vsel vm10, s12, v15;
	s8 =	sshra.s32 s25, $0xB;
	s10 =	sshra.s32 s25, $0x1F;
	s25 =	sld [smem:$0x7F6]  }
0xa02: {  	v22 =	vsel vm2, s13, v16;
	v14 =	vsel vm2, s20, v14;
	v15 =	vsel vm1, s11, v15  }
0xa03: {  	[tilespmem:$0x1FFF0] =	vst v0;
	v0 =	vld [tilespmem:$0x1FED0];
	v16 =	vmov s6;
	v14 =	vsel vm4, s2, v14;
	v15 =	vsel vm11, s17, v15;
	s19 =	sshrl.u32 s24, $0x1F  }
0xa04: {  	s7 =	sshra.s32 s7, $0xB;
	s22 =	sld [smem:$0x7FA];
	v18 =	vsel vm0, s1, v16;
	v15 =	vsel vm2, s14, v15;
	s20 =	sshrl.u32 s25, $0x1F;
	v14 =	vsel vm5, s19, v14  }
0xa05: {  	v16 =	vmov s7;
	s2 =	sshra.s32 s25, $0xB;
	s16 =	sshra.s32 s25, $0x1F;
	s25 =	sshrl.u32 s21, $0x1F;
	v15 =	vsel vm12, s15, v15;
	v14 =	vsel vm6, s20, v14  }
0xa06: {  	s7 =	sld [smem:$0x7F9];
	v15 =	vsel vm4, s8, v15;
	v23 =	vsel vm7, s25, v14;
	v14 =	vsel vm1, s3, v18  }
0xa07: {  	s12 =	sshra.s32 s24, $0xB;
	s18 =	sshra.s32 s24, $0x1F;
	s24 =	spop (v2sf);
	v15 =	vsel vm13, s10, v15;
	v18 =	vsel vm2, s26, v14;
	v14 =	vsel vm0, s4, v16  }
0xa08: {  	v56 =	vcombine.low v0, v56;
	v59 =	vld [tilespmem:$0x1E0];
	s13 =	smulhi.u32 $0x14F8B589, s24;
	s11 =	sshra.s32 s24, $0x1F;
	s9 =	spop (v2sf);
	v15 =	vsel vm5, s12, v15;
	v14 =	vsel vm1, s5, v14  }
0xa09: {  	s19 =	sshra.s32 s21, $0xB;
	s24 =	sld [smem:$0x7F7];
	s6 =	smul.u32 $0x14F8B589, s11;
	v16 =	vsel vm2, s0, v14;
	v14 =	vsel vm14, s18, v15;
	v15 =	vcombine.low v24, v17  }
0xa0a: {  	v51 =	vperm.xlane v51, v1;
	s21 =	sld [smem:$0x7F8];
	s1 =	smulhi.u32 $0x14F8B589, s9;
	s11 =	sshra.s32 s9, $0x1F;
	v24 =	vperm.xlane v56, v60  }
0xa0b: {  	v0 =	vperm.xlane v28, v1;
	s3 =	smul.u32 $0x14F8B589, s11;
	s11 =	spop (v2sf);
	v15 =	vperm.xlane v15, v60  }
0xa0c: {  	s14 =	sshrl.u32 s22, $0x1F;
	s20 =	smulhi.u32 $0x14F8B589, s11;
	s12 =	sshra.s32 s11, $0x1F;
	v24 =	vsel vm8, v51, v24;
	v51 =	vld [tilespmem:$0x1FEE0]  }
0xa0d: {  	(v2sf) =	vpush v59, $0xD;
	s22 =	sshra.s32 s22, $0xB;
	s18 =	smul.u32 $0x14F8B589, s12;
	s12 =	spop (v2sf);
	v0 =	vsel vm8, v0, v15  }
0xa0e: {  	(v2sf) =	vpush v59, $0xC;
	s15 =	sshrl.u32 s24, $0x1F;
	s9 =	sshrl.u32 s21, $0x1F;
	v14 =	vsel vm6, s2, v14;
	s8 =	smulhi.u32 $0x14F8B589, s12;
	v0 =	vadd.s32 v0, v24  }
0xa0f: {  	v56 =	vmov s9;
	s5 =	sshra.s32 s12, $0x1F;
	v14 =	vsel vm15, s16, v14;
	s12 =	sadd.s32 s18, s20;
	s18 =	sshrl.u32 s28, $0x1F;
	v0 =	vmul.u32 $0x61A8, v0  }
0xa10: {  	s17 =	sshrl.u32 s23, $0x1F;
	[smem:$0x7FC] =	sst s22;
	s10 =	sshrl.u32 s7, $0x1F;
	v17 =	vsel vm7, s19, v14;
	v14 =	vsel vm0, s15, v56;
	v28 =	vmov s18;
	v56 =	vld [tilespmem:$0x1FF00]  }
0xa11: {  	s25 =	smov.u32 s23;
	s26 =	sshrl.u32 s31, $0x1F;
	s4 =	sadd.s32 s6, s13;
	v24 =	vnsel vm3, $0x0, v28;
	v55 =	vcombine.low v51, v55;
	v28 =	vsub.s32 v5, v0;
	v0 =	vld [tilespmem:$0x1FEF0]  }
0xa12: {  	(v2sf) =	vpush v59, $0xE;
	s6 =	sadd.s32 s3, s1;
	s1 =	sshra.s32 s31, $0xB;
	s2 =	sld [smem:$0x7FB]  }
0xa13: {  	s9 =	sshrl.u32 s29, $0x1F;
	s23 =	spop (v2sf);
	s13 =	smul.u32 $0x14F8B589, s5;
	v51 =	vperm.xlane v55, v60;
	v55 =	vperm.xlane v57, v1;
	v57 =	vld [tilespmem:$0x1FF10]  }
0xa14: {  	s0 =	sshrl.u32 s6, $0x1F;
	s5 =	smulhi.u32 $0x14F8B589, s23;
	s3 =	sshra.s32 s23, $0x1F  }
0xa15: {  	(v2sf) =	vpush v59, $0xF;
	s19 =	rddreg [dreg:$0x19];
	s3 =	smul.u32 $0x14F8B589, s3;
	s15 =	sshrl.u32 s30, $0x1F  }
0xa16: {  	(v2sf) =	vpush v59, $0x9;
	s23 =	sshrl.u32 s12, $0x1F;
	s11 =	sshrl.u32 s2, $0x1F;
	s16 =	sshrl.u32 s19, $0x1F;
	v5 =	vcombine.low v56, v0;
	v0 =	vmov s14  }
0xa17: {  	(v2sf) =	vpush v59, $0x8;
	s13 =	sadd.s32 s13, s8;
	v14 =	vsel vm1, s10, v14;
	s10 =	sshrl.u32 s4, $0x1F;
	s8 =	sshra.s32 s21, $0xB;
	v0 =	vsel vm0, s26, v0  }
0xa18: {  	s31 =	sshra.s32 s2, $0xB;
	s2 =	sshra.s32 s28, $0x1F;
	s21 =	smov.u32 s30;
	v56 =	vperm.xlane v57, v1;
	v5 =	vperm.xlane v5, v60;
	v0 =	vsel vm1, s11, v0  }
0xa19: {  	(v2sf) =	vpush v59, $0xA;
	s30 =	sshra.s32 s30, $0xB;
	s20 =	sadd.s32 s3, s5;
	s3 =	sshra.s32 s24, $0xB;
	v15 =	vsel vm2, s17, v14;
	v14 =	vsel vm2, s16, v0;
	v0 =	vld [tilespmem:$0x1FF20]  }
0xa1a: {  	s5 =	sshra.s32 s7, $0xB;
	s24 =	sshrl.u32 s13, $0x1F;
	s7 =	sshra.s32 s29, $0xB;
	v24 =	vsel vm0, s9, v24;
	v5 =	vsel vm8, v56, v5;
	v56 =	vld [tilespmem:$0x1FF30]  }
0xa1b: {  	s29 =	sshra.s32 s29, $0x1F;
	s21 =	sshra.s32 s21, $0x1F;
	s17 =	sshra.s32 s6, $0xB;
	v24 =	vsel vm1, s15, v24  }
0xa1c: {  	v46 =	vcombine.low v48, v46;
	s18 =	sshrl.u32 s20, $0x1F;
	s9 =	sshra.s32 s25, $0xB;
	s25 =	sshra.s32 s19, $0xB;
	v24 =	vsel vm2, s10, v24  }
0xa1d: {  	v40 =	vcombine.low v40, v34;
	(v2sf) =	vpush v59, $0xB;
	s19 =	sshra.s32 s4, $0xB;
	[smem:$0x7FD] =	sst s25;
	v24 =	vsel vm4, s0, v24;
	s22 =	spop (v2sf)  }
0xa1e: {  	v46 =	vperm.xlane v46, v60;
	v36 =	vperm.xlane v36, v1;
	s15 =	sshra.s32 s12, $0x1F;
	s10 =	sshra.s32 s6, $0x1F;
	v24 =	vsel vm5, s23, v24;
	s23 =	smulhi.u32 $0x14F8B589, s22  }
0xa1f: {  	v35 =	vcombine.low v35, v41;
	s25 =	spop (v2sf);
	s14 =	sshra.s32 s28, $0xB;
	s26 =	sshra.s32 s20, $0x1F;
	v56 =	vcombine.low v56, v0;
	v0 =	vld [tilespmem:$0x1FF40]  }
0xa20: {  	(v2sf) =	vpush v59, $0x0;
	v51 =	vsel vm8, v55, v51;
	s11 =	sshra.s32 s4, $0x1F;
	v55 =	vmov s26;
	s4 =	sshra.s32 s22, $0x1F;
	s26 =	smulhi.u32 $0x14F8B589, s25  }
0xa21: {  	v39 =	vperm.xlane v39, v1;
	v35 =	vperm.xlane v35, v60;
	s0 =	spop (v2sf);
	s22 =	sshra.s32 s25, $0x1F;
	v55 =	vsel vm3, s14, v55;
	s4 =	smul.u32 $0x14F8B589, s4  }
0xa22: {  	v44 =	vcombine.low v44, v47;
	(v2sf) =	vpush v59, $0x1;
	s16 =	sshra.s32 s12, $0xB;
	s14 =	sshra.s32 s13, $0xB;
	s28 =	smul.u32 $0x14F8B589, s22;
	v55 =	vsel vm9, s2, v55  }
0xa23: {  	(v2sf) =	vpush v59, $0x2;
	v24 =	vsel vm6, s24, v24;
	s12 =	sshra.s32 s13, $0x1F;
	s22 =	sshra.s32 s0, $0x1F;
	s2 =	smulhi.u32 $0x14F8B589, s0;
	v55 =	vsel vm0, s7, v55  }
0xa24: {  	v57 =	vmov s8;
	s6 =	sadd.s32 s28, s26;
	s7 =	smul.u32 $0x14F8B589, s22;
	s28 =	spop (v2sf);
	v55 =	vsel vm10, s29, v55;
	v25 =	vcombine.low v25, v0;
	v0 =	vld [tilespmem:$0x1FF50]  }
0xa25: {  	v34 =	vsel vm7, s18, v24;
	s4 =	sadd.s32 s4, s23;
	s23 =	smulhi.u32 $0x14F8B589, s28;
	s22 =	sshra.s32 s28, $0x1F;
	v24 =	vsel vm1, s30, v55;
	v55 =	vsel vm0, s3, v57;
	v57 =	vld [tilespmem:$0x1FF60]  }
0xa26: {  	v40 =	vperm.xlane v40, v60;
	(v2sf) =	vpush v59, $0x3;
	s13 =	sshra.s32 s20, $0xB;
	s29 =	spop (v2sf);
	s22 =	smul.u32 $0x14F8B589, s22  }
0xa27: {  	v46 =	vsel vm8, v36, v46;
	v35 =	vsel vm8, v39, v35;
	v44 =	vperm.xlane v44, v60;
	s18 =	sshrl.u32 s4, $0x1F;
	s30 =	spop (v2sf);
	s26 =	smulhi.u32 $0x14F8B589, s29  }
0xa28: {  	(v2sf) =	vpush v59, $0x4;
	v5 =	vadd.s32 v51, v5;
	s25 =	sshra.s32 s29, $0x1F;
	s7 =	sadd.s32 s7, s2;
	s28 =	spop (v2sf);
	v48 =	vperm.xlane v56, v60  }
0xa29: {  	v24 =	vsel vm11, s21, v24;
	s21 =	sshrl.u32 s6, $0x1F;
	s0 =	smul.u32 $0x14F8B589, s25;
	s20 =	sshrl.u32 s7, $0x1F;
	v56 =	vperm.xlane v0, v1;
	v0 =	vperm.xlane v25, v60;
	v25 =	vld [tilespmem:$0x1F0]  }
0xa2a: {  	(v2sf) =	vpush v59, $0x5;
	s25 =	smulhi.u32 $0x14F8B589, s30;
	s2 =	sshra.s32 s30, $0x1F;
	s6 =	sshra.s32 s6, $0xB;
	v24 =	vsel vm2, s19, v24;
	v51 =	vperm.xlane v57, v1;
	v57 =	vld [tilespmem:$0x1FF70]  }
0xa2b: {  	v45 =	vperm.xlane v45, v1;
	(v2sf) =	vpush v59, $0x6;
	s7 =	sshra.s32 s7, $0xB;
	s8 =	sadd.s32 s22, s23;
	s3 =	smul.u32 $0x14F8B589, s2;
	v24 =	vsel vm12, s11, v24  }
0xa2c: {  	(v2sf) =	vpush v59, $0x7;
	v55 =	vsel vm1, s5, v55;
	s30 =	spop (v2sf);
	s24 =	smulhi.u32 $0x14F8B589, s28;
	s5 =	sadd.s32 s0, s26;
	v24 =	vsel vm4, s17, v24  }
0xa2d: {  	v33 =	vcombine.low v33, v43;
	v19 =	vcombine.low v19, v20;
	s0 =	sshra.s32 s28, $0x1F;
	s22 =	sshrl.u32 s8, $0x1F;
	s23 =	smulhi.u32 $0x14F8B589, s30;
	v24 =	vsel vm13, s10, v24  }
0xa2e: {  	v36 =	vsel vm2, s9, v55;
	v55 =	vld [tilespmem:$0x1FF80];
	s26 =	sshra.s32 s30, $0x1F;
	s28 =	sld [smem:$0x7FC];
	s2 =	smul.u32 $0x14F8B589, s0;
	v24 =	vsel vm5, s16, v24;
	(v2sf) =	vpush v25, $0xD  }
0xa2f: {  	s30 =	spop (v2sf);
	s19 =	sshrl.u32 s5, $0x1F;
	s29 =	smul.u32 $0x14F8B589, s26;
	v24 =	vsel vm14, s15, v24;
	v57 =	vperm.xlane v57, v1;
	(v2sf) =	vpush v25, $0xC  }
0xa30: {  	v31 =	vperm.xlane v31, v1;
	v19 =	vperm.xlane v19, v60;
	s0 =	sshra.s32 s30, $0x1F;
	s10 =	sadd.s32 s2, s24;
	s2 =	smulhi.u32 $0x14F8B589, s30;
	v24 =	vsel vm6, s14, v24  }
0xa31: {  	v5 =	vmul.u32 $0x61A8, v5;
	s11 =	sadd.s32 s3, s25;
	s16 =	smul.u32 $0x14F8B589, s0;
	s24 =	spop (v2sf);
	v24 =	vsel vm15, s12, v24;
	v40 =	vsel vm8, v57, v40  }
0xa32: {  	s25 =	sld [smem:$0x7FD];
	s0 =	smulhi.u32 $0x14F8B589, s24;
	s26 =	sshra.s32 s24, $0x1F;
	v41 =	vsel vm7, s13, v24;
	v46 =	vadd.s32 v40, v46;
	v0 =	vsel vm8, v51, v0;
	v51 =	vld [tilespmem:$0x1FF90]  }
0xa33: {  	s3 =	sshrl.u32 s11, $0x1F;
	s15 =	smul.u32 $0x14F8B589, s26;
	v40 =	vcombine.low v42, v55;
	v48 =	vsel vm8, v56, v48;
	v56 =	vmov s28;
	s28 =	spop (v2sf)  }
0xa34: {  	s9 =	sadd.s32 s29, s23;
	v46 =	vmul.u32 $0x61A8, v46;
	v42 =	vsel vm0, s1, v56;
	v56 =	vmov s21;
	s21 =	smulhi.u32 $0x14F8B589, s28;
	s30 =	sshra.s32 s28, $0x1F  }
0xa35: {  	s14 =	sadd.s32 s16, s2;
	v0 =	vadd.s32 v48, v0;
	v48 =	vperm.xlane v40, v60;
	s29 =	spop (v2sf);
	v57 =	vsel vm1, s31, v42;
	s16 =	smul.u32 $0x14F8B589, s30  }
0xa36: {  	s1 =	sshrl.u32 s10, $0x1F;
	s23 =	smulhi.u32 $0x14F8B589, s29;
	s17 =	sshra.s32 s29, $0x1F;
	v0 =	vmul.u32 $0x61A8, v0;
	v40 =	vsel vm2, s25, v57;
	(v2sf) =	vpush v25, $0xE  }
0xa37: {  	s28 =	sshrl.u32 s14, $0x1F;
	s31 =	spop (v2sf);
	v57 =	vsel vm0, s18, v56;
	s29 =	smul.u32 $0x14F8B589, s17;
	v55 =	vperm.xlane v51, v1;
	(v2sf) =	vpush v25, $0xF  }
0xa38: {  	s17 =	sadd.s32 s15, s0;
	s0 =	smulhi.u32 $0x14F8B589, s31;
	s30 =	sshra.s32 s31, $0x1F;
	v56 =	vmov s3;
	v42 =	vsel vm1, s20, v57;
	(v2sf) =	vpush v25, $0x9  }
0xa39: {  	s26 =	spop (v2sf);
	s13 =	sadd.s32 s16, s21;
	s21 =	smul.u32 $0x14F8B589, s30;
	v42 =	vsel vm2, s22, v42;
	v24 =	vsel vm8, v55, v48;
	(v2sf) =	vpush v25, $0x8  }
0xa3a: {  	s18 =	spop (v2sf);
	s3 =	smulhi.u32 $0x14F8B589, s26;
	s24 =	sshra.s32 s26, $0x1F;
	v55 =	vmov s28;
	v48 =	vsel vm0, s19, v56;
	(v2sf) =	vpush v25, $0xA  }
0xa3b: {  	s31 =	sshrl.u32 s17, $0x1F;
	s25 =	spop (v2sf);
	s15 =	smul.u32 $0x14F8B589, s24;
	v39 =	vnsel vm3, $0x0, v55;
	v55 =	vadd.s32 v24, v35;
	(v2sf) =	vpush v25, $0xB  }
0xa3c: {  	s12 =	sadd.s32 s29, s23;
	s29 =	smulhi.u32 $0x14F8B589, s18;
	s28 =	sshrl.u32 s13, $0x1F;
	v35 =	vsub.s32 v3, v0;
	v24 =	vld [tilespmem:$0x1FFB0];
	v39 =	vsel vm0, s31, v39;
	(v2sf) =	vpush v25, $0x0  }
0xa3d: {  	s18 =	sshra.s32 s18, $0x1F;
	s2 =	sadd.s32 s21, s0;
	v0 =	vmul.u32 $0x61A8, v55;
	v55 =	vld [tilespmem:$0x1FFD0];
	v57 =	vsel vm1, s28, v39;
	(v2sf) =	vpush v25, $0x1;
	s20 =	spop (v2sf)  }
0xa3e: {  	s18 =	smul.u32 $0x14F8B589, s18;
	s21 =	sshra.s32 s25, $0x1F;
	v39 =	vsub.s32 v2, v5;
	v2 =	vsub.s32 v4, v46;
	v46 =	vld [tilespmem:$0x1FFC0];
	s22 =	spop (v2sf);
	(v2sf) =	vpush v25, $0x2  }
0xa3f: {  	v16 =	vcombine.low v16, v18;
	s5 =	sshra.s32 s5, $0xB;
	s26 =	sshrl.u32 s9, $0x1F;
	s24 =	smul.u32 $0x14F8B589, s21;
	v56 =	vsel vm1, s1, v48;
	v3 =	vsub.s32 v6, v0;
	v0 =	vld [tilespmem:$0x1FFA0]  }
0xa40: {  	v26 =	vperm.xlane v26, v1;
	v30 =	vcombine.low v22, v30;
	s11 =	sshra.s32 s11, $0xB;
	s30 =	sshrl.u32 s12, $0x1F;
	s31 =	smulhi.u32 $0x14F8B589, s25;
	v6 =	vsel vm2, s26, v56;
	v56 =	vld [tilespmem:$0x1FFE0]  }
0xa41: {  	v16 =	vperm.xlane v16, v60;
	v17 =	vperm.xlane v17, v1;
	s3 =	sadd.s32 s15, s3;
	s23 =	sshrl.u32 s2, $0x1F;
	s1 =	sadd.s32 s18, s29;
	v57 =	vsel vm2, s30, v57  }
0xa42: {  	v14 =	vcombine.low v14, v15;
	s29 =	sshra.s32 s4, $0xB;
	s25 =	sshrl.u32 s3, $0x1F;
	s0 =	sadd.s32 s24, s31;
	v51 =	vsel vm4, s23, v57;
	v5 =	vperm.xlane v55, v1;
	v55 =	vld [tilespmem:$0x1FFF0]  }
0xa43: {  	v47 =	vcombine.low v40, v36;
	s26 =	sshrl.u32 s1, $0x1F;
	s31 =	sshra.s32 s14, $0xB;
	s30 =	sshra.s32 s0, $0x1F;
	v4 =	vsel vm5, s25, v51;
	v48 =	vcombine.low v37, v46  }
0xa44: {  	s24 =	sshra.s32 s17, $0xB;
	s28 =	sshrl.u32 s0, $0x1F;
	s23 =	sshra.s32 s14, $0x1F;
	v51 =	vmov s30;
	v4 =	vsel vm6, s26, v4;
	v0 =	vcombine.low v24, v0  }
0xa45: {  	s14 =	sshra.s32 s8, $0xB;
	s25 =	sshra.s32 s17, $0x1F;
	v57 =	vperm.xlane v56, v1;
	v24 =	vperm.xlane v48, v60;
	v48 =	vmov s6;
	s21 =	spop (v2sf)  }
0xa46: {  	v37 =	vsel vm7, s28, v4;
	v0 =	vperm.xlane v0, v60;
	v4 =	vsel vm0, s29, v48;
	s26 =	smulhi.u32 $0x14F8B589, s20;
	s28 =	sshra.s32 s20, $0x1F;
	s19 =	spop (v2sf)  }
0xa47: {  	s29 =	sshra.s32 s13, $0xB;
	v24 =	vsel vm8, v57, v24;
	v46 =	vcombine.low v52, v55;
	v52 =	vcombine.low v49, v54;
	s20 =	smul.u32 $0x14F8B589, s28;
	s18 =	spop (v2sf)  }
0xa48: {  	s13 =	sshra.s32 s13, $0x1F;
	v54 =	vmov s11;
	v0 =	vsel vm8, v5, v0;
	v5 =	vsel vm3, s31, v51;
	s11 =	smulhi.u32 $0x14F8B589, s22;
	s4 =	spop (v2sf)  }
0xa49: {  	v57 =	vperm.xlane v50, v1;
	(v2sf) =	vpush v25, $0x3;
	s30 =	sshra.s32 s22, $0x1F;
	s31 =	sshra.s32 s10, $0xB;
	v56 =	vsel vm9, s23, v5;
	s16 =	spop (v2sf)  }
0xa4a: {  	v0 =	vadd.s32 v0, v24;
	v24 =	vsel vm1, s7, v4;
	s22 =	smul.u32 $0x14F8B589, s30;
	v4 =	vsel vm0, s24, v56;
	s24 =	sshra.s32 s21, $0x1F;
	s15 =	spop (v2sf)  }
0xa4b: {  	v49 =	vsel vm0, s5, v54;
	(v2sf) =	vpush v25, $0x4;
	v5 =	vperm.xlane v46, v60;
	s7 =	sadd.s32 s20, s26;
	s5 =	smulhi.u32 $0x14F8B589, s19;
	s6 =	spop (v2sf)  }
0xa4c: {  	v6 =	vcombine.low v6, v42;
	v0 =	vmul.u32 $0x61A8, v0;
	s26 =	sshra.s32 s19, $0x1F;
	s20 =	smul.u32 $0x14F8B589, s24;
	(v2sf) =	vpush v25, $0x5;
	s8 =	spop (v2sf)  }
0xa4d: {  	s28 =	sshra.s32 s9, $0xB;
	v4 =	vsel vm10, s25, v4;
	v5 =	vsel vm8, v57, v5;
	s30 =	smul.u32 $0x14F8B589, s26;
	s10 =	spop (v2sf);
	(v2sf) =	vpush v25, $0x6  }
0xa4e: {  	s25 =	sshra.s32 s12, $0xB;
	s17 =	sadd.s32 s22, s11;
	v55 =	vsel vm1, s29, v4;
	v4 =	vsub.s32 v7, v0;
	s23 =	smulhi.u32 $0x14F8B589, s4;
	(v2sf) =	vpush v25, $0x7  }
0xa4f: {  	v0 =	vperm.xlane v52, v60;
	s29 =	sshra.s32 s12, $0x1F;
	v52 =	vsel vm1, s31, v49;
	s31 =	sshra.s32 s2, $0xB;
	v57 =	vsel vm11, s13, v55;
	s13 =	smulhi.u32 $0x14F8B589, s21  }
0xa50: {  	v6 =	vperm.xlane v6, v60;
	v48 =	vcombine.low v62, v61;
	s19 =	sshrl.u32 s17, $0x1F;
	s24 =	sshra.s32 s4, $0x1F;
	s21 =	smulhi.u32 $0x14F8B589, s18  }
0xa51: {  	v61 =	vperm.xlane v38, v1;
	v38 =	vperm.xlane v23, v1;
	s17 =	sshra.s32 s17, $0xB;
	s2 =	sshra.s32 s2, $0x1F;
	s26 =	smul.u32 $0x14F8B589, s24  }
0xa52: {  	v50 =	vcombine.low v29, v32;
	v51 =	vcombine.low v21, v27;
	s18 =	sshra.s32 s18, $0x1F;
	v29 =	vsel vm2, s28, v52;
	s28 =	smulhi.u32 $0x14F8B589, s16;
	s11 =	sadd.s32 s30, s5  }
0xa53: {  	v54 =	vperm.xlane v48, v60;
	v55 =	vmov s19;
	v46 =	vsel vm2, s25, v57;
	s22 =	smul.u32 $0x14F8B589, s18;
	s25 =	sshrl.u32 s7, $0x1F;
	s7 =	sshra.s32 s7, $0xB  }
0xa54: {  	v56 =	vperm.xlane v53, v1;
	v53 =	vsel vm12, s29, v46;
	s18 =	sadd.s32 s20, s13;
	s29 =	sshra.s32 s16, $0x1F;
	v20 =	vsel vm0, s25, v55;
	s25 =	smulhi.u32 $0x14F8B589, s6  }
0xa55: {  	v19 =	vsel vm8, v26, v19;
	v32 =	vperm.xlane v51, v60;
	v51 =	vperm.xlane v37, v1;
	s13 =	sadd.s32 s26, s23;
	s6 =	sshra.s32 s6, $0x1F;
	s16 =	smul.u32 $0x14F8B589, s29  }
0xa56: {  	v27 =	vsel vm2, s14, v24;
	v49 =	vperm.xlane v41, v1;
	s26 =	sshrl.u32 s11, $0x1F;
	v21 =	vsel vm4, s31, v53;
	s30 =	sshrl.u32 s18, $0x1F;
	s31 =	smulhi.u32 $0x14F8B589, s15  }
0xa57: {  	v6 =	vsel vm8, v51, v6;
	v0 =	vsel vm8, v56, v0;
	v56 =	vperm.xlane v33, v60;
	s15 =	sshra.s32 s15, $0x1F;
	s12 =	sadd.s32 s22, s21;
	s6 =	smul.u32 $0x14F8B589, s6  }
0xa58: {  	v57 =	vsel vm8, v45, v44;
	v44 =	vsel vm8, v17, v16;
	v0 =	vadd.s32 v5, v0;
	s22 =	sshrl.u32 s13, $0x1F;
	s18 =	sshra.s32 s18, $0xB;
	s23 =	smul.u32 $0x14F8B589, s15  }
0xa59: {  	v45 =	vperm.xlane v14, v60;
	v14 =	vperm.xlane v47, v60;
	v0 =	vmul.u32 $0x61A8, v0;
	s24 =	sshrl.u32 s12, $0x1F;
	s12 =	sshra.s32 s12, $0xB;
	s9 =	spop (v2sf)  }
0xa5a: {  	v5 =	vperm.xlane v50, v60;
	v46 =	vperm.xlane v34, v1;
	v62 =	vmov s22;
	s15 =	sadd.s32 s16, s28;
	s28 =	smulhi.u32 $0x14F8B589, s8;
	s4 =	spop (v2sf)  }
0xa5b: {  	v20 =	vsel vm1, s30, v20;
	v7 =	vsub.s32 v8, v0;
	v0 =	vperm.xlane v58, v1;
	s8 =	sshra.s32 s8, $0x1F;
	s19 =	sadd.s32 s6, s25;
	s5 =	spop (v2sf)  }
0xa5c: {  	v58 =	vperm.xlane v63, v1;
	v33 =	vsel vm0, s24, v62;
	v63 =	vsel vm8, v31, v32;
	s20 =	sshrl.u32 s15, $0x1F;
	s29 =	smul.u32 $0x14F8B589, s8;
	s8 =	spop (v2sf)  }
0xa5d: {  	v31 =	vsel vm2, s26, v20;
	s26 =	sshra.s32 s11, $0xB;
	s14 =	sadd.s32 s23, s31;
	v32 =	vsel vm1, s20, v33;
	v33 =	vmov s17;
	s23 =	spop (v2sf)  }
0xa5e: {  	v52 =	vsel vm8, v49, v14;
	v5 =	vsel vm8, v61, v5;
	s30 =	sshrl.u32 s14, $0x1F;
	v15 =	vsel vm0, s7, v33;
	s24 =	smulhi.u32 $0x14F8B589, s23;
	s7 =	sshra.s32 s23, $0x1F  }
0xa5f: {  	v26 =	vadd.s32 v63, v19;
	v19 =	vperm.xlane v30, v60;
	v0 =	vsel vm8, v0, v54;
	s17 =	sshrl.u32 s19, $0x1F;
	s14 =	sshra.s32 s14, $0xB;
	s25 =	smul.u32 $0x14F8B589, s7  }
0xa60: {  	v8 =	vsel vm8, v58, v56;
	v54 =	vcombine.low v29, v27;
	v56 =	vsel vm13, s2, v21;
	s16 =	sadd.s32 s29, s28;
	s31 =	smulhi.u32 $0x14F8B589, s10;
	s10 =	sshra.s32 s10, $0x1F  }
0xa61: {  	v0 =	vadd.s32 v57, v0;
	v5 =	vadd.s32 v8, v5;
	v20 =	vsel vm2, s30, v32;
	s28 =	sshra.s32 s13, $0xB;
	s10 =	smul.u32 $0x14F8B589, s10;
	s6 =	sadd.s32 s25, s24  }
0xa62: {  	v8 =	vmul.u32 $0x61A8, v26;
	v43 =	vsel vm8, v38, v19;
	v55 =	vmov s17;
	s21 =	smulhi.u32 $0x14F8B589, s9;
	s9 =	sshra.s32 s9, $0x1F;
	s29 =	sshra.s32 s6, $0x1F  }
0xa63: {  	s30 =	sshra.s32 s19, $0xB;
	v0 =	vmul.u32 $0x61A8, v0;
	v15 =	vsel vm1, s18, v15;
	s18 =	sshrl.u32 s16, $0x1F;
	s9 =	smul.u32 $0x14F8B589, s9;
	v50 =	vmov s29  }
0xa64: {  	v5 =	vmul.u32 $0x61A8, v5;
	v48 =	vmov s28;
	s10 =	sadd.s32 s10, s31;
	s31 =	sshra.s32 s15, $0xB;
	s15 =	sshra.s32 s19, $0x1F;
	v19 =	vsel vm3, s30, v50  }
0xa65: {  	v18 =	vcombine.low v20, v31;
	v17 =	vperm.xlane v54, v60;
	s19 =	sshra.s32 s16, $0xB;
	s16 =	sshra.s32 s16, $0x1F;
	s20 =	sshrl.u32 s10, $0x1F;
	v19 =	vsel vm9, s15, v19  }
0xa66: {  	v8 =	vsub.s32 v12, v8;
	v15 =	vsel vm2, s26, v15;
	s22 =	sshra.s32 s10, $0xB;
	s10 =	sshra.s32 s10, $0x1F;
	s26 =	smulhi.u32 $0x14F8B589, s8;
	v53 =	vsel vm0, s19, v19  }
0xa67: {  	v16 =	vsel vm0, s12, v48;
	v0 =	vsub.s32 v9, v0;
	s7 =	sadd.s32 s9, s21;
	s21 =	smulhi.u32 $0x14F8B589, s4;
	s4 =	sshra.s32 s4, $0x1F;
	v14 =	vsel vm10, s16, v53  }
0xa68: {  	v5 =	vsub.s32 v10, v5;
	v16 =	vsel vm1, s31, v16;
	s8 =	sshra.s32 s8, $0x1F;
	s23 =	sshrl.u32 s7, $0x1F;
	s4 =	smul.u32 $0x14F8B589, s4;
	v14 =	vsel vm1, s22, v14  }
0xa69: {  	v9 =	vadd.s32 v43, v44;
	v16 =	vsel vm2, s14, v16;
	s24 =	smulhi.u32 $0x14F8B589, s5;
	s5 =	sshra.s32 s5, $0x1F;
	s25 =	sshra.s32 s7, $0xB;
	v14 =	vsel vm11, s10, v14  }
0xa6a: {  	v15 =	vcombine.low v16, v15;
	v16 =	vnsel vm3, $0x0, v55;
	s7 =	sshra.s32 s7, $0x1F;
	s4 =	sadd.s32 s4, s21;
	s5 =	smul.u32 $0x14F8B589, s5;
	v14 =	vsel vm2, s25, v14  }
0xa6b: {  	v10 =	vsel vm8, v46, v45;
	v16 =	vsel vm0, s18, v16;
	s8 =	smul.u32 $0x14F8B589, s8;
	s28 =	sshra.s32 s4, $0xB;
	v14 =	vsel vm12, s7, v14  }
0xa6c: {  	v57 =	vperm.xlane v18, v60;
	v16 =	vsel vm1, s20, v16;
	s9 =	sshra.s32 s3, $0xB;
	s29 =	sshra.s32 s4, $0x1F;
	s5 =	sadd.s32 s5, s24;
	v14 =	vsel vm4, s28, v14  }
0xa6d: {  	[tilespmem:$0x320] =	vst v28;
	s12 =	sshra.s32 s1, $0xB;
	v58 =	vperm.xlane v15, v60;
	s3 =	sshra.s32 s3, $0x1F;
	s31 =	sshra.s32 s5, $0xB;
	v19 =	vsel vm5, s9, v56;
	v14 =	vsel vm13, s29, v14  }
0xa6e: {  	[tilespmem:$0x340] =	vst v35;
	s2 =	sadd.s32 s8, s26;
	v16 =	vsel vm2, s23, v16;
	s30 =	sshrl.u32 s4, $0x1F;
	s9 =	sshra.s32 s5, $0x1F;
	v19 =	vsel vm14, s3, v19;
	v14 =	vsel vm5, s31, v14  }
0xa6f: {  	[tilespmem:$0x330] =	vst v39;
	s1 =	sshra.s32 s1, $0x1F;
	s11 =	sshra.s32 s2, $0xB;
	v16 =	vsel vm4, s30, v16;
	v19 =	vsel vm6, s12, v19;
	s7 =	sshrl.u32 s5, $0x1F;
	v14 =	vsel vm14, s9, v14  }
0xa70: {  	[tilespmem:$0x350] =	vst v2;
	s0 =	sshra.s32 s0, $0xB;
	s13 =	sshra.s32 s2, $0x1F;
	v19 =	vsel vm15, s1, v19;
	s10 =	sshrl.u32 s2, $0x1F;
	v16 =	vsel vm5, s7, v16;
	v14 =	vsel vm6, s11, v14  }
0xa71: {  	[tilespmem:$0x360] =	vst v3;
	s14 =	sshra.s32 s6, $0xB;
	s12 =	sshrl.u32 s6, $0x1F;
	v2 =	vsel vm7, s0, v19;
	v16 =	vsel vm6, s10, v16;
	v14 =	vsel vm15, s13, v14  }
0xa72: {  	[tilespmem:$0x370] =	vst v4;
	v2 =	vperm.xlane v2, v1;
	v3 =	vsel vm7, s12, v16;
	v14 =	vsel vm7, s14, v14  }
0xa73: {  	[tilespmem:$0x390] =	vst v0;
	v0 =	vadd.s32 v10, v52;
	v3 =	vperm.xlane v3, v1;
	v14 =	vperm.xlane v14, v1  }
0xa74: {  	[tilespmem:$0x380] =	vst v7;
	v61 =	vmul.u32 $0x61A8, v9;
	v0 =	vmul.u32 $0x61A8, v0;
	v2 =	vsel vm8, v2, v17  }
0xa75: {  	[tilespmem:$0x3B0] =	vst v8;
	v2 =	vadd.s32 v6, v2;
	v3 =	vsel vm8, v3, v57;
	v62 =	vsel vm8, v14, v58  }
0xa76: {  	s17 =	rddreg [dreg:$0x6];
	[tilespmem:$0x3A0] =	vst v5;
	v63 =	vsub.s32 v11, v61;
	v2 =	vmul.u32 $0x61A8, v2;
	v3 =	vadd.s32 v3, v62  }
0xa77: {  	[tilespmem:$0x3C0] =	vst v63;
	v0 =	vsub.s32 v13, v0;
	s18 =	rddreg [dreg:$0xc];
	v3 =	vmul.u32 $0x61A8, v3  }
0xa78: {  	[tilespmem:$0x3D0] =	vst v0;
	s23 =	rddreg [dreg:$0x9];
	v0 =	vsub.s32 v59, v2  }
0xa79: {  	s21 =	rddreg [dreg:$0x7];
	[tilespmem:$0x3E0] =	vst v0;
	v0 =	vsub.s32 v25, v3  }
0xa7a: {  	s20 =	simm.s32 $0x400;
	s15 =	rddreg [dreg:$0x4];
	s19 =	simm.s32 $0x80;
	[tilespmem:$0x3F0] =	vst v0  }
0xa7b: {  	[tilespmem:s20], [sflag:$0x1] =	stream.indirect.gather [hbm4b:s18+s19], $0x80, s15, s19, $0xb8;
	[tilespmem:$0x10400] =	vst v63  }
0xa7c: {  	s16 =	rddreg [dreg:$0x5]  }
0xa7d: {  	[tilespmem:s16], [sflag:$0x1] =	stream.indirect.gather [hbm4b:s18+s19], $0x80, s17, s19, $0xb8;
	[tilespmem:$0x10400] =	vst v63  }
0xa7e: {  	s22 =	rddreg [dreg:$0x8]  }
0xa7f: {  	[tilespmem:s21], [sflag:$0x1] =	stream.indirect.gather [hbm4b:s18+s19], $0x80, s22, s19, $0xb8;
	[tilespmem:$0x10400] =	vst v63  }
0xa80: {  	s26 =	simm.s32 $0x1;
	s24 =	rddreg [dreg:$0xa]  }
0xa81: {  	[tilespmem:s23], [sflag:$0x1] =	stream.indirect.gather [hbm4b:s18+s19], $0x80, s24, s19, $0xb8;
	[tilespmem:$0x10400] =	vst v63  }
0xa82: {  	s25 =	rddreg [dreg:$0xd];
	_ =	swait.ge [sflag:s26], $0x4000  }
0xa83: {  	[sflag:s26] =	ssyncset.done $0x0  }
0xa84: {  	[sflag:s26] =	ssyncadd.s32 $0xFFFFC000  }
0xa85: {  	_ =	swait.ge [sflag:s26], $0x4000  }
0xa86: {  	[sflag:s26] =	ssyncset.done $0x0  }
0xa87: {  	[sflag:s26] =	ssyncadd.s32 $0xFFFFC000  }
0xa88: {  	_ =	swait.ge [sflag:s26], $0x4000  }
0xa89: {  	[sflag:s26] =	ssyncset.done $0x0  }
0xa8a: {  	[sflag:s26] =	ssyncadd.s32 $0xFFFFC000  }
0xa8b: {  	s30 =	simm.s32 $0x2;
	_ =	swait.ge [sflag:s26], $0x4000  }
0xa8c: {  	p0 =	sne.s32 s25, $0x1;
	s29 =	simm.s32 $0x0;
	[sflag:s26] =	ssyncset.done $0x0  }
.Ltmp0:
0xa8d: {  	s28 =	rddreg [dreg:$0xb];
	[sflag:s26] =	ssyncadd.s32 $0xFFFFC000;
	(pc) =	sbr.rel @p0 .LBB2_1-.Ltmp0, $4  }
0xa8e: {  	[hbm4b:s28+s29] =	stream.linear.scatter [tilespmem:s20], [sflag:$0x2], $0x10000, $0x38;
	[tilespmem:$0x10400] =	vst v63  }
0xa8f: {  	_ =	swait.ge [sflag:s30], $0x10000  }
0xa90: {  	s31 =	simm.s32 $0x2;
	[sflag:s30] =	ssyncset.done $0x0  }
0xa91: {  	s2 =	sadd.s32 $0xFFFFFFFF, s25;
	[sflag:s31] =	ssyncadd.s32 $0xFFFF0000  }
0xa92: {  	_ =	sfence.sel $0x180000  }
0xa93: {  	[bflag:$0x0] =	sbarrier.arrive $0xFFFF  }
0xa94: {  	_ =	strace $0x90000047  }
0xa95: {  	s0 =	stileid.u32;
	[bflag:$0x2] =	sbarrier.arrive $0xFFFF  }
0xa96: {  	p0 =	sne.s32 s0, $0x0;
	s0 =	rddreg [dreg:$0x2]  }
0xa97: {  	s0 =	sadd.s32 @!p0 $0x100000, s0  }
0xa98: {  	[sflag:s0] =	ssyncadd.tile.s32 @!p0 $0x1;
	_ =	shalt  }
.Lfunc_end2:
_tile_overlayer_lowered:
.L_overlay_start_2:
0xa99: {  	(tag) =	ssettag $0x2  }
0xa9a: {  	s0 =	rddreg [dreg:$0x0];
	s2 =	stileid.u32  }
0xa9b: {  	s1 =	rddreg [dreg:$0x1];
	p0 =	sne.s32 s2, $0x0  }
0xa9c: {  	s3 =	rddreg [dreg:$0x2];
	[bflag:$0x3] =	sbarrier.arrive $0xFFFF;
	s2 =	simm.s32 @!p0 $0x1C02  }
0xa9d: {  	[timem:s3], [sflag:s2] =	dma.local @!p0 [hbm:s0], s1  }
0xa9e: {  	s0 =	simm.s32 @!p0 $0x2  }
0xa9f: {  	_ =	swait.ge @!p0 [sflag:s0], s1  }
0xaa0: {  	s1 =	ssub.s32 @!p0 $0x0, s1;
	[sflag:s0] =	ssyncset.done @!p0 $0x0  }
0xaa1: {  	[sflag:s0] =	ssyncadd.s32 @!p0 s1  }
0xaa2: {  	[bflag:$0x3] =	sbarrier.arrive $0xFFFF  }
0xaa3: {  	_ =	shalt  }

</sc_bundles>
